<compile_context>
chip_gen: v7x
topology: tpu7x:2x2x1
jax: 0.10.2.dev20260603
libtpu: 0.0.44.dev20260713+nightly
codegen_flags: <defaults>
</compile_context>

<pallas_src>
import functools

import jax
import jax.numpy as jnp
from jax import lax
from jax.experimental import pallas as pl
from jax.experimental.pallas import tpu as pltpu
from jax.experimental.pallas import tpu_sc as plsc

N_NODES = 10000
N_EDGES = 80000
D_IN = 64
D_EDGE = 16
D_CONV = 32
D_LSTM = 32
D_OUT = 16

NW = 32
SUB = 128
NSUB = 20
CHUNK = SUB * NSUB
EP = NW * CHUNK
NA = 10240
STRIPE = NA // 16

EPH = EP // 2
NSUBH = NSUB // 2
CHUNKH = SUB * NSUBH


def _mesh():
    return plsc.VectorSubcoreMesh(core_axis_name="c", subcore_axis_name="s",
                                  num_cores=2, num_subcores=16)


@functools.cache
def _gather_kernel():
    mesh = _mesh()

    NB = 2
    XSTRIPE = NA // 16
    @functools.partial(
        pl.kernel,
        mesh=mesh,
        out_type=jax.ShapeDtypeStruct((EP, 128), jnp.float32),
        scratch_types=(
            [pltpu.VMEM((CHUNK,), jnp.int32)]
            + [pltpu.VMEM((SUB, 128), jnp.float32) for _ in range(NB)]
            + [pltpu.SemaphoreType.DMA for _ in range(2 * NB)]
            + [pltpu.VMEM_SHARED((NA, 128), jnp.float32)]
        ),
    )
    def gather_rows(x_hbm, src_hbm, out_hbm, *scratch):
        idx_v = scratch[0]
        bufs = scratch[1:1 + NB]
        gsems = scratch[1 + NB:1 + 2 * NB]
        osems = scratch[1 + 2 * NB:1 + 3 * NB]
        xs = scratch[1 + 3 * NB]
        c = lax.axis_index("c")
        s = lax.axis_index("s")
        wid = s * 2 + c
        base = wid * CHUNK
        pltpu.sync_copy(x_hbm.at[pl.ds(s * XSTRIPE, XSTRIPE)],
                        xs.at[pl.ds(s * XSTRIPE, XSTRIPE)])
        pltpu.sync_copy(src_hbm.at[pl.ds(base, CHUNK)], idx_v)
        plsc.subcore_barrier()
        gc = [None] * NB
        oc = [None] * NB
        for j in range(NB):
            gc[j] = pltpu.async_copy(
                xs.at[idx_v.at[pl.ds(j * SUB, SUB)]], bufs[j], gsems[j])
        for j in range(NSUB):
            sl = j % NB
            gc[sl].wait()
            oc[sl] = pltpu.async_copy(
                bufs[sl], out_hbm.at[pl.ds(base + j * SUB, SUB)], osems[sl])
            nj = j + NB
            if nj < NSUB:
                oc[sl].wait()
                gc[sl] = pltpu.async_copy(
                    xs.at[idx_v.at[pl.ds(nj * SUB, SUB)]], bufs[sl],
                    gsems[sl])
        for j in range(NSUB - NB, NSUB):
            oc[j % NB].wait()
    return gather_rows


@functools.cache
def _scatter_kernel(half):
    mesh = _mesh()
    HBASE = half * EPH

    @functools.partial(
        pl.kernel,
        mesh=mesh,
        out_type=jax.ShapeDtypeStruct((2, NA, 128), jnp.float32),
        scratch_types=[
            pltpu.VMEM((SUB,), jnp.int32),
            pltpu.VMEM((SUB,), jnp.int32),
            pltpu.VMEM((SUB, 128), jnp.float32),
            pltpu.VMEM((SUB, 128), jnp.float32),
            pltpu.SemaphoreType.DMA,
            pltpu.SemaphoreType.DMA,
            pltpu.SemaphoreType.DMA,
            pltpu.SemaphoreType.DMA,
            pltpu.VMEM_SHARED((NA, 128), jnp.float32),
        ],
    )
    def scatter_add(dst_hbm, msg_hbm, zeros_hbm, out_hbm, i0, i1, m0, m1,
                    si0, si1, sm0, sm1, shared):
        ibufs = (i0, i1)
        mbufs = (m0, m1)
        isems = (si0, si1)
        msems = (sm0, sm1)
        c = lax.axis_index("c")
        s = lax.axis_index("s")
        pltpu.sync_copy(zeros_hbm, m0)
        for k in range(STRIPE // SUB):
            pltpu.sync_copy(m0, shared.at[pl.ds(s * STRIPE + k * SUB, SUB)])
        plsc.subcore_barrier()
        wid = s * 2 + c
        base = wid * CHUNKH
        ic = [None, None]
        mc = [None, None]
        ic[0] = pltpu.async_copy(dst_hbm.at[pl.ds(HBASE + base, SUB)], i0, si0)
        mc[0] = pltpu.async_copy(msg_hbm.at[pl.ds(base, SUB)], m0, sm0)
        for j in range(NSUBH):
            sl = j % 2
            if j + 1 < NSUBH:
                nsl = (j + 1) % 2
                off = base + (j + 1) * SUB
                ic[nsl] = pltpu.async_copy(
                    dst_hbm.at[pl.ds(HBASE + off, SUB)],
                    ibufs[nsl], isems[nsl])
                mc[nsl] = pltpu.async_copy(msg_hbm.at[pl.ds(off, SUB)],
                                           mbufs[nsl], msems[nsl])
            ic[sl].wait()
            mc[sl].wait()
            pltpu.sync_copy(mbufs[sl], shared.at[ibufs[sl]], add=True)
        plsc.subcore_barrier()
        pltpu.sync_copy(shared.at[pl.ds(s * STRIPE, STRIPE)],
                        out_hbm.at[c, pl.ds(s * STRIPE, STRIPE)])

    return scatter_add


def _msg_body(ea_ref, xj_ref, wf_ref, r_ref, s_ref, br_ref, out_ref):
    xj = xj_ref[:, :D_IN]
    y = jnp.dot(xj, wf_ref[...], preferred_element_type=jnp.float32)
    a = jnp.dot(ea_ref[...], r_ref[...], preferred_element_type=jnp.float32)
    m = jnp.dot(a * y, s_ref[...], preferred_element_type=jnp.float32)
    m = m + jnp.dot(xj, br_ref[...], preferred_element_type=jnp.float32)
    out_ref[...] = jnp.concatenate(
        [m, jnp.zeros((m.shape[0], 128 - D_CONV), jnp.float32)], axis=1)


def _msg_call(half, ea_p, x_j, wflat, rmat, smat, br):
    be = 4096
    grid = EPH // be
    hoff = half * (EPH // be)
    return pl.pallas_call(
        _msg_body,
        grid=(grid,),
        in_specs=[
            pl.BlockSpec((be, D_EDGE), lambda i: (i + hoff, 0)),
            pl.BlockSpec((be, 128), lambda i: (i + hoff, 0)),
            pl.BlockSpec((D_IN, D_EDGE * D_CONV), lambda i: (0, 0)),
            pl.BlockSpec((D_EDGE, D_EDGE * D_CONV), lambda i: (0, 0)),
            pl.BlockSpec((D_EDGE * D_CONV, D_CONV), lambda i: (0, 0)),
            pl.BlockSpec((D_IN, D_CONV), lambda i: (0, 0)),
        ],
        out_specs=pl.BlockSpec((be, 128), lambda i: (i, 0)),
        out_shape=jax.ShapeDtypeStruct((EPH, 128), jnp.float32),
    )(ea_p, x_j, wflat, rmat, smat, br)


def _dense_body(x_ref, init_ref, aga_ref, agb_ref, wroot_ref, bconv_ref,
                wih_ref, whh_ref, bg_ref, whs_ref, bhs_ref, wcs_ref, bcs_ref,
                wfin_ref, bfin_ref, out_ref):
    xb = x_ref[...]
    ag = (aga_ref[0][:, :D_CONV] + aga_ref[1][:, :D_CONV]
          + agb_ref[0][:, :D_CONV] + agb_ref[1][:, :D_CONV])
    conv = (ag
            + jnp.dot(xb, wroot_ref[...], preferred_element_type=jnp.float32)
            + bconv_ref[...])
    g = jnp.maximum(conv, 0.0)
    init = init_ref[...]
    h0 = jnp.dot(init, whs_ref[...],
                 preferred_element_type=jnp.float32) + bhs_ref[...]
    c0 = jnp.dot(init, wcs_ref[...],
                 preferred_element_type=jnp.float32) + bcs_ref[...]
    gates = (jnp.dot(g, wih_ref[...], preferred_element_type=jnp.float32)
             + jnp.dot(h0, whh_ref[...], preferred_element_type=jnp.float32)
             + bg_ref[...])
    i_g = jax.nn.sigmoid(gates[:, 0:32])
    f_g = jax.nn.sigmoid(gates[:, 32:64])
    g_g = jnp.tanh(gates[:, 64:96])
    o_g = jax.nn.sigmoid(gates[:, 96:128])
    c1 = f_g * c0 + i_g * g_g
    h1 = o_g * jnp.tanh(c1)
    out_ref[...] = jnp.dot(h1, wfin_ref[...],
                           preferred_element_type=jnp.float32) + bfin_ref[...]


def _dense_call(x, initial, ag_a, ag_b, wroot, bconv, wih, whh, bg, whs, bhs,
                wcs, bcs, wfin, bfin):
    bn = 2000
    grid = N_NODES // bn
    rep = lambda i: (0, 0)
    return pl.pallas_call(
        _dense_body,
        grid=(grid,),
        in_specs=[
            pl.BlockSpec((bn, D_IN), lambda i: (i, 0)),
            pl.BlockSpec((bn, D_OUT), lambda i: (i, 0)),
            pl.BlockSpec((2, bn, 128), lambda i: (0, i, 0)),
            pl.BlockSpec((2, bn, 128), lambda i: (0, i, 0)),
            pl.BlockSpec((D_IN, D_CONV), rep),
            pl.BlockSpec((1, D_CONV), rep),
            pl.BlockSpec((D_CONV, 4 * D_LSTM), rep),
            pl.BlockSpec((D_LSTM, 4 * D_LSTM), rep),
            pl.BlockSpec((1, 4 * D_LSTM), rep),
            pl.BlockSpec((D_OUT, D_LSTM), rep),
            pl.BlockSpec((1, D_LSTM), rep),
            pl.BlockSpec((D_OUT, D_LSTM), rep),
            pl.BlockSpec((1, D_LSTM), rep),
            pl.BlockSpec((D_LSTM, D_OUT), rep),
            pl.BlockSpec((1, D_OUT), rep),
        ],
        out_specs=pl.BlockSpec((bn, D_OUT), lambda i: (i, 0)),
        out_shape=jax.ShapeDtypeStruct((N_NODES, D_OUT), jnp.float32),
    )(x, initial, ag_a, ag_b, wroot, bconv, wih, whh, bg, whs, bhs, wcs, bcs,
      wfin, bfin)


def kernel(x, edge_index, edge_attr, initial, W_cl, b_cl, W_root, b_conv,
           W_ih, W_hh, b_ih, b_hh, W_hs, b_hs, W_cs, b_cs, W_fin, b_fin):
    src = edge_index[0]
    dst = edge_index[1]
    pad = EP - N_EDGES
    src_p = jnp.pad(src, (0, pad))
    dst_p = jnp.pad(dst, (0, pad), constant_values=N_NODES)
    ea_p = jnp.pad(edge_attr, ((0, pad), (0, 0)))

    wflat = W_cl.reshape(D_EDGE, D_IN, D_CONV).transpose(1, 0, 2) \
                .reshape(D_IN, D_EDGE * D_CONV)
    rmat = jnp.repeat(jnp.eye(D_EDGE, dtype=jnp.float32), D_CONV, axis=1)
    smat = jnp.tile(jnp.eye(D_CONV, dtype=jnp.float32), (D_EDGE, 1))
    br = b_cl.reshape(D_IN, D_CONV)
    zeros = jnp.zeros((SUB, 128), jnp.float32)
    x128 = jnp.pad(x, ((0, NA - N_NODES), (0, 128 - D_IN)))

    gather_rows = _gather_kernel()
    scatter0 = _scatter_kernel(0)
    scatter1 = _scatter_kernel(1)
    x_j = gather_rows(x128, src_p)
    msg0 = _msg_call(0, ea_p, x_j, wflat, rmat, smat, br)
    msg1 = _msg_call(1, ea_p, x_j, wflat, rmat, smat, br)
    ag_a = scatter0(dst_p, msg0, zeros)
    ag_b = scatter1(dst_p, msg1, zeros)
    return _dense_call(
        x, initial, ag_a, ag_b, W_root, b_conv.reshape(1, D_CONV), W_ih, W_hh,
        (b_ih + b_hh).reshape(1, 4 * D_LSTM), W_hs, b_hs.reshape(1, D_LSTM),
        W_cs, b_cs.reshape(1, D_LSTM), W_fin, b_fin.reshape(1, D_OUT))

# --- scband reference (transcript-rebuilt; emitter-appended) ---
"""Pipeline reference for scband-recur-graph-net-10548439679014 (READ-ONLY COPY).

The authoritative reference and input builder live on the scoring server;
editing this copy changes nothing except your own understanding.
"""

import jax, jax.numpy as jnp
import numpy as np

N = 10000
E = 80000
D_IN = 64
D_EDGE = 16
D_CONV = 32
D_LSTM = 32
D_OUT = 16


def setup_inputs(seed: int = 0) -> dict:
    key = jax.random.key(seed)
    ks = jax.random.split(key, 20)
    s = 0.1
    x = jax.random.normal(ks[0], (N, D_IN), dtype=jnp.float32)
    edge_index = jax.random.randint(ks[1], (2, E), 0, N, dtype=jnp.int32)
    edge_attr = jax.random.normal(ks[2], (E, D_EDGE), dtype=jnp.float32)
    initial = jax.random.normal(ks[3], (N, D_OUT), dtype=jnp.float32)
    # conv_lin: Linear(num_edge_features -> num_node_features * conv_layer_size)
    W_cl = jax.random.normal(ks[4], (D_EDGE, D_IN * D_CONV), dtype=jnp.float32) * s
    b_cl = jax.random.normal(ks[5], (D_IN * D_CONV,), dtype=jnp.float32) * s
    # NNConv root weight + bias
    W_root = jax.random.normal(ks[6], (D_IN, D_CONV), dtype=jnp.float32) * s
    b_conv = jax.random.normal(ks[7], (D_CONV,), dtype=jnp.float32) * s
    # LSTM (input 32 -> hidden 32), gate order i, f, g, o
    W_ih = jax.random.normal(ks[8], (D_CONV, 4 * D_LSTM), dtype=jnp.float32) * s
    W_hh = jax.random.normal(ks[9], (D_LSTM, 4 * D_LSTM), dtype=jnp.float32) * s
    b_ih = jax.random.normal(ks[10], (4 * D_LSTM,), dtype=jnp.float32) * s
    b_hh = jax.random.normal(ks[11], (4 * D_LSTM,), dtype=jnp.float32) * s
    # lstm_h_s / lstm_c_s: Linear(num_output_features -> lstm_layer_size)
    W_hs = jax.random.normal(ks[12], (D_OUT, D_LSTM), dtype=jnp.float32) * s
    b_hs = jax.random.normal(ks[13], (D_LSTM,), dtype=jnp.float32) * s
    W_cs = jax.random.normal(ks[14], (D_OUT, D_LSTM), dtype=jnp.float32) * s
    b_cs = jax.random.normal(ks[15], (D_LSTM,), dtype=jnp.float32) * s
    # final_linear: Linear(lstm_layer_size -> num_output_features)
    W_fin = jax.random.normal(ks[16], (D_LSTM, D_OUT), dtype=jnp.float32) * s
    b_fin = jax.random.normal(ks[17], (D_OUT,), dtype=jnp.float32) * s
    return {
        'x': x, 'edge_index': edge_index, 'edge_attr': edge_attr, 'initial': initial,
        'W_cl': W_cl, 'b_cl': b_cl, 'W_root': W_root, 'b_conv': b_conv,
        'W_ih': W_ih, 'W_hh': W_hh, 'b_ih': b_ih, 'b_hh': b_hh,
        'W_hs': W_hs, 'b_hs': b_hs, 'W_cs': W_cs, 'b_cs': b_cs,
        'W_fin': W_fin, 'b_fin': b_fin,
    }


def reference(x, edge_index, edge_attr, initial, W_cl, b_cl, W_root, b_conv,
              W_ih, W_hh, b_ih, b_hh, W_hs, b_hs, W_cs, b_cs, W_fin, b_fin):
    src = edge_index[0]
    dst = edge_index[1]
    # NNConv: dynamic per-edge weight from edge_attr
    ew = (edge_attr @ W_cl + b_cl).reshape(E, D_IN, D_CONV)
    x_j = jnp.take(x, src, axis=0)                       # gather source node feats
    msg = jnp.einsum('ei,eio->eo', x_j, ew)              # per-edge message
    aggr = jax.ops.segment_sum(msg, dst, num_segments=N)  # scatter-add to dst
    conv_out = aggr + x @ W_root + b_conv
    graph_step = jax.nn.relu(conv_out)
    # initial hidden/cell state from `initial` (new_seq branch)
    h0 = initial @ W_hs + b_hs
    c0 = initial @ W_cs + b_cs
    # single LSTM step (seq_len=1, batch=N); dropout is inactive for 1-layer LSTM
    gates = graph_step @ W_ih + b_ih + h0 @ W_hh + b_hh
    i_g, f_g, g_g, o_g = jnp.split(gates, 4, axis=-1)
    i_g = jax.nn.sigmoid(i_g)
    f_g = jax.nn.sigmoid(f_g)
    g_g = jnp.tanh(g_g)
    o_g = jax.nn.sigmoid(o_g)
    c1 = f_g * c0 + i_g * g_g
    h1 = o_g * jnp.tanh(c1)
    return h1 @ W_fin + b_fin

if __name__ == "__main__":
    import jax
    _d = setup_inputs()
    print(jax.jit(kernel)(*tuple(_d.values())))

</pallas_src>

<mosaic_0001>
#map = affine_map<(d0, d1) -> (0, 0)>
#map1 = affine_map<(d0, d1) -> (0)>
module attributes {stable_mosaic.version = 14 : i64} {
  func.func @gather_rows(%arg0: i32, %arg1: i32, %arg2: memref<10240x128xf32, #tpu.memory_space<hbm>>, %arg3: memref<81920xi32, #tpu.memory_space<hbm>>, %arg4: memref<81920x128xf32, #tpu.memory_space<hbm>>, %arg5: memref<2560xi32, #tpu.memory_space<vmem>>, %arg6: memref<128x128xf32, #tpu.memory_space<vmem>>, %arg7: memref<128x128xf32, #tpu.memory_space<vmem>>, %arg8: memref<!tpu.dma_semaphore, #tpu.memory_space<semaphore_mem>>, %arg9: memref<!tpu.dma_semaphore, #tpu.memory_space<semaphore_mem>>, %arg10: memref<!tpu.dma_semaphore, #tpu.memory_space<semaphore_mem>>, %arg11: memref<!tpu.dma_semaphore, #tpu.memory_space<semaphore_mem>>, %arg12: memref<10240x128xf32, #tpu.memory_space<vmem_shared>>) attributes {dimension_semantics = [#tpu.dimension_semantics<core_parallel>, #tpu.dimension_semantics<subcore_parallel>], iteration_bounds = array<i64: 2, 16>, scalar_prefetch = 0 : i64, scratch_operands = 8 : i64, tpu.core_type = #tpu.core_type<sc_vector_subcore>, window_params = [{transform_indices = #map}, {transform_indices = #map1}, {transform_indices = #map}]} {
    %mul3A = arith.constant 2 : i32
    %mul3A_0 = arith.muli %arg1, %mul3A : i32
    %add3A = arith.addi %mul3A_0, %arg0 : i32
    %mul3A_1 = arith.constant 2560 : i32
    %mul3A_2 = arith.muli %add3A, %mul3A_1 : i32
    %mul3A_3 = arith.constant 640 : i32
    %mul3A_4 = arith.muli %arg1, %mul3A_3 : i32
    %mul3A_5 = arith.constant 640 : i32
    %mul3A_6 = arith.muli %arg1, %mul3A_5 : i32
    "tpu.region"() ({
      %run_scoped3A = tpu.sem_alloc : memref<!tpu.dma_semaphore, #tpu.memory_space<semaphore_mem>>
      %dma_start3A_405 = arith.constant 0 : i32
      %dma_start3A_406 = tpu.memref_slice %arg12[%mul3A_6, %dma_start3A_405] : memref<10240x128xf32, #tpu.memory_space<vmem_shared>> -> memref<640x128xf32, #tpu.memory_space<vmem_shared>>
      %dma_start3A_407 = arith.constant 0 : i32
      %dma_start3A_408 = tpu.memref_slice %arg2[%mul3A_4, %dma_start3A_407] : memref<10240x128xf32, #tpu.memory_space<hbm>> -> memref<640x128xf32, #tpu.memory_space<hbm>>
      tpu.enqueue_dma source(%dma_start3A_408 : memref<640x128xf32, #tpu.memory_space<hbm>>) target(%dma_start3A_406 : memref<640x128xf32, #tpu.memory_space<vmem_shared>>) target_semaphore(%run_scoped3A : memref<!tpu.dma_semaphore, #tpu.memory_space<semaphore_mem>>)
      %dma_wait3A_409 = arith.constant 0 : i32
      %dma_wait3A_410 = tpu.memref_slice %arg12[%mul3A_6, %dma_wait3A_409] : memref<10240x128xf32, #tpu.memory_space<vmem_shared>> -> memref<640x128xf32, #tpu.memory_space<vmem_shared>>
      %dma_wait3A_411 = arith.constant 0 : i32
      %dma_wait3A_412 = tpu.memref_slice %arg2[%mul3A_4, %dma_wait3A_411] : memref<10240x128xf32, #tpu.memory_space<hbm>> -> memref<640x128xf32, #tpu.memory_space<hbm>>
      tpu.wait_dma2 semaphore(%run_scoped3A : memref<!tpu.dma_semaphore, #tpu.memory_space<semaphore_mem>>) src(%dma_wait3A_412 : memref<640x128xf32, #tpu.memory_space<hbm>>) dst(%dma_wait3A_410 : memref<640x128xf32, #tpu.memory_space<vmem_shared>>)
      tpu.yield
    }) : () -> ()
    "tpu.region"() ({
      %run_scoped3A = tpu.sem_alloc : memref<!tpu.dma_semaphore, #tpu.memory_space<semaphore_mem>>
      %dma_start3A_405 = tpu.memref_slice %arg3[%mul3A_2] : memref<81920xi32, #tpu.memory_space<hbm>> -> memref<2560xi32, #tpu.memory_space<hbm>>
      %dma_start3A_406 = tpu.memref_slice %arg3[%mul3A_2] : memref<81920xi32, #tpu.memory_space<hbm>> -> memref<2560xi32, #tpu.memory_space<hbm>>
      tpu.enqueue_dma source(%dma_start3A_406 : memref<2560xi32, #tpu.memory_space<hbm>>) target(%arg5 : memref<2560xi32, #tpu.memory_space<vmem>>) target_semaphore(%run_scoped3A : memref<!tpu.dma_semaphore, #tpu.memory_space<semaphore_mem>>)
      %dma_wait3A_407 = tpu.memref_slice %arg3[%mul3A_2] : memref<81920xi32, #tpu.memory_space<hbm>> -> memref<2560xi32, #tpu.memory_space<hbm>>
      %dma_wait3A_408 = tpu.memref_slice %arg3[%mul3A_2] : memref<81920xi32, #tpu.memory_space<hbm>> -> memref<2560xi32, #tpu.memory_space<hbm>>
      tpu.wait_dma2 semaphore(%run_scoped3A : memref<!tpu.dma_semaphore, #tpu.memory_space<semaphore_mem>>) src(%dma_wait3A_408 : memref<2560xi32, #tpu.memory_space<hbm>>) dst(%arg5 : memref<2560xi32, #tpu.memory_space<vmem>>)
      tpu.yield
    }) : () -> ()
    %barrier3A = arith.constant 0 : index
    tpu.barrier barrier_id(%barrier3A)
    %dma_start3A = arith.constant 0 : i32
    %dma_start3A_7 = tpu.memref_slice %arg5[%dma_start3A] : memref<2560xi32, #tpu.memory_space<vmem>> -> memref<128xi32, #tpu.memory_space<vmem>>
    %dma_start3A_8 = arith.constant 0 : i32
    %dma_start3A_9 = arith.constant 0 : i32
    %dma_start3A_10 = tpu.memref_slice %arg12[%dma_start3A_8, %dma_start3A_9] : memref<10240x128xf32, #tpu.memory_space<vmem_shared>> -> memref<10240x128xf32, #tpu.memory_space<vmem_shared>>
    tpu.enqueue_indirect_dma source(%dma_start3A_10 : memref<10240x128xf32, #tpu.memory_space<vmem_shared>>) target(%arg6 : memref<128x128xf32, #tpu.memory_space<vmem>>) offsets(%dma_start3A_7 : memref<128xi32, #tpu.memory_space<vmem>>) semaphore(%arg8 : memref<!tpu.dma_semaphore, #tpu.memory_space<semaphore_mem>>)
    %dma_start3A_11 = arith.constant 128 : i32
    %dma_start3A_12 = tpu.memref_slice %arg5[%dma_start3A_11] : memref<2560xi32, #tpu.memory_space<vmem>> -> memref<128xi32, #tpu.memory_space<vmem>>
    %dma_start3A_13 = arith.constant 0 : i32
    %dma_start3A_14 = arith.constant 0 : i32
    %dma_start3A_15 = tpu.memref_slice %arg12[%dma_start3A_13, %dma_start3A_14] : memref<10240x128xf32, #tpu.memory_space<vmem_shared>> -> memref<10240x128xf32, #tpu.memory_space<vmem_shared>>
    tpu.enqueue_indirect_dma source(%dma_start3A_15 : memref<10240x128xf32, #tpu.memory_space<vmem_shared>>) target(%arg7 : memref<128x128xf32, #tpu.memory_space<vmem>>) offsets(%dma_start3A_12 : memref<128xi32, #tpu.memory_space<vmem>>) semaphore(%arg9 : memref<!tpu.dma_semaphore, #tpu.memory_space<semaphore_mem>>)
    %dma_wait3A = arith.constant 0 : i32
    %dma_wait3A_16 = tpu.memref_slice %arg5[%dma_wait3A] : memref<2560xi32, #tpu.memory_space<vmem>> -> memref<128xi32, #tpu.memory_space<vmem>>
    %dma_wait3A_17 = arith.constant 0 : i32
    %dma_wait3A_18 = arith.constant 0 : i32
    %dma_wait3A_19 = tpu.memref_slice %arg12[%dma_wait3A_17, %dma_wait3A_18] : memref<10240x128xf32, #tpu.memory_space<vmem_shared>> -> memref<10240x128xf32, #tpu.memory_space<vmem_shared>>
    tpu.wait_indirect_dma semaphore(%arg8 : memref<!tpu.dma_semaphore, #tpu.memory_space<semaphore_mem>>) src(%dma_wait3A_19 : memref<10240x128xf32, #tpu.memory_space<vmem_shared>>) dst(%arg6 : memref<128x128xf32, #tpu.memory_space<vmem>>)
    %add3A_20 = arith.constant 0 : i32
    %add3A_21 = arith.addi %mul3A_2, %add3A_20 : i32
    %dma_start3A_22 = arith.constant 0 : i32
    %dma_start3A_23 = tpu.memref_slice %arg4[%add3A_21, %dma_start3A_22] : memref<81920x128xf32, #tpu.memory_space<hbm>> -> memref<128x128xf32, #tpu.memory_space<hbm>>
    %dma_start3A_24 = arith.constant 0 : i32
    %dma_start3A_25 = tpu.memref_slice %arg4[%add3A_21, %dma_start3A_24] : memref<81920x128xf32, #tpu.memory_space<hbm>> -> memref<128x128xf32, #tpu.memory_space<hbm>>
    tpu.enqueue_dma source(%arg6 : memref<128x128xf32, #tpu.memory_space<vmem>>) target(%dma_start3A_25 : memref<128x128xf32, #tpu.memory_space<hbm>>) target_semaphore(%arg10 : memref<!tpu.dma_semaphore, #tpu.memory_space<semaphore_mem>>)
    %dma_wait3A_26 = arith.constant 0 : i32
    %dma_wait3A_27 = tpu.memref_slice %arg4[%add3A_21, %dma_wait3A_26] : memref<81920x128xf32, #tpu.memory_space<hbm>> -> memref<128x128xf32, #tpu.memory_space<hbm>>
    %dma_wait3A_28 = arith.constant 0 : i32
    %dma_wait3A_29 = tpu.memref_slice %arg4[%add3A_21, %dma_wait3A_28] : memref<81920x128xf32, #tpu.memory_space<hbm>> -> memref<128x128xf32, #tpu.memory_space<hbm>>
    tpu.wait_dma2 semaphore(%arg10 : memref<!tpu.dma_semaphore, #tpu.memory_space<semaphore_mem>>) src(%arg6 : memref<128x128xf32, #tpu.memory_space<vmem>>) dst(%dma_wait3A_29 : memref<128x128xf32, #tpu.memory_space<hbm>>)
    %dma_start3A_30 = arith.constant 256 : i32
    %dma_start3A_31 = tpu.memref_slice %arg5[%dma_start3A_30] : memref<2560xi32, #tpu.memory_space<vmem>> -> memref<128xi32, #tpu.memory_space<vmem>>
    %dma_start3A_32 = arith.constant 0 : i32
    %dma_start3A_33 = arith.constant 0 : i32
    %dma_start3A_34 = tpu.memref_slice %arg12[%dma_start3A_32, %dma_start3A_33] : memref<10240x128xf32, #tpu.memory_space<vmem_shared>> -> memref<10240x128xf32, #tpu.memory_space<vmem_shared>>
    tpu.enqueue_indirect_dma source(%dma_start3A_34 : memref<10240x128xf32, #tpu.memory_space<vmem_shared>>) target(%arg6 : memref<128x128xf32, #tpu.memory_space<vmem>>) offsets(%dma_start3A_31 : memref<128xi32, #tpu.memory_space<vmem>>) semaphore(%arg8 : memref<!tpu.dma_semaphore, #tpu.memory_space<semaphore_mem>>)
    %dma_wait3A_35 = arith.constant 128 : i32
    %dma_wait3A_36 = tpu.memref_slice %arg5[%dma_wait3A_35] : memref<2560xi32, #tpu.memory_space<vmem>> -> memref<128xi32, #tpu.memory_space<vmem>>
    %dma_wait3A_37 = arith.constant 0 : i32
    %dma_wait3A_38 = arith.constant 0 : i32
    %dma_wait3A_39 = tpu.memref_slice %arg12[%dma_wait3A_37, %dma_wait3A_38] : memref<10240x128xf32, #tpu.memory_space<vmem_shared>> -> memref<10240x128xf32, #tpu.memory_space<vmem_shared>>
    tpu.wait_indirect_dma semaphore(%arg9 : memref<!tpu.dma_semaphore, #tpu.memory_space<semaphore_mem>>) src(%dma_wait3A_39 : memref<10240x128xf32, #tpu.memory_space<vmem_shared>>) dst(%arg7 : memref<128x128xf32, #tpu.memory_space<vmem>>)
    %add3A_40 = arith.constant 128 : i32
    %add3A_41 = arith.addi %mul3A_2, %add3A_40 : i32
    %dma_start3A_42 = arith.constant 0 : i32
    %dma_start3A_43 = tpu.memref_slice %arg4[%add3A_41, %dma_start3A_42] : memref<81920x128xf32, #tpu.memory_space<hbm>> -> memref<128x128xf32, #tpu.memory_space<hbm>>
    %dma_start3A_44 = arith.constant 0 : i32
    %dma_start3A_45 = tpu.memref_slice %arg4[%add3A_41, %dma_start3A_44] : memref<81920x128xf32, #tpu.memory_space<hbm>> -> memref<128x128xf32, #tpu.memory_space<hbm>>
    tpu.enqueue_dma source(%arg7 : memref<128x128xf32, #tpu.memory_space<vmem>>) target(%dma_start3A_45 : memref<128x128xf32, #tpu.memory_space<hbm>>) target_semaphore(%arg11 : memref<!tpu.dma_semaphore, #tpu.memory_space<semaphore_mem>>)
    %dma_wait3A_46 = arith.constant 0 : i32
    %dma_wait3A_47 = tpu.memref_slice %arg4[%add3A_41, %dma_wait3A_46] : memref<81920x128xf32, #tpu.memory_space<hbm>> -> memref<128x128xf32, #tpu.memory_space<hbm>>
    %dma_wait3A_48 = arith.constant 0 : i32
    %dma_wait3A_49 = tpu.memref_slice %arg4[%add3A_41, %dma_wait3A_48] : memref<81920x128xf32, #tpu.memory_space<hbm>> -> memref<128x128xf32, #tpu.memory_space<hbm>>
    tpu.wait_dma2 semaphore(%arg11 : memref<!tpu.dma_semaphore, #tpu.memory_space<semaphore_mem>>) src(%arg7 : memref<128x128xf32, #tpu.memory_space<vmem>>) dst(%dma_wait3A_49 : memref<128x128xf32, #tpu.memory_space<hbm>>)
    %dma_start3A_50 = arith.constant 384 : i32
    %dma_start3A_51 = tpu.memref_slice %arg5[%dma_start3A_50] : memref<2560xi32, #tpu.memory_space<vmem>> -> memref<128xi32, #tpu.memory_space<vmem>>
    %dma_start3A_52 = arith.constant 0 : i32
    %dma_start3A_53 = arith.constant 0 : i32
    %dma_start3A_54 = tpu.memref_slice %arg12[%dma_start3A_52, %dma_start3A_53] : memref<10240x128xf32, #tpu.memory_space<vmem_shared>> -> memref<10240x128xf32, #tpu.memory_space<vmem_shared>>
    tpu.enqueue_indirect_dma source(%dma_start3A_54 : memref<10240x128xf32, #tpu.memory_space<vmem_shared>>) target(%arg7 : memref<128x128xf32, #tpu.memory_space<vmem>>) offsets(%dma_start3A_51 : memref<128xi32, #tpu.memory_space<vmem>>) semaphore(%arg9 : memref<!tpu.dma_semaphore, #tpu.memory_space<semaphore_mem>>)
    %dma_wait3A_55 = arith.constant 256 : i32
    %dma_wait3A_56 = tpu.memref_slice %arg5[%dma_wait3A_55] : memref<2560xi32, #tpu.memory_space<vmem>> -> memref<128xi32, #tpu.memory_space<vmem>>
    %dma_wait3A_57 = arith.constant 0 : i32
    %dma_wait3A_58 = arith.constant 0 : i32
    %dma_wait3A_59 = tpu.memref_slice %arg12[%dma_wait3A_57, %dma_wait3A_58] : memref<10240x128xf32, #tpu.memory_space<vmem_shared>> -> memref<10240x128xf32, #tpu.memory_space<vmem_shared>>
    tpu.wait_indirect_dma semaphore(%arg8 : memref<!tpu.dma_semaphore, #tpu.memory_space<semaphore_mem>>) src(%dma_wait3A_59 : memref<10240x128xf32, #tpu.memory_space<vmem_shared>>) dst(%arg6 : memref<128x128xf32, #tpu.memory_space<vmem>>)
    %add3A_60 = arith.constant 256 : i32
    %add3A_61 = arith.addi %mul3A_2, %add3A_60 : i32
    %dma_start3A_62 = arith.constant 0 : i32
    %dma_start3A_63 = tpu.memref_slice %arg4[%add3A_61, %dma_start3A_62] : memref<81920x128xf32, #tpu.memory_space<hbm>> -> memref<128x128xf32, #tpu.memory_space<hbm>>
    %dma_start3A_64 = arith.constant 0 : i32
    %dma_start3A_65 = tpu.memref_slice %arg4[%add3A_61, %dma_start3A_64] : memref<81920x128xf32, #tpu.memory_space<hbm>> -> memref<128x128xf32, #tpu.memory_space<hbm>>
    tpu.enqueue_dma source(%arg6 : memref<128x128xf32, #tpu.memory_space<vmem>>) target(%dma_start3A_65 : memref<128x128xf32, #tpu.memory_space<hbm>>) target_semaphore(%arg10 : memref<!tpu.dma_semaphore, #tpu.memory_space<semaphore_mem>>)
    %dma_wait3A_66 = arith.constant 0 : i32
    %dma_wait3A_67 = tpu.memref_slice %arg4[%add3A_61, %dma_wait3A_66] : memref<81920x128xf32, #tpu.memory_space<hbm>> -> memref<128x128xf32, #tpu.memory_space<hbm>>
    %dma_wait3A_68 = arith.constant 0 : i32
    %dma_wait3A_69 = tpu.memref_slice %arg4[%add3A_61, %dma_wait3A_68] : memref<81920x128xf32, #tpu.memory_space<hbm>> -> memref<128x128xf32, #tpu.memory_space<hbm>>
    tpu.wait_dma2 semaphore(%arg10 : memref<!tpu.dma_semaphore, #tpu.memory_space<semaphore_mem>>) src(%arg6 : memref<128x128xf32, #tpu.memory_space<vmem>>) dst(%dma_wait3A_69 : memref<128x128xf32, #tpu.memory_space<hbm>>)
    %dma_start3A_70 = arith.constant 512 : i32
    %dma_start3A_71 = tpu.memref_slice %arg5[%dma_start3A_70] : memref<2560xi32, #tpu.memory_space<vmem>> -> memref<128xi32, #tpu.memory_space<vmem>>
    %dma_start3A_72 = arith.constant 0 : i32
    %dma_start3A_73 = arith.constant 0 : i32
    %dma_start3A_74 = tpu.memref_slice %arg12[%dma_start3A_72, %dma_start3A_73] : memref<10240x128xf32, #tpu.memory_space<vmem_shared>> -> memref<10240x128xf32, #tpu.memory_space<vmem_shared>>
    tpu.enqueue_indirect_dma source(%dma_start3A_74 : memref<10240x128xf32, #tpu.memory_space<vmem_shared>>) target(%arg6 : memref<128x128xf32, #tpu.memory_space<vmem>>) offsets(%dma_start3A_71 : memref<128xi32, #tpu.memory_space<vmem>>) semaphore(%arg8 : memref<!tpu.dma_semaphore, #tpu.memory_space<semaphore_mem>>)
    %dma_wait3A_75 = arith.constant 384 : i32
    %dma_wait3A_76 = tpu.memref_slice %arg5[%dma_wait3A_75] : memref<2560xi32, #tpu.memory_space<vmem>> -> memref<128xi32, #tpu.memory_space<vmem>>
    %dma_wait3A_77 = arith.constant 0 : i32
    %dma_wait3A_78 = arith.constant 0 : i32
    %dma_wait3A_79 = tpu.memref_slice %arg12[%dma_wait3A_77, %dma_wait3A_78] : memref<10240x128xf32, #tpu.memory_space<vmem_shared>> -> memref<10240x128xf32, #tpu.memory_space<vmem_shared>>
    tpu.wait_indirect_dma semaphore(%arg9 : memref<!tpu.dma_semaphore, #tpu.memory_space<semaphore_mem>>) src(%dma_wait3A_79 : memref<10240x128xf32, #tpu.memory_space<vmem_shared>>) dst(%arg7 : memref<128x128xf32, #tpu.memory_space<vmem>>)
    %add3A_80 = arith.constant 384 : i32
    %add3A_81 = arith.addi %mul3A_2, %add3A_80 : i32
    %dma_start3A_82 = arith.constant 0 : i32
    %dma_start3A_83 = tpu.memref_slice %arg4[%add3A_81, %dma_start3A_82] : memref<81920x128xf32, #tpu.memory_space<hbm>> -> memref<128x128xf32, #tpu.memory_space<hbm>>
    %dma_start3A_84 = arith.constant 0 : i32
    %dma_start3A_85 = tpu.memref_slice %arg4[%add3A_81, %dma_start3A_84] : memref<81920x128xf32, #tpu.memory_space<hbm>> -> memref<128x128xf32, #tpu.memory_space<hbm>>
    tpu.enqueue_dma source(%arg7 : memref<128x128xf32, #tpu.memory_space<vmem>>) target(%dma_start3A_85 : memref<128x128xf32, #tpu.memory_space<hbm>>) target_semaphore(%arg11 : memref<!tpu.dma_semaphore, #tpu.memory_space<semaphore_mem>>)
    %dma_wait3A_86 = arith.constant 0 : i32
    %dma_wait3A_87 = tpu.memref_slice %arg4[%add3A_81, %dma_wait3A_86] : memref<81920x128xf32, #tpu.memory_space<hbm>> -> memref<128x128xf32, #tpu.memory_space<hbm>>
    %dma_wait3A_88 = arith.constant 0 : i32
    %dma_wait3A_89 = tpu.memref_slice %arg4[%add3A_81, %dma_wait3A_88] : memref<81920x128xf32, #tpu.memory_space<hbm>> -> memref<128x128xf32, #tpu.memory_space<hbm>>
    tpu.wait_dma2 semaphore(%arg11 : memref<!tpu.dma_semaphore, #tpu.memory_space<semaphore_mem>>) src(%arg7 : memref<128x128xf32, #tpu.memory_space<vmem>>) dst(%dma_wait3A_89 : memref<128x128xf32, #tpu.memory_space<hbm>>)
    %dma_start3A_90 = arith.constant 640 : i32
    %dma_start3A_91 = tpu.memref_slice %arg5[%dma_start3A_90] : memref<2560xi32, #tpu.memory_space<vmem>> -> memref<128xi32, #tpu.memory_space<vmem>>
    %dma_start3A_92 = arith.constant 0 : i32
    %dma_start3A_93 = arith.constant 0 : i32
    %dma_start3A_94 = tpu.memref_slice %arg12[%dma_start3A_92, %dma_start3A_93] : memref<10240x128xf32, #tpu.memory_space<vmem_shared>> -> memref<10240x128xf32, #tpu.memory_space<vmem_shared>>
    tpu.enqueue_indirect_dma source(%dma_start3A_94 : memref<10240x128xf32, #tpu.memory_space<vmem_shared>>) target(%arg7 : memref<128x128xf32, #tpu.memory_space<vmem>>) offsets(%dma_start3A_91 : memref<128xi32, #tpu.memory_space<vmem>>) semaphore(%arg9 : memref<!tpu.dma_semaphore, #tpu.memory_space<semaphore_mem>>)
    %dma_wait3A_95 = arith.constant 512 : i32
    %dma_wait3A_96 = tpu.memref_slice %arg5[%dma_wait3A_95] : memref<2560xi32, #tpu.memory_space<vmem>> -> memref<128xi32, #tpu.memory_space<vmem>>
    %dma_wait3A_97 = arith.constant 0 : i32
    %dma_wait3A_98 = arith.constant 0 : i32
    %dma_wait3A_99 = tpu.memref_slice %arg12[%dma_wait3A_97, %dma_wait3A_98] : memref<10240x128xf32, #tpu.memory_space<vmem_shared>> -> memref<10240x128xf32, #tpu.memory_space<vmem_shared>>
    tpu.wait_indirect_dma semaphore(%arg8 : memref<!tpu.dma_semaphore, #tpu.memory_space<semaphore_mem>>) src(%dma_wait3A_99 : memref<10240x128xf32, #tpu.memory_space<vmem_shared>>) dst(%arg6 : memref<128x128xf32, #tpu.memory_space<vmem>>)
    %add3A_100 = arith.constant 512 : i32
    %add3A_101 = arith.addi %mul3A_2, %add3A_100 : i32
    %dma_start3A_102 = arith.constant 0 : i32
    %dma_start3A_103 = tpu.memref_slice %arg4[%add3A_101, %dma_start3A_102] : memref<81920x128xf32, #tpu.memory_space<hbm>> -> memref<128x128xf32, #tpu.memory_space<hbm>>
    %dma_start3A_104 = arith.constant 0 : i32
    %dma_start3A_105 = tpu.memref_slice %arg4[%add3A_101, %dma_start3A_104] : memref<81920x128xf32, #tpu.memory_space<hbm>> -> memref<128x128xf32, #tpu.memory_space<hbm>>
    tpu.enqueue_dma source(%arg6 : memref<128x128xf32, #tpu.memory_space<vmem>>) target(%dma_start3A_105 : memref<128x128xf32, #tpu.memory_space<hbm>>) target_semaphore(%arg10 : memref<!tpu.dma_semaphore, #tpu.memory_space<semaphore_mem>>)
    %dma_wait3A_106 = arith.constant 0 : i32
    %dma_wait3A_107 = tpu.memref_slice %arg4[%add3A_101, %dma_wait3A_106] : memref<81920x128xf32, #tpu.memory_space<hbm>> -> memref<128x128xf32, #tpu.memory_space<hbm>>
    %dma_wait3A_108 = arith.constant 0 : i32
    %dma_wait3A_109 = tpu.memref_slice %arg4[%add3A_101, %dma_wait3A_108] : memref<81920x128xf32, #tpu.memory_space<hbm>> -> memref<128x128xf32, #tpu.memory_space<hbm>>
    tpu.wait_dma2 semaphore(%arg10 : memref<!tpu.dma_semaphore, #tpu.memory_space<semaphore_mem>>) src(%arg6 : memref<128x128xf32, #tpu.memory_space<vmem>>) dst(%dma_wait3A_109 : memref<128x128xf32, #tpu.memory_space<hbm>>)
    %dma_start3A_110 = arith.constant 768 : i32
    %dma_start3A_111 = tpu.memref_slice %arg5[%dma_start3A_110] : memref<2560xi32, #tpu.memory_space<vmem>> -> memref<128xi32, #tpu.memory_space<vmem>>
    %dma_start3A_112 = arith.constant 0 : i32
    %dma_start3A_113 = arith.constant 0 : i32
    %dma_start3A_114 = tpu.memref_slice %arg12[%dma_start3A_112, %dma_start3A_113] : memref<10240x128xf32, #tpu.memory_space<vmem_shared>> -> memref<10240x128xf32, #tpu.memory_space<vmem_shared>>
    tpu.enqueue_indirect_dma source(%dma_start3A_114 : memref<10240x128xf32, #tpu.memory_space<vmem_shared>>) target(%arg6 : memref<128x128xf32, #tpu.memory_space<vmem>>) offsets(%dma_start3A_111 : memref<128xi32, #tpu.memory_space<vmem>>) semaphore(%arg8 : memref<!tpu.dma_semaphore, #tpu.memory_space<semaphore_mem>>)
    %dma_wait3A_115 = arith.constant 640 : i32
    %dma_wait3A_116 = tpu.memref_slice %arg5[%dma_wait3A_115] : memref<2560xi32, #tpu.memory_space<vmem>> -> memref<128xi32, #tpu.memory_space<vmem>>
    %dma_wait3A_117 = arith.constant 0 : i32
    %dma_wait3A_118 = arith.constant 0 : i32
    %dma_wait3A_119 = tpu.memref_slice %arg12[%dma_wait3A_117, %dma_wait3A_118] : memref<10240x128xf32, #tpu.memory_space<vmem_shared>> -> memref<10240x128xf32, #tpu.memory_space<vmem_shared>>
    tpu.wait_indirect_dma semaphore(%arg9 : memref<!tpu.dma_semaphore, #tpu.memory_space<semaphore_mem>>) src(%dma_wait3A_119 : memref<10240x128xf32, #tpu.memory_space<vmem_shared>>) dst(%arg7 : memref<128x128xf32, #tpu.memory_space<vmem>>)
    %add3A_120 = arith.constant 640 : i32
    %add3A_121 = arith.addi %mul3A_2, %add3A_120 : i32
    %dma_start3A_122 = arith.constant 0 : i32
    %dma_start3A_123 = tpu.memref_slice %arg4[%add3A_121, %dma_start3A_122] : memref<81920x128xf32, #tpu.memory_space<hbm>> -> memref<128x128xf32, #tpu.memory_space<hbm>>
    %dma_start3A_124 = arith.constant 0 : i32
    %dma_start3A_125 = tpu.memref_slice %arg4[%add3A_121, %dma_start3A_124] : memref<81920x128xf32, #tpu.memory_space<hbm>> -> memref<128x128xf32, #tpu.memory_space<hbm>>
    tpu.enqueue_dma source(%arg7 : memref<128x128xf32, #tpu.memory_space<vmem>>) target(%dma_start3A_125 : memref<128x128xf32, #tpu.memory_space<hbm>>) target_semaphore(%arg11 : memref<!tpu.dma_semaphore, #tpu.memory_space<semaphore_mem>>)
    %dma_wait3A_126 = arith.constant 0 : i32
    %dma_wait3A_127 = tpu.memref_slice %arg4[%add3A_121, %dma_wait3A_126] : memref<81920x128xf32, #tpu.memory_space<hbm>> -> memref<128x128xf32, #tpu.memory_space<hbm>>
    %dma_wait3A_128 = arith.constant 0 : i32
    %dma_wait3A_129 = tpu.memref_slice %arg4[%add3A_121, %dma_wait3A_128] : memref<81920x128xf32, #tpu.memory_space<hbm>> -> memref<128x128xf32, #tpu.memory_space<hbm>>
    tpu.wait_dma2 semaphore(%arg11 : memref<!tpu.dma_semaphore, #tpu.memory_space<semaphore_mem>>) src(%arg7 : memref<128x128xf32, #tpu.memory_space<vmem>>) dst(%dma_wait3A_129 : memref<128x128xf32, #tpu.memory_space<hbm>>)
    %dma_start3A_130 = arith.constant 896 : i32
    %dma_start3A_131 = tpu.memref_slice %arg5[%dma_start3A_130] : memref<2560xi32, #tpu.memory_space<vmem>> -> memref<128xi32, #tpu.memory_space<vmem>>
    %dma_start3A_132 = arith.constant 0 : i32
    %dma_start3A_133 = arith.constant 0 : i32
    %dma_start3A_134 = tpu.memref_slice %arg12[%dma_start3A_132, %dma_start3A_133] : memref<10240x128xf32, #tpu.memory_space<vmem_shared>> -> memref<10240x128xf32, #tpu.memory_space<vmem_shared>>
    tpu.enqueue_indirect_dma source(%dma_start3A_134 : memref<10240x128xf32, #tpu.memory_space<vmem_shared>>) target(%arg7 : memref<128x128xf32, #tpu.memory_space<vmem>>) offsets(%dma_start3A_131 : memref<128xi32, #tpu.memory_space<vmem>>) semaphore(%arg9 : memref<!tpu.dma_semaphore, #tpu.memory_space<semaphore_mem>>)
    %dma_wait3A_135 = arith.constant 768 : i32
    %dma_wait3A_136 = tpu.memref_slice %arg5[%dma_wait3A_135] : memref<2560xi32, #tpu.memory_space<vmem>> -> memref<128xi32, #tpu.memory_space<vmem>>
    %dma_wait3A_137 = arith.constant 0 : i32
    %dma_wait3A_138 = arith.constant 0 : i32
    %dma_wait3A_139 = tpu.memref_slice %arg12[%dma_wait3A_137, %dma_wait3A_138] : memref<10240x128xf32, #tpu.memory_space<vmem_shared>> -> memref<10240x128xf32, #tpu.memory_space<vmem_shared>>
    tpu.wait_indirect_dma semaphore(%arg8 : memref<!tpu.dma_semaphore, #tpu.memory_space<semaphore_mem>>) src(%dma_wait3A_139 : memref<10240x128xf32, #tpu.memory_space<vmem_shared>>) dst(%arg6 : memref<128x128xf32, #tpu.memory_space<vmem>>)
    %add3A_140 = arith.constant 768 : i32
    %add3A_141 = arith.addi %mul3A_2, %add3A_140 : i32
    %dma_start3A_142 = arith.constant 0 : i32
    %dma_start3A_143 = tpu.memref_slice %arg4[%add3A_141, %dma_start3A_142] : memref<81920x128xf32, #tpu.memory_space<hbm>> -> memref<128x128xf32, #tpu.memory_space<hbm>>
    %dma_start3A_144 = arith.constant 0 : i32
    %dma_start3A_145 = tpu.memref_slice %arg4[%add3A_141, %dma_start3A_144] : memref<81920x128xf32, #tpu.memory_space<hbm>> -> memref<128x128xf32, #tpu.memory_space<hbm>>
    tpu.enqueue_dma source(%arg6 : memref<128x128xf32, #tpu.memory_space<vmem>>) target(%dma_start3A_145 : memref<128x128xf32, #tpu.memory_space<hbm>>) target_semaphore(%arg10 : memref<!tpu.dma_semaphore, #tpu.memory_space<semaphore_mem>>)
    %dma_wait3A_146 = arith.constant 0 : i32
    %dma_wait3A_147 = tpu.memref_slice %arg4[%add3A_141, %dma_wait3A_146] : memref<81920x128xf32, #tpu.memory_space<hbm>> -> memref<128x128xf32, #tpu.memory_space<hbm>>
    %dma_wait3A_148 = arith.constant 0 : i32
    %dma_wait3A_149 = tpu.memref_slice %arg4[%add3A_141, %dma_wait3A_148] : memref<81920x128xf32, #tpu.memory_space<hbm>> -> memref<128x128xf32, #tpu.memory_space<hbm>>
    tpu.wait_dma2 semaphore(%arg10 : memref<!tpu.dma_semaphore, #tpu.memory_space<semaphore_mem>>) src(%arg6 : memref<128x128xf32, #tpu.memory_space<vmem>>) dst(%dma_wait3A_149 : memref<128x128xf32, #tpu.memory_space<hbm>>)
    %dma_start3A_150 = arith.constant 1024 : i32
    %dma_start3A_151 = tpu.memref_slice %arg5[%dma_start3A_150] : memref<2560xi32, #tpu.memory_space<vmem>> -> memref<128xi32, #tpu.memory_space<vmem>>
    %dma_start3A_152 = arith.constant 0 : i32
    %dma_start3A_153 = arith.constant 0 : i32
    %dma_start3A_154 = tpu.memref_slice %arg12[%dma_start3A_152, %dma_start3A_153] : memref<10240x128xf32, #tpu.memory_space<vmem_shared>> -> memref<10240x128xf32, #tpu.memory_space<vmem_shared>>
    tpu.enqueue_indirect_dma source(%dma_start3A_154 : memref<10240x128xf32, #tpu.memory_space<vmem_shared>>) target(%arg6 : memref<128x128xf32, #tpu.memory_space<vmem>>) offsets(%dma_start3A_151 : memref<128xi32, #tpu.memory_space<vmem>>) semaphore(%arg8 : memref<!tpu.dma_semaphore, #tpu.memory_space<semaphore_mem>>)
    %dma_wait3A_155 = arith.constant 896 : i32
    %dma_wait3A_156 = tpu.memref_slice %arg5[%dma_wait3A_155] : memref<2560xi32, #tpu.memory_space<vmem>> -> memref<128xi32, #tpu.memory_space<vmem>>
    %dma_wait3A_157 = arith.constant 0 : i32
    %dma_wait3A_158 = arith.constant 0 : i32
    %dma_wait3A_159 = tpu.memref_slice %arg12[%dma_wait3A_157, %dma_wait3A_158] : memref<10240x128xf32, #tpu.memory_space<vmem_shared>> -> memref<10240x128xf32, #tpu.memory_space<vmem_shared>>
    tpu.wait_indirect_dma semaphore(%arg9 : memref<!tpu.dma_semaphore, #tpu.memory_space<semaphore_mem>>) src(%dma_wait3A_159 : memref<10240x128xf32, #tpu.memory_space<vmem_shared>>) dst(%arg7 : memref<128x128xf32, #tpu.memory_space<vmem>>)
    %add3A_160 = arith.constant 896 : i32
    %add3A_161 = arith.addi %mul3A_2, %add3A_160 : i32
    %dma_start3A_162 = arith.constant 0 : i32
    %dma_start3A_163 = tpu.memref_slice %arg4[%add3A_161, %dma_start3A_162] : memref<81920x128xf32, #tpu.memory_space<hbm>> -> memref<128x128xf32, #tpu.memory_space<hbm>>
    %dma_start3A_164 = arith.constant 0 : i32
    %dma_start3A_165 = tpu.memref_slice %arg4[%add3A_161, %dma_start3A_164] : memref<81920x128xf32, #tpu.memory_space<hbm>> -> memref<128x128xf32, #tpu.memory_space<hbm>>
    tpu.enqueue_dma source(%arg7 : memref<128x128xf32, #tpu.memory_space<vmem>>) target(%dma_start3A_165 : memref<128x128xf32, #tpu.memory_space<hbm>>) target_semaphore(%arg11 : memref<!tpu.dma_semaphore, #tpu.memory_space<semaphore_mem>>)
    %dma_wait3A_166 = arith.constant 0 : i32
    %dma_wait3A_167 = tpu.memref_slice %arg4[%add3A_161, %dma_wait3A_166] : memref<81920x128xf32, #tpu.memory_space<hbm>> -> memref<128x128xf32, #tpu.memory_space<hbm>>
    %dma_wait3A_168 = arith.constant 0 : i32
    %dma_wait3A_169 = tpu.memref_slice %arg4[%add3A_161, %dma_wait3A_168] : memref<81920x128xf32, #tpu.memory_space<hbm>> -> memref<128x128xf32, #tpu.memory_space<hbm>>
    tpu.wait_dma2 semaphore(%arg11 : memref<!tpu.dma_semaphore, #tpu.memory_space<semaphore_mem>>) src(%arg7 : memref<128x128xf32, #tpu.memory_space<vmem>>) dst(%dma_wait3A_169 : memref<128x128xf32, #tpu.memory_space<hbm>>)
    %dma_start3A_170 = arith.constant 1152 : i32
    %dma_start3A_171 = tpu.memref_slice %arg5[%dma_start3A_170] : memref<2560xi32, #tpu.memory_space<vmem>> -> memref<128xi32, #tpu.memory_space<vmem>>
    %dma_start3A_172 = arith.constant 0 : i32
    %dma_start3A_173 = arith.constant 0 : i32
    %dma_start3A_174 = tpu.memref_slice %arg12[%dma_start3A_172, %dma_start3A_173] : memref<10240x128xf32, #tpu.memory_space<vmem_shared>> -> memref<10240x128xf32, #tpu.memory_space<vmem_shared>>
    tpu.enqueue_indirect_dma source(%dma_start3A_174 : memref<10240x128xf32, #tpu.memory_space<vmem_shared>>) target(%arg7 : memref<128x128xf32, #tpu.memory_space<vmem>>) offsets(%dma_start3A_171 : memref<128xi32, #tpu.memory_space<vmem>>) semaphore(%arg9 : memref<!tpu.dma_semaphore, #tpu.memory_space<semaphore_mem>>)
    %dma_wait3A_175 = arith.constant 1024 : i32
    %dma_wait3A_176 = tpu.memref_slice %arg5[%dma_wait3A_175] : memref<2560xi32, #tpu.memory_space<vmem>> -> memref<128xi32, #tpu.memory_space<vmem>>
    %dma_wait3A_177 = arith.constant 0 : i32
    %dma_wait3A_178 = arith.constant 0 : i32
    %dma_wait3A_179 = tpu.memref_slice %arg12[%dma_wait3A_177, %dma_wait3A_178] : memref<10240x128xf32, #tpu.memory_space<vmem_shared>> -> memref<10240x128xf32, #tpu.memory_space<vmem_shared>>
    tpu.wait_indirect_dma semaphore(%arg8 : memref<!tpu.dma_semaphore, #tpu.memory_space<semaphore_mem>>) src(%dma_wait3A_179 : memref<10240x128xf32, #tpu.memory_space<vmem_shared>>) dst(%arg6 : memref<128x128xf32, #tpu.memory_space<vmem>>)
    %add3A_180 = arith.constant 1024 : i32
    %add3A_181 = arith.addi %mul3A_2, %add3A_180 : i32
    %dma_start3A_182 = arith.constant 0 : i32
    %dma_start3A_183 = tpu.memref_slice %arg4[%add3A_181, %dma_start3A_182] : memref<81920x128xf32, #tpu.memory_space<hbm>> -> memref<128x128xf32, #tpu.memory_space<hbm>>
    %dma_start3A_184 = arith.constant 0 : i32
    %dma_start3A_185 = tpu.memref_slice %arg4[%add3A_181, %dma_start3A_184] : memref<81920x128xf32, #tpu.memory_space<hbm>> -> memref<128x128xf32, #tpu.memory_space<hbm>>
    tpu.enqueue_dma source(%arg6 : memref<128x128xf32, #tpu.memory_space<vmem>>) target(%dma_start3A_185 : memref<128x128xf32, #tpu.memory_space<hbm>>) target_semaphore(%arg10 : memref<!tpu.dma_semaphore, #tpu.memory_space<semaphore_mem>>)
    %dma_wait3A_186 = arith.constant 0 : i32
    %dma_wait3A_187 = tpu.memref_slice %arg4[%add3A_181, %dma_wait3A_186] : memref<81920x128xf32, #tpu.memory_space<hbm>> -> memref<128x128xf32, #tpu.memory_space<hbm>>
    %dma_wait3A_188 = arith.constant 0 : i32
    %dma_wait3A_189 = tpu.memref_slice %arg4[%add3A_181, %dma_wait3A_188] : memref<81920x128xf32, #tpu.memory_space<hbm>> -> memref<128x128xf32, #tpu.memory_space<hbm>>
    tpu.wait_dma2 semaphore(%arg10 : memref<!tpu.dma_semaphore, #tpu.memory_space<semaphore_mem>>) src(%arg6 : memref<128x128xf32, #tpu.memory_space<vmem>>) dst(%dma_wait3A_189 : memref<128x128xf32, #tpu.memory_space<hbm>>)
    %dma_start3A_190 = arith.constant 1280 : i32
    %dma_start3A_191 = tpu.memref_slice %arg5[%dma_start3A_190] : memref<2560xi32, #tpu.memory_space<vmem>> -> memref<128xi32, #tpu.memory_space<vmem>>
    %dma_start3A_192 = arith.constant 0 : i32
    %dma_start3A_193 = arith.constant 0 : i32
    %dma_start3A_194 = tpu.memref_slice %arg12[%dma_start3A_192, %dma_start3A_193] : memref<10240x128xf32, #tpu.memory_space<vmem_shared>> -> memref<10240x128xf32, #tpu.memory_space<vmem_shared>>
    tpu.enqueue_indirect_dma source(%dma_start3A_194 : memref<10240x128xf32, #tpu.memory_space<vmem_shared>>) target(%arg6 : memref<128x128xf32, #tpu.memory_space<vmem>>) offsets(%dma_start3A_191 : memref<128xi32, #tpu.memory_space<vmem>>) semaphore(%arg8 : memref<!tpu.dma_semaphore, #tpu.memory_space<semaphore_mem>>)
    %dma_wait3A_195 = arith.constant 1152 : i32
    %dma_wait3A_196 = tpu.memref_slice %arg5[%dma_wait3A_195] : memref<2560xi32, #tpu.memory_space<vmem>> -> memref<128xi32, #tpu.memory_space<vmem>>
    %dma_wait3A_197 = arith.constant 0 : i32
    %dma_wait3A_198 = arith.constant 0 : i32
    %dma_wait3A_199 = tpu.memref_slice %arg12[%dma_wait3A_197, %dma_wait3A_198] : memref<10240x128xf32, #tpu.memory_space<vmem_shared>> -> memref<10240x128xf32, #tpu.memory_space<vmem_shared>>
    tpu.wait_indirect_dma semaphore(%arg9 : memref<!tpu.dma_semaphore, #tpu.memory_space<semaphore_mem>>) src(%dma_wait3A_199 : memref<10240x128xf32, #tpu.memory_space<vmem_shared>>) dst(%arg7 : memref<128x128xf32, #tpu.memory_space<vmem>>)
    %add3A_200 = arith.constant 1152 : i32
    %add3A_201 = arith.addi %mul3A_2, %add3A_200 : i32
    %dma_start3A_202 = arith.constant 0 : i32
    %dma_start3A_203 = tpu.memref_slice %arg4[%add3A_201, %dma_start3A_202] : memref<81920x128xf32, #tpu.memory_space<hbm>> -> memref<128x128xf32, #tpu.memory_space<hbm>>
    %dma_start3A_204 = arith.constant 0 : i32
    %dma_start3A_205 = tpu.memref_slice %arg4[%add3A_201, %dma_start3A_204] : memref<81920x128xf32, #tpu.memory_space<hbm>> -> memref<128x128xf32, #tpu.memory_space<hbm>>
    tpu.enqueue_dma source(%arg7 : memref<128x128xf32, #tpu.memory_space<vmem>>) target(%dma_start3A_205 : memref<128x128xf32, #tpu.memory_space<hbm>>) target_semaphore(%arg11 : memref<!tpu.dma_semaphore, #tpu.memory_space<semaphore_mem>>)
    %dma_wait3A_206 = arith.constant 0 : i32
    %dma_wait3A_207 = tpu.memref_slice %arg4[%add3A_201, %dma_wait3A_206] : memref<81920x128xf32, #tpu.memory_space<hbm>> -> memref<128x128xf32, #tpu.memory_space<hbm>>
    %dma_wait3A_208 = arith.constant 0 : i32
    %dma_wait3A_209 = tpu.memref_slice %arg4[%add3A_201, %dma_wait3A_208] : memref<81920x128xf32, #tpu.memory_space<hbm>> -> memref<128x128xf32, #tpu.memory_space<hbm>>
    tpu.wait_dma2 semaphore(%arg11 : memref<!tpu.dma_semaphore, #tpu.memory_space<semaphore_mem>>) src(%arg7 : memref<128x128xf32, #tpu.memory_space<vmem>>) dst(%dma_wait3A_209 : memref<128x128xf32, #tpu.memory_space<hbm>>)
    %dma_start3A_210 = arith.constant 1408 : i32
    %dma_start3A_211 = tpu.memref_slice %arg5[%dma_start3A_210] : memref<2560xi32, #tpu.memory_space<vmem>> -> memref<128xi32, #tpu.memory_space<vmem>>
    %dma_start3A_212 = arith.constant 0 : i32
    %dma_start3A_213 = arith.constant 0 : i32
    %dma_start3A_214 = tpu.memref_slice %arg12[%dma_start3A_212, %dma_start3A_213] : memref<10240x128xf32, #tpu.memory_space<vmem_shared>> -> memref<10240x128xf32, #tpu.memory_space<vmem_shared>>
    tpu.enqueue_indirect_dma source(%dma_start3A_214 : memref<10240x128xf32, #tpu.memory_space<vmem_shared>>) target(%arg7 : memref<128x128xf32, #tpu.memory_space<vmem>>) offsets(%dma_start3A_211 : memref<128xi32, #tpu.memory_space<vmem>>) semaphore(%arg9 : memref<!tpu.dma_semaphore, #tpu.memory_space<semaphore_mem>>)
    %dma_wait3A_215 = arith.constant 1280 : i32
    %dma_wait3A_216 = tpu.memref_slice %arg5[%dma_wait3A_215] : memref<2560xi32, #tpu.memory_space<vmem>> -> memref<128xi32, #tpu.memory_space<vmem>>
    %dma_wait3A_217 = arith.constant 0 : i32
    %dma_wait3A_218 = arith.constant 0 : i32
    %dma_wait3A_219 = tpu.memref_slice %arg12[%dma_wait3A_217, %dma_wait3A_218] : memref<10240x128xf32, #tpu.memory_space<vmem_shared>> -> memref<10240x128xf32, #tpu.memory_space<vmem_shared>>
    tpu.wait_indirect_dma semaphore(%arg8 : memref<!tpu.dma_semaphore, #tpu.memory_space<semaphore_mem>>) src(%dma_wait3A_219 : memref<10240x128xf32, #tpu.memory_space<vmem_shared>>) dst(%arg6 : memref<128x128xf32, #tpu.memory_space<vmem>>)
    %add3A_220 = arith.constant 1280 : i32
    %add3A_221 = arith.addi %mul3A_2, %add3A_220 : i32
    %dma_start3A_222 = arith.constant 0 : i32
    %dma_start3A_223 = tpu.memref_slice %arg4[%add3A_221, %dma_start3A_222] : memref<81920x128xf32, #tpu.memory_space<hbm>> -> memref<128x128xf32, #tpu.memory_space<hbm>>
    %dma_start3A_224 = arith.constant 0 : i32
    %dma_start3A_225 = tpu.memref_slice %arg4[%add3A_221, %dma_start3A_224] : memref<81920x128xf32, #tpu.memory_space<hbm>> -> memref<128x128xf32, #tpu.memory_space<hbm>>
    tpu.enqueue_dma source(%arg6 : memref<128x128xf32, #tpu.memory_space<vmem>>) target(%dma_start3A_225 : memref<128x128xf32, #tpu.memory_space<hbm>>) target_semaphore(%arg10 : memref<!tpu.dma_semaphore, #tpu.memory_space<semaphore_mem>>)
    %dma_wait3A_226 = arith.constant 0 : i32
    %dma_wait3A_227 = tpu.memref_slice %arg4[%add3A_221, %dma_wait3A_226] : memref<81920x128xf32, #tpu.memory_space<hbm>> -> memref<128x128xf32, #tpu.memory_space<hbm>>
    %dma_wait3A_228 = arith.constant 0 : i32
    %dma_wait3A_229 = tpu.memref_slice %arg4[%add3A_221, %dma_wait3A_228] : memref<81920x128xf32, #tpu.memory_space<hbm>> -> memref<128x128xf32, #tpu.memory_space<hbm>>
    tpu.wait_dma2 semaphore(%arg10 : memref<!tpu.dma_semaphore, #tpu.memory_space<semaphore_mem>>) src(%arg6 : memref<128x128xf32, #tpu.memory_space<vmem>>) dst(%dma_wait3A_229 : memref<128x128xf32, #tpu.memory_space<hbm>>)
    %dma_start3A_230 = arith.constant 1536 : i32
    %dma_start3A_231 = tpu.memref_slice %arg5[%dma_start3A_230] : memref<2560xi32, #tpu.memory_space<vmem>> -> memref<128xi32, #tpu.memory_space<vmem>>
    %dma_start3A_232 = arith.constant 0 : i32
    %dma_start3A_233 = arith.constant 0 : i32
    %dma_start3A_234 = tpu.memref_slice %arg12[%dma_start3A_232, %dma_start3A_233] : memref<10240x128xf32, #tpu.memory_space<vmem_shared>> -> memref<10240x128xf32, #tpu.memory_space<vmem_shared>>
    tpu.enqueue_indirect_dma source(%dma_start3A_234 : memref<10240x128xf32, #tpu.memory_space<vmem_shared>>) target(%arg6 : memref<128x128xf32, #tpu.memory_space<vmem>>) offsets(%dma_start3A_231 : memref<128xi32, #tpu.memory_space<vmem>>) semaphore(%arg8 : memref<!tpu.dma_semaphore, #tpu.memory_space<semaphore_mem>>)
    %dma_wait3A_235 = arith.constant 1408 : i32
    %dma_wait3A_236 = tpu.memref_slice %arg5[%dma_wait3A_235] : memref<2560xi32, #tpu.memory_space<vmem>> -> memref<128xi32, #tpu.memory_space<vmem>>
    %dma_wait3A_237 = arith.constant 0 : i32
    %dma_wait3A_238 = arith.constant 0 : i32
    %dma_wait3A_239 = tpu.memref_slice %arg12[%dma_wait3A_237, %dma_wait3A_238] : memref<10240x128xf32, #tpu.memory_space<vmem_shared>> -> memref<10240x128xf32, #tpu.memory_space<vmem_shared>>
    tpu.wait_indirect_dma semaphore(%arg9 : memref<!tpu.dma_semaphore, #tpu.memory_space<semaphore_mem>>) src(%dma_wait3A_239 : memref<10240x128xf32, #tpu.memory_space<vmem_shared>>) dst(%arg7 : memref<128x128xf32, #tpu.memory_space<vmem>>)
    %add3A_240 = arith.constant 1408 : i32
    %add3A_241 = arith.addi %mul3A_2, %add3A_240 : i32
    %dma_start3A_242 = arith.constant 0 : i32
    %dma_start3A_243 = tpu.memref_slice %arg4[%add3A_241, %dma_start3A_242] : memref<81920x128xf32, #tpu.memory_space<hbm>> -> memref<128x128xf32, #tpu.memory_space<hbm>>
    %dma_start3A_244 = arith.constant 0 : i32
    %dma_start3A_245 = tpu.memref_slice %arg4[%add3A_241, %dma_start3A_244] : memref<81920x128xf32, #tpu.memory_space<hbm>> -> memref<128x128xf32, #tpu.memory_space<hbm>>
    tpu.enqueue_dma source(%arg7 : memref<128x128xf32, #tpu.memory_space<vmem>>) target(%dma_start3A_245 : memref<128x128xf32, #tpu.memory_space<hbm>>) target_semaphore(%arg11 : memref<!tpu.dma_semaphore, #tpu.memory_space<semaphore_mem>>)
    %dma_wait3A_246 = arith.constant 0 : i32
    %dma_wait3A_247 = tpu.memref_slice %arg4[%add3A_241, %dma_wait3A_246] : memref<81920x128xf32, #tpu.memory_space<hbm>> -> memref<128x128xf32, #tpu.memory_space<hbm>>
    %dma_wait3A_248 = arith.constant 0 : i32
    %dma_wait3A_249 = tpu.memref_slice %arg4[%add3A_241, %dma_wait3A_248] : memref<81920x128xf32, #tpu.memory_space<hbm>> -> memref<128x128xf32, #tpu.memory_space<hbm>>
    tpu.wait_dma2 semaphore(%arg11 : memref<!tpu.dma_semaphore, #tpu.memory_space<semaphore_mem>>) src(%arg7 : memref<128x128xf32, #tpu.memory_space<vmem>>) dst(%dma_wait3A_249 : memref<128x128xf32, #tpu.memory_space<hbm>>)
    %dma_start3A_250 = arith.constant 1664 : i32
    %dma_start3A_251 = tpu.memref_slice %arg5[%dma_start3A_250] : memref<2560xi32, #tpu.memory_space<vmem>> -> memref<128xi32, #tpu.memory_space<vmem>>
    %dma_start3A_252 = arith.constant 0 : i32
    %dma_start3A_253 = arith.constant 0 : i32
    %dma_start3A_254 = tpu.memref_slice %arg12[%dma_start3A_252, %dma_start3A_253] : memref<10240x128xf32, #tpu.memory_space<vmem_shared>> -> memref<10240x128xf32, #tpu.memory_space<vmem_shared>>
    tpu.enqueue_indirect_dma source(%dma_start3A_254 : memref<10240x128xf32, #tpu.memory_space<vmem_shared>>) target(%arg7 : memref<128x128xf32, #tpu.memory_space<vmem>>) offsets(%dma_start3A_251 : memref<128xi32, #tpu.memory_space<vmem>>) semaphore(%arg9 : memref<!tpu.dma_semaphore, #tpu.memory_space<semaphore_mem>>)
    %dma_wait3A_255 = arith.constant 1536 : i32
    %dma_wait3A_256 = tpu.memref_slice %arg5[%dma_wait3A_255] : memref<2560xi32, #tpu.memory_space<vmem>> -> memref<128xi32, #tpu.memory_space<vmem>>
    %dma_wait3A_257 = arith.constant 0 : i32
    %dma_wait3A_258 = arith.constant 0 : i32
    %dma_wait3A_259 = tpu.memref_slice %arg12[%dma_wait3A_257, %dma_wait3A_258] : memref<10240x128xf32, #tpu.memory_space<vmem_shared>> -> memref<10240x128xf32, #tpu.memory_space<vmem_shared>>
    tpu.wait_indirect_dma semaphore(%arg8 : memref<!tpu.dma_semaphore, #tpu.memory_space<semaphore_mem>>) src(%dma_wait3A_259 : memref<10240x128xf32, #tpu.memory_space<vmem_shared>>) dst(%arg6 : memref<128x128xf32, #tpu.memory_space<vmem>>)
    %add3A_260 = arith.constant 1536 : i32
    %add3A_261 = arith.addi %mul3A_2, %add3A_260 : i32
    %dma_start3A_262 = arith.constant 0 : i32
    %dma_start3A_263 = tpu.memref_slice %arg4[%add3A_261, %dma_start3A_262] : memref<81920x128xf32, #tpu.memory_space<hbm>> -> memref<128x128xf32, #tpu.memory_space<hbm>>
    %dma_start3A_264 = arith.constant 0 : i32
    %dma_start3A_265 = tpu.memref_slice %arg4[%add3A_261, %dma_start3A_264] : memref<81920x128xf32, #tpu.memory_space<hbm>> -> memref<128x128xf32, #tpu.memory_space<hbm>>
    tpu.enqueue_dma source(%arg6 : memref<128x128xf32, #tpu.memory_space<vmem>>) target(%dma_start3A_265 : memref<128x128xf32, #tpu.memory_space<hbm>>) target_semaphore(%arg10 : memref<!tpu.dma_semaphore, #tpu.memory_space<semaphore_mem>>)
    %dma_wait3A_266 = arith.constant 0 : i32
    %dma_wait3A_267 = tpu.memref_slice %arg4[%add3A_261, %dma_wait3A_266] : memref<81920x128xf32, #tpu.memory_space<hbm>> -> memref<128x128xf32, #tpu.memory_space<hbm>>
    %dma_wait3A_268 = arith.constant 0 : i32
    %dma_wait3A_269 = tpu.memref_slice %arg4[%add3A_261, %dma_wait3A_268] : memref<81920x128xf32, #tpu.memory_space<hbm>> -> memref<128x128xf32, #tpu.memory_space<hbm>>
    tpu.wait_dma2 semaphore(%arg10 : memref<!tpu.dma_semaphore, #tpu.memory_space<semaphore_mem>>) src(%arg6 : memref<128x128xf32, #tpu.memory_space<vmem>>) dst(%dma_wait3A_269 : memref<128x128xf32, #tpu.memory_space<hbm>>)
    %dma_start3A_270 = arith.constant 1792 : i32
    %dma_start3A_271 = tpu.memref_slice %arg5[%dma_start3A_270] : memref<2560xi32, #tpu.memory_space<vmem>> -> memref<128xi32, #tpu.memory_space<vmem>>
    %dma_start3A_272 = arith.constant 0 : i32
    %dma_start3A_273 = arith.constant 0 : i32
    %dma_start3A_274 = tpu.memref_slice %arg12[%dma_start3A_272, %dma_start3A_273] : memref<10240x128xf32, #tpu.memory_space<vmem_shared>> -> memref<10240x128xf32, #tpu.memory_space<vmem_shared>>
    tpu.enqueue_indirect_dma source(%dma_start3A_274 : memref<10240x128xf32, #tpu.memory_space<vmem_shared>>) target(%arg6 : memref<128x128xf32, #tpu.memory_space<vmem>>) offsets(%dma_start3A_271 : memref<128xi32, #tpu.memory_space<vmem>>) semaphore(%arg8 : memref<!tpu.dma_semaphore, #tpu.memory_space<semaphore_mem>>)
    %dma_wait3A_275 = arith.constant 1664 : i32
    %dma_wait3A_276 = tpu.memref_slice %arg5[%dma_wait3A_275] : memref<2560xi32, #tpu.memory_space<vmem>> -> memref<128xi32, #tpu.memory_space<vmem>>
    %dma_wait3A_277 = arith.constant 0 : i32
    %dma_wait3A_278 = arith.constant 0 : i32
    %dma_wait3A_279 = tpu.memref_slice %arg12[%dma_wait3A_277, %dma_wait3A_278] : memref<10240x128xf32, #tpu.memory_space<vmem_shared>> -> memref<10240x128xf32, #tpu.memory_space<vmem_shared>>
    tpu.wait_indirect_dma semaphore(%arg9 : memref<!tpu.dma_semaphore, #tpu.memory_space<semaphore_mem>>) src(%dma_wait3A_279 : memref<10240x128xf32, #tpu.memory_space<vmem_shared>>) dst(%arg7 : memref<128x128xf32, #tpu.memory_space<vmem>>)
    %add3A_280 = arith.constant 1664 : i32
    %add3A_281 = arith.addi %mul3A_2, %add3A_280 : i32
    %dma_start3A_282 = arith.constant 0 : i32
    %dma_start3A_283 = tpu.memref_slice %arg4[%add3A_281, %dma_start3A_282] : memref<81920x128xf32, #tpu.memory_space<hbm>> -> memref<128x128xf32, #tpu.memory_space<hbm>>
    %dma_start3A_284 = arith.constant 0 : i32
    %dma_start3A_285 = tpu.memref_slice %arg4[%add3A_281, %dma_start3A_284] : memref<81920x128xf32, #tpu.memory_space<hbm>> -> memref<128x128xf32, #tpu.memory_space<hbm>>
    tpu.enqueue_dma source(%arg7 : memref<128x128xf32, #tpu.memory_space<vmem>>) target(%dma_start3A_285 : memref<128x128xf32, #tpu.memory_space<hbm>>) target_semaphore(%arg11 : memref<!tpu.dma_semaphore, #tpu.memory_space<semaphore_mem>>)
    %dma_wait3A_286 = arith.constant 0 : i32
    %dma_wait3A_287 = tpu.memref_slice %arg4[%add3A_281, %dma_wait3A_286] : memref<81920x128xf32, #tpu.memory_space<hbm>> -> memref<128x128xf32, #tpu.memory_space<hbm>>
    %dma_wait3A_288 = arith.constant 0 : i32
    %dma_wait3A_289 = tpu.memref_slice %arg4[%add3A_281, %dma_wait3A_288] : memref<81920x128xf32, #tpu.memory_space<hbm>> -> memref<128x128xf32, #tpu.memory_space<hbm>>
    tpu.wait_dma2 semaphore(%arg11 : memref<!tpu.dma_semaphore, #tpu.memory_space<semaphore_mem>>) src(%arg7 : memref<128x128xf32, #tpu.memory_space<vmem>>) dst(%dma_wait3A_289 : memref<128x128xf32, #tpu.memory_space<hbm>>)
    %dma_start3A_290 = arith.constant 1920 : i32
    %dma_start3A_291 = tpu.memref_slice %arg5[%dma_start3A_290] : memref<2560xi32, #tpu.memory_space<vmem>> -> memref<128xi32, #tpu.memory_space<vmem>>
    %dma_start3A_292 = arith.constant 0 : i32
    %dma_start3A_293 = arith.constant 0 : i32
    %dma_start3A_294 = tpu.memref_slice %arg12[%dma_start3A_292, %dma_start3A_293] : memref<10240x128xf32, #tpu.memory_space<vmem_shared>> -> memref<10240x128xf32, #tpu.memory_space<vmem_shared>>
    tpu.enqueue_indirect_dma source(%dma_start3A_294 : memref<10240x128xf32, #tpu.memory_space<vmem_shared>>) target(%arg7 : memref<128x128xf32, #tpu.memory_space<vmem>>) offsets(%dma_start3A_291 : memref<128xi32, #tpu.memory_space<vmem>>) semaphore(%arg9 : memref<!tpu.dma_semaphore, #tpu.memory_space<semaphore_mem>>)
    %dma_wait3A_295 = arith.constant 1792 : i32
    %dma_wait3A_296 = tpu.memref_slice %arg5[%dma_wait3A_295] : memref<2560xi32, #tpu.memory_space<vmem>> -> memref<128xi32, #tpu.memory_space<vmem>>
    %dma_wait3A_297 = arith.constant 0 : i32
    %dma_wait3A_298 = arith.constant 0 : i32
    %dma_wait3A_299 = tpu.memref_slice %arg12[%dma_wait3A_297, %dma_wait3A_298] : memref<10240x128xf32, #tpu.memory_space<vmem_shared>> -> memref<10240x128xf32, #tpu.memory_space<vmem_shared>>
    tpu.wait_indirect_dma semaphore(%arg8 : memref<!tpu.dma_semaphore, #tpu.memory_space<semaphore_mem>>) src(%dma_wait3A_299 : memref<10240x128xf32, #tpu.memory_space<vmem_shared>>) dst(%arg6 : memref<128x128xf32, #tpu.memory_space<vmem>>)
    %add3A_300 = arith.constant 1792 : i32
    %add3A_301 = arith.addi %mul3A_2, %add3A_300 : i32
    %dma_start3A_302 = arith.constant 0 : i32
    %dma_start3A_303 = tpu.memref_slice %arg4[%add3A_301, %dma_start3A_302] : memref<81920x128xf32, #tpu.memory_space<hbm>> -> memref<128x128xf32, #tpu.memory_space<hbm>>
    %dma_start3A_304 = arith.constant 0 : i32
    %dma_start3A_305 = tpu.memref_slice %arg4[%add3A_301, %dma_start3A_304] : memref<81920x128xf32, #tpu.memory_space<hbm>> -> memref<128x128xf32, #tpu.memory_space<hbm>>
    tpu.enqueue_dma source(%arg6 : memref<128x128xf32, #tpu.memory_space<vmem>>) target(%dma_start3A_305 : memref<128x128xf32, #tpu.memory_space<hbm>>) target_semaphore(%arg10 : memref<!tpu.dma_semaphore, #tpu.memory_space<semaphore_mem>>)
    %dma_wait3A_306 = arith.constant 0 : i32
    %dma_wait3A_307 = tpu.memref_slice %arg4[%add3A_301, %dma_wait3A_306] : memref<81920x128xf32, #tpu.memory_space<hbm>> -> memref<128x128xf32, #tpu.memory_space<hbm>>
    %dma_wait3A_308 = arith.constant 0 : i32
    %dma_wait3A_309 = tpu.memref_slice %arg4[%add3A_301, %dma_wait3A_308] : memref<81920x128xf32, #tpu.memory_space<hbm>> -> memref<128x128xf32, #tpu.memory_space<hbm>>
    tpu.wait_dma2 semaphore(%arg10 : memref<!tpu.dma_semaphore, #tpu.memory_space<semaphore_mem>>) src(%arg6 : memref<128x128xf32, #tpu.memory_space<vmem>>) dst(%dma_wait3A_309 : memref<128x128xf32, #tpu.memory_space<hbm>>)
    %dma_start3A_310 = arith.constant 2048 : i32
    %dma_start3A_311 = tpu.memref_slice %arg5[%dma_start3A_310] : memref<2560xi32, #tpu.memory_space<vmem>> -> memref<128xi32, #tpu.memory_space<vmem>>
    %dma_start3A_312 = arith.constant 0 : i32
    %dma_start3A_313 = arith.constant 0 : i32
    %dma_start3A_314 = tpu.memref_slice %arg12[%dma_start3A_312, %dma_start3A_313] : memref<10240x128xf32, #tpu.memory_space<vmem_shared>> -> memref<10240x128xf32, #tpu.memory_space<vmem_shared>>
    tpu.enqueue_indirect_dma source(%dma_start3A_314 : memref<10240x128xf32, #tpu.memory_space<vmem_shared>>) target(%arg6 : memref<128x128xf32, #tpu.memory_space<vmem>>) offsets(%dma_start3A_311 : memref<128xi32, #tpu.memory_space<vmem>>) semaphore(%arg8 : memref<!tpu.dma_semaphore, #tpu.memory_space<semaphore_mem>>)
    %dma_wait3A_315 = arith.constant 1920 : i32
    %dma_wait3A_316 = tpu.memref_slice %arg5[%dma_wait3A_315] : memref<2560xi32, #tpu.memory_space<vmem>> -> memref<128xi32, #tpu.memory_space<vmem>>
    %dma_wait3A_317 = arith.constant 0 : i32
    %dma_wait3A_318 = arith.constant 0 : i32
    %dma_wait3A_319 = tpu.memref_slice %arg12[%dma_wait3A_317, %dma_wait3A_318] : memref<10240x128xf32, #tpu.memory_space<vmem_shared>> -> memref<10240x128xf32, #tpu.memory_space<vmem_shared>>
    tpu.wait_indirect_dma semaphore(%arg9 : memref<!tpu.dma_semaphore, #tpu.memory_space<semaphore_mem>>) src(%dma_wait3A_319 : memref<10240x128xf32, #tpu.memory_space<vmem_shared>>) dst(%arg7 : memref<128x128xf32, #tpu.memory_space<vmem>>)
    %add3A_320 = arith.constant 1920 : i32
    %add3A_321 = arith.addi %mul3A_2, %add3A_320 : i32
    %dma_start3A_322 = arith.constant 0 : i32
    %dma_start3A_323 = tpu.memref_slice %arg4[%add3A_321, %dma_start3A_322] : memref<81920x128xf32, #tpu.memory_space<hbm>> -> memref<128x128xf32, #tpu.memory_space<hbm>>
    %dma_start3A_324 = arith.constant 0 : i32
    %dma_start3A_325 = tpu.memref_slice %arg4[%add3A_321, %dma_start3A_324] : memref<81920x128xf32, #tpu.memory_space<hbm>> -> memref<128x128xf32, #tpu.memory_space<hbm>>
    tpu.enqueue_dma source(%arg7 : memref<128x128xf32, #tpu.memory_space<vmem>>) target(%dma_start3A_325 : memref<128x128xf32, #tpu.memory_space<hbm>>) target_semaphore(%arg11 : memref<!tpu.dma_semaphore, #tpu.memory_space<semaphore_mem>>)
    %dma_wait3A_326 = arith.constant 0 : i32
    %dma_wait3A_327 = tpu.memref_slice %arg4[%add3A_321, %dma_wait3A_326] : memref<81920x128xf32, #tpu.memory_space<hbm>> -> memref<128x128xf32, #tpu.memory_space<hbm>>
    %dma_wait3A_328 = arith.constant 0 : i32
    %dma_wait3A_329 = tpu.memref_slice %arg4[%add3A_321, %dma_wait3A_328] : memref<81920x128xf32, #tpu.memory_space<hbm>> -> memref<128x128xf32, #tpu.memory_space<hbm>>
    tpu.wait_dma2 semaphore(%arg11 : memref<!tpu.dma_semaphore, #tpu.memory_space<semaphore_mem>>) src(%arg7 : memref<128x128xf32, #tpu.memory_space<vmem>>) dst(%dma_wait3A_329 : memref<128x128xf32, #tpu.memory_space<hbm>>)
    %dma_start3A_330 = arith.constant 2176 : i32
    %dma_start3A_331 = tpu.memref_slice %arg5[%dma_start3A_330] : memref<2560xi32, #tpu.memory_space<vmem>> -> memref<128xi32, #tpu.memory_space<vmem>>
    %dma_start3A_332 = arith.constant 0 : i32
    %dma_start3A_333 = arith.constant 0 : i32
    %dma_start3A_334 = tpu.memref_slice %arg12[%dma_start3A_332, %dma_start3A_333] : memref<10240x128xf32, #tpu.memory_space<vmem_shared>> -> memref<10240x128xf32, #tpu.memory_space<vmem_shared>>
    tpu.enqueue_indirect_dma source(%dma_start3A_334 : memref<10240x128xf32, #tpu.memory_space<vmem_shared>>) target(%arg7 : memref<128x128xf32, #tpu.memory_space<vmem>>) offsets(%dma_start3A_331 : memref<128xi32, #tpu.memory_space<vmem>>) semaphore(%arg9 : memref<!tpu.dma_semaphore, #tpu.memory_space<semaphore_mem>>)
    %dma_wait3A_335 = arith.constant 2048 : i32
    %dma_wait3A_336 = tpu.memref_slice %arg5[%dma_wait3A_335] : memref<2560xi32, #tpu.memory_space<vmem>> -> memref<128xi32, #tpu.memory_space<vmem>>
    %dma_wait3A_337 = arith.constant 0 : i32
    %dma_wait3A_338 = arith.constant 0 : i32
    %dma_wait3A_339 = tpu.memref_slice %arg12[%dma_wait3A_337, %dma_wait3A_338] : memref<10240x128xf32, #tpu.memory_space<vmem_shared>> -> memref<10240x128xf32, #tpu.memory_space<vmem_shared>>
    tpu.wait_indirect_dma semaphore(%arg8 : memref<!tpu.dma_semaphore, #tpu.memory_space<semaphore_mem>>) src(%dma_wait3A_339 : memref<10240x128xf32, #tpu.memory_space<vmem_shared>>) dst(%arg6 : memref<128x128xf32, #tpu.memory_space<vmem>>)
    %add3A_340 = arith.constant 2048 : i32
    %add3A_341 = arith.addi %mul3A_2, %add3A_340 : i32
    %dma_start3A_342 = arith.constant 0 : i32
    %dma_start3A_343 = tpu.memref_slice %arg4[%add3A_341, %dma_start3A_342] : memref<81920x128xf32, #tpu.memory_space<hbm>> -> memref<128x128xf32, #tpu.memory_space<hbm>>
    %dma_start3A_344 = arith.constant 0 : i32
    %dma_start3A_345 = tpu.memref_slice %arg4[%add3A_341, %dma_start3A_344] : memref<81920x128xf32, #tpu.memory_space<hbm>> -> memref<128x128xf32, #tpu.memory_space<hbm>>
    tpu.enqueue_dma source(%arg6 : memref<128x128xf32, #tpu.memory_space<vmem>>) target(%dma_start3A_345 : memref<128x128xf32, #tpu.memory_space<hbm>>) target_semaphore(%arg10 : memref<!tpu.dma_semaphore, #tpu.memory_space<semaphore_mem>>)
    %dma_wait3A_346 = arith.constant 0 : i32
    %dma_wait3A_347 = tpu.memref_slice %arg4[%add3A_341, %dma_wait3A_346] : memref<81920x128xf32, #tpu.memory_space<hbm>> -> memref<128x128xf32, #tpu.memory_space<hbm>>
    %dma_wait3A_348 = arith.constant 0 : i32
    %dma_wait3A_349 = tpu.memref_slice %arg4[%add3A_341, %dma_wait3A_348] : memref<81920x128xf32, #tpu.memory_space<hbm>> -> memref<128x128xf32, #tpu.memory_space<hbm>>
    tpu.wait_dma2 semaphore(%arg10 : memref<!tpu.dma_semaphore, #tpu.memory_space<semaphore_mem>>) src(%arg6 : memref<128x128xf32, #tpu.memory_space<vmem>>) dst(%dma_wait3A_349 : memref<128x128xf32, #tpu.memory_space<hbm>>)
    %dma_start3A_350 = arith.constant 2304 : i32
    %dma_start3A_351 = tpu.memref_slice %arg5[%dma_start3A_350] : memref<2560xi32, #tpu.memory_space<vmem>> -> memref<128xi32, #tpu.memory_space<vmem>>
    %dma_start3A_352 = arith.constant 0 : i32
    %dma_start3A_353 = arith.constant 0 : i32
    %dma_start3A_354 = tpu.memref_slice %arg12[%dma_start3A_352, %dma_start3A_353] : memref<10240x128xf32, #tpu.memory_space<vmem_shared>> -> memref<10240x128xf32, #tpu.memory_space<vmem_shared>>
    tpu.enqueue_indirect_dma source(%dma_start3A_354 : memref<10240x128xf32, #tpu.memory_space<vmem_shared>>) target(%arg6 : memref<128x128xf32, #tpu.memory_space<vmem>>) offsets(%dma_start3A_351 : memref<128xi32, #tpu.memory_space<vmem>>) semaphore(%arg8 : memref<!tpu.dma_semaphore, #tpu.memory_space<semaphore_mem>>)
    %dma_wait3A_355 = arith.constant 2176 : i32
    %dma_wait3A_356 = tpu.memref_slice %arg5[%dma_wait3A_355] : memref<2560xi32, #tpu.memory_space<vmem>> -> memref<128xi32, #tpu.memory_space<vmem>>
    %dma_wait3A_357 = arith.constant 0 : i32
    %dma_wait3A_358 = arith.constant 0 : i32
    %dma_wait3A_359 = tpu.memref_slice %arg12[%dma_wait3A_357, %dma_wait3A_358] : memref<10240x128xf32, #tpu.memory_space<vmem_shared>> -> memref<10240x128xf32, #tpu.memory_space<vmem_shared>>
    tpu.wait_indirect_dma semaphore(%arg9 : memref<!tpu.dma_semaphore, #tpu.memory_space<semaphore_mem>>) src(%dma_wait3A_359 : memref<10240x128xf32, #tpu.memory_space<vmem_shared>>) dst(%arg7 : memref<128x128xf32, #tpu.memory_space<vmem>>)
    %add3A_360 = arith.constant 2176 : i32
    %add3A_361 = arith.addi %mul3A_2, %add3A_360 : i32
    %dma_start3A_362 = arith.constant 0 : i32
    %dma_start3A_363 = tpu.memref_slice %arg4[%add3A_361, %dma_start3A_362] : memref<81920x128xf32, #tpu.memory_space<hbm>> -> memref<128x128xf32, #tpu.memory_space<hbm>>
    %dma_start3A_364 = arith.constant 0 : i32
    %dma_start3A_365 = tpu.memref_slice %arg4[%add3A_361, %dma_start3A_364] : memref<81920x128xf32, #tpu.memory_space<hbm>> -> memref<128x128xf32, #tpu.memory_space<hbm>>
    tpu.enqueue_dma source(%arg7 : memref<128x128xf32, #tpu.memory_space<vmem>>) target(%dma_start3A_365 : memref<128x128xf32, #tpu.memory_space<hbm>>) target_semaphore(%arg11 : memref<!tpu.dma_semaphore, #tpu.memory_space<semaphore_mem>>)
    %dma_wait3A_366 = arith.constant 0 : i32
    %dma_wait3A_367 = tpu.memref_slice %arg4[%add3A_361, %dma_wait3A_366] : memref<81920x128xf32, #tpu.memory_space<hbm>> -> memref<128x128xf32, #tpu.memory_space<hbm>>
    %dma_wait3A_368 = arith.constant 0 : i32
    %dma_wait3A_369 = tpu.memref_slice %arg4[%add3A_361, %dma_wait3A_368] : memref<81920x128xf32, #tpu.memory_space<hbm>> -> memref<128x128xf32, #tpu.memory_space<hbm>>
    tpu.wait_dma2 semaphore(%arg11 : memref<!tpu.dma_semaphore, #tpu.memory_space<semaphore_mem>>) src(%arg7 : memref<128x128xf32, #tpu.memory_space<vmem>>) dst(%dma_wait3A_369 : memref<128x128xf32, #tpu.memory_space<hbm>>)
    %dma_start3A_370 = arith.constant 2432 : i32
    %dma_start3A_371 = tpu.memref_slice %arg5[%dma_start3A_370] : memref<2560xi32, #tpu.memory_space<vmem>> -> memref<128xi32, #tpu.memory_space<vmem>>
    %dma_start3A_372 = arith.constant 0 : i32
    %dma_start3A_373 = arith.constant 0 : i32
    %dma_start3A_374 = tpu.memref_slice %arg12[%dma_start3A_372, %dma_start3A_373] : memref<10240x128xf32, #tpu.memory_space<vmem_shared>> -> memref<10240x128xf32, #tpu.memory_space<vmem_shared>>
    tpu.enqueue_indirect_dma source(%dma_start3A_374 : memref<10240x128xf32, #tpu.memory_space<vmem_shared>>) target(%arg7 : memref<128x128xf32, #tpu.memory_space<vmem>>) offsets(%dma_start3A_371 : memref<128xi32, #tpu.memory_space<vmem>>) semaphore(%arg9 : memref<!tpu.dma_semaphore, #tpu.memory_space<semaphore_mem>>)
    %dma_wait3A_375 = arith.constant 2304 : i32
    %dma_wait3A_376 = tpu.memref_slice %arg5[%dma_wait3A_375] : memref<2560xi32, #tpu.memory_space<vmem>> -> memref<128xi32, #tpu.memory_space<vmem>>
    %dma_wait3A_377 = arith.constant 0 : i32
    %dma_wait3A_378 = arith.constant 0 : i32
    %dma_wait3A_379 = tpu.memref_slice %arg12[%dma_wait3A_377, %dma_wait3A_378] : memref<10240x128xf32, #tpu.memory_space<vmem_shared>> -> memref<10240x128xf32, #tpu.memory_space<vmem_shared>>
    tpu.wait_indirect_dma semaphore(%arg8 : memref<!tpu.dma_semaphore, #tpu.memory_space<semaphore_mem>>) src(%dma_wait3A_379 : memref<10240x128xf32, #tpu.memory_space<vmem_shared>>) dst(%arg6 : memref<128x128xf32, #tpu.memory_space<vmem>>)
    %add3A_380 = arith.constant 2304 : i32
    %add3A_381 = arith.addi %mul3A_2, %add3A_380 : i32
    %dma_start3A_382 = arith.constant 0 : i32
    %dma_start3A_383 = tpu.memref_slice %arg4[%add3A_381, %dma_start3A_382] : memref<81920x128xf32, #tpu.memory_space<hbm>> -> memref<128x128xf32, #tpu.memory_space<hbm>>
    %dma_start3A_384 = arith.constant 0 : i32
    %dma_start3A_385 = tpu.memref_slice %arg4[%add3A_381, %dma_start3A_384] : memref<81920x128xf32, #tpu.memory_space<hbm>> -> memref<128x128xf32, #tpu.memory_space<hbm>>
    tpu.enqueue_dma source(%arg6 : memref<128x128xf32, #tpu.memory_space<vmem>>) target(%dma_start3A_385 : memref<128x128xf32, #tpu.memory_space<hbm>>) target_semaphore(%arg10 : memref<!tpu.dma_semaphore, #tpu.memory_space<semaphore_mem>>)
    %dma_wait3A_386 = arith.constant 2432 : i32
    %dma_wait3A_387 = tpu.memref_slice %arg5[%dma_wait3A_386] : memref<2560xi32, #tpu.memory_space<vmem>> -> memref<128xi32, #tpu.memory_space<vmem>>
    %dma_wait3A_388 = arith.constant 0 : i32
    %dma_wait3A_389 = arith.constant 0 : i32
    %dma_wait3A_390 = tpu.memref_slice %arg12[%dma_wait3A_388, %dma_wait3A_389] : memref<10240x128xf32, #tpu.memory_space<vmem_shared>> -> memref<10240x128xf32, #tpu.memory_space<vmem_shared>>
    tpu.wait_indirect_dma semaphore(%arg9 : memref<!tpu.dma_semaphore, #tpu.memory_space<semaphore_mem>>) src(%dma_wait3A_390 : memref<10240x128xf32, #tpu.memory_space<vmem_shared>>) dst(%arg7 : memref<128x128xf32, #tpu.memory_space<vmem>>)
    %add3A_391 = arith.constant 2432 : i32
    %add3A_392 = arith.addi %mul3A_2, %add3A_391 : i32
    %dma_start3A_393 = arith.constant 0 : i32
    %dma_start3A_394 = tpu.memref_slice %arg4[%add3A_392, %dma_start3A_393] : memref<81920x128xf32, #tpu.memory_space<hbm>> -> memref<128x128xf32, #tpu.memory_space<hbm>>
    %dma_start3A_395 = arith.constant 0 : i32
    %dma_start3A_396 = tpu.memref_slice %arg4[%add3A_392, %dma_start3A_395] : memref<81920x128xf32, #tpu.memory_space<hbm>> -> memref<128x128xf32, #tpu.memory_space<hbm>>
    tpu.enqueue_dma source(%arg7 : memref<128x128xf32, #tpu.memory_space<vmem>>) target(%dma_start3A_396 : memref<128x128xf32, #tpu.memory_space<hbm>>) target_semaphore(%arg11 : memref<!tpu.dma_semaphore, #tpu.memory_space<semaphore_mem>>)
    %dma_wait3A_397 = arith.constant 0 : i32
    %dma_wait3A_398 = tpu.memref_slice %arg4[%add3A_381, %dma_wait3A_397] : memref<81920x128xf32, #tpu.memory_space<hbm>> -> memref<128x128xf32, #tpu.memory_space<hbm>>
    %dma_wait3A_399 = arith.constant 0 : i32
    %dma_wait3A_400 = tpu.memref_slice %arg4[%add3A_381, %dma_wait3A_399] : memref<81920x128xf32, #tpu.memory_space<hbm>> -> memref<128x128xf32, #tpu.memory_space<hbm>>
    tpu.wait_dma2 semaphore(%arg10 : memref<!tpu.dma_semaphore, #tpu.memory_space<semaphore_mem>>) src(%arg6 : memref<128x128xf32, #tpu.memory_space<vmem>>) dst(%dma_wait3A_400 : memref<128x128xf32, #tpu.memory_space<hbm>>)
    %dma_wait3A_401 = arith.constant 0 : i32
    %dma_wait3A_402 = tpu.memref_slice %arg4[%add3A_392, %dma_wait3A_401] : memref<81920x128xf32, #tpu.memory_space<hbm>> -> memref<128x128xf32, #tpu.memory_space<hbm>>
    %dma_wait3A_403 = arith.constant 0 : i32
    %dma_wait3A_404 = tpu.memref_slice %arg4[%add3A_392, %dma_wait3A_403] : memref<81920x128xf32, #tpu.memory_space<hbm>> -> memref<128x128xf32, #tpu.memory_space<hbm>>
    tpu.wait_dma2 semaphore(%arg11 : memref<!tpu.dma_semaphore, #tpu.memory_space<semaphore_mem>>) src(%arg7 : memref<128x128xf32, #tpu.memory_space<vmem>>) dst(%dma_wait3A_404 : memref<128x128xf32, #tpu.memory_space<hbm>>)
    return
  }
}

#map = affine_map<(d0, d1) -> (0)>
#map1 = affine_map<(d0, d1) -> (0, 0)>
#map2 = affine_map<(d0, d1) -> (0, 0, 0)>
module attributes {stable_mosaic.version = 14 : i64} {
  func.func @scatter_add(%arg0: i32, %arg1: i32, %arg2: memref<81920xi32, #tpu.memory_space<hbm>>, %arg3: memref<40960x128xf32, #tpu.memory_space<hbm>>, %arg4: memref<128x128xf32, #tpu.memory_space<hbm>>, %arg5: memref<2x10240x128xf32, #tpu.memory_space<hbm>>, %arg6: memref<128xi32, #tpu.memory_space<vmem>>, %arg7: memref<128xi32, #tpu.memory_space<vmem>>, %arg8: memref<128x128xf32, #tpu.memory_space<vmem>>, %arg9: memref<128x128xf32, #tpu.memory_space<vmem>>, %arg10: memref<!tpu.dma_semaphore, #tpu.memory_space<semaphore_mem>>, %arg11: memref<!tpu.dma_semaphore, #tpu.memory_space<semaphore_mem>>, %arg12: memref<!tpu.dma_semaphore, #tpu.memory_space<semaphore_mem>>, %arg13: memref<!tpu.dma_semaphore, #tpu.memory_space<semaphore_mem>>, %arg14: memref<10240x128xf32, #tpu.memory_space<vmem_shared>>) attributes {dimension_semantics = [#tpu.dimension_semantics<core_parallel>, #tpu.dimension_semantics<subcore_parallel>], iteration_bounds = array<i64: 2, 16>, scalar_prefetch = 0 : i64, scratch_operands = 9 : i64, tpu.core_type = #tpu.core_type<sc_vector_subcore>, window_params = [{transform_indices = #map}, {transform_indices = #map1}, {transform_indices = #map1}, {transform_indices = #map2}]} {
    "tpu.region"() ({
      %run_scoped3A = tpu.sem_alloc : memref<!tpu.dma_semaphore, #tpu.memory_space<semaphore_mem>>
      tpu.enqueue_dma source(%arg4 : memref<128x128xf32, #tpu.memory_space<hbm>>) target(%arg8 : memref<128x128xf32, #tpu.memory_space<vmem>>) target_semaphore(%run_scoped3A : memref<!tpu.dma_semaphore, #tpu.memory_space<semaphore_mem>>)
      tpu.wait_dma2 semaphore(%run_scoped3A : memref<!tpu.dma_semaphore, #tpu.memory_space<semaphore_mem>>) src(%arg4 : memref<128x128xf32, #tpu.memory_space<hbm>>) dst(%arg8 : memref<128x128xf32, #tpu.memory_space<vmem>>)
      tpu.yield
    }) : () -> ()
    %mul3A = arith.constant 640 : i32
    %mul3A_0 = arith.muli %arg1, %mul3A : i32
    %add3A = arith.constant 0 : i32
    %add3A_1 = arith.addi %mul3A_0, %add3A : i32
    "tpu.region"() ({
      %run_scoped3A = tpu.sem_alloc : memref<!tpu.dma_semaphore, #tpu.memory_space<semaphore_mem>>
      %dma_start3A_184 = arith.constant 0 : i32
      %dma_start3A_185 = tpu.memref_slice %arg14[%add3A_1, %dma_start3A_184] : memref<10240x128xf32, #tpu.memory_space<vmem_shared>> -> memref<128x128xf32, #tpu.memory_space<vmem_shared>>
      %dma_start3A_186 = arith.constant 0 : i32
      %dma_start3A_187 = tpu.memref_slice %arg14[%add3A_1, %dma_start3A_186] : memref<10240x128xf32, #tpu.memory_space<vmem_shared>> -> memref<128x128xf32, #tpu.memory_space<vmem_shared>>
      tpu.enqueue_dma source(%arg8 : memref<128x128xf32, #tpu.memory_space<vmem>>) target(%dma_start3A_187 : memref<128x128xf32, #tpu.memory_space<vmem_shared>>) target_semaphore(%run_scoped3A : memref<!tpu.dma_semaphore, #tpu.memory_space<semaphore_mem>>)
      %dma_wait3A_188 = arith.constant 0 : i32
      %dma_wait3A_189 = tpu.memref_slice %arg14[%add3A_1, %dma_wait3A_188] : memref<10240x128xf32, #tpu.memory_space<vmem_shared>> -> memref<128x128xf32, #tpu.memory_space<vmem_shared>>
      %dma_wait3A_190 = arith.constant 0 : i32
      %dma_wait3A_191 = tpu.memref_slice %arg14[%add3A_1, %dma_wait3A_190] : memref<10240x128xf32, #tpu.memory_space<vmem_shared>> -> memref<128x128xf32, #tpu.memory_space<vmem_shared>>
      tpu.wait_dma2 semaphore(%run_scoped3A : memref<!tpu.dma_semaphore, #tpu.memory_space<semaphore_mem>>) src(%arg8 : memref<128x128xf32, #tpu.memory_space<vmem>>) dst(%dma_wait3A_191 : memref<128x128xf32, #tpu.memory_space<vmem_shared>>)
      tpu.yield
    }) : () -> ()
    %mul3A_2 = arith.constant 640 : i32
    %mul3A_3 = arith.muli %arg1, %mul3A_2 : i32
    %add3A_4 = arith.constant 128 : i32
    %add3A_5 = arith.addi %mul3A_3, %add3A_4 : i32
    "tpu.region"() ({
      %run_scoped3A = tpu.sem_alloc : memref<!tpu.dma_semaphore, #tpu.memory_space<semaphore_mem>>
      %dma_start3A_184 = arith.constant 0 : i32
      %dma_start3A_185 = tpu.memref_slice %arg14[%add3A_5, %dma_start3A_184] : memref<10240x128xf32, #tpu.memory_space<vmem_shared>> -> memref<128x128xf32, #tpu.memory_space<vmem_shared>>
      %dma_start3A_186 = arith.constant 0 : i32
      %dma_start3A_187 = tpu.memref_slice %arg14[%add3A_5, %dma_start3A_186] : memref<10240x128xf32, #tpu.memory_space<vmem_shared>> -> memref<128x128xf32, #tpu.memory_space<vmem_shared>>
      tpu.enqueue_dma source(%arg8 : memref<128x128xf32, #tpu.memory_space<vmem>>) target(%dma_start3A_187 : memref<128x128xf32, #tpu.memory_space<vmem_shared>>) target_semaphore(%run_scoped3A : memref<!tpu.dma_semaphore, #tpu.memory_space<semaphore_mem>>)
      %dma_wait3A_188 = arith.constant 0 : i32
      %dma_wait3A_189 = tpu.memref_slice %arg14[%add3A_5, %dma_wait3A_188] : memref<10240x128xf32, #tpu.memory_space<vmem_shared>> -> memref<128x128xf32, #tpu.memory_space<vmem_shared>>
      %dma_wait3A_190 = arith.constant 0 : i32
      %dma_wait3A_191 = tpu.memref_slice %arg14[%add3A_5, %dma_wait3A_190] : memref<10240x128xf32, #tpu.memory_space<vmem_shared>> -> memref<128x128xf32, #tpu.memory_space<vmem_shared>>
      tpu.wait_dma2 semaphore(%run_scoped3A : memref<!tpu.dma_semaphore, #tpu.memory_space<semaphore_mem>>) src(%arg8 : memref<128x128xf32, #tpu.memory_space<vmem>>) dst(%dma_wait3A_191 : memref<128x128xf32, #tpu.memory_space<vmem_shared>>)
      tpu.yield
    }) : () -> ()
    %mul3A_6 = arith.constant 640 : i32
    %mul3A_7 = arith.muli %arg1, %mul3A_6 : i32
    %add3A_8 = arith.constant 256 : i32
    %add3A_9 = arith.addi %mul3A_7, %add3A_8 : i32
    "tpu.region"() ({
      %run_scoped3A = tpu.sem_alloc : memref<!tpu.dma_semaphore, #tpu.memory_space<semaphore_mem>>
      %dma_start3A_184 = arith.constant 0 : i32
      %dma_start3A_185 = tpu.memref_slice %arg14[%add3A_9, %dma_start3A_184] : memref<10240x128xf32, #tpu.memory_space<vmem_shared>> -> memref<128x128xf32, #tpu.memory_space<vmem_shared>>
      %dma_start3A_186 = arith.constant 0 : i32
      %dma_start3A_187 = tpu.memref_slice %arg14[%add3A_9, %dma_start3A_186] : memref<10240x128xf32, #tpu.memory_space<vmem_shared>> -> memref<128x128xf32, #tpu.memory_space<vmem_shared>>
      tpu.enqueue_dma source(%arg8 : memref<128x128xf32, #tpu.memory_space<vmem>>) target(%dma_start3A_187 : memref<128x128xf32, #tpu.memory_space<vmem_shared>>) target_semaphore(%run_scoped3A : memref<!tpu.dma_semaphore, #tpu.memory_space<semaphore_mem>>)
      %dma_wait3A_188 = arith.constant 0 : i32
      %dma_wait3A_189 = tpu.memref_slice %arg14[%add3A_9, %dma_wait3A_188] : memref<10240x128xf32, #tpu.memory_space<vmem_shared>> -> memref<128x128xf32, #tpu.memory_space<vmem_shared>>
      %dma_wait3A_190 = arith.constant 0 : i32
      %dma_wait3A_191 = tpu.memref_slice %arg14[%add3A_9, %dma_wait3A_190] : memref<10240x128xf32, #tpu.memory_space<vmem_shared>> -> memref<128x128xf32, #tpu.memory_space<vmem_shared>>
      tpu.wait_dma2 semaphore(%run_scoped3A : memref<!tpu.dma_semaphore, #tpu.memory_space<semaphore_mem>>) src(%arg8 : memref<128x128xf32, #tpu.memory_space<vmem>>) dst(%dma_wait3A_191 : memref<128x128xf32, #tpu.memory_space<vmem_shared>>)
      tpu.yield
    }) : () -> ()
    %mul3A_10 = arith.constant 640 : i32
    %mul3A_11 = arith.muli %arg1, %mul3A_10 : i32
    %add3A_12 = arith.constant 384 : i32
    %add3A_13 = arith.addi %mul3A_11, %add3A_12 : i32
    "tpu.region"() ({
      %run_scoped3A = tpu.sem_alloc : memref<!tpu.dma_semaphore, #tpu.memory_space<semaphore_mem>>
      %dma_start3A_184 = arith.constant 0 : i32
      %dma_start3A_185 = tpu.memref_slice %arg14[%add3A_13, %dma_start3A_184] : memref<10240x128xf32, #tpu.memory_space<vmem_shared>> -> memref<128x128xf32, #tpu.memory_space<vmem_shared>>
      %dma_start3A_186 = arith.constant 0 : i32
      %dma_start3A_187 = tpu.memref_slice %arg14[%add3A_13, %dma_start3A_186] : memref<10240x128xf32, #tpu.memory_space<vmem_shared>> -> memref<128x128xf32, #tpu.memory_space<vmem_shared>>
      tpu.enqueue_dma source(%arg8 : memref<128x128xf32, #tpu.memory_space<vmem>>) target(%dma_start3A_187 : memref<128x128xf32, #tpu.memory_space<vmem_shared>>) target_semaphore(%run_scoped3A : memref<!tpu.dma_semaphore, #tpu.memory_space<semaphore_mem>>)
      %dma_wait3A_188 = arith.constant 0 : i32
      %dma_wait3A_189 = tpu.memref_slice %arg14[%add3A_13, %dma_wait3A_188] : memref<10240x128xf32, #tpu.memory_space<vmem_shared>> -> memref<128x128xf32, #tpu.memory_space<vmem_shared>>
      %dma_wait3A_190 = arith.constant 0 : i32
      %dma_wait3A_191 = tpu.memref_slice %arg14[%add3A_13, %dma_wait3A_190] : memref<10240x128xf32, #tpu.memory_space<vmem_shared>> -> memref<128x128xf32, #tpu.memory_space<vmem_shared>>
      tpu.wait_dma2 semaphore(%run_scoped3A : memref<!tpu.dma_semaphore, #tpu.memory_space<semaphore_mem>>) src(%arg8 : memref<128x128xf32, #tpu.memory_space<vmem>>) dst(%dma_wait3A_191 : memref<128x128xf32, #tpu.memory_space<vmem_shared>>)
      tpu.yield
    }) : () -> ()
    %mul3A_14 = arith.constant 640 : i32
    %mul3A_15 = arith.muli %arg1, %mul3A_14 : i32
    %add3A_16 = arith.constant 512 : i32
    %add3A_17 = arith.addi %mul3A_15, %add3A_16 : i32
    "tpu.region"() ({
      %run_scoped3A = tpu.sem_alloc : memref<!tpu.dma_semaphore, #tpu.memory_space<semaphore_mem>>
      %dma_start3A_184 = arith.constant 0 : i32
      %dma_start3A_185 = tpu.memref_slice %arg14[%add3A_17, %dma_start3A_184] : memref<10240x128xf32, #tpu.memory_space<vmem_shared>> -> memref<128x128xf32, #tpu.memory_space<vmem_shared>>
      %dma_start3A_186 = arith.constant 0 : i32
      %dma_start3A_187 = tpu.memref_slice %arg14[%add3A_17, %dma_start3A_186] : memref<10240x128xf32, #tpu.memory_space<vmem_shared>> -> memref<128x128xf32, #tpu.memory_space<vmem_shared>>
      tpu.enqueue_dma source(%arg8 : memref<128x128xf32, #tpu.memory_space<vmem>>) target(%dma_start3A_187 : memref<128x128xf32, #tpu.memory_space<vmem_shared>>) target_semaphore(%run_scoped3A : memref<!tpu.dma_semaphore, #tpu.memory_space<semaphore_mem>>)
      %dma_wait3A_188 = arith.constant 0 : i32
      %dma_wait3A_189 = tpu.memref_slice %arg14[%add3A_17, %dma_wait3A_188] : memref<10240x128xf32, #tpu.memory_space<vmem_shared>> -> memref<128x128xf32, #tpu.memory_space<vmem_shared>>
      %dma_wait3A_190 = arith.constant 0 : i32
      %dma_wait3A_191 = tpu.memref_slice %arg14[%add3A_17, %dma_wait3A_190] : memref<10240x128xf32, #tpu.memory_space<vmem_shared>> -> memref<128x128xf32, #tpu.memory_space<vmem_shared>>
      tpu.wait_dma2 semaphore(%run_scoped3A : memref<!tpu.dma_semaphore, #tpu.memory_space<semaphore_mem>>) src(%arg8 : memref<128x128xf32, #tpu.memory_space<vmem>>) dst(%dma_wait3A_191 : memref<128x128xf32, #tpu.memory_space<vmem_shared>>)
      tpu.yield
    }) : () -> ()
    %barrier3A = arith.constant 0 : index
    tpu.barrier barrier_id(%barrier3A)
    %mul3A_18 = arith.constant 2 : i32
    %mul3A_19 = arith.muli %arg1, %mul3A_18 : i32
    %add3A_20 = arith.addi %mul3A_19, %arg0 : i32
    %mul3A_21 = arith.constant 1280 : i32
    %mul3A_22 = arith.muli %add3A_20, %mul3A_21 : i32
    %add3A_23 = arith.constant 40960 : i32
    %add3A_24 = arith.addi %add3A_23, %mul3A_22 : i32
    %dma_start3A = tpu.memref_slice %arg2[%add3A_24] : memref<81920xi32, #tpu.memory_space<hbm>> -> memref<128xi32, #tpu.memory_space<hbm>>
    %dma_start3A_25 = tpu.memref_slice %arg2[%add3A_24] : memref<81920xi32, #tpu.memory_space<hbm>> -> memref<128xi32, #tpu.memory_space<hbm>>
    tpu.enqueue_dma source(%dma_start3A_25 : memref<128xi32, #tpu.memory_space<hbm>>) target(%arg6 : memref<128xi32, #tpu.memory_space<vmem>>) target_semaphore(%arg10 : memref<!tpu.dma_semaphore, #tpu.memory_space<semaphore_mem>>)
    %dma_start3A_26 = arith.constant 0 : i32
    %dma_start3A_27 = tpu.memref_slice %arg3[%mul3A_22, %dma_start3A_26] : memref<40960x128xf32, #tpu.memory_space<hbm>> -> memref<128x128xf32, #tpu.memory_space<hbm>>
    %dma_start3A_28 = arith.constant 0 : i32
    %dma_start3A_29 = tpu.memref_slice %arg3[%mul3A_22, %dma_start3A_28] : memref<40960x128xf32, #tpu.memory_space<hbm>> -> memref<128x128xf32, #tpu.memory_space<hbm>>
    tpu.enqueue_dma source(%dma_start3A_29 : memref<128x128xf32, #tpu.memory_space<hbm>>) target(%arg8 : memref<128x128xf32, #tpu.memory_space<vmem>>) target_semaphore(%arg12 : memref<!tpu.dma_semaphore, #tpu.memory_space<semaphore_mem>>)
    %add3A_30 = arith.constant 128 : i32
    %add3A_31 = arith.addi %mul3A_22, %add3A_30 : i32
    %add3A_32 = arith.constant 40960 : i32
    %add3A_33 = arith.addi %add3A_32, %add3A_31 : i32
    %dma_start3A_34 = tpu.memref_slice %arg2[%add3A_33] : memref<81920xi32, #tpu.memory_space<hbm>> -> memref<128xi32, #tpu.memory_space<hbm>>
    %dma_start3A_35 = tpu.memref_slice %arg2[%add3A_33] : memref<81920xi32, #tpu.memory_space<hbm>> -> memref<128xi32, #tpu.memory_space<hbm>>
    tpu.enqueue_dma source(%dma_start3A_35 : memref<128xi32, #tpu.memory_space<hbm>>) target(%arg7 : memref<128xi32, #tpu.memory_space<vmem>>) target_semaphore(%arg11 : memref<!tpu.dma_semaphore, #tpu.memory_space<semaphore_mem>>)
    %dma_start3A_36 = arith.constant 0 : i32
    %dma_start3A_37 = tpu.memref_slice %arg3[%add3A_31, %dma_start3A_36] : memref<40960x128xf32, #tpu.memory_space<hbm>> -> memref<128x128xf32, #tpu.memory_space<hbm>>
    %dma_start3A_38 = arith.constant 0 : i32
    %dma_start3A_39 = tpu.memref_slice %arg3[%add3A_31, %dma_start3A_38] : memref<40960x128xf32, #tpu.memory_space<hbm>> -> memref<128x128xf32, #tpu.memory_space<hbm>>
    tpu.enqueue_dma source(%dma_start3A_39 : memref<128x128xf32, #tpu.memory_space<hbm>>) target(%arg9 : memref<128x128xf32, #tpu.memory_space<vmem>>) target_semaphore(%arg13 : memref<!tpu.dma_semaphore, #tpu.memory_space<semaphore_mem>>)
    %dma_wait3A = tpu.memref_slice %arg2[%add3A_24] : memref<81920xi32, #tpu.memory_space<hbm>> -> memref<128xi32, #tpu.memory_space<hbm>>
    %dma_wait3A_40 = tpu.memref_slice %arg2[%add3A_24] : memref<81920xi32, #tpu.memory_space<hbm>> -> memref<128xi32, #tpu.memory_space<hbm>>
    tpu.wait_dma2 semaphore(%arg10 : memref<!tpu.dma_semaphore, #tpu.memory_space<semaphore_mem>>) src(%dma_wait3A_40 : memref<128xi32, #tpu.memory_space<hbm>>) dst(%arg6 : memref<128xi32, #tpu.memory_space<vmem>>)
    %dma_wait3A_41 = arith.constant 0 : i32
    %dma_wait3A_42 = tpu.memref_slice %arg3[%mul3A_22, %dma_wait3A_41] : memref<40960x128xf32, #tpu.memory_space<hbm>> -> memref<128x128xf32, #tpu.memory_space<hbm>>
    %dma_wait3A_43 = arith.constant 0 : i32
    %dma_wait3A_44 = tpu.memref_slice %arg3[%mul3A_22, %dma_wait3A_43] : memref<40960x128xf32, #tpu.memory_space<hbm>> -> memref<128x128xf32, #tpu.memory_space<hbm>>
    tpu.wait_dma2 semaphore(%arg12 : memref<!tpu.dma_semaphore, #tpu.memory_space<semaphore_mem>>) src(%dma_wait3A_44 : memref<128x128xf32, #tpu.memory_space<hbm>>) dst(%arg8 : memref<128x128xf32, #tpu.memory_space<vmem>>)
    "tpu.region"() ({
      %run_scoped3A = tpu.sem_alloc : memref<!tpu.dma_semaphore, #tpu.memory_space<semaphore_mem>>
      %dma_start3A_184 = arith.constant 0 : i32
      %dma_start3A_185 = arith.constant 0 : i32
      %dma_start3A_186 = tpu.memref_slice %arg14[%dma_start3A_184, %dma_start3A_185] : memref<10240x128xf32, #tpu.memory_space<vmem_shared>> -> memref<10240x128xf32, #tpu.memory_space<vmem_shared>>
      tpu.enqueue_indirect_dma source(%arg8 : memref<128x128xf32, #tpu.memory_space<vmem>>) target(%dma_start3A_186 : memref<10240x128xf32, #tpu.memory_space<vmem_shared>>) offsets(%arg6 : memref<128xi32, #tpu.memory_space<vmem>>) semaphore(%run_scoped3A : memref<!tpu.dma_semaphore, #tpu.memory_space<semaphore_mem>>) {add = true}
      %dma_wait3A_187 = arith.constant 0 : i32
      %dma_wait3A_188 = arith.constant 0 : i32
      %dma_wait3A_189 = tpu.memref_slice %arg14[%dma_wait3A_187, %dma_wait3A_188] : memref<10240x128xf32, #tpu.memory_space<vmem_shared>> -> memref<10240x128xf32, #tpu.memory_space<vmem_shared>>
      tpu.wait_indirect_dma semaphore(%run_scoped3A : memref<!tpu.dma_semaphore, #tpu.memory_space<semaphore_mem>>) src(%arg8 : memref<128x128xf32, #tpu.memory_space<vmem>>) dst(%dma_wait3A_189 : memref<10240x128xf32, #tpu.memory_space<vmem_shared>>)
      tpu.yield
    }) : () -> ()
    %add3A_45 = arith.constant 256 : i32
    %add3A_46 = arith.addi %mul3A_22, %add3A_45 : i32
    %add3A_47 = arith.constant 40960 : i32
    %add3A_48 = arith.addi %add3A_47, %add3A_46 : i32
    %dma_start3A_49 = tpu.memref_slice %arg2[%add3A_48] : memref<81920xi32, #tpu.memory_space<hbm>> -> memref<128xi32, #tpu.memory_space<hbm>>
    %dma_start3A_50 = tpu.memref_slice %arg2[%add3A_48] : memref<81920xi32, #tpu.memory_space<hbm>> -> memref<128xi32, #tpu.memory_space<hbm>>
    tpu.enqueue_dma source(%dma_start3A_50 : memref<128xi32, #tpu.memory_space<hbm>>) target(%arg6 : memref<128xi32, #tpu.memory_space<vmem>>) target_semaphore(%arg10 : memref<!tpu.dma_semaphore, #tpu.memory_space<semaphore_mem>>)
    %dma_start3A_51 = arith.constant 0 : i32
    %dma_start3A_52 = tpu.memref_slice %arg3[%add3A_46, %dma_start3A_51] : memref<40960x128xf32, #tpu.memory_space<hbm>> -> memref<128x128xf32, #tpu.memory_space<hbm>>
    %dma_start3A_53 = arith.constant 0 : i32
    %dma_start3A_54 = tpu.memref_slice %arg3[%add3A_46, %dma_start3A_53] : memref<40960x128xf32, #tpu.memory_space<hbm>> -> memref<128x128xf32, #tpu.memory_space<hbm>>
    tpu.enqueue_dma source(%dma_start3A_54 : memref<128x128xf32, #tpu.memory_space<hbm>>) target(%arg8 : memref<128x128xf32, #tpu.memory_space<vmem>>) target_semaphore(%arg12 : memref<!tpu.dma_semaphore, #tpu.memory_space<semaphore_mem>>)
    %dma_wait3A_55 = tpu.memref_slice %arg2[%add3A_33] : memref<81920xi32, #tpu.memory_space<hbm>> -> memref<128xi32, #tpu.memory_space<hbm>>
    %dma_wait3A_56 = tpu.memref_slice %arg2[%add3A_33] : memref<81920xi32, #tpu.memory_space<hbm>> -> memref<128xi32, #tpu.memory_space<hbm>>
    tpu.wait_dma2 semaphore(%arg11 : memref<!tpu.dma_semaphore, #tpu.memory_space<semaphore_mem>>) src(%dma_wait3A_56 : memref<128xi32, #tpu.memory_space<hbm>>) dst(%arg7 : memref<128xi32, #tpu.memory_space<vmem>>)
    %dma_wait3A_57 = arith.constant 0 : i32
    %dma_wait3A_58 = tpu.memref_slice %arg3[%add3A_31, %dma_wait3A_57] : memref<40960x128xf32, #tpu.memory_space<hbm>> -> memref<128x128xf32, #tpu.memory_space<hbm>>
    %dma_wait3A_59 = arith.constant 0 : i32
    %dma_wait3A_60 = tpu.memref_slice %arg3[%add3A_31, %dma_wait3A_59] : memref<40960x128xf32, #tpu.memory_space<hbm>> -> memref<128x128xf32, #tpu.memory_space<hbm>>
    tpu.wait_dma2 semaphore(%arg13 : memref<!tpu.dma_semaphore, #tpu.memory_space<semaphore_mem>>) src(%dma_wait3A_60 : memref<128x128xf32, #tpu.memory_space<hbm>>) dst(%arg9 : memref<128x128xf32, #tpu.memory_space<vmem>>)
    "tpu.region"() ({
      %run_scoped3A = tpu.sem_alloc : memref<!tpu.dma_semaphore, #tpu.memory_space<semaphore_mem>>
      %dma_start3A_184 = arith.constant 0 : i32
      %dma_start3A_185 = arith.constant 0 : i32
      %dma_start3A_186 = tpu.memref_slice %arg14[%dma_start3A_184, %dma_start3A_185] : memref<10240x128xf32, #tpu.memory_space<vmem_shared>> -> memref<10240x128xf32, #tpu.memory_space<vmem_shared>>
      tpu.enqueue_indirect_dma source(%arg9 : memref<128x128xf32, #tpu.memory_space<vmem>>) target(%dma_start3A_186 : memref<10240x128xf32, #tpu.memory_space<vmem_shared>>) offsets(%arg7 : memref<128xi32, #tpu.memory_space<vmem>>) semaphore(%run_scoped3A : memref<!tpu.dma_semaphore, #tpu.memory_space<semaphore_mem>>) {add = true}
      %dma_wait3A_187 = arith.constant 0 : i32
      %dma_wait3A_188 = arith.constant 0 : i32
      %dma_wait3A_189 = tpu.memref_slice %arg14[%dma_wait3A_187, %dma_wait3A_188] : memref<10240x128xf32, #tpu.memory_space<vmem_shared>> -> memref<10240x128xf32, #tpu.memory_space<vmem_shared>>
      tpu.wait_indirect_dma semaphore(%run_scoped3A : memref<!tpu.dma_semaphore, #tpu.memory_space<semaphore_mem>>) src(%arg9 : memref<128x128xf32, #tpu.memory_space<vmem>>) dst(%dma_wait3A_189 : memref<10240x128xf32, #tpu.memory_space<vmem_shared>>)
      tpu.yield
    }) : () -> ()
    %add3A_61 = arith.constant 384 : i32
    %add3A_62 = arith.addi %mul3A_22, %add3A_61 : i32
    %add3A_63 = arith.constant 40960 : i32
    %add3A_64 = arith.addi %add3A_63, %add3A_62 : i32
    %dma_start3A_65 = tpu.memref_slice %arg2[%add3A_64] : memref<81920xi32, #tpu.memory_space<hbm>> -> memref<128xi32, #tpu.memory_space<hbm>>
    %dma_start3A_66 = tpu.memref_slice %arg2[%add3A_64] : memref<81920xi32, #tpu.memory_space<hbm>> -> memref<128xi32, #tpu.memory_space<hbm>>
    tpu.enqueue_dma source(%dma_start3A_66 : memref<128xi32, #tpu.memory_space<hbm>>) target(%arg7 : memref<128xi32, #tpu.memory_space<vmem>>) target_semaphore(%arg11 : memref<!tpu.dma_semaphore, #tpu.memory_space<semaphore_mem>>)
    %dma_start3A_67 = arith.constant 0 : i32
    %dma_start3A_68 = tpu.memref_slice %arg3[%add3A_62, %dma_start3A_67] : memref<40960x128xf32, #tpu.memory_space<hbm>> -> memref<128x128xf32, #tpu.memory_space<hbm>>
    %dma_start3A_69 = arith.constant 0 : i32
    %dma_start3A_70 = tpu.memref_slice %arg3[%add3A_62, %dma_start3A_69] : memref<40960x128xf32, #tpu.memory_space<hbm>> -> memref<128x128xf32, #tpu.memory_space<hbm>>
    tpu.enqueue_dma source(%dma_start3A_70 : memref<128x128xf32, #tpu.memory_space<hbm>>) target(%arg9 : memref<128x128xf32, #tpu.memory_space<vmem>>) target_semaphore(%arg13 : memref<!tpu.dma_semaphore, #tpu.memory_space<semaphore_mem>>)
    %dma_wait3A_71 = tpu.memref_slice %arg2[%add3A_48] : memref<81920xi32, #tpu.memory_space<hbm>> -> memref<128xi32, #tpu.memory_space<hbm>>
    %dma_wait3A_72 = tpu.memref_slice %arg2[%add3A_48] : memref<81920xi32, #tpu.memory_space<hbm>> -> memref<128xi32, #tpu.memory_space<hbm>>
    tpu.wait_dma2 semaphore(%arg10 : memref<!tpu.dma_semaphore, #tpu.memory_space<semaphore_mem>>) src(%dma_wait3A_72 : memref<128xi32, #tpu.memory_space<hbm>>) dst(%arg6 : memref<128xi32, #tpu.memory_space<vmem>>)
    %dma_wait3A_73 = arith.constant 0 : i32
    %dma_wait3A_74 = tpu.memref_slice %arg3[%add3A_46, %dma_wait3A_73] : memref<40960x128xf32, #tpu.memory_space<hbm>> -> memref<128x128xf32, #tpu.memory_space<hbm>>
    %dma_wait3A_75 = arith.constant 0 : i32
    %dma_wait3A_76 = tpu.memref_slice %arg3[%add3A_46, %dma_wait3A_75] : memref<40960x128xf32, #tpu.memory_space<hbm>> -> memref<128x128xf32, #tpu.memory_space<hbm>>
    tpu.wait_dma2 semaphore(%arg12 : memref<!tpu.dma_semaphore, #tpu.memory_space<semaphore_mem>>) src(%dma_wait3A_76 : memref<128x128xf32, #tpu.memory_space<hbm>>) dst(%arg8 : memref<128x128xf32, #tpu.memory_space<vmem>>)
    "tpu.region"() ({
      %run_scoped3A = tpu.sem_alloc : memref<!tpu.dma_semaphore, #tpu.memory_space<semaphore_mem>>
      %dma_start3A_184 = arith.constant 0 : i32
      %dma_start3A_185 = arith.constant 0 : i32
      %dma_start3A_186 = tpu.memref_slice %arg14[%dma_start3A_184, %dma_start3A_185] : memref<10240x128xf32, #tpu.memory_space<vmem_shared>> -> memref<10240x128xf32, #tpu.memory_space<vmem_shared>>
      tpu.enqueue_indirect_dma source(%arg8 : memref<128x128xf32, #tpu.memory_space<vmem>>) target(%dma_start3A_186 : memref<10240x128xf32, #tpu.memory_space<vmem_shared>>) offsets(%arg6 : memref<128xi32, #tpu.memory_space<vmem>>) semaphore(%run_scoped3A : memref<!tpu.dma_semaphore, #tpu.memory_space<semaphore_mem>>) {add = true}
      %dma_wait3A_187 = arith.constant 0 : i32
      %dma_wait3A_188 = arith.constant 0 : i32
      %dma_wait3A_189 = tpu.memref_slice %arg14[%dma_wait3A_187, %dma_wait3A_188] : memref<10240x128xf32, #tpu.memory_space<vmem_shared>> -> memref<10240x128xf32, #tpu.memory_space<vmem_shared>>
      tpu.wait_indirect_dma semaphore(%run_scoped3A : memref<!tpu.dma_semaphore, #tpu.memory_space<semaphore_mem>>) src(%arg8 : memref<128x128xf32, #tpu.memory_space<vmem>>) dst(%dma_wait3A_189 : memref<10240x128xf32, #tpu.memory_space<vmem_shared>>)
      tpu.yield
    }) : () -> ()
    %add3A_77 = arith.constant 512 : i32
    %add3A_78 = arith.addi %mul3A_22, %add3A_77 : i32
    %add3A_79 = arith.constant 40960 : i32
    %add3A_80 = arith.addi %add3A_79, %add3A_78 : i32
    %dma_start3A_81 = tpu.memref_slice %arg2[%add3A_80] : memref<81920xi32, #tpu.memory_space<hbm>> -> memref<128xi32, #tpu.memory_space<hbm>>
    %dma_start3A_82 = tpu.memref_slice %arg2[%add3A_80] : memref<81920xi32, #tpu.memory_space<hbm>> -> memref<128xi32, #tpu.memory_space<hbm>>
    tpu.enqueue_dma source(%dma_start3A_82 : memref<128xi32, #tpu.memory_space<hbm>>) target(%arg6 : memref<128xi32, #tpu.memory_space<vmem>>) target_semaphore(%arg10 : memref<!tpu.dma_semaphore, #tpu.memory_space<semaphore_mem>>)
    %dma_start3A_83 = arith.constant 0 : i32
    %dma_start3A_84 = tpu.memref_slice %arg3[%add3A_78, %dma_start3A_83] : memref<40960x128xf32, #tpu.memory_space<hbm>> -> memref<128x128xf32, #tpu.memory_space<hbm>>
    %dma_start3A_85 = arith.constant 0 : i32
    %dma_start3A_86 = tpu.memref_slice %arg3[%add3A_78, %dma_start3A_85] : memref<40960x128xf32, #tpu.memory_space<hbm>> -> memref<128x128xf32, #tpu.memory_space<hbm>>
    tpu.enqueue_dma source(%dma_start3A_86 : memref<128x128xf32, #tpu.memory_space<hbm>>) target(%arg8 : memref<128x128xf32, #tpu.memory_space<vmem>>) target_semaphore(%arg12 : memref<!tpu.dma_semaphore, #tpu.memory_space<semaphore_mem>>)
    %dma_wait3A_87 = tpu.memref_slice %arg2[%add3A_64] : memref<81920xi32, #tpu.memory_space<hbm>> -> memref<128xi32, #tpu.memory_space<hbm>>
    %dma_wait3A_88 = tpu.memref_slice %arg2[%add3A_64] : memref<81920xi32, #tpu.memory_space<hbm>> -> memref<128xi32, #tpu.memory_space<hbm>>
    tpu.wait_dma2 semaphore(%arg11 : memref<!tpu.dma_semaphore, #tpu.memory_space<semaphore_mem>>) src(%dma_wait3A_88 : memref<128xi32, #tpu.memory_space<hbm>>) dst(%arg7 : memref<128xi32, #tpu.memory_space<vmem>>)
    %dma_wait3A_89 = arith.constant 0 : i32
    %dma_wait3A_90 = tpu.memref_slice %arg3[%add3A_62, %dma_wait3A_89] : memref<40960x128xf32, #tpu.memory_space<hbm>> -> memref<128x128xf32, #tpu.memory_space<hbm>>
    %dma_wait3A_91 = arith.constant 0 : i32
    %dma_wait3A_92 = tpu.memref_slice %arg3[%add3A_62, %dma_wait3A_91] : memref<40960x128xf32, #tpu.memory_space<hbm>> -> memref<128x128xf32, #tpu.memory_space<hbm>>
    tpu.wait_dma2 semaphore(%arg13 : memref<!tpu.dma_semaphore, #tpu.memory_space<semaphore_mem>>) src(%dma_wait3A_92 : memref<128x128xf32, #tpu.memory_space<hbm>>) dst(%arg9 : memref<128x128xf32, #tpu.memory_space<vmem>>)
    "tpu.region"() ({
      %run_scoped3A = tpu.sem_alloc : memref<!tpu.dma_semaphore, #tpu.memory_space<semaphore_mem>>
      %dma_start3A_184 = arith.constant 0 : i32
      %dma_start3A_185 = arith.constant 0 : i32
      %dma_start3A_186 = tpu.memref_slice %arg14[%dma_start3A_184, %dma_start3A_185] : memref<10240x128xf32, #tpu.memory_space<vmem_shared>> -> memref<10240x128xf32, #tpu.memory_space<vmem_shared>>
      tpu.enqueue_indirect_dma source(%arg9 : memref<128x128xf32, #tpu.memory_space<vmem>>) target(%dma_start3A_186 : memref<10240x128xf32, #tpu.memory_space<vmem_shared>>) offsets(%arg7 : memref<128xi32, #tpu.memory_space<vmem>>) semaphore(%run_scoped3A : memref<!tpu.dma_semaphore, #tpu.memory_space<semaphore_mem>>) {add = true}
      %dma_wait3A_187 = arith.constant 0 : i32
      %dma_wait3A_188 = arith.constant 0 : i32
      %dma_wait3A_189 = tpu.memref_slice %arg14[%dma_wait3A_187, %dma_wait3A_188] : memref<10240x128xf32, #tpu.memory_space<vmem_shared>> -> memref<10240x128xf32, #tpu.memory_space<vmem_shared>>
      tpu.wait_indirect_dma semaphore(%run_scoped3A : memref<!tpu.dma_semaphore, #tpu.memory_space<semaphore_mem>>) src(%arg9 : memref<128x128xf32, #tpu.memory_space<vmem>>) dst(%dma_wait3A_189 : memref<10240x128xf32, #tpu.memory_space<vmem_shared>>)
      tpu.yield
    }) : () -> ()
    %add3A_93 = arith.constant 640 : i32
    %add3A_94 = arith.addi %mul3A_22, %add3A_93 : i32
    %add3A_95 = arith.constant 40960 : i32
    %add3A_96 = arith.addi %add3A_95, %add3A_94 : i32
    %dma_start3A_97 = tpu.memref_slice %arg2[%add3A_96] : memref<81920xi32, #tpu.memory_space<hbm>> -> memref<128xi32, #tpu.memory_space<hbm>>
    %dma_start3A_98 = tpu.memref_slice %arg2[%add3A_96] : memref<81920xi32, #tpu.memory_space<hbm>> -> memref<128xi32, #tpu.memory_space<hbm>>
    tpu.enqueue_dma source(%dma_start3A_98 : memref<128xi32, #tpu.memory_space<hbm>>) target(%arg7 : memref<128xi32, #tpu.memory_space<vmem>>) target_semaphore(%arg11 : memref<!tpu.dma_semaphore, #tpu.memory_space<semaphore_mem>>)
    %dma_start3A_99 = arith.constant 0 : i32
    %dma_start3A_100 = tpu.memref_slice %arg3[%add3A_94, %dma_start3A_99] : memref<40960x128xf32, #tpu.memory_space<hbm>> -> memref<128x128xf32, #tpu.memory_space<hbm>>
    %dma_start3A_101 = arith.constant 0 : i32
    %dma_start3A_102 = tpu.memref_slice %arg3[%add3A_94, %dma_start3A_101] : memref<40960x128xf32, #tpu.memory_space<hbm>> -> memref<128x128xf32, #tpu.memory_space<hbm>>
    tpu.enqueue_dma source(%dma_start3A_102 : memref<128x128xf32, #tpu.memory_space<hbm>>) target(%arg9 : memref<128x128xf32, #tpu.memory_space<vmem>>) target_semaphore(%arg13 : memref<!tpu.dma_semaphore, #tpu.memory_space<semaphore_mem>>)
    %dma_wait3A_103 = tpu.memref_slice %arg2[%add3A_80] : memref<81920xi32, #tpu.memory_space<hbm>> -> memref<128xi32, #tpu.memory_space<hbm>>
    %dma_wait3A_104 = tpu.memref_slice %arg2[%add3A_80] : memref<81920xi32, #tpu.memory_space<hbm>> -> memref<128xi32, #tpu.memory_space<hbm>>
    tpu.wait_dma2 semaphore(%arg10 : memref<!tpu.dma_semaphore, #tpu.memory_space<semaphore_mem>>) src(%dma_wait3A_104 : memref<128xi32, #tpu.memory_space<hbm>>) dst(%arg6 : memref<128xi32, #tpu.memory_space<vmem>>)
    %dma_wait3A_105 = arith.constant 0 : i32
    %dma_wait3A_106 = tpu.memref_slice %arg3[%add3A_78, %dma_wait3A_105] : memref<40960x128xf32, #tpu.memory_space<hbm>> -> memref<128x128xf32, #tpu.memory_space<hbm>>
    %dma_wait3A_107 = arith.constant 0 : i32
    %dma_wait3A_108 = tpu.memref_slice %arg3[%add3A_78, %dma_wait3A_107] : memref<40960x128xf32, #tpu.memory_space<hbm>> -> memref<128x128xf32, #tpu.memory_space<hbm>>
    tpu.wait_dma2 semaphore(%arg12 : memref<!tpu.dma_semaphore, #tpu.memory_space<semaphore_mem>>) src(%dma_wait3A_108 : memref<128x128xf32, #tpu.memory_space<hbm>>) dst(%arg8 : memref<128x128xf32, #tpu.memory_space<vmem>>)
    "tpu.region"() ({
      %run_scoped3A = tpu.sem_alloc : memref<!tpu.dma_semaphore, #tpu.memory_space<semaphore_mem>>
      %dma_start3A_184 = arith.constant 0 : i32
      %dma_start3A_185 = arith.constant 0 : i32
      %dma_start3A_186 = tpu.memref_slice %arg14[%dma_start3A_184, %dma_start3A_185] : memref<10240x128xf32, #tpu.memory_space<vmem_shared>> -> memref<10240x128xf32, #tpu.memory_space<vmem_shared>>
      tpu.enqueue_indirect_dma source(%arg8 : memref<128x128xf32, #tpu.memory_space<vmem>>) target(%dma_start3A_186 : memref<10240x128xf32, #tpu.memory_space<vmem_shared>>) offsets(%arg6 : memref<128xi32, #tpu.memory_space<vmem>>) semaphore(%run_scoped3A : memref<!tpu.dma_semaphore, #tpu.memory_space<semaphore_mem>>) {add = true}
      %dma_wait3A_187 = arith.constant 0 : i32
      %dma_wait3A_188 = arith.constant 0 : i32
      %dma_wait3A_189 = tpu.memref_slice %arg14[%dma_wait3A_187, %dma_wait3A_188] : memref<10240x128xf32, #tpu.memory_space<vmem_shared>> -> memref<10240x128xf32, #tpu.memory_space<vmem_shared>>
      tpu.wait_indirect_dma semaphore(%run_scoped3A : memref<!tpu.dma_semaphore, #tpu.memory_space<semaphore_mem>>) src(%arg8 : memref<128x128xf32, #tpu.memory_space<vmem>>) dst(%dma_wait3A_189 : memref<10240x128xf32, #tpu.memory_space<vmem_shared>>)
      tpu.yield
    }) : () -> ()
    %add3A_109 = arith.constant 768 : i32
    %add3A_110 = arith.addi %mul3A_22, %add3A_109 : i32
    %add3A_111 = arith.constant 40960 : i32
    %add3A_112 = arith.addi %add3A_111, %add3A_110 : i32
    %dma_start3A_113 = tpu.memref_slice %arg2[%add3A_112] : memref<81920xi32, #tpu.memory_space<hbm>> -> memref<128xi32, #tpu.memory_space<hbm>>
    %dma_start3A_114 = tpu.memref_slice %arg2[%add3A_112] : memref<81920xi32, #tpu.memory_space<hbm>> -> memref<128xi32, #tpu.memory_space<hbm>>
    tpu.enqueue_dma source(%dma_start3A_114 : memref<128xi32, #tpu.memory_space<hbm>>) target(%arg6 : memref<128xi32, #tpu.memory_space<vmem>>) target_semaphore(%arg10 : memref<!tpu.dma_semaphore, #tpu.memory_space<semaphore_mem>>)
    %dma_start3A_115 = arith.constant 0 : i32
    %dma_start3A_116 = tpu.memref_slice %arg3[%add3A_110, %dma_start3A_115] : memref<40960x128xf32, #tpu.memory_space<hbm>> -> memref<128x128xf32, #tpu.memory_space<hbm>>
    %dma_start3A_117 = arith.constant 0 : i32
    %dma_start3A_118 = tpu.memref_slice %arg3[%add3A_110, %dma_start3A_117] : memref<40960x128xf32, #tpu.memory_space<hbm>> -> memref<128x128xf32, #tpu.memory_space<hbm>>
    tpu.enqueue_dma source(%dma_start3A_118 : memref<128x128xf32, #tpu.memory_space<hbm>>) target(%arg8 : memref<128x128xf32, #tpu.memory_space<vmem>>) target_semaphore(%arg12 : memref<!tpu.dma_semaphore, #tpu.memory_space<semaphore_mem>>)
    %dma_wait3A_119 = tpu.memref_slice %arg2[%add3A_96] : memref<81920xi32, #tpu.memory_space<hbm>> -> memref<128xi32, #tpu.memory_space<hbm>>
    %dma_wait3A_120 = tpu.memref_slice %arg2[%add3A_96] : memref<81920xi32, #tpu.memory_space<hbm>> -> memref<128xi32, #tpu.memory_space<hbm>>
    tpu.wait_dma2 semaphore(%arg11 : memref<!tpu.dma_semaphore, #tpu.memory_space<semaphore_mem>>) src(%dma_wait3A_120 : memref<128xi32, #tpu.memory_space<hbm>>) dst(%arg7 : memref<128xi32, #tpu.memory_space<vmem>>)
    %dma_wait3A_121 = arith.constant 0 : i32
    %dma_wait3A_122 = tpu.memref_slice %arg3[%add3A_94, %dma_wait3A_121] : memref<40960x128xf32, #tpu.memory_space<hbm>> -> memref<128x128xf32, #tpu.memory_space<hbm>>
    %dma_wait3A_123 = arith.constant 0 : i32
    %dma_wait3A_124 = tpu.memref_slice %arg3[%add3A_94, %dma_wait3A_123] : memref<40960x128xf32, #tpu.memory_space<hbm>> -> memref<128x128xf32, #tpu.memory_space<hbm>>
    tpu.wait_dma2 semaphore(%arg13 : memref<!tpu.dma_semaphore, #tpu.memory_space<semaphore_mem>>) src(%dma_wait3A_124 : memref<128x128xf32, #tpu.memory_space<hbm>>) dst(%arg9 : memref<128x128xf32, #tpu.memory_space<vmem>>)
    "tpu.region"() ({
      %run_scoped3A = tpu.sem_alloc : memref<!tpu.dma_semaphore, #tpu.memory_space<semaphore_mem>>
      %dma_start3A_184 = arith.constant 0 : i32
      %dma_start3A_185 = arith.constant 0 : i32
      %dma_start3A_186 = tpu.memref_slice %arg14[%dma_start3A_184, %dma_start3A_185] : memref<10240x128xf32, #tpu.memory_space<vmem_shared>> -> memref<10240x128xf32, #tpu.memory_space<vmem_shared>>
      tpu.enqueue_indirect_dma source(%arg9 : memref<128x128xf32, #tpu.memory_space<vmem>>) target(%dma_start3A_186 : memref<10240x128xf32, #tpu.memory_space<vmem_shared>>) offsets(%arg7 : memref<128xi32, #tpu.memory_space<vmem>>) semaphore(%run_scoped3A : memref<!tpu.dma_semaphore, #tpu.memory_space<semaphore_mem>>) {add = true}
      %dma_wait3A_187 = arith.constant 0 : i32
      %dma_wait3A_188 = arith.constant 0 : i32
      %dma_wait3A_189 = tpu.memref_slice %arg14[%dma_wait3A_187, %dma_wait3A_188] : memref<10240x128xf32, #tpu.memory_space<vmem_shared>> -> memref<10240x128xf32, #tpu.memory_space<vmem_shared>>
      tpu.wait_indirect_dma semaphore(%run_scoped3A : memref<!tpu.dma_semaphore, #tpu.memory_space<semaphore_mem>>) src(%arg9 : memref<128x128xf32, #tpu.memory_space<vmem>>) dst(%dma_wait3A_189 : memref<10240x128xf32, #tpu.memory_space<vmem_shared>>)
      tpu.yield
    }) : () -> ()
    %add3A_125 = arith.constant 896 : i32
    %add3A_126 = arith.addi %mul3A_22, %add3A_125 : i32
    %add3A_127 = arith.constant 40960 : i32
    %add3A_128 = arith.addi %add3A_127, %add3A_126 : i32
    %dma_start3A_129 = tpu.memref_slice %arg2[%add3A_128] : memref<81920xi32, #tpu.memory_space<hbm>> -> memref<128xi32, #tpu.memory_space<hbm>>
    %dma_start3A_130 = tpu.memref_slice %arg2[%add3A_128] : memref<81920xi32, #tpu.memory_space<hbm>> -> memref<128xi32, #tpu.memory_space<hbm>>
    tpu.enqueue_dma source(%dma_start3A_130 : memref<128xi32, #tpu.memory_space<hbm>>) target(%arg7 : memref<128xi32, #tpu.memory_space<vmem>>) target_semaphore(%arg11 : memref<!tpu.dma_semaphore, #tpu.memory_space<semaphore_mem>>)
    %dma_start3A_131 = arith.constant 0 : i32
    %dma_start3A_132 = tpu.memref_slice %arg3[%add3A_126, %dma_start3A_131] : memref<40960x128xf32, #tpu.memory_space<hbm>> -> memref<128x128xf32, #tpu.memory_space<hbm>>
    %dma_start3A_133 = arith.constant 0 : i32
    %dma_start3A_134 = tpu.memref_slice %arg3[%add3A_126, %dma_start3A_133] : memref<40960x128xf32, #tpu.memory_space<hbm>> -> memref<128x128xf32, #tpu.memory_space<hbm>>
    tpu.enqueue_dma source(%dma_start3A_134 : memref<128x128xf32, #tpu.memory_space<hbm>>) target(%arg9 : memref<128x128xf32, #tpu.memory_space<vmem>>) target_semaphore(%arg13 : memref<!tpu.dma_semaphore, #tpu.memory_space<semaphore_mem>>)
    %dma_wait3A_135 = tpu.memref_slice %arg2[%add3A_112] : memref<81920xi32, #tpu.memory_space<hbm>> -> memref<128xi32, #tpu.memory_space<hbm>>
    %dma_wait3A_136 = tpu.memref_slice %arg2[%add3A_112] : memref<81920xi32, #tpu.memory_space<hbm>> -> memref<128xi32, #tpu.memory_space<hbm>>
    tpu.wait_dma2 semaphore(%arg10 : memref<!tpu.dma_semaphore, #tpu.memory_space<semaphore_mem>>) src(%dma_wait3A_136 : memref<128xi32, #tpu.memory_space<hbm>>) dst(%arg6 : memref<128xi32, #tpu.memory_space<vmem>>)
    %dma_wait3A_137 = arith.constant 0 : i32
    %dma_wait3A_138 = tpu.memref_slice %arg3[%add3A_110, %dma_wait3A_137] : memref<40960x128xf32, #tpu.memory_space<hbm>> -> memref<128x128xf32, #tpu.memory_space<hbm>>
    %dma_wait3A_139 = arith.constant 0 : i32
    %dma_wait3A_140 = tpu.memref_slice %arg3[%add3A_110, %dma_wait3A_139] : memref<40960x128xf32, #tpu.memory_space<hbm>> -> memref<128x128xf32, #tpu.memory_space<hbm>>
    tpu.wait_dma2 semaphore(%arg12 : memref<!tpu.dma_semaphore, #tpu.memory_space<semaphore_mem>>) src(%dma_wait3A_140 : memref<128x128xf32, #tpu.memory_space<hbm>>) dst(%arg8 : memref<128x128xf32, #tpu.memory_space<vmem>>)
    "tpu.region"() ({
      %run_scoped3A = tpu.sem_alloc : memref<!tpu.dma_semaphore, #tpu.memory_space<semaphore_mem>>
      %dma_start3A_184 = arith.constant 0 : i32
      %dma_start3A_185 = arith.constant 0 : i32
      %dma_start3A_186 = tpu.memref_slice %arg14[%dma_start3A_184, %dma_start3A_185] : memref<10240x128xf32, #tpu.memory_space<vmem_shared>> -> memref<10240x128xf32, #tpu.memory_space<vmem_shared>>
      tpu.enqueue_indirect_dma source(%arg8 : memref<128x128xf32, #tpu.memory_space<vmem>>) target(%dma_start3A_186 : memref<10240x128xf32, #tpu.memory_space<vmem_shared>>) offsets(%arg6 : memref<128xi32, #tpu.memory_space<vmem>>) semaphore(%run_scoped3A : memref<!tpu.dma_semaphore, #tpu.memory_space<semaphore_mem>>) {add = true}
      %dma_wait3A_187 = arith.constant 0 : i32
      %dma_wait3A_188 = arith.constant 0 : i32
      %dma_wait3A_189 = tpu.memref_slice %arg14[%dma_wait3A_187, %dma_wait3A_188] : memref<10240x128xf32, #tpu.memory_space<vmem_shared>> -> memref<10240x128xf32, #tpu.memory_space<vmem_shared>>
      tpu.wait_indirect_dma semaphore(%run_scoped3A : memref<!tpu.dma_semaphore, #tpu.memory_space<semaphore_mem>>) src(%arg8 : memref<128x128xf32, #tpu.memory_space<vmem>>) dst(%dma_wait3A_189 : memref<10240x128xf32, #tpu.memory_space<vmem_shared>>)
      tpu.yield
    }) : () -> ()
    %add3A_141 = arith.constant 1024 : i32
    %add3A_142 = arith.addi %mul3A_22, %add3A_141 : i32
    %add3A_143 = arith.constant 40960 : i32
    %add3A_144 = arith.addi %add3A_143, %add3A_142 : i32
    %dma_start3A_145 = tpu.memref_slice %arg2[%add3A_144] : memref<81920xi32, #tpu.memory_space<hbm>> -> memref<128xi32, #tpu.memory_space<hbm>>
    %dma_start3A_146 = tpu.memref_slice %arg2[%add3A_144] : memref<81920xi32, #tpu.memory_space<hbm>> -> memref<128xi32, #tpu.memory_space<hbm>>
    tpu.enqueue_dma source(%dma_start3A_146 : memref<128xi32, #tpu.memory_space<hbm>>) target(%arg6 : memref<128xi32, #tpu.memory_space<vmem>>) target_semaphore(%arg10 : memref<!tpu.dma_semaphore, #tpu.memory_space<semaphore_mem>>)
    %dma_start3A_147 = arith.constant 0 : i32
    %dma_start3A_148 = tpu.memref_slice %arg3[%add3A_142, %dma_start3A_147] : memref<40960x128xf32, #tpu.memory_space<hbm>> -> memref<128x128xf32, #tpu.memory_space<hbm>>
    %dma_start3A_149 = arith.constant 0 : i32
    %dma_start3A_150 = tpu.memref_slice %arg3[%add3A_142, %dma_start3A_149] : memref<40960x128xf32, #tpu.memory_space<hbm>> -> memref<128x128xf32, #tpu.memory_space<hbm>>
    tpu.enqueue_dma source(%dma_start3A_150 : memref<128x128xf32, #tpu.memory_space<hbm>>) target(%arg8 : memref<128x128xf32, #tpu.memory_space<vmem>>) target_semaphore(%arg12 : memref<!tpu.dma_semaphore, #tpu.memory_space<semaphore_mem>>)
    %dma_wait3A_151 = tpu.memref_slice %arg2[%add3A_128] : memref<81920xi32, #tpu.memory_space<hbm>> -> memref<128xi32, #tpu.memory_space<hbm>>
    %dma_wait3A_152 = tpu.memref_slice %arg2[%add3A_128] : memref<81920xi32, #tpu.memory_space<hbm>> -> memref<128xi32, #tpu.memory_space<hbm>>
    tpu.wait_dma2 semaphore(%arg11 : memref<!tpu.dma_semaphore, #tpu.memory_space<semaphore_mem>>) src(%dma_wait3A_152 : memref<128xi32, #tpu.memory_space<hbm>>) dst(%arg7 : memref<128xi32, #tpu.memory_space<vmem>>)
    %dma_wait3A_153 = arith.constant 0 : i32
    %dma_wait3A_154 = tpu.memref_slice %arg3[%add3A_126, %dma_wait3A_153] : memref<40960x128xf32, #tpu.memory_space<hbm>> -> memref<128x128xf32, #tpu.memory_space<hbm>>
    %dma_wait3A_155 = arith.constant 0 : i32
    %dma_wait3A_156 = tpu.memref_slice %arg3[%add3A_126, %dma_wait3A_155] : memref<40960x128xf32, #tpu.memory_space<hbm>> -> memref<128x128xf32, #tpu.memory_space<hbm>>
    tpu.wait_dma2 semaphore(%arg13 : memref<!tpu.dma_semaphore, #tpu.memory_space<semaphore_mem>>) src(%dma_wait3A_156 : memref<128x128xf32, #tpu.memory_space<hbm>>) dst(%arg9 : memref<128x128xf32, #tpu.memory_space<vmem>>)
    "tpu.region"() ({
      %run_scoped3A = tpu.sem_alloc : memref<!tpu.dma_semaphore, #tpu.memory_space<semaphore_mem>>
      %dma_start3A_184 = arith.constant 0 : i32
      %dma_start3A_185 = arith.constant 0 : i32
      %dma_start3A_186 = tpu.memref_slice %arg14[%dma_start3A_184, %dma_start3A_185] : memref<10240x128xf32, #tpu.memory_space<vmem_shared>> -> memref<10240x128xf32, #tpu.memory_space<vmem_shared>>
      tpu.enqueue_indirect_dma source(%arg9 : memref<128x128xf32, #tpu.memory_space<vmem>>) target(%dma_start3A_186 : memref<10240x128xf32, #tpu.memory_space<vmem_shared>>) offsets(%arg7 : memref<128xi32, #tpu.memory_space<vmem>>) semaphore(%run_scoped3A : memref<!tpu.dma_semaphore, #tpu.memory_space<semaphore_mem>>) {add = true}
      %dma_wait3A_187 = arith.constant 0 : i32
      %dma_wait3A_188 = arith.constant 0 : i32
      %dma_wait3A_189 = tpu.memref_slice %arg14[%dma_wait3A_187, %dma_wait3A_188] : memref<10240x128xf32, #tpu.memory_space<vmem_shared>> -> memref<10240x128xf32, #tpu.memory_space<vmem_shared>>
      tpu.wait_indirect_dma semaphore(%run_scoped3A : memref<!tpu.dma_semaphore, #tpu.memory_space<semaphore_mem>>) src(%arg9 : memref<128x128xf32, #tpu.memory_space<vmem>>) dst(%dma_wait3A_189 : memref<10240x128xf32, #tpu.memory_space<vmem_shared>>)
      tpu.yield
    }) : () -> ()
    %add3A_157 = arith.constant 1152 : i32
    %add3A_158 = arith.addi %mul3A_22, %add3A_157 : i32
    %add3A_159 = arith.constant 40960 : i32
    %add3A_160 = arith.addi %add3A_159, %add3A_158 : i32
    %dma_start3A_161 = tpu.memref_slice %arg2[%add3A_160] : memref<81920xi32, #tpu.memory_space<hbm>> -> memref<128xi32, #tpu.memory_space<hbm>>
    %dma_start3A_162 = tpu.memref_slice %arg2[%add3A_160] : memref<81920xi32, #tpu.memory_space<hbm>> -> memref<128xi32, #tpu.memory_space<hbm>>
    tpu.enqueue_dma source(%dma_start3A_162 : memref<128xi32, #tpu.memory_space<hbm>>) target(%arg7 : memref<128xi32, #tpu.memory_space<vmem>>) target_semaphore(%arg11 : memref<!tpu.dma_semaphore, #tpu.memory_space<semaphore_mem>>)
    %dma_start3A_163 = arith.constant 0 : i32
    %dma_start3A_164 = tpu.memref_slice %arg3[%add3A_158, %dma_start3A_163] : memref<40960x128xf32, #tpu.memory_space<hbm>> -> memref<128x128xf32, #tpu.memory_space<hbm>>
    %dma_start3A_165 = arith.constant 0 : i32
    %dma_start3A_166 = tpu.memref_slice %arg3[%add3A_158, %dma_start3A_165] : memref<40960x128xf32, #tpu.memory_space<hbm>> -> memref<128x128xf32, #tpu.memory_space<hbm>>
    tpu.enqueue_dma source(%dma_start3A_166 : memref<128x128xf32, #tpu.memory_space<hbm>>) target(%arg9 : memref<128x128xf32, #tpu.memory_space<vmem>>) target_semaphore(%arg13 : memref<!tpu.dma_semaphore, #tpu.memory_space<semaphore_mem>>)
    %dma_wait3A_167 = tpu.memref_slice %arg2[%add3A_144] : memref<81920xi32, #tpu.memory_space<hbm>> -> memref<128xi32, #tpu.memory_space<hbm>>
    %dma_wait3A_168 = tpu.memref_slice %arg2[%add3A_144] : memref<81920xi32, #tpu.memory_space<hbm>> -> memref<128xi32, #tpu.memory_space<hbm>>
    tpu.wait_dma2 semaphore(%arg10 : memref<!tpu.dma_semaphore, #tpu.memory_space<semaphore_mem>>) src(%dma_wait3A_168 : memref<128xi32, #tpu.memory_space<hbm>>) dst(%arg6 : memref<128xi32, #tpu.memory_space<vmem>>)
    %dma_wait3A_169 = arith.constant 0 : i32
    %dma_wait3A_170 = tpu.memref_slice %arg3[%add3A_142, %dma_wait3A_169] : memref<40960x128xf32, #tpu.memory_space<hbm>> -> memref<128x128xf32, #tpu.memory_space<hbm>>
    %dma_wait3A_171 = arith.constant 0 : i32
    %dma_wait3A_172 = tpu.memref_slice %arg3[%add3A_142, %dma_wait3A_171] : memref<40960x128xf32, #tpu.memory_space<hbm>> -> memref<128x128xf32, #tpu.memory_space<hbm>>
    tpu.wait_dma2 semaphore(%arg12 : memref<!tpu.dma_semaphore, #tpu.memory_space<semaphore_mem>>) src(%dma_wait3A_172 : memref<128x128xf32, #tpu.memory_space<hbm>>) dst(%arg8 : memref<128x128xf32, #tpu.memory_space<vmem>>)
    "tpu.region"() ({
      %run_scoped3A = tpu.sem_alloc : memref<!tpu.dma_semaphore, #tpu.memory_space<semaphore_mem>>
      %dma_start3A_184 = arith.constant 0 : i32
      %dma_start3A_185 = arith.constant 0 : i32
      %dma_start3A_186 = tpu.memref_slice %arg14[%dma_start3A_184, %dma_start3A_185] : memref<10240x128xf32, #tpu.memory_space<vmem_shared>> -> memref<10240x128xf32, #tpu.memory_space<vmem_shared>>
      tpu.enqueue_indirect_dma source(%arg8 : memref<128x128xf32, #tpu.memory_space<vmem>>) target(%dma_start3A_186 : memref<10240x128xf32, #tpu.memory_space<vmem_shared>>) offsets(%arg6 : memref<128xi32, #tpu.memory_space<vmem>>) semaphore(%run_scoped3A : memref<!tpu.dma_semaphore, #tpu.memory_space<semaphore_mem>>) {add = true}
      %dma_wait3A_187 = arith.constant 0 : i32
      %dma_wait3A_188 = arith.constant 0 : i32
      %dma_wait3A_189 = tpu.memref_slice %arg14[%dma_wait3A_187, %dma_wait3A_188] : memref<10240x128xf32, #tpu.memory_space<vmem_shared>> -> memref<10240x128xf32, #tpu.memory_space<vmem_shared>>
      tpu.wait_indirect_dma semaphore(%run_scoped3A : memref<!tpu.dma_semaphore, #tpu.memory_space<semaphore_mem>>) src(%arg8 : memref<128x128xf32, #tpu.memory_space<vmem>>) dst(%dma_wait3A_189 : memref<10240x128xf32, #tpu.memory_space<vmem_shared>>)
      tpu.yield
    }) : () -> ()
    %dma_wait3A_173 = tpu.memref_slice %arg2[%add3A_160] : memref<81920xi32, #tpu.memory_space<hbm>> -> memref<128xi32, #tpu.memory_space<hbm>>
    %dma_wait3A_174 = tpu.memref_slice %arg2[%add3A_160] : memref<81920xi32, #tpu.memory_space<hbm>> -> memref<128xi32, #tpu.memory_space<hbm>>
    tpu.wait_dma2 semaphore(%arg11 : memref<!tpu.dma_semaphore, #tpu.memory_space<semaphore_mem>>) src(%dma_wait3A_174 : memref<128xi32, #tpu.memory_space<hbm>>) dst(%arg7 : memref<128xi32, #tpu.memory_space<vmem>>)
    %dma_wait3A_175 = arith.constant 0 : i32
    %dma_wait3A_176 = tpu.memref_slice %arg3[%add3A_158, %dma_wait3A_175] : memref<40960x128xf32, #tpu.memory_space<hbm>> -> memref<128x128xf32, #tpu.memory_space<hbm>>
    %dma_wait3A_177 = arith.constant 0 : i32
    %dma_wait3A_178 = tpu.memref_slice %arg3[%add3A_158, %dma_wait3A_177] : memref<40960x128xf32, #tpu.memory_space<hbm>> -> memref<128x128xf32, #tpu.memory_space<hbm>>
    tpu.wait_dma2 semaphore(%arg13 : memref<!tpu.dma_semaphore, #tpu.memory_space<semaphore_mem>>) src(%dma_wait3A_178 : memref<128x128xf32, #tpu.memory_space<hbm>>) dst(%arg9 : memref<128x128xf32, #tpu.memory_space<vmem>>)
    "tpu.region"() ({
      %run_scoped3A = tpu.sem_alloc : memref<!tpu.dma_semaphore, #tpu.memory_space<semaphore_mem>>
      %dma_start3A_184 = arith.constant 0 : i32
      %dma_start3A_185 = arith.constant 0 : i32
      %dma_start3A_186 = tpu.memref_slice %arg14[%dma_start3A_184, %dma_start3A_185] : memref<10240x128xf32, #tpu.memory_space<vmem_shared>> -> memref<10240x128xf32, #tpu.memory_space<vmem_shared>>
      tpu.enqueue_indirect_dma source(%arg9 : memref<128x128xf32, #tpu.memory_space<vmem>>) target(%dma_start3A_186 : memref<10240x128xf32, #tpu.memory_space<vmem_shared>>) offsets(%arg7 : memref<128xi32, #tpu.memory_space<vmem>>) semaphore(%run_scoped3A : memref<!tpu.dma_semaphore, #tpu.memory_space<semaphore_mem>>) {add = true}
      %dma_wait3A_187 = arith.constant 0 : i32
      %dma_wait3A_188 = arith.constant 0 : i32
      %dma_wait3A_189 = tpu.memref_slice %arg14[%dma_wait3A_187, %dma_wait3A_188] : memref<10240x128xf32, #tpu.memory_space<vmem_shared>> -> memref<10240x128xf32, #tpu.memory_space<vmem_shared>>
      tpu.wait_indirect_dma semaphore(%run_scoped3A : memref<!tpu.dma_semaphore, #tpu.memory_space<semaphore_mem>>) src(%arg9 : memref<128x128xf32, #tpu.memory_space<vmem>>) dst(%dma_wait3A_189 : memref<10240x128xf32, #tpu.memory_space<vmem_shared>>)
      tpu.yield
    }) : () -> ()
    %barrier3A_179 = arith.constant 0 : index
    tpu.barrier barrier_id(%barrier3A_179)
    %mul3A_180 = arith.constant 640 : i32
    %mul3A_181 = arith.muli %arg1, %mul3A_180 : i32
    %mul3A_182 = arith.constant 640 : i32
    %mul3A_183 = arith.muli %arg1, %mul3A_182 : i32
    "tpu.region"() ({
      %run_scoped3A = tpu.sem_alloc : memref<!tpu.dma_semaphore, #tpu.memory_space<semaphore_mem>>
      %dma_start3A_184 = arith.constant 0 : i32
      %dma_start3A_185 = tpu.memref_slice %arg5[%arg0, %mul3A_183, %dma_start3A_184] : memref<2x10240x128xf32, #tpu.memory_space<hbm>> -> memref<1x640x128xf32, #tpu.memory_space<hbm>>
      %dma_start3A_186 = tpu.memref_squeeze %dma_start3A_185 : memref<1x640x128xf32, #tpu.memory_space<hbm>> -> memref<640x128xf32, #tpu.memory_space<hbm>>
      %dma_start3A_187 = arith.constant 0 : i32
      %dma_start3A_188 = tpu.memref_slice %arg14[%mul3A_181, %dma_start3A_187] : memref<10240x128xf32, #tpu.memory_space<vmem_shared>> -> memref<640x128xf32, #tpu.memory_space<vmem_shared>>
      tpu.enqueue_dma source(%dma_start3A_188 : memref<640x128xf32, #tpu.memory_space<vmem_shared>>) target(%dma_start3A_186 : memref<640x128xf32, #tpu.memory_space<hbm>>) target_semaphore(%run_scoped3A : memref<!tpu.dma_semaphore, #tpu.memory_space<semaphore_mem>>)
      %dma_wait3A_189 = arith.constant 0 : i32
      %dma_wait3A_190 = tpu.memref_slice %arg5[%arg0, %mul3A_183, %dma_wait3A_189] : memref<2x10240x128xf32, #tpu.memory_space<hbm>> -> memref<1x640x128xf32, #tpu.memory_space<hbm>>
      %dma_wait3A_191 = tpu.memref_squeeze %dma_wait3A_190 : memref<1x640x128xf32, #tpu.memory_space<hbm>> -> memref<640x128xf32, #tpu.memory_space<hbm>>
      %dma_wait3A_192 = arith.constant 0 : i32
      %dma_wait3A_193 = tpu.memref_slice %arg14[%mul3A_181, %dma_wait3A_192] : memref<10240x128xf32, #tpu.memory_space<vmem_shared>> -> memref<640x128xf32, #tpu.memory_space<vmem_shared>>
      tpu.wait_dma2 semaphore(%run_scoped3A : memref<!tpu.dma_semaphore, #tpu.memory_space<semaphore_mem>>) src(%dma_wait3A_193 : memref<640x128xf32, #tpu.memory_space<vmem_shared>>) dst(%dma_wait3A_191 : memref<640x128xf32, #tpu.memory_space<hbm>>)
      tpu.yield
    }) : () -> ()
    return
  }
}

#map = affine_map<(d0, d1) -> (0)>
#map1 = affine_map<(d0, d1) -> (0, 0)>
#map2 = affine_map<(d0, d1) -> (0, 0, 0)>
module attributes {stable_mosaic.version = 14 : i64} {
  func.func @scatter_add(%arg0: i32, %arg1: i32, %arg2: memref<81920xi32, #tpu.memory_space<hbm>>, %arg3: memref<40960x128xf32, #tpu.memory_space<hbm>>, %arg4: memref<128x128xf32, #tpu.memory_space<hbm>>, %arg5: memref<2x10240x128xf32, #tpu.memory_space<hbm>>, %arg6: memref<128xi32, #tpu.memory_space<vmem>>, %arg7: memref<128xi32, #tpu.memory_space<vmem>>, %arg8: memref<128x128xf32, #tpu.memory_space<vmem>>, %arg9: memref<128x128xf32, #tpu.memory_space<vmem>>, %arg10: memref<!tpu.dma_semaphore, #tpu.memory_space<semaphore_mem>>, %arg11: memref<!tpu.dma_semaphore, #tpu.memory_space<semaphore_mem>>, %arg12: memref<!tpu.dma_semaphore, #tpu.memory_space<semaphore_mem>>, %arg13: memref<!tpu.dma_semaphore, #tpu.memory_space<semaphore_mem>>, %arg14: memref<10240x128xf32, #tpu.memory_space<vmem_shared>>) attributes {dimension_semantics = [#tpu.dimension_semantics<core_parallel>, #tpu.dimension_semantics<subcore_parallel>], iteration_bounds = array<i64: 2, 16>, scalar_prefetch = 0 : i64, scratch_operands = 9 : i64, tpu.core_type = #tpu.core_type<sc_vector_subcore>, window_params = [{transform_indices = #map}, {transform_indices = #map1}, {transform_indices = #map1}, {transform_indices = #map2}]} {
    "tpu.region"() ({
      %run_scoped3A = tpu.sem_alloc : memref<!tpu.dma_semaphore, #tpu.memory_space<semaphore_mem>>
      tpu.enqueue_dma source(%arg4 : memref<128x128xf32, #tpu.memory_space<hbm>>) target(%arg8 : memref<128x128xf32, #tpu.memory_space<vmem>>) target_semaphore(%run_scoped3A : memref<!tpu.dma_semaphore, #tpu.memory_space<semaphore_mem>>)
      tpu.wait_dma2 semaphore(%run_scoped3A : memref<!tpu.dma_semaphore, #tpu.memory_space<semaphore_mem>>) src(%arg4 : memref<128x128xf32, #tpu.memory_space<hbm>>) dst(%arg8 : memref<128x128xf32, #tpu.memory_space<vmem>>)
      tpu.yield
    }) : () -> ()
    %mul3A = arith.constant 640 : i32
    %mul3A_0 = arith.muli %arg1, %mul3A : i32
    %add3A = arith.constant 0 : i32
    %add3A_1 = arith.addi %mul3A_0, %add3A : i32
    "tpu.region"() ({
      %run_scoped3A = tpu.sem_alloc : memref<!tpu.dma_semaphore, #tpu.memory_space<semaphore_mem>>
      %dma_start3A_184 = arith.constant 0 : i32
      %dma_start3A_185 = tpu.memref_slice %arg14[%add3A_1, %dma_start3A_184] : memref<10240x128xf32, #tpu.memory_space<vmem_shared>> -> memref<128x128xf32, #tpu.memory_space<vmem_shared>>
      %dma_start3A_186 = arith.constant 0 : i32
      %dma_start3A_187 = tpu.memref_slice %arg14[%add3A_1, %dma_start3A_186] : memref<10240x128xf32, #tpu.memory_space<vmem_shared>> -> memref<128x128xf32, #tpu.memory_space<vmem_shared>>
      tpu.enqueue_dma source(%arg8 : memref<128x128xf32, #tpu.memory_space<vmem>>) target(%dma_start3A_187 : memref<128x128xf32, #tpu.memory_space<vmem_shared>>) target_semaphore(%run_scoped3A : memref<!tpu.dma_semaphore, #tpu.memory_space<semaphore_mem>>)
      %dma_wait3A_188 = arith.constant 0 : i32
      %dma_wait3A_189 = tpu.memref_slice %arg14[%add3A_1, %dma_wait3A_188] : memref<10240x128xf32, #tpu.memory_space<vmem_shared>> -> memref<128x128xf32, #tpu.memory_space<vmem_shared>>
      %dma_wait3A_190 = arith.constant 0 : i32
      %dma_wait3A_191 = tpu.memref_slice %arg14[%add3A_1, %dma_wait3A_190] : memref<10240x128xf32, #tpu.memory_space<vmem_shared>> -> memref<128x128xf32, #tpu.memory_space<vmem_shared>>
      tpu.wait_dma2 semaphore(%run_scoped3A : memref<!tpu.dma_semaphore, #tpu.memory_space<semaphore_mem>>) src(%arg8 : memref<128x128xf32, #tpu.memory_space<vmem>>) dst(%dma_wait3A_191 : memref<128x128xf32, #tpu.memory_space<vmem_shared>>)
      tpu.yield
    }) : () -> ()
    %mul3A_2 = arith.constant 640 : i32
    %mul3A_3 = arith.muli %arg1, %mul3A_2 : i32
    %add3A_4 = arith.constant 128 : i32
    %add3A_5 = arith.addi %mul3A_3, %add3A_4 : i32
    "tpu.region"() ({
      %run_scoped3A = tpu.sem_alloc : memref<!tpu.dma_semaphore, #tpu.memory_space<semaphore_mem>>
      %dma_start3A_184 = arith.constant 0 : i32
      %dma_start3A_185 = tpu.memref_slice %arg14[%add3A_5, %dma_start3A_184] : memref<10240x128xf32, #tpu.memory_space<vmem_shared>> -> memref<128x128xf32, #tpu.memory_space<vmem_shared>>
      %dma_start3A_186 = arith.constant 0 : i32
      %dma_start3A_187 = tpu.memref_slice %arg14[%add3A_5, %dma_start3A_186] : memref<10240x128xf32, #tpu.memory_space<vmem_shared>> -> memref<128x128xf32, #tpu.memory_space<vmem_shared>>
      tpu.enqueue_dma source(%arg8 : memref<128x128xf32, #tpu.memory_space<vmem>>) target(%dma_start3A_187 : memref<128x128xf32, #tpu.memory_space<vmem_shared>>) target_semaphore(%run_scoped3A : memref<!tpu.dma_semaphore, #tpu.memory_space<semaphore_mem>>)
      %dma_wait3A_188 = arith.constant 0 : i32
      %dma_wait3A_189 = tpu.memref_slice %arg14[%add3A_5, %dma_wait3A_188] : memref<10240x128xf32, #tpu.memory_space<vmem_shared>> -> memref<128x128xf32, #tpu.memory_space<vmem_shared>>
      %dma_wait3A_190 = arith.constant 0 : i32
      %dma_wait3A_191 = tpu.memref_slice %arg14[%add3A_5, %dma_wait3A_190] : memref<10240x128xf32, #tpu.memory_space<vmem_shared>> -> memref<128x128xf32, #tpu.memory_space<vmem_shared>>
      tpu.wait_dma2 semaphore(%run_scoped3A : memref<!tpu.dma_semaphore, #tpu.memory_space<semaphore_mem>>) src(%arg8 : memref<128x128xf32, #tpu.memory_space<vmem>>) dst(%dma_wait3A_191 : memref<128x128xf32, #tpu.memory_space<vmem_shared>>)
      tpu.yield
    }) : () -> ()
    %mul3A_6 = arith.constant 640 : i32
    %mul3A_7 = arith.muli %arg1, %mul3A_6 : i32
    %add3A_8 = arith.constant 256 : i32
    %add3A_9 = arith.addi %mul3A_7, %add3A_8 : i32
    "tpu.region"() ({
      %run_scoped3A = tpu.sem_alloc : memref<!tpu.dma_semaphore, #tpu.memory_space<semaphore_mem>>
      %dma_start3A_184 = arith.constant 0 : i32
      %dma_start3A_185 = tpu.memref_slice %arg14[%add3A_9, %dma_start3A_184] : memref<10240x128xf32, #tpu.memory_space<vmem_shared>> -> memref<128x128xf32, #tpu.memory_space<vmem_shared>>
      %dma_start3A_186 = arith.constant 0 : i32
      %dma_start3A_187 = tpu.memref_slice %arg14[%add3A_9, %dma_start3A_186] : memref<10240x128xf32, #tpu.memory_space<vmem_shared>> -> memref<128x128xf32, #tpu.memory_space<vmem_shared>>
      tpu.enqueue_dma source(%arg8 : memref<128x128xf32, #tpu.memory_space<vmem>>) target(%dma_start3A_187 : memref<128x128xf32, #tpu.memory_space<vmem_shared>>) target_semaphore(%run_scoped3A : memref<!tpu.dma_semaphore, #tpu.memory_space<semaphore_mem>>)
      %dma_wait3A_188 = arith.constant 0 : i32
      %dma_wait3A_189 = tpu.memref_slice %arg14[%add3A_9, %dma_wait3A_188] : memref<10240x128xf32, #tpu.memory_space<vmem_shared>> -> memref<128x128xf32, #tpu.memory_space<vmem_shared>>
      %dma_wait3A_190 = arith.constant 0 : i32
      %dma_wait3A_191 = tpu.memref_slice %arg14[%add3A_9, %dma_wait3A_190] : memref<10240x128xf32, #tpu.memory_space<vmem_shared>> -> memref<128x128xf32, #tpu.memory_space<vmem_shared>>
      tpu.wait_dma2 semaphore(%run_scoped3A : memref<!tpu.dma_semaphore, #tpu.memory_space<semaphore_mem>>) src(%arg8 : memref<128x128xf32, #tpu.memory_space<vmem>>) dst(%dma_wait3A_191 : memref<128x128xf32, #tpu.memory_space<vmem_shared>>)
      tpu.yield
    }) : () -> ()
    %mul3A_10 = arith.constant 640 : i32
    %mul3A_11 = arith.muli %arg1, %mul3A_10 : i32
    %add3A_12 = arith.constant 384 : i32
    %add3A_13 = arith.addi %mul3A_11, %add3A_12 : i32
    "tpu.region"() ({
      %run_scoped3A = tpu.sem_alloc : memref<!tpu.dma_semaphore, #tpu.memory_space<semaphore_mem>>
      %dma_start3A_184 = arith.constant 0 : i32
      %dma_start3A_185 = tpu.memref_slice %arg14[%add3A_13, %dma_start3A_184] : memref<10240x128xf32, #tpu.memory_space<vmem_shared>> -> memref<128x128xf32, #tpu.memory_space<vmem_shared>>
      %dma_start3A_186 = arith.constant 0 : i32
      %dma_start3A_187 = tpu.memref_slice %arg14[%add3A_13, %dma_start3A_186] : memref<10240x128xf32, #tpu.memory_space<vmem_shared>> -> memref<128x128xf32, #tpu.memory_space<vmem_shared>>
      tpu.enqueue_dma source(%arg8 : memref<128x128xf32, #tpu.memory_space<vmem>>) target(%dma_start3A_187 : memref<128x128xf32, #tpu.memory_space<vmem_shared>>) target_semaphore(%run_scoped3A : memref<!tpu.dma_semaphore, #tpu.memory_space<semaphore_mem>>)
      %dma_wait3A_188 = arith.constant 0 : i32
      %dma_wait3A_189 = tpu.memref_slice %arg14[%add3A_13, %dma_wait3A_188] : memref<10240x128xf32, #tpu.memory_space<vmem_shared>> -> memref<128x128xf32, #tpu.memory_space<vmem_shared>>
      %dma_wait3A_190 = arith.constant 0 : i32
      %dma_wait3A_191 = tpu.memref_slice %arg14[%add3A_13, %dma_wait3A_190] : memref<10240x128xf32, #tpu.memory_space<vmem_shared>> -> memref<128x128xf32, #tpu.memory_space<vmem_shared>>
      tpu.wait_dma2 semaphore(%run_scoped3A : memref<!tpu.dma_semaphore, #tpu.memory_space<semaphore_mem>>) src(%arg8 : memref<128x128xf32, #tpu.memory_space<vmem>>) dst(%dma_wait3A_191 : memref<128x128xf32, #tpu.memory_space<vmem_shared>>)
      tpu.yield
    }) : () -> ()
    %mul3A_14 = arith.constant 640 : i32
    %mul3A_15 = arith.muli %arg1, %mul3A_14 : i32
    %add3A_16 = arith.constant 512 : i32
    %add3A_17 = arith.addi %mul3A_15, %add3A_16 : i32
    "tpu.region"() ({
      %run_scoped3A = tpu.sem_alloc : memref<!tpu.dma_semaphore, #tpu.memory_space<semaphore_mem>>
      %dma_start3A_184 = arith.constant 0 : i32
      %dma_start3A_185 = tpu.memref_slice %arg14[%add3A_17, %dma_start3A_184] : memref<10240x128xf32, #tpu.memory_space<vmem_shared>> -> memref<128x128xf32, #tpu.memory_space<vmem_shared>>
      %dma_start3A_186 = arith.constant 0 : i32
      %dma_start3A_187 = tpu.memref_slice %arg14[%add3A_17, %dma_start3A_186] : memref<10240x128xf32, #tpu.memory_space<vmem_shared>> -> memref<128x128xf32, #tpu.memory_space<vmem_shared>>
      tpu.enqueue_dma source(%arg8 : memref<128x128xf32, #tpu.memory_space<vmem>>) target(%dma_start3A_187 : memref<128x128xf32, #tpu.memory_space<vmem_shared>>) target_semaphore(%run_scoped3A : memref<!tpu.dma_semaphore, #tpu.memory_space<semaphore_mem>>)
      %dma_wait3A_188 = arith.constant 0 : i32
      %dma_wait3A_189 = tpu.memref_slice %arg14[%add3A_17, %dma_wait3A_188] : memref<10240x128xf32, #tpu.memory_space<vmem_shared>> -> memref<128x128xf32, #tpu.memory_space<vmem_shared>>
      %dma_wait3A_190 = arith.constant 0 : i32
      %dma_wait3A_191 = tpu.memref_slice %arg14[%add3A_17, %dma_wait3A_190] : memref<10240x128xf32, #tpu.memory_space<vmem_shared>> -> memref<128x128xf32, #tpu.memory_space<vmem_shared>>
      tpu.wait_dma2 semaphore(%run_scoped3A : memref<!tpu.dma_semaphore, #tpu.memory_space<semaphore_mem>>) src(%arg8 : memref<128x128xf32, #tpu.memory_space<vmem>>) dst(%dma_wait3A_191 : memref<128x128xf32, #tpu.memory_space<vmem_shared>>)
      tpu.yield
    }) : () -> ()
    %barrier3A = arith.constant 0 : index
    tpu.barrier barrier_id(%barrier3A)
    %mul3A_18 = arith.constant 2 : i32
    %mul3A_19 = arith.muli %arg1, %mul3A_18 : i32
    %add3A_20 = arith.addi %mul3A_19, %arg0 : i32
    %mul3A_21 = arith.constant 1280 : i32
    %mul3A_22 = arith.muli %add3A_20, %mul3A_21 : i32
    %add3A_23 = arith.constant 0 : i32
    %add3A_24 = arith.addi %add3A_23, %mul3A_22 : i32
    %dma_start3A = tpu.memref_slice %arg2[%add3A_24] : memref<81920xi32, #tpu.memory_space<hbm>> -> memref<128xi32, #tpu.memory_space<hbm>>
    %dma_start3A_25 = tpu.memref_slice %arg2[%add3A_24] : memref<81920xi32, #tpu.memory_space<hbm>> -> memref<128xi32, #tpu.memory_space<hbm>>
    tpu.enqueue_dma source(%dma_start3A_25 : memref<128xi32, #tpu.memory_space<hbm>>) target(%arg6 : memref<128xi32, #tpu.memory_space<vmem>>) target_semaphore(%arg10 : memref<!tpu.dma_semaphore, #tpu.memory_space<semaphore_mem>>)
    %dma_start3A_26 = arith.constant 0 : i32
    %dma_start3A_27 = tpu.memref_slice %arg3[%mul3A_22, %dma_start3A_26] : memref<40960x128xf32, #tpu.memory_space<hbm>> -> memref<128x128xf32, #tpu.memory_space<hbm>>
    %dma_start3A_28 = arith.constant 0 : i32
    %dma_start3A_29 = tpu.memref_slice %arg3[%mul3A_22, %dma_start3A_28] : memref<40960x128xf32, #tpu.memory_space<hbm>> -> memref<128x128xf32, #tpu.memory_space<hbm>>
    tpu.enqueue_dma source(%dma_start3A_29 : memref<128x128xf32, #tpu.memory_space<hbm>>) target(%arg8 : memref<128x128xf32, #tpu.memory_space<vmem>>) target_semaphore(%arg12 : memref<!tpu.dma_semaphore, #tpu.memory_space<semaphore_mem>>)
    %add3A_30 = arith.constant 128 : i32
    %add3A_31 = arith.addi %mul3A_22, %add3A_30 : i32
    %add3A_32 = arith.constant 0 : i32
    %add3A_33 = arith.addi %add3A_32, %add3A_31 : i32
    %dma_start3A_34 = tpu.memref_slice %arg2[%add3A_33] : memref<81920xi32, #tpu.memory_space<hbm>> -> memref<128xi32, #tpu.memory_space<hbm>>
    %dma_start3A_35 = tpu.memref_slice %arg2[%add3A_33] : memref<81920xi32, #tpu.memory_space<hbm>> -> memref<128xi32, #tpu.memory_space<hbm>>
    tpu.enqueue_dma source(%dma_start3A_35 : memref<128xi32, #tpu.memory_space<hbm>>) target(%arg7 : memref<128xi32, #tpu.memory_space<vmem>>) target_semaphore(%arg11 : memref<!tpu.dma_semaphore, #tpu.memory_space<semaphore_mem>>)
    %dma_start3A_36 = arith.constant 0 : i32
    %dma_start3A_37 = tpu.memref_slice %arg3[%add3A_31, %dma_start3A_36] : memref<40960x128xf32, #tpu.memory_space<hbm>> -> memref<128x128xf32, #tpu.memory_space<hbm>>
    %dma_start3A_38 = arith.constant 0 : i32
    %dma_start3A_39 = tpu.memref_slice %arg3[%add3A_31, %dma_start3A_38] : memref<40960x128xf32, #tpu.memory_space<hbm>> -> memref<128x128xf32, #tpu.memory_space<hbm>>
    tpu.enqueue_dma source(%dma_start3A_39 : memref<128x128xf32, #tpu.memory_space<hbm>>) target(%arg9 : memref<128x128xf32, #tpu.memory_space<vmem>>) target_semaphore(%arg13 : memref<!tpu.dma_semaphore, #tpu.memory_space<semaphore_mem>>)
    %dma_wait3A = tpu.memref_slice %arg2[%add3A_24] : memref<81920xi32, #tpu.memory_space<hbm>> -> memref<128xi32, #tpu.memory_space<hbm>>
    %dma_wait3A_40 = tpu.memref_slice %arg2[%add3A_24] : memref<81920xi32, #tpu.memory_space<hbm>> -> memref<128xi32, #tpu.memory_space<hbm>>
    tpu.wait_dma2 semaphore(%arg10 : memref<!tpu.dma_semaphore, #tpu.memory_space<semaphore_mem>>) src(%dma_wait3A_40 : memref<128xi32, #tpu.memory_space<hbm>>) dst(%arg6 : memref<128xi32, #tpu.memory_space<vmem>>)
    %dma_wait3A_41 = arith.constant 0 : i32
    %dma_wait3A_42 = tpu.memref_slice %arg3[%mul3A_22, %dma_wait3A_41] : memref<40960x128xf32, #tpu.memory_space<hbm>> -> memref<128x128xf32, #tpu.memory_space<hbm>>
    %dma_wait3A_43 = arith.constant 0 : i32
    %dma_wait3A_44 = tpu.memref_slice %arg3[%mul3A_22, %dma_wait3A_43] : memref<40960x128xf32, #tpu.memory_space<hbm>> -> memref<128x128xf32, #tpu.memory_space<hbm>>
    tpu.wait_dma2 semaphore(%arg12 : memref<!tpu.dma_semaphore, #tpu.memory_space<semaphore_mem>>) src(%dma_wait3A_44 : memref<128x128xf32, #tpu.memory_space<hbm>>) dst(%arg8 : memref<128x128xf32, #tpu.memory_space<vmem>>)
    "tpu.region"() ({
      %run_scoped3A = tpu.sem_alloc : memref<!tpu.dma_semaphore, #tpu.memory_space<semaphore_mem>>
      %dma_start3A_184 = arith.constant 0 : i32
      %dma_start3A_185 = arith.constant 0 : i32
      %dma_start3A_186 = tpu.memref_slice %arg14[%dma_start3A_184, %dma_start3A_185] : memref<10240x128xf32, #tpu.memory_space<vmem_shared>> -> memref<10240x128xf32, #tpu.memory_space<vmem_shared>>
      tpu.enqueue_indirect_dma source(%arg8 : memref<128x128xf32, #tpu.memory_space<vmem>>) target(%dma_start3A_186 : memref<10240x128xf32, #tpu.memory_space<vmem_shared>>) offsets(%arg6 : memref<128xi32, #tpu.memory_space<vmem>>) semaphore(%run_scoped3A : memref<!tpu.dma_semaphore, #tpu.memory_space<semaphore_mem>>) {add = true}
      %dma_wait3A_187 = arith.constant 0 : i32
      %dma_wait3A_188 = arith.constant 0 : i32
      %dma_wait3A_189 = tpu.memref_slice %arg14[%dma_wait3A_187, %dma_wait3A_188] : memref<10240x128xf32, #tpu.memory_space<vmem_shared>> -> memref<10240x128xf32, #tpu.memory_space<vmem_shared>>
      tpu.wait_indirect_dma semaphore(%run_scoped3A : memref<!tpu.dma_semaphore, #tpu.memory_space<semaphore_mem>>) src(%arg8 : memref<128x128xf32, #tpu.memory_space<vmem>>) dst(%dma_wait3A_189 : memref<10240x128xf32, #tpu.memory_space<vmem_shared>>)
      tpu.yield
    }) : () -> ()
    %add3A_45 = arith.constant 256 : i32
    %add3A_46 = arith.addi %mul3A_22, %add3A_45 : i32
    %add3A_47 = arith.constant 0 : i32
    %add3A_48 = arith.addi %add3A_47, %add3A_46 : i32
    %dma_start3A_49 = tpu.memref_slice %arg2[%add3A_48] : memref<81920xi32, #tpu.memory_space<hbm>> -> memref<128xi32, #tpu.memory_space<hbm>>
    %dma_start3A_50 = tpu.memref_slice %arg2[%add3A_48] : memref<81920xi32, #tpu.memory_space<hbm>> -> memref<128xi32, #tpu.memory_space<hbm>>
    tpu.enqueue_dma source(%dma_start3A_50 : memref<128xi32, #tpu.memory_space<hbm>>) target(%arg6 : memref<128xi32, #tpu.memory_space<vmem>>) target_semaphore(%arg10 : memref<!tpu.dma_semaphore, #tpu.memory_space<semaphore_mem>>)
    %dma_start3A_51 = arith.constant 0 : i32
    %dma_start3A_52 = tpu.memref_slice %arg3[%add3A_46, %dma_start3A_51] : memref<40960x128xf32, #tpu.memory_space<hbm>> -> memref<128x128xf32, #tpu.memory_space<hbm>>
    %dma_start3A_53 = arith.constant 0 : i32
    %dma_start3A_54 = tpu.memref_slice %arg3[%add3A_46, %dma_start3A_53] : memref<40960x128xf32, #tpu.memory_space<hbm>> -> memref<128x128xf32, #tpu.memory_space<hbm>>
    tpu.enqueue_dma source(%dma_start3A_54 : memref<128x128xf32, #tpu.memory_space<hbm>>) target(%arg8 : memref<128x128xf32, #tpu.memory_space<vmem>>) target_semaphore(%arg12 : memref<!tpu.dma_semaphore, #tpu.memory_space<semaphore_mem>>)
    %dma_wait3A_55 = tpu.memref_slice %arg2[%add3A_33] : memref<81920xi32, #tpu.memory_space<hbm>> -> memref<128xi32, #tpu.memory_space<hbm>>
    %dma_wait3A_56 = tpu.memref_slice %arg2[%add3A_33] : memref<81920xi32, #tpu.memory_space<hbm>> -> memref<128xi32, #tpu.memory_space<hbm>>
    tpu.wait_dma2 semaphore(%arg11 : memref<!tpu.dma_semaphore, #tpu.memory_space<semaphore_mem>>) src(%dma_wait3A_56 : memref<128xi32, #tpu.memory_space<hbm>>) dst(%arg7 : memref<128xi32, #tpu.memory_space<vmem>>)
    %dma_wait3A_57 = arith.constant 0 : i32
    %dma_wait3A_58 = tpu.memref_slice %arg3[%add3A_31, %dma_wait3A_57] : memref<40960x128xf32, #tpu.memory_space<hbm>> -> memref<128x128xf32, #tpu.memory_space<hbm>>
    %dma_wait3A_59 = arith.constant 0 : i32
    %dma_wait3A_60 = tpu.memref_slice %arg3[%add3A_31, %dma_wait3A_59] : memref<40960x128xf32, #tpu.memory_space<hbm>> -> memref<128x128xf32, #tpu.memory_space<hbm>>
    tpu.wait_dma2 semaphore(%arg13 : memref<!tpu.dma_semaphore, #tpu.memory_space<semaphore_mem>>) src(%dma_wait3A_60 : memref<128x128xf32, #tpu.memory_space<hbm>>) dst(%arg9 : memref<128x128xf32, #tpu.memory_space<vmem>>)
    "tpu.region"() ({
      %run_scoped3A = tpu.sem_alloc : memref<!tpu.dma_semaphore, #tpu.memory_space<semaphore_mem>>
      %dma_start3A_184 = arith.constant 0 : i32
      %dma_start3A_185 = arith.constant 0 : i32
      %dma_start3A_186 = tpu.memref_slice %arg14[%dma_start3A_184, %dma_start3A_185] : memref<10240x128xf32, #tpu.memory_space<vmem_shared>> -> memref<10240x128xf32, #tpu.memory_space<vmem_shared>>
      tpu.enqueue_indirect_dma source(%arg9 : memref<128x128xf32, #tpu.memory_space<vmem>>) target(%dma_start3A_186 : memref<10240x128xf32, #tpu.memory_space<vmem_shared>>) offsets(%arg7 : memref<128xi32, #tpu.memory_space<vmem>>) semaphore(%run_scoped3A : memref<!tpu.dma_semaphore, #tpu.memory_space<semaphore_mem>>) {add = true}
      %dma_wait3A_187 = arith.constant 0 : i32
      %dma_wait3A_188 = arith.constant 0 : i32
      %dma_wait3A_189 = tpu.memref_slice %arg14[%dma_wait3A_187, %dma_wait3A_188] : memref<10240x128xf32, #tpu.memory_space<vmem_shared>> -> memref<10240x128xf32, #tpu.memory_space<vmem_shared>>
      tpu.wait_indirect_dma semaphore(%run_scoped3A : memref<!tpu.dma_semaphore, #tpu.memory_space<semaphore_mem>>) src(%arg9 : memref<128x128xf32, #tpu.memory_space<vmem>>) dst(%dma_wait3A_189 : memref<10240x128xf32, #tpu.memory_space<vmem_shared>>)
      tpu.yield
    }) : () -> ()
    %add3A_61 = arith.constant 384 : i32
    %add3A_62 = arith.addi %mul3A_22, %add3A_61 : i32
    %add3A_63 = arith.constant 0 : i32
    %add3A_64 = arith.addi %add3A_63, %add3A_62 : i32
    %dma_start3A_65 = tpu.memref_slice %arg2[%add3A_64] : memref<81920xi32, #tpu.memory_space<hbm>> -> memref<128xi32, #tpu.memory_space<hbm>>
    %dma_start3A_66 = tpu.memref_slice %arg2[%add3A_64] : memref<81920xi32, #tpu.memory_space<hbm>> -> memref<128xi32, #tpu.memory_space<hbm>>
    tpu.enqueue_dma source(%dma_start3A_66 : memref<128xi32, #tpu.memory_space<hbm>>) target(%arg7 : memref<128xi32, #tpu.memory_space<vmem>>) target_semaphore(%arg11 : memref<!tpu.dma_semaphore, #tpu.memory_space<semaphore_mem>>)
    %dma_start3A_67 = arith.constant 0 : i32
    %dma_start3A_68 = tpu.memref_slice %arg3[%add3A_62, %dma_start3A_67] : memref<40960x128xf32, #tpu.memory_space<hbm>> -> memref<128x128xf32, #tpu.memory_space<hbm>>
    %dma_start3A_69 = arith.constant 0 : i32
    %dma_start3A_70 = tpu.memref_slice %arg3[%add3A_62, %dma_start3A_69] : memref<40960x128xf32, #tpu.memory_space<hbm>> -> memref<128x128xf32, #tpu.memory_space<hbm>>
    tpu.enqueue_dma source(%dma_start3A_70 : memref<128x128xf32, #tpu.memory_space<hbm>>) target(%arg9 : memref<128x128xf32, #tpu.memory_space<vmem>>) target_semaphore(%arg13 : memref<!tpu.dma_semaphore, #tpu.memory_space<semaphore_mem>>)
    %dma_wait3A_71 = tpu.memref_slice %arg2[%add3A_48] : memref<81920xi32, #tpu.memory_space<hbm>> -> memref<128xi32, #tpu.memory_space<hbm>>
    %dma_wait3A_72 = tpu.memref_slice %arg2[%add3A_48] : memref<81920xi32, #tpu.memory_space<hbm>> -> memref<128xi32, #tpu.memory_space<hbm>>
    tpu.wait_dma2 semaphore(%arg10 : memref<!tpu.dma_semaphore, #tpu.memory_space<semaphore_mem>>) src(%dma_wait3A_72 : memref<128xi32, #tpu.memory_space<hbm>>) dst(%arg6 : memref<128xi32, #tpu.memory_space<vmem>>)
    %dma_wait3A_73 = arith.constant 0 : i32
    %dma_wait3A_74 = tpu.memref_slice %arg3[%add3A_46, %dma_wait3A_73] : memref<40960x128xf32, #tpu.memory_space<hbm>> -> memref<128x128xf32, #tpu.memory_space<hbm>>
    %dma_wait3A_75 = arith.constant 0 : i32
    %dma_wait3A_76 = tpu.memref_slice %arg3[%add3A_46, %dma_wait3A_75] : memref<40960x128xf32, #tpu.memory_space<hbm>> -> memref<128x128xf32, #tpu.memory_space<hbm>>
    tpu.wait_dma2 semaphore(%arg12 : memref<!tpu.dma_semaphore, #tpu.memory_space<semaphore_mem>>) src(%dma_wait3A_76 : memref<128x128xf32, #tpu.memory_space<hbm>>) dst(%arg8 : memref<128x128xf32, #tpu.memory_space<vmem>>)
    "tpu.region"() ({
      %run_scoped3A = tpu.sem_alloc : memref<!tpu.dma_semaphore, #tpu.memory_space<semaphore_mem>>
      %dma_start3A_184 = arith.constant 0 : i32
      %dma_start3A_185 = arith.constant 0 : i32
      %dma_start3A_186 = tpu.memref_slice %arg14[%dma_start3A_184, %dma_start3A_185] : memref<10240x128xf32, #tpu.memory_space<vmem_shared>> -> memref<10240x128xf32, #tpu.memory_space<vmem_shared>>
      tpu.enqueue_indirect_dma source(%arg8 : memref<128x128xf32, #tpu.memory_space<vmem>>) target(%dma_start3A_186 : memref<10240x128xf32, #tpu.memory_space<vmem_shared>>) offsets(%arg6 : memref<128xi32, #tpu.memory_space<vmem>>) semaphore(%run_scoped3A : memref<!tpu.dma_semaphore, #tpu.memory_space<semaphore_mem>>) {add = true}
      %dma_wait3A_187 = arith.constant 0 : i32
      %dma_wait3A_188 = arith.constant 0 : i32
      %dma_wait3A_189 = tpu.memref_slice %arg14[%dma_wait3A_187, %dma_wait3A_188] : memref<10240x128xf32, #tpu.memory_space<vmem_shared>> -> memref<10240x128xf32, #tpu.memory_space<vmem_shared>>
      tpu.wait_indirect_dma semaphore(%run_scoped3A : memref<!tpu.dma_semaphore, #tpu.memory_space<semaphore_mem>>) src(%arg8 : memref<128x128xf32, #tpu.memory_space<vmem>>) dst(%dma_wait3A_189 : memref<10240x128xf32, #tpu.memory_space<vmem_shared>>)
      tpu.yield
    }) : () -> ()
    %add3A_77 = arith.constant 512 : i32
    %add3A_78 = arith.addi %mul3A_22, %add3A_77 : i32
    %add3A_79 = arith.constant 0 : i32
    %add3A_80 = arith.addi %add3A_79, %add3A_78 : i32
    %dma_start3A_81 = tpu.memref_slice %arg2[%add3A_80] : memref<81920xi32, #tpu.memory_space<hbm>> -> memref<128xi32, #tpu.memory_space<hbm>>
    %dma_start3A_82 = tpu.memref_slice %arg2[%add3A_80] : memref<81920xi32, #tpu.memory_space<hbm>> -> memref<128xi32, #tpu.memory_space<hbm>>
    tpu.enqueue_dma source(%dma_start3A_82 : memref<128xi32, #tpu.memory_space<hbm>>) target(%arg6 : memref<128xi32, #tpu.memory_space<vmem>>) target_semaphore(%arg10 : memref<!tpu.dma_semaphore, #tpu.memory_space<semaphore_mem>>)
    %dma_start3A_83 = arith.constant 0 : i32
    %dma_start3A_84 = tpu.memref_slice %arg3[%add3A_78, %dma_start3A_83] : memref<40960x128xf32, #tpu.memory_space<hbm>> -> memref<128x128xf32, #tpu.memory_space<hbm>>
    %dma_start3A_85 = arith.constant 0 : i32
    %dma_start3A_86 = tpu.memref_slice %arg3[%add3A_78, %dma_start3A_85] : memref<40960x128xf32, #tpu.memory_space<hbm>> -> memref<128x128xf32, #tpu.memory_space<hbm>>
    tpu.enqueue_dma source(%dma_start3A_86 : memref<128x128xf32, #tpu.memory_space<hbm>>) target(%arg8 : memref<128x128xf32, #tpu.memory_space<vmem>>) target_semaphore(%arg12 : memref<!tpu.dma_semaphore, #tpu.memory_space<semaphore_mem>>)
    %dma_wait3A_87 = tpu.memref_slice %arg2[%add3A_64] : memref<81920xi32, #tpu.memory_space<hbm>> -> memref<128xi32, #tpu.memory_space<hbm>>
    %dma_wait3A_88 = tpu.memref_slice %arg2[%add3A_64] : memref<81920xi32, #tpu.memory_space<hbm>> -> memref<128xi32, #tpu.memory_space<hbm>>
    tpu.wait_dma2 semaphore(%arg11 : memref<!tpu.dma_semaphore, #tpu.memory_space<semaphore_mem>>) src(%dma_wait3A_88 : memref<128xi32, #tpu.memory_space<hbm>>) dst(%arg7 : memref<128xi32, #tpu.memory_space<vmem>>)
    %dma_wait3A_89 = arith.constant 0 : i32
    %dma_wait3A_90 = tpu.memref_slice %arg3[%add3A_62, %dma_wait3A_89] : memref<40960x128xf32, #tpu.memory_space<hbm>> -> memref<128x128xf32, #tpu.memory_space<hbm>>
    %dma_wait3A_91 = arith.constant 0 : i32
    %dma_wait3A_92 = tpu.memref_slice %arg3[%add3A_62, %dma_wait3A_91] : memref<40960x128xf32, #tpu.memory_space<hbm>> -> memref<128x128xf32, #tpu.memory_space<hbm>>
    tpu.wait_dma2 semaphore(%arg13 : memref<!tpu.dma_semaphore, #tpu.memory_space<semaphore_mem>>) src(%dma_wait3A_92 : memref<128x128xf32, #tpu.memory_space<hbm>>) dst(%arg9 : memref<128x128xf32, #tpu.memory_space<vmem>>)
    "tpu.region"() ({
      %run_scoped3A = tpu.sem_alloc : memref<!tpu.dma_semaphore, #tpu.memory_space<semaphore_mem>>
      %dma_start3A_184 = arith.constant 0 : i32
      %dma_start3A_185 = arith.constant 0 : i32
      %dma_start3A_186 = tpu.memref_slice %arg14[%dma_start3A_184, %dma_start3A_185] : memref<10240x128xf32, #tpu.memory_space<vmem_shared>> -> memref<10240x128xf32, #tpu.memory_space<vmem_shared>>
      tpu.enqueue_indirect_dma source(%arg9 : memref<128x128xf32, #tpu.memory_space<vmem>>) target(%dma_start3A_186 : memref<10240x128xf32, #tpu.memory_space<vmem_shared>>) offsets(%arg7 : memref<128xi32, #tpu.memory_space<vmem>>) semaphore(%run_scoped3A : memref<!tpu.dma_semaphore, #tpu.memory_space<semaphore_mem>>) {add = true}
      %dma_wait3A_187 = arith.constant 0 : i32
      %dma_wait3A_188 = arith.constant 0 : i32
      %dma_wait3A_189 = tpu.memref_slice %arg14[%dma_wait3A_187, %dma_wait3A_188] : memref<10240x128xf32, #tpu.memory_space<vmem_shared>> -> memref<10240x128xf32, #tpu.memory_space<vmem_shared>>
      tpu.wait_indirect_dma semaphore(%run_scoped3A : memref<!tpu.dma_semaphore, #tpu.memory_space<semaphore_mem>>) src(%arg9 : memref<128x128xf32, #tpu.memory_space<vmem>>) dst(%dma_wait3A_189 : memref<10240x128xf32, #tpu.memory_space<vmem_shared>>)
      tpu.yield
    }) : () -> ()
    %add3A_93 = arith.constant 640 : i32
    %add3A_94 = arith.addi %mul3A_22, %add3A_93 : i32
    %add3A_95 = arith.constant 0 : i32
    %add3A_96 = arith.addi %add3A_95, %add3A_94 : i32
    %dma_start3A_97 = tpu.memref_slice %arg2[%add3A_96] : memref<81920xi32, #tpu.memory_space<hbm>> -> memref<128xi32, #tpu.memory_space<hbm>>
    %dma_start3A_98 = tpu.memref_slice %arg2[%add3A_96] : memref<81920xi32, #tpu.memory_space<hbm>> -> memref<128xi32, #tpu.memory_space<hbm>>
    tpu.enqueue_dma source(%dma_start3A_98 : memref<128xi32, #tpu.memory_space<hbm>>) target(%arg7 : memref<128xi32, #tpu.memory_space<vmem>>) target_semaphore(%arg11 : memref<!tpu.dma_semaphore, #tpu.memory_space<semaphore_mem>>)
    %dma_start3A_99 = arith.constant 0 : i32
    %dma_start3A_100 = tpu.memref_slice %arg3[%add3A_94, %dma_start3A_99] : memref<40960x128xf32, #tpu.memory_space<hbm>> -> memref<128x128xf32, #tpu.memory_space<hbm>>
    %dma_start3A_101 = arith.constant 0 : i32
    %dma_start3A_102 = tpu.memref_slice %arg3[%add3A_94, %dma_start3A_101] : memref<40960x128xf32, #tpu.memory_space<hbm>> -> memref<128x128xf32, #tpu.memory_space<hbm>>
    tpu.enqueue_dma source(%dma_start3A_102 : memref<128x128xf32, #tpu.memory_space<hbm>>) target(%arg9 : memref<128x128xf32, #tpu.memory_space<vmem>>) target_semaphore(%arg13 : memref<!tpu.dma_semaphore, #tpu.memory_space<semaphore_mem>>)
    %dma_wait3A_103 = tpu.memref_slice %arg2[%add3A_80] : memref<81920xi32, #tpu.memory_space<hbm>> -> memref<128xi32, #tpu.memory_space<hbm>>
    %dma_wait3A_104 = tpu.memref_slice %arg2[%add3A_80] : memref<81920xi32, #tpu.memory_space<hbm>> -> memref<128xi32, #tpu.memory_space<hbm>>
    tpu.wait_dma2 semaphore(%arg10 : memref<!tpu.dma_semaphore, #tpu.memory_space<semaphore_mem>>) src(%dma_wait3A_104 : memref<128xi32, #tpu.memory_space<hbm>>) dst(%arg6 : memref<128xi32, #tpu.memory_space<vmem>>)
    %dma_wait3A_105 = arith.constant 0 : i32
    %dma_wait3A_106 = tpu.memref_slice %arg3[%add3A_78, %dma_wait3A_105] : memref<40960x128xf32, #tpu.memory_space<hbm>> -> memref<128x128xf32, #tpu.memory_space<hbm>>
    %dma_wait3A_107 = arith.constant 0 : i32
    %dma_wait3A_108 = tpu.memref_slice %arg3[%add3A_78, %dma_wait3A_107] : memref<40960x128xf32, #tpu.memory_space<hbm>> -> memref<128x128xf32, #tpu.memory_space<hbm>>
    tpu.wait_dma2 semaphore(%arg12 : memref<!tpu.dma_semaphore, #tpu.memory_space<semaphore_mem>>) src(%dma_wait3A_108 : memref<128x128xf32, #tpu.memory_space<hbm>>) dst(%arg8 : memref<128x128xf32, #tpu.memory_space<vmem>>)
    "tpu.region"() ({
      %run_scoped3A = tpu.sem_alloc : memref<!tpu.dma_semaphore, #tpu.memory_space<semaphore_mem>>
      %dma_start3A_184 = arith.constant 0 : i32
      %dma_start3A_185 = arith.constant 0 : i32
      %dma_start3A_186 = tpu.memref_slice %arg14[%dma_start3A_184, %dma_start3A_185] : memref<10240x128xf32, #tpu.memory_space<vmem_shared>> -> memref<10240x128xf32, #tpu.memory_space<vmem_shared>>
      tpu.enqueue_indirect_dma source(%arg8 : memref<128x128xf32, #tpu.memory_space<vmem>>) target(%dma_start3A_186 : memref<10240x128xf32, #tpu.memory_space<vmem_shared>>) offsets(%arg6 : memref<128xi32, #tpu.memory_space<vmem>>) semaphore(%run_scoped3A : memref<!tpu.dma_semaphore, #tpu.memory_space<semaphore_mem>>) {add = true}
      %dma_wait3A_187 = arith.constant 0 : i32
      %dma_wait3A_188 = arith.constant 0 : i32
      %dma_wait3A_189 = tpu.memref_slice %arg14[%dma_wait3A_187, %dma_wait3A_188] : memref<10240x128xf32, #tpu.memory_space<vmem_shared>> -> memref<10240x128xf32, #tpu.memory_space<vmem_shared>>
      tpu.wait_indirect_dma semaphore(%run_scoped3A : memref<!tpu.dma_semaphore, #tpu.memory_space<semaphore_mem>>) src(%arg8 : memref<128x128xf32, #tpu.memory_space<vmem>>) dst(%dma_wait3A_189 : memref<10240x128xf32, #tpu.memory_space<vmem_shared>>)
      tpu.yield
    }) : () -> ()
    %add3A_109 = arith.constant 768 : i32
    %add3A_110 = arith.addi %mul3A_22, %add3A_109 : i32
    %add3A_111 = arith.constant 0 : i32
    %add3A_112 = arith.addi %add3A_111, %add3A_110 : i32
    %dma_start3A_113 = tpu.memref_slice %arg2[%add3A_112] : memref<81920xi32, #tpu.memory_space<hbm>> -> memref<128xi32, #tpu.memory_space<hbm>>
    %dma_start3A_114 = tpu.memref_slice %arg2[%add3A_112] : memref<81920xi32, #tpu.memory_space<hbm>> -> memref<128xi32, #tpu.memory_space<hbm>>
    tpu.enqueue_dma source(%dma_start3A_114 : memref<128xi32, #tpu.memory_space<hbm>>) target(%arg6 : memref<128xi32, #tpu.memory_space<vmem>>) target_semaphore(%arg10 : memref<!tpu.dma_semaphore, #tpu.memory_space<semaphore_mem>>)
    %dma_start3A_115 = arith.constant 0 : i32
    %dma_start3A_116 = tpu.memref_slice %arg3[%add3A_110, %dma_start3A_115] : memref<40960x128xf32, #tpu.memory_space<hbm>> -> memref<128x128xf32, #tpu.memory_space<hbm>>
    %dma_start3A_117 = arith.constant 0 : i32
    %dma_start3A_118 = tpu.memref_slice %arg3[%add3A_110, %dma_start3A_117] : memref<40960x128xf32, #tpu.memory_space<hbm>> -> memref<128x128xf32, #tpu.memory_space<hbm>>
    tpu.enqueue_dma source(%dma_start3A_118 : memref<128x128xf32, #tpu.memory_space<hbm>>) target(%arg8 : memref<128x128xf32, #tpu.memory_space<vmem>>) target_semaphore(%arg12 : memref<!tpu.dma_semaphore, #tpu.memory_space<semaphore_mem>>)
    %dma_wait3A_119 = tpu.memref_slice %arg2[%add3A_96] : memref<81920xi32, #tpu.memory_space<hbm>> -> memref<128xi32, #tpu.memory_space<hbm>>
    %dma_wait3A_120 = tpu.memref_slice %arg2[%add3A_96] : memref<81920xi32, #tpu.memory_space<hbm>> -> memref<128xi32, #tpu.memory_space<hbm>>
    tpu.wait_dma2 semaphore(%arg11 : memref<!tpu.dma_semaphore, #tpu.memory_space<semaphore_mem>>) src(%dma_wait3A_120 : memref<128xi32, #tpu.memory_space<hbm>>) dst(%arg7 : memref<128xi32, #tpu.memory_space<vmem>>)
    %dma_wait3A_121 = arith.constant 0 : i32
    %dma_wait3A_122 = tpu.memref_slice %arg3[%add3A_94, %dma_wait3A_121] : memref<40960x128xf32, #tpu.memory_space<hbm>> -> memref<128x128xf32, #tpu.memory_space<hbm>>
    %dma_wait3A_123 = arith.constant 0 : i32
    %dma_wait3A_124 = tpu.memref_slice %arg3[%add3A_94, %dma_wait3A_123] : memref<40960x128xf32, #tpu.memory_space<hbm>> -> memref<128x128xf32, #tpu.memory_space<hbm>>
    tpu.wait_dma2 semaphore(%arg13 : memref<!tpu.dma_semaphore, #tpu.memory_space<semaphore_mem>>) src(%dma_wait3A_124 : memref<128x128xf32, #tpu.memory_space<hbm>>) dst(%arg9 : memref<128x128xf32, #tpu.memory_space<vmem>>)
    "tpu.region"() ({
      %run_scoped3A = tpu.sem_alloc : memref<!tpu.dma_semaphore, #tpu.memory_space<semaphore_mem>>
      %dma_start3A_184 = arith.constant 0 : i32
      %dma_start3A_185 = arith.constant 0 : i32
      %dma_start3A_186 = tpu.memref_slice %arg14[%dma_start3A_184, %dma_start3A_185] : memref<10240x128xf32, #tpu.memory_space<vmem_shared>> -> memref<10240x128xf32, #tpu.memory_space<vmem_shared>>
      tpu.enqueue_indirect_dma source(%arg9 : memref<128x128xf32, #tpu.memory_space<vmem>>) target(%dma_start3A_186 : memref<10240x128xf32, #tpu.memory_space<vmem_shared>>) offsets(%arg7 : memref<128xi32, #tpu.memory_space<vmem>>) semaphore(%run_scoped3A : memref<!tpu.dma_semaphore, #tpu.memory_space<semaphore_mem>>) {add = true}
      %dma_wait3A_187 = arith.constant 0 : i32
      %dma_wait3A_188 = arith.constant 0 : i32
      %dma_wait3A_189 = tpu.memref_slice %arg14[%dma_wait3A_187, %dma_wait3A_188] : memref<10240x128xf32, #tpu.memory_space<vmem_shared>> -> memref<10240x128xf32, #tpu.memory_space<vmem_shared>>
      tpu.wait_indirect_dma semaphore(%run_scoped3A : memref<!tpu.dma_semaphore, #tpu.memory_space<semaphore_mem>>) src(%arg9 : memref<128x128xf32, #tpu.memory_space<vmem>>) dst(%dma_wait3A_189 : memref<10240x128xf32, #tpu.memory_space<vmem_shared>>)
      tpu.yield
    }) : () -> ()
    %add3A_125 = arith.constant 896 : i32
    %add3A_126 = arith.addi %mul3A_22, %add3A_125 : i32
    %add3A_127 = arith.constant 0 : i32
    %add3A_128 = arith.addi %add3A_127, %add3A_126 : i32
    %dma_start3A_129 = tpu.memref_slice %arg2[%add3A_128] : memref<81920xi32, #tpu.memory_space<hbm>> -> memref<128xi32, #tpu.memory_space<hbm>>
    %dma_start3A_130 = tpu.memref_slice %arg2[%add3A_128] : memref<81920xi32, #tpu.memory_space<hbm>> -> memref<128xi32, #tpu.memory_space<hbm>>
    tpu.enqueue_dma source(%dma_start3A_130 : memref<128xi32, #tpu.memory_space<hbm>>) target(%arg7 : memref<128xi32, #tpu.memory_space<vmem>>) target_semaphore(%arg11 : memref<!tpu.dma_semaphore, #tpu.memory_space<semaphore_mem>>)
    %dma_start3A_131 = arith.constant 0 : i32
    %dma_start3A_132 = tpu.memref_slice %arg3[%add3A_126, %dma_start3A_131] : memref<40960x128xf32, #tpu.memory_space<hbm>> -> memref<128x128xf32, #tpu.memory_space<hbm>>
    %dma_start3A_133 = arith.constant 0 : i32
    %dma_start3A_134 = tpu.memref_slice %arg3[%add3A_126, %dma_start3A_133] : memref<40960x128xf32, #tpu.memory_space<hbm>> -> memref<128x128xf32, #tpu.memory_space<hbm>>
    tpu.enqueue_dma source(%dma_start3A_134 : memref<128x128xf32, #tpu.memory_space<hbm>>) target(%arg9 : memref<128x128xf32, #tpu.memory_space<vmem>>) target_semaphore(%arg13 : memref<!tpu.dma_semaphore, #tpu.memory_space<semaphore_mem>>)
    %dma_wait3A_135 = tpu.memref_slice %arg2[%add3A_112] : memref<81920xi32, #tpu.memory_space<hbm>> -> memref<128xi32, #tpu.memory_space<hbm>>
    %dma_wait3A_136 = tpu.memref_slice %arg2[%add3A_112] : memref<81920xi32, #tpu.memory_space<hbm>> -> memref<128xi32, #tpu.memory_space<hbm>>
    tpu.wait_dma2 semaphore(%arg10 : memref<!tpu.dma_semaphore, #tpu.memory_space<semaphore_mem>>) src(%dma_wait3A_136 : memref<128xi32, #tpu.memory_space<hbm>>) dst(%arg6 : memref<128xi32, #tpu.memory_space<vmem>>)
    %dma_wait3A_137 = arith.constant 0 : i32
    %dma_wait3A_138 = tpu.memref_slice %arg3[%add3A_110, %dma_wait3A_137] : memref<40960x128xf32, #tpu.memory_space<hbm>> -> memref<128x128xf32, #tpu.memory_space<hbm>>
    %dma_wait3A_139 = arith.constant 0 : i32
    %dma_wait3A_140 = tpu.memref_slice %arg3[%add3A_110, %dma_wait3A_139] : memref<40960x128xf32, #tpu.memory_space<hbm>> -> memref<128x128xf32, #tpu.memory_space<hbm>>
    tpu.wait_dma2 semaphore(%arg12 : memref<!tpu.dma_semaphore, #tpu.memory_space<semaphore_mem>>) src(%dma_wait3A_140 : memref<128x128xf32, #tpu.memory_space<hbm>>) dst(%arg8 : memref<128x128xf32, #tpu.memory_space<vmem>>)
    "tpu.region"() ({
      %run_scoped3A = tpu.sem_alloc : memref<!tpu.dma_semaphore, #tpu.memory_space<semaphore_mem>>
      %dma_start3A_184 = arith.constant 0 : i32
      %dma_start3A_185 = arith.constant 0 : i32
      %dma_start3A_186 = tpu.memref_slice %arg14[%dma_start3A_184, %dma_start3A_185] : memref<10240x128xf32, #tpu.memory_space<vmem_shared>> -> memref<10240x128xf32, #tpu.memory_space<vmem_shared>>
      tpu.enqueue_indirect_dma source(%arg8 : memref<128x128xf32, #tpu.memory_space<vmem>>) target(%dma_start3A_186 : memref<10240x128xf32, #tpu.memory_space<vmem_shared>>) offsets(%arg6 : memref<128xi32, #tpu.memory_space<vmem>>) semaphore(%run_scoped3A : memref<!tpu.dma_semaphore, #tpu.memory_space<semaphore_mem>>) {add = true}
      %dma_wait3A_187 = arith.constant 0 : i32
      %dma_wait3A_188 = arith.constant 0 : i32
      %dma_wait3A_189 = tpu.memref_slice %arg14[%dma_wait3A_187, %dma_wait3A_188] : memref<10240x128xf32, #tpu.memory_space<vmem_shared>> -> memref<10240x128xf32, #tpu.memory_space<vmem_shared>>
      tpu.wait_indirect_dma semaphore(%run_scoped3A : memref<!tpu.dma_semaphore, #tpu.memory_space<semaphore_mem>>) src(%arg8 : memref<128x128xf32, #tpu.memory_space<vmem>>) dst(%dma_wait3A_189 : memref<10240x128xf32, #tpu.memory_space<vmem_shared>>)
      tpu.yield
    }) : () -> ()
    %add3A_141 = arith.constant 1024 : i32
    %add3A_142 = arith.addi %mul3A_22, %add3A_141 : i32
    %add3A_143 = arith.constant 0 : i32
    %add3A_144 = arith.addi %add3A_143, %add3A_142 : i32
    %dma_start3A_145 = tpu.memref_slice %arg2[%add3A_144] : memref<81920xi32, #tpu.memory_space<hbm>> -> memref<128xi32, #tpu.memory_space<hbm>>
    %dma_start3A_146 = tpu.memref_slice %arg2[%add3A_144] : memref<81920xi32, #tpu.memory_space<hbm>> -> memref<128xi32, #tpu.memory_space<hbm>>
    tpu.enqueue_dma source(%dma_start3A_146 : memref<128xi32, #tpu.memory_space<hbm>>) target(%arg6 : memref<128xi32, #tpu.memory_space<vmem>>) target_semaphore(%arg10 : memref<!tpu.dma_semaphore, #tpu.memory_space<semaphore_mem>>)
    %dma_start3A_147 = arith.constant 0 : i32
    %dma_start3A_148 = tpu.memref_slice %arg3[%add3A_142, %dma_start3A_147] : memref<40960x128xf32, #tpu.memory_space<hbm>> -> memref<128x128xf32, #tpu.memory_space<hbm>>
    %dma_start3A_149 = arith.constant 0 : i32
    %dma_start3A_150 = tpu.memref_slice %arg3[%add3A_142, %dma_start3A_149] : memref<40960x128xf32, #tpu.memory_space<hbm>> -> memref<128x128xf32, #tpu.memory_space<hbm>>
    tpu.enqueue_dma source(%dma_start3A_150 : memref<128x128xf32, #tpu.memory_space<hbm>>) target(%arg8 : memref<128x128xf32, #tpu.memory_space<vmem>>) target_semaphore(%arg12 : memref<!tpu.dma_semaphore, #tpu.memory_space<semaphore_mem>>)
    %dma_wait3A_151 = tpu.memref_slice %arg2[%add3A_128] : memref<81920xi32, #tpu.memory_space<hbm>> -> memref<128xi32, #tpu.memory_space<hbm>>
    %dma_wait3A_152 = tpu.memref_slice %arg2[%add3A_128] : memref<81920xi32, #tpu.memory_space<hbm>> -> memref<128xi32, #tpu.memory_space<hbm>>
    tpu.wait_dma2 semaphore(%arg11 : memref<!tpu.dma_semaphore, #tpu.memory_space<semaphore_mem>>) src(%dma_wait3A_152 : memref<128xi32, #tpu.memory_space<hbm>>) dst(%arg7 : memref<128xi32, #tpu.memory_space<vmem>>)
    %dma_wait3A_153 = arith.constant 0 : i32
    %dma_wait3A_154 = tpu.memref_slice %arg3[%add3A_126, %dma_wait3A_153] : memref<40960x128xf32, #tpu.memory_space<hbm>> -> memref<128x128xf32, #tpu.memory_space<hbm>>
    %dma_wait3A_155 = arith.constant 0 : i32
    %dma_wait3A_156 = tpu.memref_slice %arg3[%add3A_126, %dma_wait3A_155] : memref<40960x128xf32, #tpu.memory_space<hbm>> -> memref<128x128xf32, #tpu.memory_space<hbm>>
    tpu.wait_dma2 semaphore(%arg13 : memref<!tpu.dma_semaphore, #tpu.memory_space<semaphore_mem>>) src(%dma_wait3A_156 : memref<128x128xf32, #tpu.memory_space<hbm>>) dst(%arg9 : memref<128x128xf32, #tpu.memory_space<vmem>>)
    "tpu.region"() ({
      %run_scoped3A = tpu.sem_alloc : memref<!tpu.dma_semaphore, #tpu.memory_space<semaphore_mem>>
      %dma_start3A_184 = arith.constant 0 : i32
      %dma_start3A_185 = arith.constant 0 : i32
      %dma_start3A_186 = tpu.memref_slice %arg14[%dma_start3A_184, %dma_start3A_185] : memref<10240x128xf32, #tpu.memory_space<vmem_shared>> -> memref<10240x128xf32, #tpu.memory_space<vmem_shared>>
      tpu.enqueue_indirect_dma source(%arg9 : memref<128x128xf32, #tpu.memory_space<vmem>>) target(%dma_start3A_186 : memref<10240x128xf32, #tpu.memory_space<vmem_shared>>) offsets(%arg7 : memref<128xi32, #tpu.memory_space<vmem>>) semaphore(%run_scoped3A : memref<!tpu.dma_semaphore, #tpu.memory_space<semaphore_mem>>) {add = true}
      %dma_wait3A_187 = arith.constant 0 : i32
      %dma_wait3A_188 = arith.constant 0 : i32
      %dma_wait3A_189 = tpu.memref_slice %arg14[%dma_wait3A_187, %dma_wait3A_188] : memref<10240x128xf32, #tpu.memory_space<vmem_shared>> -> memref<10240x128xf32, #tpu.memory_space<vmem_shared>>
      tpu.wait_indirect_dma semaphore(%run_scoped3A : memref<!tpu.dma_semaphore, #tpu.memory_space<semaphore_mem>>) src(%arg9 : memref<128x128xf32, #tpu.memory_space<vmem>>) dst(%dma_wait3A_189 : memref<10240x128xf32, #tpu.memory_space<vmem_shared>>)
      tpu.yield
    }) : () -> ()
    %add3A_157 = arith.constant 1152 : i32
    %add3A_158 = arith.addi %mul3A_22, %add3A_157 : i32
    %add3A_159 = arith.constant 0 : i32
    %add3A_160 = arith.addi %add3A_159, %add3A_158 : i32
    %dma_start3A_161 = tpu.memref_slice %arg2[%add3A_160] : memref<81920xi32, #tpu.memory_space<hbm>> -> memref<128xi32, #tpu.memory_space<hbm>>
    %dma_start3A_162 = tpu.memref_slice %arg2[%add3A_160] : memref<81920xi32, #tpu.memory_space<hbm>> -> memref<128xi32, #tpu.memory_space<hbm>>
    tpu.enqueue_dma source(%dma_start3A_162 : memref<128xi32, #tpu.memory_space<hbm>>) target(%arg7 : memref<128xi32, #tpu.memory_space<vmem>>) target_semaphore(%arg11 : memref<!tpu.dma_semaphore, #tpu.memory_space<semaphore_mem>>)
    %dma_start3A_163 = arith.constant 0 : i32
    %dma_start3A_164 = tpu.memref_slice %arg3[%add3A_158, %dma_start3A_163] : memref<40960x128xf32, #tpu.memory_space<hbm>> -> memref<128x128xf32, #tpu.memory_space<hbm>>
    %dma_start3A_165 = arith.constant 0 : i32
    %dma_start3A_166 = tpu.memref_slice %arg3[%add3A_158, %dma_start3A_165] : memref<40960x128xf32, #tpu.memory_space<hbm>> -> memref<128x128xf32, #tpu.memory_space<hbm>>
    tpu.enqueue_dma source(%dma_start3A_166 : memref<128x128xf32, #tpu.memory_space<hbm>>) target(%arg9 : memref<128x128xf32, #tpu.memory_space<vmem>>) target_semaphore(%arg13 : memref<!tpu.dma_semaphore, #tpu.memory_space<semaphore_mem>>)
    %dma_wait3A_167 = tpu.memref_slice %arg2[%add3A_144] : memref<81920xi32, #tpu.memory_space<hbm>> -> memref<128xi32, #tpu.memory_space<hbm>>
    %dma_wait3A_168 = tpu.memref_slice %arg2[%add3A_144] : memref<81920xi32, #tpu.memory_space<hbm>> -> memref<128xi32, #tpu.memory_space<hbm>>
    tpu.wait_dma2 semaphore(%arg10 : memref<!tpu.dma_semaphore, #tpu.memory_space<semaphore_mem>>) src(%dma_wait3A_168 : memref<128xi32, #tpu.memory_space<hbm>>) dst(%arg6 : memref<128xi32, #tpu.memory_space<vmem>>)
    %dma_wait3A_169 = arith.constant 0 : i32
    %dma_wait3A_170 = tpu.memref_slice %arg3[%add3A_142, %dma_wait3A_169] : memref<40960x128xf32, #tpu.memory_space<hbm>> -> memref<128x128xf32, #tpu.memory_space<hbm>>
    %dma_wait3A_171 = arith.constant 0 : i32
    %dma_wait3A_172 = tpu.memref_slice %arg3[%add3A_142, %dma_wait3A_171] : memref<40960x128xf32, #tpu.memory_space<hbm>> -> memref<128x128xf32, #tpu.memory_space<hbm>>
    tpu.wait_dma2 semaphore(%arg12 : memref<!tpu.dma_semaphore, #tpu.memory_space<semaphore_mem>>) src(%dma_wait3A_172 : memref<128x128xf32, #tpu.memory_space<hbm>>) dst(%arg8 : memref<128x128xf32, #tpu.memory_space<vmem>>)
    "tpu.region"() ({
      %run_scoped3A = tpu.sem_alloc : memref<!tpu.dma_semaphore, #tpu.memory_space<semaphore_mem>>
      %dma_start3A_184 = arith.constant 0 : i32
      %dma_start3A_185 = arith.constant 0 : i32
      %dma_start3A_186 = tpu.memref_slice %arg14[%dma_start3A_184, %dma_start3A_185] : memref<10240x128xf32, #tpu.memory_space<vmem_shared>> -> memref<10240x128xf32, #tpu.memory_space<vmem_shared>>
      tpu.enqueue_indirect_dma source(%arg8 : memref<128x128xf32, #tpu.memory_space<vmem>>) target(%dma_start3A_186 : memref<10240x128xf32, #tpu.memory_space<vmem_shared>>) offsets(%arg6 : memref<128xi32, #tpu.memory_space<vmem>>) semaphore(%run_scoped3A : memref<!tpu.dma_semaphore, #tpu.memory_space<semaphore_mem>>) {add = true}
      %dma_wait3A_187 = arith.constant 0 : i32
      %dma_wait3A_188 = arith.constant 0 : i32
      %dma_wait3A_189 = tpu.memref_slice %arg14[%dma_wait3A_187, %dma_wait3A_188] : memref<10240x128xf32, #tpu.memory_space<vmem_shared>> -> memref<10240x128xf32, #tpu.memory_space<vmem_shared>>
      tpu.wait_indirect_dma semaphore(%run_scoped3A : memref<!tpu.dma_semaphore, #tpu.memory_space<semaphore_mem>>) src(%arg8 : memref<128x128xf32, #tpu.memory_space<vmem>>) dst(%dma_wait3A_189 : memref<10240x128xf32, #tpu.memory_space<vmem_shared>>)
      tpu.yield
    }) : () -> ()
    %dma_wait3A_173 = tpu.memref_slice %arg2[%add3A_160] : memref<81920xi32, #tpu.memory_space<hbm>> -> memref<128xi32, #tpu.memory_space<hbm>>
    %dma_wait3A_174 = tpu.memref_slice %arg2[%add3A_160] : memref<81920xi32, #tpu.memory_space<hbm>> -> memref<128xi32, #tpu.memory_space<hbm>>
    tpu.wait_dma2 semaphore(%arg11 : memref<!tpu.dma_semaphore, #tpu.memory_space<semaphore_mem>>) src(%dma_wait3A_174 : memref<128xi32, #tpu.memory_space<hbm>>) dst(%arg7 : memref<128xi32, #tpu.memory_space<vmem>>)
    %dma_wait3A_175 = arith.constant 0 : i32
    %dma_wait3A_176 = tpu.memref_slice %arg3[%add3A_158, %dma_wait3A_175] : memref<40960x128xf32, #tpu.memory_space<hbm>> -> memref<128x128xf32, #tpu.memory_space<hbm>>
    %dma_wait3A_177 = arith.constant 0 : i32
    %dma_wait3A_178 = tpu.memref_slice %arg3[%add3A_158, %dma_wait3A_177] : memref<40960x128xf32, #tpu.memory_space<hbm>> -> memref<128x128xf32, #tpu.memory_space<hbm>>
    tpu.wait_dma2 semaphore(%arg13 : memref<!tpu.dma_semaphore, #tpu.memory_space<semaphore_mem>>) src(%dma_wait3A_178 : memref<128x128xf32, #tpu.memory_space<hbm>>) dst(%arg9 : memref<128x128xf32, #tpu.memory_space<vmem>>)
    "tpu.region"() ({
      %run_scoped3A = tpu.sem_alloc : memref<!tpu.dma_semaphore, #tpu.memory_space<semaphore_mem>>
      %dma_start3A_184 = arith.constant 0 : i32
      %dma_start3A_185 = arith.constant 0 : i32
      %dma_start3A_186 = tpu.memref_slice %arg14[%dma_start3A_184, %dma_start3A_185] : memref<10240x128xf32, #tpu.memory_space<vmem_shared>> -> memref<10240x128xf32, #tpu.memory_space<vmem_shared>>
      tpu.enqueue_indirect_dma source(%arg9 : memref<128x128xf32, #tpu.memory_space<vmem>>) target(%dma_start3A_186 : memref<10240x128xf32, #tpu.memory_space<vmem_shared>>) offsets(%arg7 : memref<128xi32, #tpu.memory_space<vmem>>) semaphore(%run_scoped3A : memref<!tpu.dma_semaphore, #tpu.memory_space<semaphore_mem>>) {add = true}
      %dma_wait3A_187 = arith.constant 0 : i32
      %dma_wait3A_188 = arith.constant 0 : i32
      %dma_wait3A_189 = tpu.memref_slice %arg14[%dma_wait3A_187, %dma_wait3A_188] : memref<10240x128xf32, #tpu.memory_space<vmem_shared>> -> memref<10240x128xf32, #tpu.memory_space<vmem_shared>>
      tpu.wait_indirect_dma semaphore(%run_scoped3A : memref<!tpu.dma_semaphore, #tpu.memory_space<semaphore_mem>>) src(%arg9 : memref<128x128xf32, #tpu.memory_space<vmem>>) dst(%dma_wait3A_189 : memref<10240x128xf32, #tpu.memory_space<vmem_shared>>)
      tpu.yield
    }) : () -> ()
    %barrier3A_179 = arith.constant 0 : index
    tpu.barrier barrier_id(%barrier3A_179)
    %mul3A_180 = arith.constant 640 : i32
    %mul3A_181 = arith.muli %arg1, %mul3A_180 : i32
    %mul3A_182 = arith.constant 640 : i32
    %mul3A_183 = arith.muli %arg1, %mul3A_182 : i32
    "tpu.region"() ({
      %run_scoped3A = tpu.sem_alloc : memref<!tpu.dma_semaphore, #tpu.memory_space<semaphore_mem>>
      %dma_start3A_184 = arith.constant 0 : i32
      %dma_start3A_185 = tpu.memref_slice %arg5[%arg0, %mul3A_183, %dma_start3A_184] : memref<2x10240x128xf32, #tpu.memory_space<hbm>> -> memref<1x640x128xf32, #tpu.memory_space<hbm>>
      %dma_start3A_186 = tpu.memref_squeeze %dma_start3A_185 : memref<1x640x128xf32, #tpu.memory_space<hbm>> -> memref<640x128xf32, #tpu.memory_space<hbm>>
      %dma_start3A_187 = arith.constant 0 : i32
      %dma_start3A_188 = tpu.memref_slice %arg14[%mul3A_181, %dma_start3A_187] : memref<10240x128xf32, #tpu.memory_space<vmem_shared>> -> memref<640x128xf32, #tpu.memory_space<vmem_shared>>
      tpu.enqueue_dma source(%dma_start3A_188 : memref<640x128xf32, #tpu.memory_space<vmem_shared>>) target(%dma_start3A_186 : memref<640x128xf32, #tpu.memory_space<hbm>>) target_semaphore(%run_scoped3A : memref<!tpu.dma_semaphore, #tpu.memory_space<semaphore_mem>>)
      %dma_wait3A_189 = arith.constant 0 : i32
      %dma_wait3A_190 = tpu.memref_slice %arg5[%arg0, %mul3A_183, %dma_wait3A_189] : memref<2x10240x128xf32, #tpu.memory_space<hbm>> -> memref<1x640x128xf32, #tpu.memory_space<hbm>>
      %dma_wait3A_191 = tpu.memref_squeeze %dma_wait3A_190 : memref<1x640x128xf32, #tpu.memory_space<hbm>> -> memref<640x128xf32, #tpu.memory_space<hbm>>
      %dma_wait3A_192 = arith.constant 0 : i32
      %dma_wait3A_193 = tpu.memref_slice %arg14[%mul3A_181, %dma_wait3A_192] : memref<10240x128xf32, #tpu.memory_space<vmem_shared>> -> memref<640x128xf32, #tpu.memory_space<vmem_shared>>
      tpu.wait_dma2 semaphore(%run_scoped3A : memref<!tpu.dma_semaphore, #tpu.memory_space<semaphore_mem>>) src(%dma_wait3A_193 : memref<640x128xf32, #tpu.memory_space<vmem_shared>>) dst(%dma_wait3A_191 : memref<640x128xf32, #tpu.memory_space<hbm>>)
      tpu.yield
    }) : () -> ()
    return
  }
}

module attributes {stable_mosaic.version = 14 : i64} {
  func.func @_msg_body(%arg0: i32, %arg1: memref<4096x16xf32, #tpu.memory_space<vmem>>, %arg2: memref<4096x128xf32, #tpu.memory_space<vmem>>, %arg3: memref<64x512xf32, #tpu.memory_space<vmem>>, %arg4: memref<16x512xf32, #tpu.memory_space<vmem>>, %arg5: memref<512x32xf32, #tpu.memory_space<vmem>>, %arg6: memref<64x32xf32, #tpu.memory_space<vmem>>, %arg7: memref<4096x128xf32, #tpu.memory_space<vmem>>) attributes {dimension_semantics = [#tpu.dimension_semantics<arbitrary>], iteration_bounds = array<i64: 10>, scalar_prefetch = 0 : i64, scratch_operands = 0 : i64, tpu.core_type = #tpu.core_type<tc>, window_params = [{transform_indices = @transform_0, window_bounds = array<i64: 4096, 16>}, {transform_indices = @transform_1, window_bounds = array<i64: 4096, 128>}, {pipeline_mode = #tpu.pipeline_mode<synchronous>, transform_indices = @transform_2, window_bounds = array<i64: 64, 512>}, {pipeline_mode = #tpu.pipeline_mode<synchronous>, transform_indices = @transform_3, window_bounds = array<i64: 16, 512>}, {pipeline_mode = #tpu.pipeline_mode<synchronous>, transform_indices = @transform_4, window_bounds = array<i64: 512, 32>}, {pipeline_mode = #tpu.pipeline_mode<synchronous>, transform_indices = @transform_5, window_bounds = array<i64: 64, 32>}, {transform_indices = @transform_6, window_bounds = array<i64: 4096, 128>}]} {
    %get3A = arith.constant 0 : index
    %get3A_0 = arith.constant 0 : index
    %get3A_1 = vector.load %arg2[%get3A, %get3A_0] : memref<4096x128xf32, #tpu.memory_space<vmem>>, vector<4096x64xf32>
    %get3A_2 = arith.constant 0 : index
    %get3A_3 = arith.constant 0 : index
    %get3A_4 = vector.load %arg3[%get3A_2, %get3A_3] : memref<64x512xf32, #tpu.memory_space<vmem>>, vector<64x512xf32>
    %dot_general3A = arith.constant dense<0.000000e+00> : vector<4096x512xf32>
    %dot_general3A_5 = tpu.matmul %get3A_1, %get3A_4, %dot_general3A {dimension_numbers = #tpu.dot_dimension_numbers<[1], [0], [0], [1], [0, 0, 1, 1], [], []>, transpose_lhs_hint = false} : vector<4096x64xf32>, vector<64x512xf32>, vector<4096x512xf32> -> vector<4096x512xf32>
    %get3A_6 = arith.constant 0 : index
    %get3A_7 = arith.constant 0 : index
    %get3A_8 = vector.load %arg1[%get3A_6, %get3A_7] : memref<4096x16xf32, #tpu.memory_space<vmem>>, vector<4096x16xf32>
    %get3A_9 = arith.constant 0 : index
    %get3A_10 = arith.constant 0 : index
    %get3A_11 = vector.load %arg4[%get3A_9, %get3A_10] : memref<16x512xf32, #tpu.memory_space<vmem>>, vector<16x512xf32>
    %dot_general3A_12 = arith.constant dense<0.000000e+00> : vector<4096x512xf32>
    %dot_general3A_13 = tpu.matmul %get3A_8, %get3A_11, %dot_general3A_12 {dimension_numbers = #tpu.dot_dimension_numbers<[1], [0], [0], [1], [0, 0, 1, 1], [], []>, transpose_lhs_hint = false} : vector<4096x16xf32>, vector<16x512xf32>, vector<4096x512xf32> -> vector<4096x512xf32>
    %mul3A = arith.mulf %dot_general3A_13, %dot_general3A_5 : vector<4096x512xf32>
    %get3A_14 = arith.constant 0 : index
    %get3A_15 = arith.constant 0 : index
    %get3A_16 = vector.load %arg5[%get3A_14, %get3A_15] : memref<512x32xf32, #tpu.memory_space<vmem>>, vector<512x32xf32>
    %dot_general3A_17 = arith.constant dense<0.000000e+00> : vector<4096x32xf32>
    %dot_general3A_18 = tpu.matmul %mul3A, %get3A_16, %dot_general3A_17 {dimension_numbers = #tpu.dot_dimension_numbers<[1], [0], [0], [1], [0, 0, 1, 1], [], []>, transpose_lhs_hint = false} : vector<4096x512xf32>, vector<512x32xf32>, vector<4096x32xf32> -> vector<4096x32xf32>
    %get3A_19 = arith.constant 0 : index
    %get3A_20 = arith.constant 0 : index
    %get3A_21 = vector.load %arg6[%get3A_19, %get3A_20] : memref<64x32xf32, #tpu.memory_space<vmem>>, vector<64x32xf32>
    %dot_general3A_22 = arith.constant dense<0.000000e+00> : vector<4096x32xf32>
    %dot_general3A_23 = tpu.matmul %get3A_1, %get3A_21, %dot_general3A_22 {dimension_numbers = #tpu.dot_dimension_numbers<[1], [0], [0], [1], [0, 0, 1, 1], [], []>, transpose_lhs_hint = false} : vector<4096x64xf32>, vector<64x32xf32>, vector<4096x32xf32> -> vector<4096x32xf32>
    %add3A = arith.addf %dot_general3A_18, %dot_general3A_23 : vector<4096x32xf32>
    %broadcast_in_dim3A = arith.constant 0.000000e+00 : f32
    %broadcast_in_dim3A_24 = vector.broadcast %broadcast_in_dim3A : f32 to vector<4096x96xf32>
    %concatenate3A = tpu.concatenate %add3A, %broadcast_in_dim3A_24 in 1 : vector<4096x32xf32>, vector<4096x96xf32> -> vector<4096x128xf32>
    %swap3A = arith.constant 0 : index
    %swap3A_25 = arith.constant 0 : index
    %swap3A_26 = vector.load %arg7[%swap3A, %swap3A_25] : memref<4096x128xf32, #tpu.memory_space<vmem>>, vector<4096x128xf32>
    tpu.vector_store %arg7[%swap3A, %swap3A_25], %concatenate3A {strides = array<i32>} : memref<4096x128xf32, #tpu.memory_space<vmem>>, vector<4096x128xf32>,
    return
  }
  func.func @transform_0(%arg0: i32) -> (i32, i32) {
    %add3A = arith.constant 0 : i32
    %add3A_0 = arith.addi %arg0, %add3A : i32
    %c0_i32 = arith.constant 0 : i32
    %c0_i32_1 = arith.constant 0 : i32
    return %add3A_0, %c0_i32 : i32, i32
  }
  func.func @transform_1(%arg0: i32) -> (i32, i32) {
    %add3A = arith.constant 0 : i32
    %add3A_0 = arith.addi %arg0, %add3A : i32
    %c0_i32 = arith.constant 0 : i32
    %c0_i32_1 = arith.constant 0 : i32
    return %add3A_0, %c0_i32 : i32, i32
  }
  func.func @transform_2(%arg0: i32) -> (i32, i32) {
    %c0_i32 = arith.constant 0 : i32
    %c0_i32_0 = arith.constant 0 : i32
    %c0_i32_1 = arith.constant 0 : i32
    return %c0_i32, %c0_i32_0 : i32, i32
  }
  func.func @transform_3(%arg0: i32) -> (i32, i32) {
    %c0_i32 = arith.constant 0 : i32
    %c0_i32_0 = arith.constant 0 : i32
    %c0_i32_1 = arith.constant 0 : i32
    return %c0_i32, %c0_i32_0 : i32, i32
  }
  func.func @transform_4(%arg0: i32) -> (i32, i32) {
    %c0_i32 = arith.constant 0 : i32
    %c0_i32_0 = arith.constant 0 : i32
    %c0_i32_1 = arith.constant 0 : i32
    return %c0_i32, %c0_i32_0 : i32, i32
  }
  func.func @transform_5(%arg0: i32) -> (i32, i32) {
    %c0_i32 = arith.constant 0 : i32
    %c0_i32_0 = arith.constant 0 : i32
    %c0_i32_1 = arith.constant 0 : i32
    return %c0_i32, %c0_i32_0 : i32, i32
  }
  func.func @transform_6(%arg0: i32) -> (i32, i32) {
    %c0_i32 = arith.constant 0 : i32
    %c0_i32_0 = arith.constant 0 : i32
    return %arg0, %c0_i32 : i32, i32
  }
}

module attributes {stable_mosaic.version = 14 : i64} {
  func.func @_msg_body(%arg0: i32, %arg1: memref<4096x16xf32, #tpu.memory_space<vmem>>, %arg2: memref<4096x128xf32, #tpu.memory_space<vmem>>, %arg3: memref<64x512xf32, #tpu.memory_space<vmem>>, %arg4: memref<16x512xf32, #tpu.memory_space<vmem>>, %arg5: memref<512x32xf32, #tpu.memory_space<vmem>>, %arg6: memref<64x32xf32, #tpu.memory_space<vmem>>, %arg7: memref<4096x128xf32, #tpu.memory_space<vmem>>) attributes {dimension_semantics = [#tpu.dimension_semantics<arbitrary>], iteration_bounds = array<i64: 10>, scalar_prefetch = 0 : i64, scratch_operands = 0 : i64, tpu.core_type = #tpu.core_type<tc>, window_params = [{transform_indices = @transform_0, window_bounds = array<i64: 4096, 16>}, {transform_indices = @transform_1, window_bounds = array<i64: 4096, 128>}, {pipeline_mode = #tpu.pipeline_mode<synchronous>, transform_indices = @transform_2, window_bounds = array<i64: 64, 512>}, {pipeline_mode = #tpu.pipeline_mode<synchronous>, transform_indices = @transform_3, window_bounds = array<i64: 16, 512>}, {pipeline_mode = #tpu.pipeline_mode<synchronous>, transform_indices = @transform_4, window_bounds = array<i64: 512, 32>}, {pipeline_mode = #tpu.pipeline_mode<synchronous>, transform_indices = @transform_5, window_bounds = array<i64: 64, 32>}, {transform_indices = @transform_6, window_bounds = array<i64: 4096, 128>}]} {
    %get3A = arith.constant 0 : index
    %get3A_0 = arith.constant 0 : index
    %get3A_1 = vector.load %arg2[%get3A, %get3A_0] : memref<4096x128xf32, #tpu.memory_space<vmem>>, vector<4096x64xf32>
    %get3A_2 = arith.constant 0 : index
    %get3A_3 = arith.constant 0 : index
    %get3A_4 = vector.load %arg3[%get3A_2, %get3A_3] : memref<64x512xf32, #tpu.memory_space<vmem>>, vector<64x512xf32>
    %dot_general3A = arith.constant dense<0.000000e+00> : vector<4096x512xf32>
    %dot_general3A_5 = tpu.matmul %get3A_1, %get3A_4, %dot_general3A {dimension_numbers = #tpu.dot_dimension_numbers<[1], [0], [0], [1], [0, 0, 1, 1], [], []>, transpose_lhs_hint = false} : vector<4096x64xf32>, vector<64x512xf32>, vector<4096x512xf32> -> vector<4096x512xf32>
    %get3A_6 = arith.constant 0 : index
    %get3A_7 = arith.constant 0 : index
    %get3A_8 = vector.load %arg1[%get3A_6, %get3A_7] : memref<4096x16xf32, #tpu.memory_space<vmem>>, vector<4096x16xf32>
    %get3A_9 = arith.constant 0 : index
    %get3A_10 = arith.constant 0 : index
    %get3A_11 = vector.load %arg4[%get3A_9, %get3A_10] : memref<16x512xf32, #tpu.memory_space<vmem>>, vector<16x512xf32>
    %dot_general3A_12 = arith.constant dense<0.000000e+00> : vector<4096x512xf32>
    %dot_general3A_13 = tpu.matmul %get3A_8, %get3A_11, %dot_general3A_12 {dimension_numbers = #tpu.dot_dimension_numbers<[1], [0], [0], [1], [0, 0, 1, 1], [], []>, transpose_lhs_hint = false} : vector<4096x16xf32>, vector<16x512xf32>, vector<4096x512xf32> -> vector<4096x512xf32>
    %mul3A = arith.mulf %dot_general3A_13, %dot_general3A_5 : vector<4096x512xf32>
    %get3A_14 = arith.constant 0 : index
    %get3A_15 = arith.constant 0 : index
    %get3A_16 = vector.load %arg5[%get3A_14, %get3A_15] : memref<512x32xf32, #tpu.memory_space<vmem>>, vector<512x32xf32>
    %dot_general3A_17 = arith.constant dense<0.000000e+00> : vector<4096x32xf32>
    %dot_general3A_18 = tpu.matmul %mul3A, %get3A_16, %dot_general3A_17 {dimension_numbers = #tpu.dot_dimension_numbers<[1], [0], [0], [1], [0, 0, 1, 1], [], []>, transpose_lhs_hint = false} : vector<4096x512xf32>, vector<512x32xf32>, vector<4096x32xf32> -> vector<4096x32xf32>
    %get3A_19 = arith.constant 0 : index
    %get3A_20 = arith.constant 0 : index
    %get3A_21 = vector.load %arg6[%get3A_19, %get3A_20] : memref<64x32xf32, #tpu.memory_space<vmem>>, vector<64x32xf32>
    %dot_general3A_22 = arith.constant dense<0.000000e+00> : vector<4096x32xf32>
    %dot_general3A_23 = tpu.matmul %get3A_1, %get3A_21, %dot_general3A_22 {dimension_numbers = #tpu.dot_dimension_numbers<[1], [0], [0], [1], [0, 0, 1, 1], [], []>, transpose_lhs_hint = false} : vector<4096x64xf32>, vector<64x32xf32>, vector<4096x32xf32> -> vector<4096x32xf32>
    %add3A = arith.addf %dot_general3A_18, %dot_general3A_23 : vector<4096x32xf32>
    %broadcast_in_dim3A = arith.constant 0.000000e+00 : f32
    %broadcast_in_dim3A_24 = vector.broadcast %broadcast_in_dim3A : f32 to vector<4096x96xf32>
    %concatenate3A = tpu.concatenate %add3A, %broadcast_in_dim3A_24 in 1 : vector<4096x32xf32>, vector<4096x96xf32> -> vector<4096x128xf32>
    %swap3A = arith.constant 0 : index
    %swap3A_25 = arith.constant 0 : index
    %swap3A_26 = vector.load %arg7[%swap3A, %swap3A_25] : memref<4096x128xf32, #tpu.memory_space<vmem>>, vector<4096x128xf32>
    tpu.vector_store %arg7[%swap3A, %swap3A_25], %concatenate3A {strides = array<i32>} : memref<4096x128xf32, #tpu.memory_space<vmem>>, vector<4096x128xf32>,
    return
  }
  func.func @transform_0(%arg0: i32) -> (i32, i32) {
    %add3A = arith.constant 10 : i32
    %add3A_0 = arith.addi %arg0, %add3A : i32
    %c0_i32 = arith.constant 0 : i32
    %c0_i32_1 = arith.constant 0 : i32
    return %add3A_0, %c0_i32 : i32, i32
  }
  func.func @transform_1(%arg0: i32) -> (i32, i32) {
    %add3A = arith.constant 10 : i32
    %add3A_0 = arith.addi %arg0, %add3A : i32
    %c0_i32 = arith.constant 0 : i32
    %c0_i32_1 = arith.constant 0 : i32
    return %add3A_0, %c0_i32 : i32, i32
  }
  func.func @transform_2(%arg0: i32) -> (i32, i32) {
    %c0_i32 = arith.constant 0 : i32
    %c0_i32_0 = arith.constant 0 : i32
    %c0_i32_1 = arith.constant 0 : i32
    return %c0_i32, %c0_i32_0 : i32, i32
  }
  func.func @transform_3(%arg0: i32) -> (i32, i32) {
    %c0_i32 = arith.constant 0 : i32
    %c0_i32_0 = arith.constant 0 : i32
    %c0_i32_1 = arith.constant 0 : i32
    return %c0_i32, %c0_i32_0 : i32, i32
  }
  func.func @transform_4(%arg0: i32) -> (i32, i32) {
    %c0_i32 = arith.constant 0 : i32
    %c0_i32_0 = arith.constant 0 : i32
    %c0_i32_1 = arith.constant 0 : i32
    return %c0_i32, %c0_i32_0 : i32, i32
  }
  func.func @transform_5(%arg0: i32) -> (i32, i32) {
    %c0_i32 = arith.constant 0 : i32
    %c0_i32_0 = arith.constant 0 : i32
    %c0_i32_1 = arith.constant 0 : i32
    return %c0_i32, %c0_i32_0 : i32, i32
  }
  func.func @transform_6(%arg0: i32) -> (i32, i32) {
    %c0_i32 = arith.constant 0 : i32
    %c0_i32_0 = arith.constant 0 : i32
    return %arg0, %c0_i32 : i32, i32
  }
}

module attributes {stable_mosaic.version = 14 : i64} {
  func.func @_dense_body(%arg0: i32, %arg1: memref<2000x64xf32, #tpu.memory_space<vmem>>, %arg2: memref<2000x16xf32, #tpu.memory_space<vmem>>, %arg3: memref<2x2000x128xf32, #tpu.memory_space<vmem>>, %arg4: memref<2x2000x128xf32, #tpu.memory_space<vmem>>, %arg5: memref<64x32xf32, #tpu.memory_space<vmem>>, %arg6: memref<1x32xf32, #tpu.memory_space<vmem>>, %arg7: memref<32x128xf32, #tpu.memory_space<vmem>>, %arg8: memref<32x128xf32, #tpu.memory_space<vmem>>, %arg9: memref<1x128xf32, #tpu.memory_space<vmem>>, %arg10: memref<16x32xf32, #tpu.memory_space<vmem>>, %arg11: memref<1x32xf32, #tpu.memory_space<vmem>>, %arg12: memref<16x32xf32, #tpu.memory_space<vmem>>, %arg13: memref<1x32xf32, #tpu.memory_space<vmem>>, %arg14: memref<32x16xf32, #tpu.memory_space<vmem>>, %arg15: memref<1x16xf32, #tpu.memory_space<vmem>>, %arg16: memref<2000x16xf32, #tpu.memory_space<vmem>>) attributes {dimension_semantics = [#tpu.dimension_semantics<arbitrary>], iteration_bounds = array<i64: 5>, scalar_prefetch = 0 : i64, scratch_operands = 0 : i64, tpu.core_type = #tpu.core_type<tc>, window_params = [{transform_indices = @transform_0, window_bounds = array<i64: 2000, 64>}, {transform_indices = @transform_1, window_bounds = array<i64: 2000, 16>}, {transform_indices = @transform_2, window_bounds = array<i64: 2, 2000, 128>}, {transform_indices = @transform_3, window_bounds = array<i64: 2, 2000, 128>}, {pipeline_mode = #tpu.pipeline_mode<synchronous>, transform_indices = @transform_4, window_bounds = array<i64: 64, 32>}, {pipeline_mode = #tpu.pipeline_mode<synchronous>, transform_indices = @transform_5, window_bounds = array<i64: 1, 32>}, {pipeline_mode = #tpu.pipeline_mode<synchronous>, transform_indices = @transform_6, window_bounds = array<i64: 32, 128>}, {pipeline_mode = #tpu.pipeline_mode<synchronous>, transform_indices = @transform_7, window_bounds = array<i64: 32, 128>}, {pipeline_mode = #tpu.pipeline_mode<synchronous>, transform_indices = @transform_8, window_bounds = array<i64: 1, 128>}, {pipeline_mode = #tpu.pipeline_mode<synchronous>, transform_indices = @transform_9, window_bounds = array<i64: 16, 32>}, {pipeline_mode = #tpu.pipeline_mode<synchronous>, transform_indices = @transform_10, window_bounds = array<i64: 1, 32>}, {pipeline_mode = #tpu.pipeline_mode<synchronous>, transform_indices = @transform_11, window_bounds = array<i64: 16, 32>}, {pipeline_mode = #tpu.pipeline_mode<synchronous>, transform_indices = @transform_12, window_bounds = array<i64: 1, 32>}, {pipeline_mode = #tpu.pipeline_mode<synchronous>, transform_indices = @transform_13, window_bounds = array<i64: 32, 16>}, {pipeline_mode = #tpu.pipeline_mode<synchronous>, transform_indices = @transform_14, window_bounds = array<i64: 1, 16>}, {transform_indices = @transform_15, window_bounds = array<i64: 2000, 16>}]} {
    %get3A = arith.constant 0 : index
    %get3A_0 = arith.constant 0 : index
    %get3A_1 = vector.load %arg1[%get3A, %get3A_0] : memref<2000x64xf32, #tpu.memory_space<vmem>>, vector<2000x64xf32>
    %get3A_2 = arith.constant 0 : index
    %get3A_3 = arith.constant 0 : index
    %get3A_4 = arith.constant 0 : index
    %get3A_5 = vector.load %arg3[%get3A_2, %get3A_3, %get3A_4] : memref<2x2000x128xf32, #tpu.memory_space<vmem>>, vector<1x2000x128xf32>
    %get3A_6 = vector.shape_cast %get3A_5 : vector<1x2000x128xf32> to vector<2000x128xf32>
    %slice3A = vector.extract_strided_slice %get3A_6 {offsets = [0, 0], sizes = [2000, 32], strides = [1, 1]} : vector<2000x128xf32> to vector<2000x32xf32>
    %get3A_7 = arith.constant 1 : index
    %get3A_8 = arith.constant 0 : index
    %get3A_9 = arith.constant 0 : index
    %get3A_10 = vector.load %arg3[%get3A_7, %get3A_8, %get3A_9] : memref<2x2000x128xf32, #tpu.memory_space<vmem>>, vector<1x2000x128xf32>
    %get3A_11 = vector.shape_cast %get3A_10 : vector<1x2000x128xf32> to vector<2000x128xf32>
    %slice3A_12 = vector.extract_strided_slice %get3A_11 {offsets = [0, 0], sizes = [2000, 32], strides = [1, 1]} : vector<2000x128xf32> to vector<2000x32xf32>
    %add3A = arith.addf %slice3A, %slice3A_12 : vector<2000x32xf32>
    %get3A_13 = arith.constant 0 : index
    %get3A_14 = arith.constant 0 : index
    %get3A_15 = arith.constant 0 : index
    %get3A_16 = vector.load %arg4[%get3A_13, %get3A_14, %get3A_15] : memref<2x2000x128xf32, #tpu.memory_space<vmem>>, vector<1x2000x128xf32>
    %get3A_17 = vector.shape_cast %get3A_16 : vector<1x2000x128xf32> to vector<2000x128xf32>
    %slice3A_18 = vector.extract_strided_slice %get3A_17 {offsets = [0, 0], sizes = [2000, 32], strides = [1, 1]} : vector<2000x128xf32> to vector<2000x32xf32>
    %add3A_19 = arith.addf %add3A, %slice3A_18 : vector<2000x32xf32>
    %get3A_20 = arith.constant 1 : index
    %get3A_21 = arith.constant 0 : index
    %get3A_22 = arith.constant 0 : index
    %get3A_23 = vector.load %arg4[%get3A_20, %get3A_21, %get3A_22] : memref<2x2000x128xf32, #tpu.memory_space<vmem>>, vector<1x2000x128xf32>
    %get3A_24 = vector.shape_cast %get3A_23 : vector<1x2000x128xf32> to vector<2000x128xf32>
    %slice3A_25 = vector.extract_strided_slice %get3A_24 {offsets = [0, 0], sizes = [2000, 32], strides = [1, 1]} : vector<2000x128xf32> to vector<2000x32xf32>
    %add3A_26 = arith.addf %add3A_19, %slice3A_25 : vector<2000x32xf32>
    %get3A_27 = arith.constant 0 : index
    %get3A_28 = arith.constant 0 : index
    %get3A_29 = vector.load %arg5[%get3A_27, %get3A_28] : memref<64x32xf32, #tpu.memory_space<vmem>>, vector<64x32xf32>
    %dot_general3A = arith.constant dense<0.000000e+00> : vector<2000x32xf32>
    %dot_general3A_30 = tpu.matmul %get3A_1, %get3A_29, %dot_general3A {dimension_numbers = #tpu.dot_dimension_numbers<[1], [0], [0], [1], [0, 0, 1, 1], [], []>, transpose_lhs_hint = false} : vector<2000x64xf32>, vector<64x32xf32>, vector<2000x32xf32> -> vector<2000x32xf32>
    %add3A_31 = arith.addf %add3A_26, %dot_general3A_30 : vector<2000x32xf32>
    %get3A_32 = arith.constant 0 : index
    %get3A_33 = arith.constant 0 : index
    %get3A_34 = vector.load %arg6[%get3A_32, %get3A_33] : memref<1x32xf32, #tpu.memory_space<vmem>>, vector<1x32xf32>
    %add3A_35 = vector.broadcast %get3A_34 : vector<1x32xf32> to vector<2000x32xf32>
    %add3A_36 = arith.addf %add3A_31, %add3A_35 : vector<2000x32xf32>
    %max3A = arith.constant 0.000000e+00 : f32
    %max3A_37 = vector.broadcast %max3A : f32 to vector<2000x32xf32>
    %max3A_38 = arith.maximumf %add3A_36, %max3A_37 : vector<2000x32xf32>
    %get3A_39 = arith.constant 0 : index
    %get3A_40 = arith.constant 0 : index
    %get3A_41 = vector.load %arg2[%get3A_39, %get3A_40] : memref<2000x16xf32, #tpu.memory_space<vmem>>, vector<2000x16xf32>
    %get3A_42 = arith.constant 0 : index
    %get3A_43 = arith.constant 0 : index
    %get3A_44 = vector.load %arg10[%get3A_42, %get3A_43] : memref<16x32xf32, #tpu.memory_space<vmem>>, vector<16x32xf32>
    %dot_general3A_45 = arith.constant dense<0.000000e+00> : vector<2000x32xf32>
    %dot_general3A_46 = tpu.matmul %get3A_41, %get3A_44, %dot_general3A_45 {dimension_numbers = #tpu.dot_dimension_numbers<[1], [0], [0], [1], [0, 0, 1, 1], [], []>, transpose_lhs_hint = false} : vector<2000x16xf32>, vector<16x32xf32>, vector<2000x32xf32> -> vector<2000x32xf32>
    %get3A_47 = arith.constant 0 : index
    %get3A_48 = arith.constant 0 : index
    %get3A_49 = vector.load %arg11[%get3A_47, %get3A_48] : memref<1x32xf32, #tpu.memory_space<vmem>>, vector<1x32xf32>
    %add3A_50 = vector.broadcast %get3A_49 : vector<1x32xf32> to vector<2000x32xf32>
    %add3A_51 = arith.addf %dot_general3A_46, %add3A_50 : vector<2000x32xf32>
    %get3A_52 = arith.constant 0 : index
    %get3A_53 = arith.constant 0 : index
    %get3A_54 = vector.load %arg12[%get3A_52, %get3A_53] : memref<16x32xf32, #tpu.memory_space<vmem>>, vector<16x32xf32>
    %dot_general3A_55 = arith.constant dense<0.000000e+00> : vector<2000x32xf32>
    %dot_general3A_56 = tpu.matmul %get3A_41, %get3A_54, %dot_general3A_55 {dimension_numbers = #tpu.dot_dimension_numbers<[1], [0], [0], [1], [0, 0, 1, 1], [], []>, transpose_lhs_hint = false} : vector<2000x16xf32>, vector<16x32xf32>, vector<2000x32xf32> -> vector<2000x32xf32>
    %get3A_57 = arith.constant 0 : index
    %get3A_58 = arith.constant 0 : index
    %get3A_59 = vector.load %arg13[%get3A_57, %get3A_58] : memref<1x32xf32, #tpu.memory_space<vmem>>, vector<1x32xf32>
    %add3A_60 = vector.broadcast %get3A_59 : vector<1x32xf32> to vector<2000x32xf32>
    %add3A_61 = arith.addf %dot_general3A_56, %add3A_60 : vector<2000x32xf32>
    %get3A_62 = arith.constant 0 : index
    %get3A_63 = arith.constant 0 : index
    %get3A_64 = vector.load %arg7[%get3A_62, %get3A_63] : memref<32x128xf32, #tpu.memory_space<vmem>>, vector<32x128xf32>
    %dot_general3A_65 = arith.constant dense<0.000000e+00> : vector<2000x128xf32>
    %dot_general3A_66 = tpu.matmul %max3A_38, %get3A_64, %dot_general3A_65 {dimension_numbers = #tpu.dot_dimension_numbers<[1], [0], [0], [1], [0, 0, 1, 1], [], []>, transpose_lhs_hint = false} : vector<2000x32xf32>, vector<32x128xf32>, vector<2000x128xf32> -> vector<2000x128xf32>
    %get3A_67 = arith.constant 0 : index
    %get3A_68 = arith.constant 0 : index
    %get3A_69 = vector.load %arg8[%get3A_67, %get3A_68] : memref<32x128xf32, #tpu.memory_space<vmem>>, vector<32x128xf32>
    %dot_general3A_70 = arith.constant dense<0.000000e+00> : vector<2000x128xf32>
    %dot_general3A_71 = tpu.matmul %add3A_51, %get3A_69, %dot_general3A_70 {dimension_numbers = #tpu.dot_dimension_numbers<[1], [0], [0], [1], [0, 0, 1, 1], [], []>, transpose_lhs_hint = false} : vector<2000x32xf32>, vector<32x128xf32>, vector<2000x128xf32> -> vector<2000x128xf32>
    %add3A_72 = arith.addf %dot_general3A_66, %dot_general3A_71 : vector<2000x128xf32>
    %get3A_73 = arith.constant 0 : index
    %get3A_74 = arith.constant 0 : index
    %get3A_75 = vector.load %arg9[%get3A_73, %get3A_74] : memref<1x128xf32, #tpu.memory_space<vmem>>, vector<1x128xf32>
    %add3A_76 = vector.broadcast %get3A_75 : vector<1x128xf32> to vector<2000x128xf32>
    %add3A_77 = arith.addf %add3A_72, %add3A_76 : vector<2000x128xf32>
    %slice3A_78 = vector.extract_strided_slice %add3A_77 {offsets = [0, 0], sizes = [2000, 32], strides = [1, 1]} : vector<2000x128xf32> to vector<2000x32xf32>
    %logistic3A = arith.negf %slice3A_78 : vector<2000x32xf32>
    %logistic3A_79 = math.exp %logistic3A : vector<2000x32xf32>
    %logistic3A_80 = arith.constant 1.000000e+00 : f32
    %logistic3A_81 = vector.broadcast %logistic3A_80 : f32 to vector<2000x32xf32>
    %logistic3A_82 = arith.addf %logistic3A_81, %logistic3A_79 : vector<2000x32xf32>
    %logistic3A_83 = arith.divf %logistic3A_81, %logistic3A_82 : vector<2000x32xf32>
    %slice3A_84 = vector.extract_strided_slice %add3A_77 {offsets = [0, 32], sizes = [2000, 32], strides = [1, 1]} : vector<2000x128xf32> to vector<2000x32xf32>
    %logistic3A_85 = arith.negf %slice3A_84 : vector<2000x32xf32>
    %logistic3A_86 = math.exp %logistic3A_85 : vector<2000x32xf32>
    %logistic3A_87 = arith.constant 1.000000e+00 : f32
    %logistic3A_88 = vector.broadcast %logistic3A_87 : f32 to vector<2000x32xf32>
    %logistic3A_89 = arith.addf %logistic3A_88, %logistic3A_86 : vector<2000x32xf32>
    %logistic3A_90 = arith.divf %logistic3A_88, %logistic3A_89 : vector<2000x32xf32>
    %slice3A_91 = vector.extract_strided_slice %add3A_77 {offsets = [0, 64], sizes = [2000, 32], strides = [1, 1]} : vector<2000x128xf32> to vector<2000x32xf32>
    %tanh3A = math.tanh %slice3A_91 : vector<2000x32xf32>
    %slice3A_92 = vector.extract_strided_slice %add3A_77 {offsets = [0, 96], sizes = [2000, 32], strides = [1, 1]} : vector<2000x128xf32> to vector<2000x32xf32>
    %logistic3A_93 = arith.negf %slice3A_92 : vector<2000x32xf32>
    %logistic3A_94 = math.exp %logistic3A_93 : vector<2000x32xf32>
    %logistic3A_95 = arith.constant 1.000000e+00 : f32
    %logistic3A_96 = vector.broadcast %logistic3A_95 : f32 to vector<2000x32xf32>
    %logistic3A_97 = arith.addf %logistic3A_96, %logistic3A_94 : vector<2000x32xf32>
    %logistic3A_98 = arith.divf %logistic3A_96, %logistic3A_97 : vector<2000x32xf32>
    %mul3A = arith.mulf %logistic3A_90, %add3A_61 : vector<2000x32xf32>
    %mul3A_99 = arith.mulf %logistic3A_83, %tanh3A : vector<2000x32xf32>
    %add3A_100 = arith.addf %mul3A, %mul3A_99 : vector<2000x32xf32>
    %tanh3A_101 = math.tanh %add3A_100 : vector<2000x32xf32>
    %mul3A_102 = arith.mulf %logistic3A_98, %tanh3A_101 : vector<2000x32xf32>
    %get3A_103 = arith.constant 0 : index
    %get3A_104 = arith.constant 0 : index
    %get3A_105 = vector.load %arg14[%get3A_103, %get3A_104] : memref<32x16xf32, #tpu.memory_space<vmem>>, vector<32x16xf32>
    %dot_general3A_106 = arith.constant dense<0.000000e+00> : vector<2000x16xf32>
    %dot_general3A_107 = tpu.matmul %mul3A_102, %get3A_105, %dot_general3A_106 {dimension_numbers = #tpu.dot_dimension_numbers<[1], [0], [0], [1], [0, 0, 1, 1], [], []>, transpose_lhs_hint = false} : vector<2000x32xf32>, vector<32x16xf32>, vector<2000x16xf32> -> vector<2000x16xf32>
    %get3A_108 = arith.constant 0 : index
    %get3A_109 = arith.constant 0 : index
    %get3A_110 = vector.load %arg15[%get3A_108, %get3A_109] : memref<1x16xf32, #tpu.memory_space<vmem>>, vector<1x16xf32>
    %add3A_111 = vector.broadcast %get3A_110 : vector<1x16xf32> to vector<2000x16xf32>
    %add3A_112 = arith.addf %dot_general3A_107, %add3A_111 : vector<2000x16xf32>
    %swap3A = arith.constant 0 : index
    %swap3A_113 = arith.constant 0 : index
    %swap3A_114 = vector.load %arg16[%swap3A, %swap3A_113] : memref<2000x16xf32, #tpu.memory_space<vmem>>, vector<2000x16xf32>
    tpu.vector_store %arg16[%swap3A, %swap3A_113], %add3A_112 {strides = array<i32>} : memref<2000x16xf32, #tpu.memory_space<vmem>>, vector<2000x16xf32>,
    return
  }
  func.func @transform_0(%arg0: i32) -> (i32, i32) {
    %c0_i32 = arith.constant 0 : i32
    %c0_i32_0 = arith.constant 0 : i32
    return %arg0, %c0_i32 : i32, i32
  }
  func.func @transform_1(%arg0: i32) -> (i32, i32) {
    %c0_i32 = arith.constant 0 : i32
    %c0_i32_0 = arith.constant 0 : i32
    return %arg0, %c0_i32 : i32, i32
  }
  func.func @transform_2(%arg0: i32) -> (i32, i32, i32) {
    %c0_i32 = arith.constant 0 : i32
    %c0_i32_0 = arith.constant 0 : i32
    %c0_i32_1 = arith.constant 0 : i32
    return %c0_i32, %arg0, %c0_i32_0 : i32, i32, i32
  }
  func.func @transform_3(%arg0: i32) -> (i32, i32, i32) {
    %c0_i32 = arith.constant 0 : i32
    %c0_i32_0 = arith.constant 0 : i32
    %c0_i32_1 = arith.constant 0 : i32
    return %c0_i32, %arg0, %c0_i32_0 : i32, i32, i32
  }
  func.func @transform_4(%arg0: i32) -> (i32, i32) {
    %c0_i32 = arith.constant 0 : i32
    %c0_i32_0 = arith.constant 0 : i32
    %c0_i32_1 = arith.constant 0 : i32
    return %c0_i32, %c0_i32_0 : i32, i32
  }
  func.func @transform_5(%arg0: i32) -> (i32, i32) {
    %c0_i32 = arith.constant 0 : i32
    %c0_i32_0 = arith.constant 0 : i32
    %c0_i32_1 = arith.constant 0 : i32
    return %c0_i32, %c0_i32_0 : i32, i32
  }
  func.func @transform_6(%arg0: i32) -> (i32, i32) {
    %c0_i32 = arith.constant 0 : i32
    %c0_i32_0 = arith.constant 0 : i32
    %c0_i32_1 = arith.constant 0 : i32
    return %c0_i32, %c0_i32_0 : i32, i32
  }
  func.func @transform_7(%arg0: i32) -> (i32, i32) {
    %c0_i32 = arith.constant 0 : i32
    %c0_i32_0 = arith.constant 0 : i32
    %c0_i32_1 = arith.constant 0 : i32
    return %c0_i32, %c0_i32_0 : i32, i32
  }
  func.func @transform_8(%arg0: i32) -> (i32, i32) {
    %c0_i32 = arith.constant 0 : i32
    %c0_i32_0 = arith.constant 0 : i32
    %c0_i32_1 = arith.constant 0 : i32
    return %c0_i32, %c0_i32_0 : i32, i32
  }
  func.func @transform_9(%arg0: i32) -> (i32, i32) {
    %c0_i32 = arith.constant 0 : i32
    %c0_i32_0 = arith.constant 0 : i32
    %c0_i32_1 = arith.constant 0 : i32
    return %c0_i32, %c0_i32_0 : i32, i32
  }
  func.func @transform_10(%arg0: i32) -> (i32, i32) {
    %c0_i32 = arith.constant 0 : i32
    %c0_i32_0 = arith.constant 0 : i32
    %c0_i32_1 = arith.constant 0 : i32
    return %c0_i32, %c0_i32_0 : i32, i32
  }
  func.func @transform_11(%arg0: i32) -> (i32, i32) {
    %c0_i32 = arith.constant 0 : i32
    %c0_i32_0 = arith.constant 0 : i32
    %c0_i32_1 = arith.constant 0 : i32
    return %c0_i32, %c0_i32_0 : i32, i32
  }
  func.func @transform_12(%arg0: i32) -> (i32, i32) {
    %c0_i32 = arith.constant 0 : i32
    %c0_i32_0 = arith.constant 0 : i32
    %c0_i32_1 = arith.constant 0 : i32
    return %c0_i32, %c0_i32_0 : i32, i32
  }
  func.func @transform_13(%arg0: i32) -> (i32, i32) {
    %c0_i32 = arith.constant 0 : i32
    %c0_i32_0 = arith.constant 0 : i32
    %c0_i32_1 = arith.constant 0 : i32
    return %c0_i32, %c0_i32_0 : i32, i32
  }
  func.func @transform_14(%arg0: i32) -> (i32, i32) {
    %c0_i32 = arith.constant 0 : i32
    %c0_i32_0 = arith.constant 0 : i32
    %c0_i32_1 = arith.constant 0 : i32
    return %c0_i32, %c0_i32_0 : i32, i32
  }
  func.func @transform_15(%arg0: i32) -> (i32, i32) {
    %c0_i32 = arith.constant 0 : i32
    %c0_i32_0 = arith.constant 0 : i32
    return %arg0, %c0_i32 : i32, i32
  }
}

</mosaic_0001>

<sc_bundles>
// kernel: kernel.11.cloned.1.call-start
scs
__scs_entry_jumppad:
0x0: {  	(pc) =	sbr.rel $0x88, $3  }
0x1: {  	(tag) =	ssettag $0x0;
	lr =	simm.s32 $0x1  }
0x2: {  	[smem:$0x3F8F] =	sst lr;
	_ =	strace $0xD0000000  }
0x3: {  	_ = 	snop  }
0x4: {  	_ = 	snop  }
0x5: {  	_ = 	snop  }
0x6: {  	_ = 	snop  }
0x7: {  	_ = 	snop  }
__scs_overlays_trampoline_lowered:
0x8: {  	[smem:$0x3F9E] =	sst s0  }
0x9: {  	[smem:$0x3F9F] =	sst s1  }
0xa: {  	[smem:$0x3FA0] =	sst s2  }
0xb: {  	[smem:$0x3FA1] =	sst s3  }
0xc: {  	[smem:$0x3FA2] =	sst s4  }
0xd: {  	[smem:$0x3FA3] =	sst s5  }
0xe: {  	[smem:$0x3FA4] =	sst s6  }
0xf: {  	[smem:$0x3FA5] =	sst s7  }
0x10: {  	[smem:$0x3FA6] =	sst s8  }
0x11: {  	[smem:$0x3FA7] =	sst s9;
	s0 =	simm.s32 @!p0 $0x0  }
0x12: {  	s1 =	sld [smem:$0x3F8D];
	s0 =	simm.s32 @p0 $0x1  }
0x13: {  	[smem:$0x3FA8] =	sst s0;
	s0 =	simm.s32 @!p1 $0x0  }
0x14: {  	s2 =	sld [smem:$0x3F8C];
	s0 =	simm.s32 @p1 $0x1  }
0x15: {  	[smem:$0x3FA9] =	sst s0;
	s0 =	simm.s32 @!p2 $0x0  }
0x16: {  	s3 =	sld [smem:$0x3FDB];
	s0 =	simm.s32 @p2 $0x1  }
0x17: {  	s4 =	simm.s32 $0x1BF5;
	[smem:$0x3FAB] =	sst s0  }
0x18: {  	s0 =	sld [smem:$0x3F8E];
	_ =	swait.ge [sflag:s4], $0x0  }
0x19: {  	s7 =	sld [smem:$0x3F8F]  }
0x1a: {  	s8 =	sadd.s32 $0xFFFFE003, lr  }
0x1b: {  	s9 =	sadd.s32 $0xFFFFFEF7, lr;
	s5 =	simm.s32 $0xFFFFFFFF;
	p2 =	slt.u32 s8, $0xFFFFF086  }
0x1c: {  	p1 =	slt.u32 s9, $0xF7A;
	s5 =	simm.s32 @!p2 $0x0  }
0x1d: {  	s5 =	simm.s32 @p1 $0x1;
	p0 =	seq.s32 s7, s2  }
0x1e: {  	s7 =	smul.u32 @!p0 $0xF7A, s2;
	p2 =	seq.s32 @!p0 s5, $0x0  }
0x1f: {  	s9 =	smul.u32 $0xF7A, s1;
	s8 =	simm.s32 @!p0 $0x1BF5;
	p2 =	por !p2, p0  }
0x20: {  	[sflag:s8] =	ssyncset.s32 @!p0 $0xFFFFF086;
	s6 =	sadd.s32 @!p0 s3, s7;
	s7 =	simm.s32 @!p0 $0x108  }
0x21: {  	s3 =	sadd.s32 s3, s9;
	s6 =	sadd.s32 @!p0 $0x88, s6;
	s7 =	simm.s32 @p2 $0x1082  }
0x22: {  	[simem:s7], [sflag:s8] =	dma.local @!p0 [hbm:s6], $0xF7A  }
0x23: {  	s9 =	sor.u32 $0xD0000000, s2;
	s6 =	simm.s32 $0x108;
	_ =	swait.ge @!p0 [sflag:s8], $0x0  }
0x24: {  	s3 =	sadd.s32 $0x88, s3;
	s6 =	simm.s32 @!p1 $0x1082;
	[sflag:s4] =	ssyncset.s32 $0xFFFFF086  }
0x25: {  	[simem:s6], [sflag:s4] =	dma.local [hbm:s3], $0xF7A  }
0x26: {  	[smem:$0x3F8F] =	sst s1;
	(tag) =	ssettag s2;
	_ =	strace s9  }
0x27: {  	s1 =	sld [smem:$0x3F9F]  }
0x28: {  	s2 =	sld [smem:$0x3FA0]  }
0x29: {  	s4 =	sld [smem:$0x3FA2]  }
0x2a: {  	p0 =	seq.s32 s5, $0x0;
	s5 =	sld [smem:$0x3FA3]  }
0x2b: {  	s6 =	sld [smem:$0x3FA4]  }
0x2c: {  	s7 =	sld [smem:$0x3FA5]  }
0x2d: {  	s3 =	simm.s32 $0x108;
	s8 =	sld [smem:$0x3FA6]  }
0x2e: {  	s3 =	simm.s32 @!p0 $0x1082;
	s9 =	sld [smem:$0x3FA7]  }
0x2f: {  	lr =	sadd.s32 s0, s3;
	s0 =	sld [smem:$0x3F9E]  }
0x30: {  	s3 =	sld [smem:$0x3FA1]  }
0x31: {  	[smem:$0x3FAA] =	sst s10  }
0x32: {  	s10 =	sld [smem:$0x3FA8];
	_ =	sdelay $0x3  }
0x33: {  	p0 =	seq.s32 s10, $0x1;
	s10 =	sld [smem:$0x3FAA];
	_ =	sdelay $0x3  }
0x34: {  	[smem:$0x3FAA] =	sst s10  }
0x35: {  	s10 =	sld [smem:$0x3FA9];
	_ =	sdelay $0x3  }
0x36: {  	p1 =	seq.s32 s10, $0x1;
	s10 =	sld [smem:$0x3FAA];
	_ =	sdelay $0x3  }
0x37: {  	[smem:$0x3FAA] =	sst s10  }
0x38: {  	s10 =	sld [smem:$0x3FAB]  }
0x39: {  	_ = 	snop;
	(pc) =	sbr.ind lr, $3  }
0x3a: {  	_ = 	snop  }
0x3b: {  	_ = 	snop  }
0x3c: {  	p2 =	seq.s32 s10, $0x1;
	s10 =	sld [smem:$0x3FAA]  }
0x3d: {  	_ =	shalt  }
0x3e: {  	_ =	shalt  }
0x3f: {  	_ =	shalt  }
0x40: {  	_ =	shalt  }
0x41: {  	_ =	shalt  }
0x42: {  	_ =	shalt  }
0x43: {  	_ =	shalt  }
0x44: {  	_ =	shalt  }
0x45: {  	_ =	shalt  }
0x46: {  	_ =	shalt  }
0x47: {  	_ =	shalt  }
0x48: {  	_ =	shalt  }
0x49: {  	_ =	shalt  }
0x4a: {  	_ =	shalt  }
0x4b: {  	_ =	shalt  }
0x4c: {  	_ =	shalt  }
0x4d: {  	_ =	shalt  }
0x4e: {  	_ =	shalt  }
0x4f: {  	_ =	shalt  }
0x50: {  	_ =	shalt  }
0x51: {  	_ =	shalt  }
0x52: {  	_ =	shalt  }
0x53: {  	_ =	shalt  }
0x54: {  	_ =	shalt  }
0x55: {  	_ =	shalt  }
0x56: {  	_ =	shalt  }
0x57: {  	_ =	shalt  }
0x58: {  	_ =	shalt  }
0x59: {  	_ =	shalt  }
0x5a: {  	_ =	shalt  }
0x5b: {  	_ =	shalt  }
0x5c: {  	_ =	shalt  }
0x5d: {  	_ =	shalt  }
0x5e: {  	_ =	shalt  }
0x5f: {  	_ =	shalt  }
0x60: {  	_ =	shalt  }
0x61: {  	_ =	shalt  }
0x62: {  	_ =	shalt  }
0x63: {  	_ =	shalt  }
0x64: {  	_ =	shalt  }
0x65: {  	_ =	shalt  }
0x66: {  	_ =	shalt  }
0x67: {  	_ =	shalt  }
0x68: {  	_ =	shalt  }
0x69: {  	_ =	shalt  }
0x6a: {  	_ =	shalt  }
0x6b: {  	_ =	shalt  }
0x6c: {  	_ =	shalt  }
0x6d: {  	_ =	shalt  }
0x6e: {  	_ =	shalt  }
0x6f: {  	_ =	shalt  }
0x70: {  	_ =	shalt  }
0x71: {  	_ =	shalt  }
0x72: {  	_ =	shalt  }
0x73: {  	_ =	shalt  }
0x74: {  	_ =	shalt  }
0x75: {  	_ =	shalt  }
0x76: {  	_ =	shalt  }
0x77: {  	_ =	shalt  }
0x78: {  	_ =	shalt  }
0x79: {  	_ =	shalt  }
0x7a: {  	_ =	shalt  }
0x7b: {  	_ =	shalt  }
0x7c: {  	_ =	shalt  }
0x7d: {  	_ =	shalt  }
0x7e: {  	_ =	shalt  }
0x7f: {  	_ =	shalt  }
0x80: {  	_ =	shalt  }
0x81: {  	_ =	shalt  }
0x82: {  	_ =	shalt  }
0x83: {  	_ =	shalt  }
0x84: {  	_ =	shalt  }
0x85: {  	_ =	shalt  }
0x86: {  	_ =	shalt  }
0x87: {  	_ =	shalt  }
.Lfunc_end0:
.L_simem_size_0:
called_computation.1_lowered:
.L_overlay_start_0:
0x88: {  	s2 =	sld [smem:$0x3FD9]  }
0x89: {  	s3 =	sld [smem:$0x3FFE];
	_ =	sdelay $0x1  }
0x8a: {  	s1 =	srdreg.scid  }
0x8b: {  	s0 =	sand.u32 $0x1, s1  }
0x8c: {  	s17 =	sshll.u32 s0, $0xA;
	s2 =	sadd.s32 s3, s2  }
0x8d: {  	s2 =	sadd.s32 s2, s17  }
0x8e: {  	[smem:$0x3FB6] =	sst s2  }
0x8f: {  	_ = 	snop  }
0x90: {  	s2 =	sld [smem:$0x3FD0];
	(tm) =	ssettm $0x1  }
0x91: {  	s18 =	sld [smem:$0x3FFB];
	_ =	sdelay $0x3  }
0x92: {  	_ =	strace s18  }
0x93: {  	s3 =	sld [smem:$0x3FFC];
	_ =	sdelay $0x3  }
0x94: {  	_ =	strace s3  }
0x95: {  	s3 =	sld [smem:$0x3FFD];
	_ =	sdelay $0x3  }
0x96: {  	_ =	strace s3  }
0x97: {  	_ =	strace $0x8FFFFFFF  }
0x98: {  	s19 =	sld [smem:$0x3FDB];
	_ =	sdelay $0x1  }
0x99: {  	s4 =	simm.s32 $_scs_section_size  }
0x9a: {  	s5 =	simm.s32 $_size__tile_overlayer_lowered;
	s6 =	simm.s32 $_tile_overlayer_lowered  }
0x9b: {  	s22 =	simm.s32 $0x1BFF;
	s21 =	sshll.u32 s6, $0x1;
	s3 =	sadd.s32 s4, s19  }
0x9c: {  	s7 =	simm.s32 $0x0;
	s20 =	sshll.u32 s5, $0x1;
	s5 =	sadd.s32 s21, s3  }
0x9d: {  	[timem:s7], [sflag:s22] =	dma.local [hbm:s5], s20  }
0x9e: {  	_ =	swait.ge [sflag:s22], s20  }
0x9f: {  	s4 =	ssub.s32 $0x0, s20;
	[sflag:s22] =	ssyncset.done $0x0  }
0xa0: {  	[sflag:s22] =	ssyncadd.s32 s4;
	_ =	sdelay $0x1  }
0xa1: {  	s23 =	simm.s32 $0x1B8B  }
0xa2: {  	_ =	swait.ge [sflag:s23], $0x1  }
0xa3: {  	[sflag:s23] =	ssyncset.done $0x0  }
0xa4: {  	s25 =	simm.s32 $0x1B8E;
	s24 =	sld [smem:$0x3FFE];
	[sflag:s23] =	ssyncadd.s32 $0xFFFFFFFF  }
0xa5: {  	s26 =	simm.s32 $execute0_lowered;
	[smem:$0x3FD2] =	sst s25  }
0xa6: {  	s5 =	sshll.u32 s26, $0x1;
	_ =	strace $0x80000049;
	[dreg:$0x1] =	wrdreg $0xFFFFFFFF  }
0xa7: {  	s28 =	simm.s32 $_size_execute0_lowered;
	s3 =	sadd.s32 s3, s5;
	[dreg:$0x0] =	wrdreg $0x0  }
0xa8: {  	s5 =	sshll.u32 s28, $0x1;
	[dreg:$0x2] =	wrdreg s3  }
0xa9: {  	[dreg:$0x3] =	wrdreg s5  }
0xaa: {  	[dreg:$0x4] =	wrdreg $0xC0  }
0xab: {  	_ =	task [dreg:s7], $0x5FFFF  }
0xac: {  	[dreg:$0x1] =	wrdreg $0xFFFFFFFF  }
0xad: {  	[dreg:$0x0] =	wrdreg $0x60  }
0xae: {  	[dreg:$0x2] =	wrdreg s2  }
0xaf: {  	[dreg:$0x3] =	wrdreg s24  }
0xb0: {  	[dreg:$0x4] =	wrdreg $0x81000  }
0xb1: {  	[dreg:$0x5] =	wrdreg $0x9  }
0xb2: {  	_ =	task.clear_ibuf [dreg:s7], $0x6FFFF;
	_ =	strace $0x90000049  }
0xb3: {  	s29 =	simm.s32 $0x9;
	_ =	strace $0x8000004B  }
0xb4: {  	_ =	swait.ge [sflag:s29], $0x1  }
0xb5: {  	[sflag:s29] =	ssyncadd.s32 $0xFFFFFFFF  }
0xb6: {  	_ =	strace $0x9000004B  }
0xb7: {  	_ =	sfence  }
0xb8: {  	s30 =	sld [smem:$0x0];
	_ =	sdelay $0x2  }
0xb9: {  	s31 =	sshll.u32 s1, $0xD;
	s1 =	sshrl.u32 s1, $0x2  }
0xba: {  	s3 =	sand.u32 $0x4000, s31;
	s1 =	sadd.s32 s1, s30  }
0xbb: {  	s0 =	sor.u32 s3, s0;
	s1 =	sshll.u32 s1, $0x11  }
0xbc: {  	s0 =	sor.u32 s1, s0  }
0xbd: {  	s0 =	sadd.s32 $0x8F2B, s0  }
0xbe: {  	[sflag:s0] =	ssyncadd.remote.s32 $0x1  }
0xbf: {  	_ =	sfence.sel $0xFFFF  }
0xc0: {  	[dreg:$0x0] =	wrdreg $0xFFFFFFFF;
	(pc) =	sbr.abs _section_cstart, $3  }
0xc1: {  	[dreg:$0x1] =	wrdreg $0xFFFFFFFF  }
0xc2: {  	_ =	task.clear_ibuf [dreg:s7], $0x2FFFF;
	_ =	strace $0x9FFFFFFF  }
0xc3: {  	(tm) =	ssettm $0x7FFFFFFF  }
tec
execute0_lowered:
.L_overlay_start_1:
0x0: {  	(tag) =	ssettag $0x1  }
0x1: {  	s5 =	rddreg [dreg:$0x0]  }
0x2: {  	s7 =	rddreg [dreg:$0x1];
	s0 =	srdreg.scid  }
0x3: {  	s2 =	rddreg [dreg:$0x2];
	s1 =	stileid.u32  }
0x4: {  	s29 =	rddreg [dreg:$0x3];
	s4 =	simm.s32 $0x0;
	s6 =	smul.u32 $0x50000, s1  }
0x5: {  	s8 =	sand.u32 $0x1, s0;
	[smem:$0x7FF] =	sst s4;
	s9 =	smul.u32 $0x14000, s1  }
0x6: {  	s10 =	sadd.s32 $0x2AA00, s7;
	s12 =	sshll.u32 s1, $0x1;
	s3 =	smul.u32 $0x140000, s8  }
0x7: {  	_ =	strace $0x8000004A;
	[dreg:$0x4] =	wrdreg s10;
	s10 =	sor.u32 s8, s12  }
0x8: {  	p0 =	por $0x0, $0x0;
	s12 =	smul.u32 $0x500, s10  }
0x9: {  	s8 =	ssub.s32 $0x2, s8;
	s6 =	sshrl.u32 s6, $0x2;
	s10 =	smul.u32 $0x5000, s10  }
0xa: {  	s19 =	sshrl.u32 s8, $0x1;
	s31 =	rddreg [dreg:$0x4];
	s9 =	sadd.s32 s9, s3  }
0xb: {  	s3 =	sadd.s32 s6, s2;
	s8 =	ssub.s32 s8, s19;
	s9 =	sshrl.u32 s9, $0x3  }
0xc: {  	s6 =	sadd.s32 $0x4000, s3;
	s13 =	sadd.s32 $0x8000, s3;
	s11 =	sadd.s32 $0xC000, s3  }
0xd: {  	s14 =	sadd.s32 $0x10000, s3;
	s15 =	sshrl.u32 s12, $0x3;
	[dreg:$0x5] =	wrdreg s6  }
0xe: {  	s18 =	sor.u32 $0x80, s12;
	s26 =	sadd.s32 $0x180, s12;
	[dreg:$0x6] =	wrdreg s13  }
0xf: {  	s0 =	sadd.s32 $0x200, s12;
	s6 =	sadd.s32 $0x195200, s7;
	[dreg:$0x7] =	wrdreg s11  }
0x10: {  	s7 =	sadd.s32 s9, s7;
	[dreg:$0x8] =	wrdreg s14;
	s16 =	sadd.s32 s5, s15  }
0x11: {  	s20 =	sshrl.u32 s18, $0x3;
	s13 =	sadd.s32 $0x100, s12;
	s28 =	sshrl.u32 s26, $0x3  }
0x12: {  	s11 =	sshll.u32 s0, $0x4;
	s15 =	sadd.s32 $0x300, s12;
	[dreg:$0x9] =	wrdreg s16  }
0x13: {  	s17 =	sadd.s32 s6, s10;
	s9 =	sadd.s32 s5, s20;
	s10 =	sshll.u32 s18, $0x4  }
0x14: {  	s22 =	sshrl.u32 s13, $0x3;
	s24 =	sshll.u32 s13, $0x4;
	[dreg:$0xa] =	wrdreg s17  }
0x15: {  	s13 =	sadd.s32 $0x280, s12;
	[dreg:$0xb] =	wrdreg s9;
	s21 =	sadd.s32 s6, s10  }
0x16: {  	s16 =	sshrl.u32 s15, $0x3;
	s23 =	sadd.s32 s5, s22;
	[dreg:$0xc] =	wrdreg s21  }
0x17: {  	s25 =	sadd.s32 s6, s24;
	s9 =	sadd.s32 s5, s28;
	[dreg:$0xd] =	wrdreg s23  }
0x18: {  	s10 =	sshll.u32 s26, $0x4;
	s14 =	sshrl.u32 s13, $0x3;
	[dreg:$0xe] =	wrdreg s25  }
0x19: {  	s17 =	sadd.s32 $0x380, s12;
	s20 =	sadd.s32 s5, s16;
	[dreg:$0xf] =	wrdreg s9  }
0x1a: {  	s26 =	sadd.s32 s6, s10;
	s10 =	sshrl.u32 s0, $0x3;
	s25 =	sadd.s32 s6, s11  }
0x1b: {  	s22 =	sadd.s32 s5, s14;
	s9 =	sshll.u32 s15, $0x4;
	s19 =	sshrl.u32 s17, $0x3  }
0x1c: {  	s28 =	sshll.u32 s17, $0x4;
	s0 =	sadd.s32 $0x400, s12;
	s12 =	sadd.s32 $0x480, s12  }
0x1d: {  	s24 =	sadd.s32 s5, s10;
	s10 =	sshll.u32 s13, $0x4;
	s21 =	sadd.s32 s6, s9  }
0x1e: {  	s18 =	sadd.s32 s5, s19;
	s19 =	sadd.s32 s6, s28;
	s11 =	sshrl.u32 s0, $0x3  }
0x1f: {  	s13 =	sshll.u32 s0, $0x4;
	s14 =	sshrl.u32 s12, $0x3;
	s28 =	smax.u32 s8, $0x1  }
0x20: {  	s15 =	sshll.u32 s12, $0x4;
	s9 =	simm.s32 $0x100;
	p1 =	sne.s32 s28, $0x1  }
.Ltmp0:
0x21: {  	s8 =	simm.s32 $0x4100;
	s12 =	simm.s32 $0x2;
	(pc) =	sbr.rel @!p1 .LBB2_5-.Ltmp0, $4  }
0x22: {  	s23 =	sadd.s32 s6, s10;
	s16 =	sadd.s32 s5, s11;
	s17 =	sadd.s32 s6, s13  }
0x23: {  	s11 =	sadd.s32 s5, s14;
	s13 =	sadd.s32 s6, s15;
	s5 =	sadd.s32 $0x235200, s7  }
0x24: {  	s6 =	simm.s32 $0x5;
	s7 =	simm.s32 $0x80;
	s15 =	simm.s32 $0x1  }
0x25: {  	s14 =	simm.s32 $0x3;
	s30 =	sadd.s32 $0xFFFFFFFF, s28;
	s10 =	simm.s32 $0x4  }
0x26: {  	[tilespmem:s9], [sflag:$0x5] =	stream.linear.gather [hbm4b:s31+s4], $0x4000, $0x38;
	[tilespmem:$0x1C100] =	vst v63  }
0x27: {  	_ =	swait.ge [sflag:s6], $0x4000  }
0x28: {  	[sflag:s6] =	ssyncset.done $0x0  }
0x29: {  	[sflag:s6] =	ssyncadd.s32 $0xFFFFC000  }
0x2a: {  	[spmem:s3] =	stream.linear.scatter [tilespmem:s9], [sflag:$0x5], $0x4000, $0x38;
	[tilespmem:$0x1C100] =	vst v63  }
0x2b: {  	_ =	swait.ge [sflag:s6], $0x4000  }
0x2c: {  	[sflag:s6] =	ssyncset.done $0x0  }
0x2d: {  	s28 =	rddreg [dreg:$0x5];
	[sflag:s6] =	ssyncadd.s32 $0xFFFFC000  }
0x2e: {  	[spmem:s28] =	stream.linear.scatter [tilespmem:s9], [sflag:$0x5], $0x4000, $0x38;
	[tilespmem:$0x1C100] =	vst v63  }
0x2f: {  	_ =	swait.ge [sflag:s6], $0x4000  }
0x30: {  	[sflag:s6] =	ssyncset.done $0x0  }
0x31: {  	s28 =	rddreg [dreg:$0x6];
	[sflag:s6] =	ssyncadd.s32 $0xFFFFC000  }
0x32: {  	[spmem:s28] =	stream.linear.scatter [tilespmem:s9], [sflag:$0x5], $0x4000, $0x38;
	[tilespmem:$0x1C100] =	vst v63  }
0x33: {  	_ =	swait.ge [sflag:s6], $0x4000  }
0x34: {  	[sflag:s6] =	ssyncset.done $0x0  }
0x35: {  	s28 =	rddreg [dreg:$0x7];
	[sflag:s6] =	ssyncadd.s32 $0xFFFFC000  }
0x36: {  	[spmem:s28] =	stream.linear.scatter [tilespmem:s9], [sflag:$0x5], $0x4000, $0x38;
	[tilespmem:$0x1C100] =	vst v63  }
0x37: {  	_ =	swait.ge [sflag:s6], $0x4000  }
0x38: {  	[sflag:s6] =	ssyncset.done $0x0  }
0x39: {  	s28 =	rddreg [dreg:$0x8];
	[sflag:s6] =	ssyncadd.s32 $0xFFFFC000  }
0x3a: {  	[spmem:s28] =	stream.linear.scatter [tilespmem:s9], [sflag:$0x5], $0x4000, $0x38;
	[tilespmem:$0x1C100] =	vst v63  }
0x3b: {  	_ =	swait.ge [sflag:s6], $0x4000  }
0x3c: {  	[sflag:s6] =	ssyncset.done $0x0  }
0x3d: {  	[sflag:s6] =	ssyncadd.s32 $0xFFFFC000  }
0x3e: {  	[bflag:$0x0] =	sbarrier.arrive $0xFFFF  }
0x3f: {  	s28 =	rddreg [dreg:$0x9]  }
0x40: {  	[tilespmem:s4], [sflag:$0x1] =	stream.linear.gather [hbm4b:s28+s4], $0x80, $0x38;
	[tilespmem:$0x1C100] =	vst v63  }
0x41: {  	s29 =	rddreg [dreg:$0xa]  }
0x42: {  	[tilespmem:s9], [sflag:$0x3] =	stream.linear.gather [hbm4b:s29+s4], $0x4000, $0x38;
	[tilespmem:$0x1C100] =	vst v63  }
0x43: {  	s28 =	rddreg [dreg:$0xb]  }
0x44: {  	[tilespmem:s7], [sflag:$0x2] =	stream.linear.gather [hbm4b:s28+s4], $0x80, $0x38;
	[tilespmem:$0x1C100] =	vst v63  }
0x45: {  	s29 =	rddreg [dreg:$0xc]  }
0x46: {  	[tilespmem:s8], [sflag:$0x4] =	stream.linear.gather [hbm4b:s29+s4], $0x4000, $0x38;
	[tilespmem:$0x1C100] =	vst v63  }
0x47: {  	_ =	swait.ge [sflag:s15], $0x80  }
0x48: {  	[sflag:s15] =	ssyncset.done $0x0  }
0x49: {  	[sflag:s15] =	ssyncadd.s32 $0xFFFFFF80  }
0x4a: {  	_ =	swait.ge [sflag:s14], $0x4000  }
0x4b: {  	[sflag:s14] =	ssyncset.done $0x0  }
0x4c: {  	[sflag:s14] =	ssyncadd.s32 $0xFFFFC000  }
0x4d: {  	[spmem:s2] =	stream.indirect.scatter.add.f32 [tilespmem:s9], [sflag:$0x5], $0x80, s4, s7, $0xb8;
	[tilespmem:$0x1C100] =	vst v63  }
0x4e: {  	_ =	swait.ge [sflag:s6], $0x4000  }
0x4f: {  	[sflag:s6] =	ssyncset.done $0x0  }
0x50: {  	s28 =	rddreg [dreg:$0xd];
	[sflag:s6] =	ssyncadd.s32 $0xFFFFC000  }
0x51: {  	[tilespmem:s4], [sflag:$0x1] =	stream.linear.gather [hbm4b:s28+s4], $0x80, $0x38;
	[tilespmem:$0x1C100] =	vst v63  }
0x52: {  	s29 =	rddreg [dreg:$0xe]  }
0x53: {  	[tilespmem:s9], [sflag:$0x3] =	stream.linear.gather [hbm4b:s29+s4], $0x4000, $0x38;
	[tilespmem:$0x1C100] =	vst v63  }
0x54: {  	_ =	swait.ge [sflag:s12], $0x80  }
0x55: {  	[sflag:s12] =	ssyncset.done $0x0  }
0x56: {  	[sflag:s12] =	ssyncadd.s32 $0xFFFFFF80  }
0x57: {  	_ =	swait.ge [sflag:s10], $0x4000  }
0x58: {  	[sflag:s10] =	ssyncset.done $0x0  }
0x59: {  	[sflag:s10] =	ssyncadd.s32 $0xFFFFC000  }
0x5a: {  	[spmem:s2] =	stream.indirect.scatter.add.f32 [tilespmem:s8], [sflag:$0x5], $0x80, s7, s7, $0xb8;
	[tilespmem:$0x1C100] =	vst v63  }
0x5b: {  	_ =	swait.ge [sflag:s6], $0x4000  }
0x5c: {  	[sflag:s6] =	ssyncset.done $0x0  }
0x5d: {  	s28 =	rddreg [dreg:$0xf];
	[sflag:s6] =	ssyncadd.s32 $0xFFFFC000  }
0x5e: {  	[tilespmem:s7], [sflag:$0x2] =	stream.linear.gather [hbm4b:s28+s4], $0x80, $0x38;
	[tilespmem:$0x1C100] =	vst v63  }
0x5f: {  	_ = 	snop  }
0x60: {  	[tilespmem:s8], [sflag:$0x4] =	stream.linear.gather [hbm4b:s26+s4], $0x4000, $0x38;
	[tilespmem:$0x1C100] =	vst v63  }
0x61: {  	_ =	swait.ge [sflag:s15], $0x80  }
0x62: {  	[sflag:s15] =	ssyncset.done $0x0  }
0x63: {  	[sflag:s15] =	ssyncadd.s32 $0xFFFFFF80  }
0x64: {  	_ =	swait.ge [sflag:s14], $0x4000  }
0x65: {  	[sflag:s14] =	ssyncset.done $0x0  }
0x66: {  	[sflag:s14] =	ssyncadd.s32 $0xFFFFC000  }
0x67: {  	[spmem:s2] =	stream.indirect.scatter.add.f32 [tilespmem:s9], [sflag:$0x5], $0x80, s4, s7, $0xb8;
	[tilespmem:$0x1C100] =	vst v63  }
0x68: {  	_ =	swait.ge [sflag:s6], $0x4000  }
0x69: {  	[sflag:s6] =	ssyncset.done $0x0  }
0x6a: {  	[sflag:s6] =	ssyncadd.s32 $0xFFFFC000  }
0x6b: {  	[tilespmem:s4], [sflag:$0x1] =	stream.linear.gather [hbm4b:s24+s4], $0x80, $0x38;
	[tilespmem:$0x1C100] =	vst v63  }
0x6c: {  	_ = 	snop  }
0x6d: {  	[tilespmem:s9], [sflag:$0x3] =	stream.linear.gather [hbm4b:s25+s4], $0x4000, $0x38;
	[tilespmem:$0x1C100] =	vst v63  }
0x6e: {  	_ =	swait.ge [sflag:s12], $0x80  }
0x6f: {  	[sflag:s12] =	ssyncset.done $0x0  }
0x70: {  	[sflag:s12] =	ssyncadd.s32 $0xFFFFFF80  }
0x71: {  	_ =	swait.ge [sflag:s10], $0x4000  }
0x72: {  	[sflag:s10] =	ssyncset.done $0x0  }
0x73: {  	[sflag:s10] =	ssyncadd.s32 $0xFFFFC000  }
0x74: {  	[spmem:s2] =	stream.indirect.scatter.add.f32 [tilespmem:s8], [sflag:$0x5], $0x80, s7, s7, $0xb8;
	[tilespmem:$0x1C100] =	vst v63  }
0x75: {  	_ =	swait.ge [sflag:s6], $0x4000  }
0x76: {  	[sflag:s6] =	ssyncset.done $0x0  }
0x77: {  	[sflag:s6] =	ssyncadd.s32 $0xFFFFC000  }
0x78: {  	[tilespmem:s7], [sflag:$0x2] =	stream.linear.gather [hbm4b:s22+s4], $0x80, $0x38;
	[tilespmem:$0x1C100] =	vst v63  }
0x79: {  	_ = 	snop  }
0x7a: {  	[tilespmem:s8], [sflag:$0x4] =	stream.linear.gather [hbm4b:s23+s4], $0x4000, $0x38;
	[tilespmem:$0x1C100] =	vst v63  }
0x7b: {  	_ =	swait.ge [sflag:s15], $0x80  }
0x7c: {  	[sflag:s15] =	ssyncset.done $0x0  }
0x7d: {  	[sflag:s15] =	ssyncadd.s32 $0xFFFFFF80  }
0x7e: {  	_ =	swait.ge [sflag:s14], $0x4000  }
0x7f: {  	[sflag:s14] =	ssyncset.done $0x0  }
0x80: {  	[sflag:s14] =	ssyncadd.s32 $0xFFFFC000  }
0x81: {  	[spmem:s2] =	stream.indirect.scatter.add.f32 [tilespmem:s9], [sflag:$0x5], $0x80, s4, s7, $0xb8;
	[tilespmem:$0x1C100] =	vst v63  }
0x82: {  	_ =	swait.ge [sflag:s6], $0x4000  }
0x83: {  	[sflag:s6] =	ssyncset.done $0x0  }
0x84: {  	[sflag:s6] =	ssyncadd.s32 $0xFFFFC000  }
0x85: {  	[tilespmem:s4], [sflag:$0x1] =	stream.linear.gather [hbm4b:s20+s4], $0x80, $0x38;
	[tilespmem:$0x1C100] =	vst v63  }
0x86: {  	_ = 	snop  }
0x87: {  	[tilespmem:s9], [sflag:$0x3] =	stream.linear.gather [hbm4b:s21+s4], $0x4000, $0x38;
	[tilespmem:$0x1C100] =	vst v63  }
0x88: {  	_ =	swait.ge [sflag:s12], $0x80  }
0x89: {  	[sflag:s12] =	ssyncset.done $0x0  }
0x8a: {  	[sflag:s12] =	ssyncadd.s32 $0xFFFFFF80  }
0x8b: {  	_ =	swait.ge [sflag:s10], $0x4000  }
0x8c: {  	[sflag:s10] =	ssyncset.done $0x0  }
0x8d: {  	[sflag:s10] =	ssyncadd.s32 $0xFFFFC000  }
0x8e: {  	[spmem:s2] =	stream.indirect.scatter.add.f32 [tilespmem:s8], [sflag:$0x5], $0x80, s7, s7, $0xb8;
	[tilespmem:$0x1C100] =	vst v63  }
0x8f: {  	_ =	swait.ge [sflag:s6], $0x4000  }
0x90: {  	[sflag:s6] =	ssyncset.done $0x0  }
0x91: {  	[sflag:s6] =	ssyncadd.s32 $0xFFFFC000  }
0x92: {  	[tilespmem:s7], [sflag:$0x2] =	stream.linear.gather [hbm4b:s18+s4], $0x80, $0x38;
	[tilespmem:$0x1C100] =	vst v63  }
0x93: {  	_ = 	snop  }
0x94: {  	[tilespmem:s8], [sflag:$0x4] =	stream.linear.gather [hbm4b:s19+s4], $0x4000, $0x38;
	[tilespmem:$0x1C100] =	vst v63  }
0x95: {  	_ =	swait.ge [sflag:s15], $0x80  }
0x96: {  	[sflag:s15] =	ssyncset.done $0x0  }
0x97: {  	[sflag:s15] =	ssyncadd.s32 $0xFFFFFF80  }
0x98: {  	_ =	swait.ge [sflag:s14], $0x4000  }
0x99: {  	[sflag:s14] =	ssyncset.done $0x0  }
0x9a: {  	[sflag:s14] =	ssyncadd.s32 $0xFFFFC000  }
0x9b: {  	[spmem:s2] =	stream.indirect.scatter.add.f32 [tilespmem:s9], [sflag:$0x5], $0x80, s4, s7, $0xb8;
	[tilespmem:$0x1C100] =	vst v63  }
0x9c: {  	_ =	swait.ge [sflag:s6], $0x4000  }
0x9d: {  	[sflag:s6] =	ssyncset.done $0x0  }
0x9e: {  	[sflag:s6] =	ssyncadd.s32 $0xFFFFC000  }
0x9f: {  	[tilespmem:s4], [sflag:$0x1] =	stream.linear.gather [hbm4b:s16+s4], $0x80, $0x38;
	[tilespmem:$0x1C100] =	vst v63  }
0xa0: {  	_ = 	snop  }
0xa1: {  	[tilespmem:s9], [sflag:$0x3] =	stream.linear.gather [hbm4b:s17+s4], $0x4000, $0x38;
	[tilespmem:$0x1C100] =	vst v63  }
0xa2: {  	_ =	swait.ge [sflag:s12], $0x80  }
0xa3: {  	[sflag:s12] =	ssyncset.done $0x0  }
0xa4: {  	[sflag:s12] =	ssyncadd.s32 $0xFFFFFF80  }
0xa5: {  	_ =	swait.ge [sflag:s10], $0x4000  }
0xa6: {  	[sflag:s10] =	ssyncset.done $0x0  }
0xa7: {  	[sflag:s10] =	ssyncadd.s32 $0xFFFFC000  }
0xa8: {  	[spmem:s2] =	stream.indirect.scatter.add.f32 [tilespmem:s8], [sflag:$0x5], $0x80, s7, s7, $0xb8;
	[tilespmem:$0x1C100] =	vst v63  }
0xa9: {  	_ =	swait.ge [sflag:s6], $0x4000  }
0xaa: {  	[sflag:s6] =	ssyncset.done $0x0  }
0xab: {  	[sflag:s6] =	ssyncadd.s32 $0xFFFFC000  }
0xac: {  	[tilespmem:s7], [sflag:$0x2] =	stream.linear.gather [hbm4b:s11+s4], $0x80, $0x38;
	[tilespmem:$0x1C100] =	vst v63  }
0xad: {  	_ = 	snop  }
0xae: {  	[tilespmem:s8], [sflag:$0x4] =	stream.linear.gather [hbm4b:s13+s4], $0x4000, $0x38;
	[tilespmem:$0x1C100] =	vst v63  }
0xaf: {  	_ =	swait.ge [sflag:s15], $0x80  }
0xb0: {  	[sflag:s15] =	ssyncset.done $0x0  }
0xb1: {  	[sflag:s15] =	ssyncadd.s32 $0xFFFFFF80  }
0xb2: {  	_ =	swait.ge [sflag:s14], $0x4000  }
0xb3: {  	[sflag:s14] =	ssyncset.done $0x0  }
0xb4: {  	[sflag:s14] =	ssyncadd.s32 $0xFFFFC000  }
0xb5: {  	[spmem:s2] =	stream.indirect.scatter.add.f32 [tilespmem:s9], [sflag:$0x5], $0x80, s4, s7, $0xb8;
	[tilespmem:$0x1C100] =	vst v63  }
0xb6: {  	_ =	swait.ge [sflag:s6], $0x4000  }
0xb7: {  	[sflag:s6] =	ssyncset.done $0x0  }
0xb8: {  	[sflag:s6] =	ssyncadd.s32 $0xFFFFC000  }
0xb9: {  	_ =	swait.ge [sflag:s12], $0x80  }
0xba: {  	[sflag:s12] =	ssyncset.done $0x0  }
0xbb: {  	[sflag:s12] =	ssyncadd.s32 $0xFFFFFF80  }
0xbc: {  	_ =	swait.ge [sflag:s10], $0x4000  }
0xbd: {  	[sflag:s10] =	ssyncset.done $0x0  }
0xbe: {  	[sflag:s10] =	ssyncadd.s32 $0xFFFFC000  }
0xbf: {  	[spmem:s2] =	stream.indirect.scatter.add.f32 [tilespmem:s8], [sflag:$0x5], $0x80, s7, s7, $0xb8;
	[tilespmem:$0x1C100] =	vst v63  }
0xc0: {  	_ =	swait.ge [sflag:s6], $0x4000  }
0xc1: {  	p1 =	sne.s32 s30, $0x1;
	[sflag:s6] =	ssyncset.done $0x0  }
.Ltmp1:
0xc2: {  	s28 =	sshll.u32 s1, $0x6;
	[sflag:s6] =	ssyncadd.s32 $0xFFFFC000;
	(pc) =	sbr.rel @!p1 .LBB2_2-.Ltmp1, $4  }
0xc3: {  	s29 =	sshrl.u32 s3, $0x3;
	s28 =	sor.u32 $0x1C05, s28;
	[bflag:$0x0] =	sbarrier.arrive $0xFFFF  }
0xc4: {  	[hbm:s5], [sflag:s28] =	dma.local [spmem:s29], $0x2800  }
0xc5: {  	s30 =	sadd.s32 $0xFFFFFFFF, s30;
	_ =	swait.ge [sflag:s6], $0x2800  }
0xc6: {  	p0 =	por $0x1, $0x1;
	s31 =	rddreg [dreg:$0x4];
	[sflag:s6] =	ssyncset.done $0x0  }
.LBB2_3:
0xc7: {  	[sflag:s6] =	ssyncadd.s32 $0xFFFFD800  }
0xc8: {  	[tilespmem:s9], [sflag:$0x5] =	stream.linear.gather [hbm4b:s31+s4], $0x4000, $0x38;
	[tilespmem:$0x1C100] =	vst v63  }
0xc9: {  	_ =	swait.ge [sflag:s6], $0x4000  }
0xca: {  	[sflag:s6] =	ssyncset.done $0x0  }
0xcb: {  	[sflag:s6] =	ssyncadd.s32 $0xFFFFC000  }
0xcc: {  	[spmem:s3] =	stream.linear.scatter [tilespmem:s9], [sflag:$0x5], $0x4000, $0x38;
	[tilespmem:$0x1C100] =	vst v63  }
0xcd: {  	_ =	swait.ge [sflag:s6], $0x4000  }
0xce: {  	[sflag:s6] =	ssyncset.done $0x0  }
0xcf: {  	s31 =	rddreg [dreg:$0x5];
	[sflag:s6] =	ssyncadd.s32 $0xFFFFC000  }
0xd0: {  	[spmem:s31] =	stream.linear.scatter [tilespmem:s9], [sflag:$0x5], $0x4000, $0x38;
	[tilespmem:$0x1C100] =	vst v63  }
0xd1: {  	_ =	swait.ge [sflag:s6], $0x4000  }
0xd2: {  	[sflag:s6] =	ssyncset.done $0x0  }
0xd3: {  	s31 =	rddreg [dreg:$0x6];
	[sflag:s6] =	ssyncadd.s32 $0xFFFFC000  }
0xd4: {  	[spmem:s31] =	stream.linear.scatter [tilespmem:s9], [sflag:$0x5], $0x4000, $0x38;
	[tilespmem:$0x1C100] =	vst v63  }
0xd5: {  	_ =	swait.ge [sflag:s6], $0x4000  }
0xd6: {  	[sflag:s6] =	ssyncset.done $0x0  }
0xd7: {  	s31 =	rddreg [dreg:$0x7];
	[sflag:s6] =	ssyncadd.s32 $0xFFFFC000  }
0xd8: {  	[spmem:s31] =	stream.linear.scatter [tilespmem:s9], [sflag:$0x5], $0x4000, $0x38;
	[tilespmem:$0x1C100] =	vst v63  }
0xd9: {  	_ =	swait.ge [sflag:s6], $0x4000  }
0xda: {  	[sflag:s6] =	ssyncset.done $0x0  }
0xdb: {  	s31 =	rddreg [dreg:$0x8];
	[sflag:s6] =	ssyncadd.s32 $0xFFFFC000  }
0xdc: {  	[spmem:s31] =	stream.linear.scatter [tilespmem:s9], [sflag:$0x5], $0x4000, $0x38;
	[tilespmem:$0x1C100] =	vst v63  }
0xdd: {  	_ =	swait.ge [sflag:s6], $0x4000  }
0xde: {  	[sflag:s6] =	ssyncset.done $0x0  }
0xdf: {  	[sflag:s6] =	ssyncadd.s32 $0xFFFFC000  }
0xe0: {  	[bflag:$0x0] =	sbarrier.arrive $0xFFFF  }
0xe1: {  	s31 =	rddreg [dreg:$0x9]  }
0xe2: {  	[tilespmem:s4], [sflag:$0x1] =	stream.linear.gather [hbm4b:s31+s4], $0x80, $0x38;
	[tilespmem:$0x1C100] =	vst v63  }
0xe3: {  	s0 =	rddreg [dreg:$0xa]  }
0xe4: {  	[tilespmem:s9], [sflag:$0x3] =	stream.linear.gather [hbm4b:s0+s4], $0x4000, $0x38;
	[tilespmem:$0x1C100] =	vst v63  }
0xe5: {  	s31 =	rddreg [dreg:$0xb]  }
0xe6: {  	[tilespmem:s7], [sflag:$0x2] =	stream.linear.gather [hbm4b:s31+s4], $0x80, $0x38;
	[tilespmem:$0x1C100] =	vst v63  }
0xe7: {  	s0 =	rddreg [dreg:$0xc]  }
0xe8: {  	[tilespmem:s8], [sflag:$0x4] =	stream.linear.gather [hbm4b:s0+s4], $0x4000, $0x38;
	[tilespmem:$0x1C100] =	vst v63  }
0xe9: {  	_ =	swait.ge [sflag:s15], $0x80  }
0xea: {  	[sflag:s15] =	ssyncset.done $0x0  }
0xeb: {  	[sflag:s15] =	ssyncadd.s32 $0xFFFFFF80  }
0xec: {  	_ =	swait.ge [sflag:s14], $0x4000  }
0xed: {  	[sflag:s14] =	ssyncset.done $0x0  }
0xee: {  	[sflag:s14] =	ssyncadd.s32 $0xFFFFC000  }
0xef: {  	[spmem:s2] =	stream.indirect.scatter.add.f32 [tilespmem:s9], [sflag:$0x5], $0x80, s4, s7, $0xb8;
	[tilespmem:$0x1C100] =	vst v63  }
0xf0: {  	_ =	swait.ge [sflag:s6], $0x4000  }
0xf1: {  	[sflag:s6] =	ssyncset.done $0x0  }
0xf2: {  	s0 =	rddreg [dreg:$0xd];
	[sflag:s6] =	ssyncadd.s32 $0xFFFFC000  }
0xf3: {  	[tilespmem:s4], [sflag:$0x1] =	stream.linear.gather [hbm4b:s0+s4], $0x80, $0x38;
	[tilespmem:$0x1C100] =	vst v63  }
0xf4: {  	s31 =	rddreg [dreg:$0xe]  }
0xf5: {  	[tilespmem:s9], [sflag:$0x3] =	stream.linear.gather [hbm4b:s31+s4], $0x4000, $0x38;
	[tilespmem:$0x1C100] =	vst v63  }
0xf6: {  	_ =	swait.ge [sflag:s12], $0x80  }
0xf7: {  	[sflag:s12] =	ssyncset.done $0x0  }
0xf8: {  	[sflag:s12] =	ssyncadd.s32 $0xFFFFFF80  }
0xf9: {  	_ =	swait.ge [sflag:s10], $0x4000  }
0xfa: {  	[sflag:s10] =	ssyncset.done $0x0  }
0xfb: {  	[sflag:s10] =	ssyncadd.s32 $0xFFFFC000  }
0xfc: {  	[spmem:s2] =	stream.indirect.scatter.add.f32 [tilespmem:s8], [sflag:$0x5], $0x80, s7, s7, $0xb8;
	[tilespmem:$0x1C100] =	vst v63  }
0xfd: {  	_ =	swait.ge [sflag:s6], $0x4000  }
0xfe: {  	[sflag:s6] =	ssyncset.done $0x0  }
0xff: {  	s0 =	rddreg [dreg:$0xf];
	[sflag:s6] =	ssyncadd.s32 $0xFFFFC000  }
0x100: {  	[tilespmem:s7], [sflag:$0x2] =	stream.linear.gather [hbm4b:s0+s4], $0x80, $0x38;
	[tilespmem:$0x1C100] =	vst v63  }
0x101: {  	_ = 	snop  }
0x102: {  	[tilespmem:s8], [sflag:$0x4] =	stream.linear.gather [hbm4b:s26+s4], $0x4000, $0x38;
	[tilespmem:$0x1C100] =	vst v63  }
0x103: {  	_ =	swait.ge [sflag:s15], $0x80  }
0x104: {  	[sflag:s15] =	ssyncset.done $0x0  }
0x105: {  	[sflag:s15] =	ssyncadd.s32 $0xFFFFFF80  }
0x106: {  	_ =	swait.ge [sflag:s14], $0x4000  }
0x107: {  	[sflag:s14] =	ssyncset.done $0x0  }
0x108: {  	[sflag:s14] =	ssyncadd.s32 $0xFFFFC000  }
0x109: {  	[spmem:s2] =	stream.indirect.scatter.add.f32 [tilespmem:s9], [sflag:$0x5], $0x80, s4, s7, $0xb8;
	[tilespmem:$0x1C100] =	vst v63  }
0x10a: {  	_ =	swait.ge [sflag:s6], $0x4000  }
0x10b: {  	[sflag:s6] =	ssyncset.done $0x0  }
0x10c: {  	[sflag:s6] =	ssyncadd.s32 $0xFFFFC000  }
0x10d: {  	[tilespmem:s4], [sflag:$0x1] =	stream.linear.gather [hbm4b:s24+s4], $0x80, $0x38;
	[tilespmem:$0x1C100] =	vst v63  }
0x10e: {  	_ = 	snop  }
0x10f: {  	[tilespmem:s9], [sflag:$0x3] =	stream.linear.gather [hbm4b:s25+s4], $0x4000, $0x38;
	[tilespmem:$0x1C100] =	vst v63  }
0x110: {  	_ =	swait.ge [sflag:s12], $0x80  }
0x111: {  	[sflag:s12] =	ssyncset.done $0x0  }
0x112: {  	[sflag:s12] =	ssyncadd.s32 $0xFFFFFF80  }
0x113: {  	_ =	swait.ge [sflag:s10], $0x4000  }
0x114: {  	[sflag:s10] =	ssyncset.done $0x0  }
0x115: {  	[sflag:s10] =	ssyncadd.s32 $0xFFFFC000  }
0x116: {  	[spmem:s2] =	stream.indirect.scatter.add.f32 [tilespmem:s8], [sflag:$0x5], $0x80, s7, s7, $0xb8;
	[tilespmem:$0x1C100] =	vst v63  }
0x117: {  	_ =	swait.ge [sflag:s6], $0x4000  }
0x118: {  	[sflag:s6] =	ssyncset.done $0x0  }
0x119: {  	[sflag:s6] =	ssyncadd.s32 $0xFFFFC000  }
0x11a: {  	[tilespmem:s7], [sflag:$0x2] =	stream.linear.gather [hbm4b:s22+s4], $0x80, $0x38;
	[tilespmem:$0x1C100] =	vst v63  }
0x11b: {  	_ = 	snop  }
0x11c: {  	[tilespmem:s8], [sflag:$0x4] =	stream.linear.gather [hbm4b:s23+s4], $0x4000, $0x38;
	[tilespmem:$0x1C100] =	vst v63  }
0x11d: {  	_ =	swait.ge [sflag:s15], $0x80  }
0x11e: {  	[sflag:s15] =	ssyncset.done $0x0  }
0x11f: {  	[sflag:s15] =	ssyncadd.s32 $0xFFFFFF80  }
0x120: {  	_ =	swait.ge [sflag:s14], $0x4000  }
0x121: {  	[sflag:s14] =	ssyncset.done $0x0  }
0x122: {  	[sflag:s14] =	ssyncadd.s32 $0xFFFFC000  }
0x123: {  	[spmem:s2] =	stream.indirect.scatter.add.f32 [tilespmem:s9], [sflag:$0x5], $0x80, s4, s7, $0xb8;
	[tilespmem:$0x1C100] =	vst v63  }
0x124: {  	_ =	swait.ge [sflag:s6], $0x4000  }
0x125: {  	[sflag:s6] =	ssyncset.done $0x0  }
0x126: {  	[sflag:s6] =	ssyncadd.s32 $0xFFFFC000  }
0x127: {  	[tilespmem:s4], [sflag:$0x1] =	stream.linear.gather [hbm4b:s20+s4], $0x80, $0x38;
	[tilespmem:$0x1C100] =	vst v63  }
0x128: {  	_ = 	snop  }
0x129: {  	[tilespmem:s9], [sflag:$0x3] =	stream.linear.gather [hbm4b:s21+s4], $0x4000, $0x38;
	[tilespmem:$0x1C100] =	vst v63  }
0x12a: {  	_ =	swait.ge [sflag:s12], $0x80  }
0x12b: {  	[sflag:s12] =	ssyncset.done $0x0  }
0x12c: {  	[sflag:s12] =	ssyncadd.s32 $0xFFFFFF80  }
0x12d: {  	_ =	swait.ge [sflag:s10], $0x4000  }
0x12e: {  	[sflag:s10] =	ssyncset.done $0x0  }
0x12f: {  	[sflag:s10] =	ssyncadd.s32 $0xFFFFC000  }
0x130: {  	[spmem:s2] =	stream.indirect.scatter.add.f32 [tilespmem:s8], [sflag:$0x5], $0x80, s7, s7, $0xb8;
	[tilespmem:$0x1C100] =	vst v63  }
0x131: {  	_ =	swait.ge [sflag:s6], $0x4000  }
0x132: {  	[sflag:s6] =	ssyncset.done $0x0  }
0x133: {  	[sflag:s6] =	ssyncadd.s32 $0xFFFFC000  }
0x134: {  	[tilespmem:s7], [sflag:$0x2] =	stream.linear.gather [hbm4b:s18+s4], $0x80, $0x38;
	[tilespmem:$0x1C100] =	vst v63  }
0x135: {  	_ = 	snop  }
0x136: {  	[tilespmem:s8], [sflag:$0x4] =	stream.linear.gather [hbm4b:s19+s4], $0x4000, $0x38;
	[tilespmem:$0x1C100] =	vst v63  }
0x137: {  	_ =	swait.ge [sflag:s15], $0x80  }
0x138: {  	[sflag:s15] =	ssyncset.done $0x0  }
0x139: {  	[sflag:s15] =	ssyncadd.s32 $0xFFFFFF80  }
0x13a: {  	_ =	swait.ge [sflag:s14], $0x4000  }
0x13b: {  	[sflag:s14] =	ssyncset.done $0x0  }
0x13c: {  	[sflag:s14] =	ssyncadd.s32 $0xFFFFC000  }
0x13d: {  	[spmem:s2] =	stream.indirect.scatter.add.f32 [tilespmem:s9], [sflag:$0x5], $0x80, s4, s7, $0xb8;
	[tilespmem:$0x1C100] =	vst v63  }
0x13e: {  	_ =	swait.ge [sflag:s6], $0x4000  }
0x13f: {  	[sflag:s6] =	ssyncset.done $0x0  }
0x140: {  	[sflag:s6] =	ssyncadd.s32 $0xFFFFC000  }
0x141: {  	[tilespmem:s4], [sflag:$0x1] =	stream.linear.gather [hbm4b:s16+s4], $0x80, $0x38;
	[tilespmem:$0x1C100] =	vst v63  }
0x142: {  	_ = 	snop  }
0x143: {  	[tilespmem:s9], [sflag:$0x3] =	stream.linear.gather [hbm4b:s17+s4], $0x4000, $0x38;
	[tilespmem:$0x1C100] =	vst v63  }
0x144: {  	_ =	swait.ge [sflag:s12], $0x80  }
0x145: {  	[sflag:s12] =	ssyncset.done $0x0  }
0x146: {  	[sflag:s12] =	ssyncadd.s32 $0xFFFFFF80  }
0x147: {  	_ =	swait.ge [sflag:s10], $0x4000  }
0x148: {  	[sflag:s10] =	ssyncset.done $0x0  }
0x149: {  	[sflag:s10] =	ssyncadd.s32 $0xFFFFC000  }
0x14a: {  	[spmem:s2] =	stream.indirect.scatter.add.f32 [tilespmem:s8], [sflag:$0x5], $0x80, s7, s7, $0xb8;
	[tilespmem:$0x1C100] =	vst v63  }
0x14b: {  	_ =	swait.ge [sflag:s6], $0x4000  }
0x14c: {  	[sflag:s6] =	ssyncset.done $0x0  }
0x14d: {  	[sflag:s6] =	ssyncadd.s32 $0xFFFFC000  }
0x14e: {  	[tilespmem:s7], [sflag:$0x2] =	stream.linear.gather [hbm4b:s11+s4], $0x80, $0x38;
	[tilespmem:$0x1C100] =	vst v63  }
0x14f: {  	_ = 	snop  }
0x150: {  	[tilespmem:s8], [sflag:$0x4] =	stream.linear.gather [hbm4b:s13+s4], $0x4000, $0x38;
	[tilespmem:$0x1C100] =	vst v63  }
0x151: {  	_ =	swait.ge [sflag:s15], $0x80  }
0x152: {  	[sflag:s15] =	ssyncset.done $0x0  }
0x153: {  	[sflag:s15] =	ssyncadd.s32 $0xFFFFFF80  }
0x154: {  	_ =	swait.ge [sflag:s14], $0x4000  }
0x155: {  	[sflag:s14] =	ssyncset.done $0x0  }
0x156: {  	[sflag:s14] =	ssyncadd.s32 $0xFFFFC000  }
0x157: {  	[spmem:s2] =	stream.indirect.scatter.add.f32 [tilespmem:s9], [sflag:$0x5], $0x80, s4, s7, $0xb8;
	[tilespmem:$0x1C100] =	vst v63  }
0x158: {  	_ =	swait.ge [sflag:s6], $0x4000  }
0x159: {  	[sflag:s6] =	ssyncset.done $0x0  }
0x15a: {  	[sflag:s6] =	ssyncadd.s32 $0xFFFFC000  }
0x15b: {  	_ =	swait.ge [sflag:s12], $0x80  }
0x15c: {  	[sflag:s12] =	ssyncset.done $0x0  }
0x15d: {  	[sflag:s12] =	ssyncadd.s32 $0xFFFFFF80  }
0x15e: {  	_ =	swait.ge [sflag:s10], $0x4000  }
0x15f: {  	[sflag:s10] =	ssyncset.done $0x0  }
0x160: {  	[sflag:s10] =	ssyncadd.s32 $0xFFFFC000  }
0x161: {  	[spmem:s2] =	stream.indirect.scatter.add.f32 [tilespmem:s8], [sflag:$0x5], $0x80, s7, s7, $0xb8;
	[tilespmem:$0x1C100] =	vst v63  }
0x162: {  	_ =	swait.ge [sflag:s6], $0x4000  }
0x163: {  	p1 =	sne.s32 s30, $0x1;
	[sflag:s6] =	ssyncset.done $0x0  }
.Ltmp2:
0x164: {  	[sflag:s6] =	ssyncadd.s32 $0xFFFFC000;
	(pc) =	sbr.rel @p1 .LBB2_3-.Ltmp2, $4  }
0x165: {  	[bflag:$0x0] =	sbarrier.arrive $0xFFFF  }
0x166: {  	[hbm:s5], [sflag:s28] =	dma.local [spmem:s29], $0x2800  }
0x167: {  	_ =	swait.ge [sflag:s6], $0x2800  }
0x168: {  	s30 =	sadd.s32 $0xFFFFFFFF, s30;
	s31 =	rddreg [dreg:$0x4];
	[sflag:s6] =	ssyncset.done $0x0  }
0x169: {  	s29 =	rddreg [dreg:$0x3]  }
.LBB2_5:
0x16a: {  	[sflag:s6] =	ssyncadd.s32 @p0 $0xFFFFD800  }
0x16b: {  	[tilespmem:s9], [sflag:$0x5] =	stream.linear.gather [hbm4b:s31+s4], $0x4000, $0x38;
	[tilespmem:$0x1C100] =	vst v63  }
0x16c: {  	_ =	swait.ge [sflag:s6], $0x4000  }
0x16d: {  	[sflag:s6] =	ssyncset.done $0x0  }
0x16e: {  	[sflag:s6] =	ssyncadd.s32 $0xFFFFC000  }
0x16f: {  	[spmem:s3] =	stream.linear.scatter [tilespmem:s9], [sflag:$0x5], $0x4000, $0x38;
	[tilespmem:$0x1C100] =	vst v63  }
0x170: {  	_ =	swait.ge [sflag:s6], $0x4000  }
0x171: {  	[sflag:s6] =	ssyncset.done $0x0  }
0x172: {  	s0 =	rddreg [dreg:$0x5];
	[sflag:s6] =	ssyncadd.s32 $0xFFFFC000  }
0x173: {  	[spmem:s0] =	stream.linear.scatter [tilespmem:s9], [sflag:$0x5], $0x4000, $0x38;
	[tilespmem:$0x1C100] =	vst v63  }
0x174: {  	_ =	swait.ge [sflag:s6], $0x4000  }
0x175: {  	[sflag:s6] =	ssyncset.done $0x0  }
0x176: {  	s31 =	rddreg [dreg:$0x6];
	[sflag:s6] =	ssyncadd.s32 $0xFFFFC000  }
0x177: {  	[spmem:s31] =	stream.linear.scatter [tilespmem:s9], [sflag:$0x5], $0x4000, $0x38;
	[tilespmem:$0x1C100] =	vst v63  }
0x178: {  	_ =	swait.ge [sflag:s6], $0x4000  }
0x179: {  	[sflag:s6] =	ssyncset.done $0x0  }
0x17a: {  	s28 =	rddreg [dreg:$0x7];
	[sflag:s6] =	ssyncadd.s32 $0xFFFFC000  }
0x17b: {  	[spmem:s28] =	stream.linear.scatter [tilespmem:s9], [sflag:$0x5], $0x4000, $0x38;
	[tilespmem:$0x1C100] =	vst v63  }
0x17c: {  	_ =	swait.ge [sflag:s6], $0x4000  }
0x17d: {  	[sflag:s6] =	ssyncset.done $0x0  }
0x17e: {  	s30 =	rddreg [dreg:$0x8];
	[sflag:s6] =	ssyncadd.s32 $0xFFFFC000  }
0x17f: {  	[spmem:s30] =	stream.linear.scatter [tilespmem:s9], [sflag:$0x5], $0x4000, $0x38;
	[tilespmem:$0x1C100] =	vst v63  }
0x180: {  	_ =	swait.ge [sflag:s6], $0x4000  }
0x181: {  	[sflag:s6] =	ssyncset.done $0x0  }
0x182: {  	[sflag:s6] =	ssyncadd.s32 $0xFFFFC000  }
0x183: {  	[bflag:$0x0] =	sbarrier.arrive $0xFFFF  }
0x184: {  	s31 =	rddreg [dreg:$0x9]  }
0x185: {  	[tilespmem:s4], [sflag:$0x1] =	stream.linear.gather [hbm4b:s31+s4], $0x80, $0x38;
	[tilespmem:$0x1C100] =	vst v63  }
0x186: {  	s28 =	rddreg [dreg:$0xa]  }
0x187: {  	[tilespmem:s9], [sflag:$0x3] =	stream.linear.gather [hbm4b:s28+s4], $0x4000, $0x38;
	[tilespmem:$0x1C100] =	vst v63  }
0x188: {  	s30 =	rddreg [dreg:$0xb]  }
0x189: {  	[tilespmem:s7], [sflag:$0x2] =	stream.linear.gather [hbm4b:s30+s4], $0x80, $0x38;
	[tilespmem:$0x1C100] =	vst v63  }
0x18a: {  	s31 =	rddreg [dreg:$0xc]  }
0x18b: {  	[tilespmem:s8], [sflag:$0x4] =	stream.linear.gather [hbm4b:s31+s4], $0x4000, $0x38;
	[tilespmem:$0x1C100] =	vst v63  }
0x18c: {  	_ =	swait.ge [sflag:s15], $0x80  }
0x18d: {  	[sflag:s15] =	ssyncset.done $0x0  }
0x18e: {  	[sflag:s15] =	ssyncadd.s32 $0xFFFFFF80  }
0x18f: {  	_ =	swait.ge [sflag:s14], $0x4000  }
0x190: {  	[sflag:s14] =	ssyncset.done $0x0  }
0x191: {  	[sflag:s14] =	ssyncadd.s32 $0xFFFFC000  }
0x192: {  	[spmem:s2] =	stream.indirect.scatter.add.f32 [tilespmem:s9], [sflag:$0x5], $0x80, s4, s7, $0xb8;
	[tilespmem:$0x1C100] =	vst v63  }
0x193: {  	_ =	swait.ge [sflag:s6], $0x4000  }
0x194: {  	[sflag:s6] =	ssyncset.done $0x0  }
0x195: {  	s30 =	rddreg [dreg:$0xd];
	[sflag:s6] =	ssyncadd.s32 $0xFFFFC000  }
0x196: {  	[tilespmem:s4], [sflag:$0x1] =	stream.linear.gather [hbm4b:s30+s4], $0x80, $0x38;
	[tilespmem:$0x1C100] =	vst v63  }
0x197: {  	s31 =	rddreg [dreg:$0xe]  }
0x198: {  	[tilespmem:s9], [sflag:$0x3] =	stream.linear.gather [hbm4b:s31+s4], $0x4000, $0x38;
	[tilespmem:$0x1C100] =	vst v63  }
0x199: {  	_ =	swait.ge [sflag:s12], $0x80  }
0x19a: {  	[sflag:s12] =	ssyncset.done $0x0  }
0x19b: {  	[sflag:s12] =	ssyncadd.s32 $0xFFFFFF80  }
0x19c: {  	_ =	swait.ge [sflag:s10], $0x4000  }
0x19d: {  	[sflag:s10] =	ssyncset.done $0x0  }
0x19e: {  	[sflag:s10] =	ssyncadd.s32 $0xFFFFC000  }
0x19f: {  	[spmem:s2] =	stream.indirect.scatter.add.f32 [tilespmem:s8], [sflag:$0x5], $0x80, s7, s7, $0xb8;
	[tilespmem:$0x1C100] =	vst v63  }
0x1a0: {  	_ =	swait.ge [sflag:s6], $0x4000  }
0x1a1: {  	[sflag:s6] =	ssyncset.done $0x0  }
0x1a2: {  	s28 =	rddreg [dreg:$0xf];
	[sflag:s6] =	ssyncadd.s32 $0xFFFFC000  }
0x1a3: {  	[tilespmem:s7], [sflag:$0x2] =	stream.linear.gather [hbm4b:s28+s4], $0x80, $0x38;
	[tilespmem:$0x1C100] =	vst v63  }
0x1a4: {  	_ = 	snop  }
0x1a5: {  	[tilespmem:s8], [sflag:$0x4] =	stream.linear.gather [hbm4b:s26+s4], $0x4000, $0x38;
	[tilespmem:$0x1C100] =	vst v63  }
0x1a6: {  	_ =	swait.ge [sflag:s15], $0x80  }
0x1a7: {  	[sflag:s15] =	ssyncset.done $0x0  }
0x1a8: {  	[sflag:s15] =	ssyncadd.s32 $0xFFFFFF80  }
0x1a9: {  	_ =	swait.ge [sflag:s14], $0x4000  }
0x1aa: {  	[sflag:s14] =	ssyncset.done $0x0  }
0x1ab: {  	[sflag:s14] =	ssyncadd.s32 $0xFFFFC000  }
0x1ac: {  	[spmem:s2] =	stream.indirect.scatter.add.f32 [tilespmem:s9], [sflag:$0x5], $0x80, s4, s7, $0xb8;
	[tilespmem:$0x1C100] =	vst v63  }
0x1ad: {  	_ =	swait.ge [sflag:s6], $0x4000  }
0x1ae: {  	[sflag:s6] =	ssyncset.done $0x0  }
0x1af: {  	[sflag:s6] =	ssyncadd.s32 $0xFFFFC000  }
0x1b0: {  	[tilespmem:s4], [sflag:$0x1] =	stream.linear.gather [hbm4b:s24+s4], $0x80, $0x38;
	[tilespmem:$0x1C100] =	vst v63  }
0x1b1: {  	_ = 	snop  }
0x1b2: {  	[tilespmem:s9], [sflag:$0x3] =	stream.linear.gather [hbm4b:s25+s4], $0x4000, $0x38;
	[tilespmem:$0x1C100] =	vst v63  }
0x1b3: {  	_ =	swait.ge [sflag:s12], $0x80  }
0x1b4: {  	[sflag:s12] =	ssyncset.done $0x0  }
0x1b5: {  	[sflag:s12] =	ssyncadd.s32 $0xFFFFFF80  }
0x1b6: {  	_ =	swait.ge [sflag:s10], $0x4000  }
0x1b7: {  	[sflag:s10] =	ssyncset.done $0x0  }
0x1b8: {  	[sflag:s10] =	ssyncadd.s32 $0xFFFFC000  }
0x1b9: {  	[spmem:s2] =	stream.indirect.scatter.add.f32 [tilespmem:s8], [sflag:$0x5], $0x80, s7, s7, $0xb8;
	[tilespmem:$0x1C100] =	vst v63  }
0x1ba: {  	_ =	swait.ge [sflag:s6], $0x4000  }
0x1bb: {  	[sflag:s6] =	ssyncset.done $0x0  }
0x1bc: {  	[sflag:s6] =	ssyncadd.s32 $0xFFFFC000  }
0x1bd: {  	[tilespmem:s7], [sflag:$0x2] =	stream.linear.gather [hbm4b:s22+s4], $0x80, $0x38;
	[tilespmem:$0x1C100] =	vst v63  }
0x1be: {  	_ = 	snop  }
0x1bf: {  	[tilespmem:s8], [sflag:$0x4] =	stream.linear.gather [hbm4b:s23+s4], $0x4000, $0x38;
	[tilespmem:$0x1C100] =	vst v63  }
0x1c0: {  	_ =	swait.ge [sflag:s15], $0x80  }
0x1c1: {  	[sflag:s15] =	ssyncset.done $0x0  }
0x1c2: {  	[sflag:s15] =	ssyncadd.s32 $0xFFFFFF80  }
0x1c3: {  	_ =	swait.ge [sflag:s14], $0x4000  }
0x1c4: {  	[sflag:s14] =	ssyncset.done $0x0  }
0x1c5: {  	[sflag:s14] =	ssyncadd.s32 $0xFFFFC000  }
0x1c6: {  	[spmem:s2] =	stream.indirect.scatter.add.f32 [tilespmem:s9], [sflag:$0x5], $0x80, s4, s7, $0xb8;
	[tilespmem:$0x1C100] =	vst v63  }
0x1c7: {  	_ =	swait.ge [sflag:s6], $0x4000  }
0x1c8: {  	[sflag:s6] =	ssyncset.done $0x0  }
0x1c9: {  	[sflag:s6] =	ssyncadd.s32 $0xFFFFC000  }
0x1ca: {  	[tilespmem:s4], [sflag:$0x1] =	stream.linear.gather [hbm4b:s20+s4], $0x80, $0x38;
	[tilespmem:$0x1C100] =	vst v63  }
0x1cb: {  	_ = 	snop  }
0x1cc: {  	[tilespmem:s9], [sflag:$0x3] =	stream.linear.gather [hbm4b:s21+s4], $0x4000, $0x38;
	[tilespmem:$0x1C100] =	vst v63  }
0x1cd: {  	_ =	swait.ge [sflag:s12], $0x80  }
0x1ce: {  	[sflag:s12] =	ssyncset.done $0x0  }
0x1cf: {  	[sflag:s12] =	ssyncadd.s32 $0xFFFFFF80  }
0x1d0: {  	_ =	swait.ge [sflag:s10], $0x4000  }
0x1d1: {  	[sflag:s10] =	ssyncset.done $0x0  }
0x1d2: {  	[sflag:s10] =	ssyncadd.s32 $0xFFFFC000  }
0x1d3: {  	[spmem:s2] =	stream.indirect.scatter.add.f32 [tilespmem:s8], [sflag:$0x5], $0x80, s7, s7, $0xb8;
	[tilespmem:$0x1C100] =	vst v63  }
0x1d4: {  	_ =	swait.ge [sflag:s6], $0x4000  }
0x1d5: {  	[sflag:s6] =	ssyncset.done $0x0  }
0x1d6: {  	[sflag:s6] =	ssyncadd.s32 $0xFFFFC000  }
0x1d7: {  	[tilespmem:s7], [sflag:$0x2] =	stream.linear.gather [hbm4b:s18+s4], $0x80, $0x38;
	[tilespmem:$0x1C100] =	vst v63  }
0x1d8: {  	_ = 	snop  }
0x1d9: {  	[tilespmem:s8], [sflag:$0x4] =	stream.linear.gather [hbm4b:s19+s4], $0x4000, $0x38;
	[tilespmem:$0x1C100] =	vst v63  }
0x1da: {  	_ =	swait.ge [sflag:s15], $0x80  }
0x1db: {  	[sflag:s15] =	ssyncset.done $0x0  }
0x1dc: {  	[sflag:s15] =	ssyncadd.s32 $0xFFFFFF80  }
0x1dd: {  	_ =	swait.ge [sflag:s14], $0x4000  }
0x1de: {  	[sflag:s14] =	ssyncset.done $0x0  }
0x1df: {  	[sflag:s14] =	ssyncadd.s32 $0xFFFFC000  }
0x1e0: {  	[spmem:s2] =	stream.indirect.scatter.add.f32 [tilespmem:s9], [sflag:$0x5], $0x80, s4, s7, $0xb8;
	[tilespmem:$0x1C100] =	vst v63  }
0x1e1: {  	_ =	swait.ge [sflag:s6], $0x4000  }
0x1e2: {  	[sflag:s6] =	ssyncset.done $0x0  }
0x1e3: {  	[sflag:s6] =	ssyncadd.s32 $0xFFFFC000  }
0x1e4: {  	[tilespmem:s4], [sflag:$0x1] =	stream.linear.gather [hbm4b:s16+s4], $0x80, $0x38;
	[tilespmem:$0x1C100] =	vst v63  }
0x1e5: {  	_ = 	snop  }
0x1e6: {  	[tilespmem:s9], [sflag:$0x3] =	stream.linear.gather [hbm4b:s17+s4], $0x4000, $0x38;
	[tilespmem:$0x1C100] =	vst v63  }
0x1e7: {  	_ =	swait.ge [sflag:s12], $0x80  }
0x1e8: {  	[sflag:s12] =	ssyncset.done $0x0  }
0x1e9: {  	[sflag:s12] =	ssyncadd.s32 $0xFFFFFF80  }
0x1ea: {  	_ =	swait.ge [sflag:s10], $0x4000  }
0x1eb: {  	[sflag:s10] =	ssyncset.done $0x0  }
0x1ec: {  	[sflag:s10] =	ssyncadd.s32 $0xFFFFC000  }
0x1ed: {  	[spmem:s2] =	stream.indirect.scatter.add.f32 [tilespmem:s8], [sflag:$0x5], $0x80, s7, s7, $0xb8;
	[tilespmem:$0x1C100] =	vst v63  }
0x1ee: {  	_ =	swait.ge [sflag:s6], $0x4000  }
0x1ef: {  	[sflag:s6] =	ssyncset.done $0x0  }
0x1f0: {  	[sflag:s6] =	ssyncadd.s32 $0xFFFFC000  }
0x1f1: {  	[tilespmem:s7], [sflag:$0x2] =	stream.linear.gather [hbm4b:s11+s4], $0x80, $0x38;
	[tilespmem:$0x1C100] =	vst v63  }
0x1f2: {  	_ = 	snop  }
0x1f3: {  	[tilespmem:s8], [sflag:$0x4] =	stream.linear.gather [hbm4b:s13+s4], $0x4000, $0x38;
	[tilespmem:$0x1C100] =	vst v63  }
0x1f4: {  	_ =	swait.ge [sflag:s15], $0x80  }
0x1f5: {  	[sflag:s15] =	ssyncset.done $0x0  }
0x1f6: {  	[sflag:s15] =	ssyncadd.s32 $0xFFFFFF80  }
0x1f7: {  	_ =	swait.ge [sflag:s14], $0x4000  }
0x1f8: {  	[sflag:s14] =	ssyncset.done $0x0  }
0x1f9: {  	[sflag:s14] =	ssyncadd.s32 $0xFFFFC000  }
0x1fa: {  	[spmem:s2] =	stream.indirect.scatter.add.f32 [tilespmem:s9], [sflag:$0x5], $0x80, s4, s7, $0xb8;
	[tilespmem:$0x1C100] =	vst v63  }
0x1fb: {  	_ =	swait.ge [sflag:s6], $0x4000  }
0x1fc: {  	[sflag:s6] =	ssyncset.done $0x0  }
0x1fd: {  	[sflag:s6] =	ssyncadd.s32 $0xFFFFC000  }
0x1fe: {  	_ =	swait.ge [sflag:s12], $0x80  }
0x1ff: {  	[sflag:s12] =	ssyncset.done $0x0  }
0x200: {  	[sflag:s12] =	ssyncadd.s32 $0xFFFFFF80  }
0x201: {  	_ =	swait.ge [sflag:s10], $0x4000  }
0x202: {  	[sflag:s10] =	ssyncset.done $0x0  }
0x203: {  	[sflag:s10] =	ssyncadd.s32 $0xFFFFC000  }
0x204: {  	[spmem:s2] =	stream.indirect.scatter.add.f32 [tilespmem:s8], [sflag:$0x5], $0x80, s7, s7, $0xb8;
	[tilespmem:$0x1C100] =	vst v63  }
0x205: {  	_ =	swait.ge [sflag:s6], $0x4000  }
0x206: {  	[sflag:s6] =	ssyncset.done $0x0  }
0x207: {  	s30 =	sshll.u32 s1, $0x6;
	[sflag:s6] =	ssyncadd.s32 $0xFFFFC000  }
0x208: {  	s0 =	sor.u32 $0x1C05, s30;
	s31 =	sshrl.u32 s3, $0x3;
	[bflag:$0x0] =	sbarrier.arrive $0xFFFF  }
0x209: {  	[hbm:s5], [sflag:s0] =	dma.local [spmem:s31], $0x2800  }
0x20a: {  	_ =	swait.ge [sflag:s6], $0x2800  }
0x20b: {  	[sflag:s6] =	ssyncset.done $0x0  }
0x20c: {  	[sflag:s6] =	ssyncadd.s32 $0xFFFFD800  }
0x20d: {  	_ =	sfence.sel $0x180000  }
0x20e: {  	[bflag:$0x0] =	sbarrier.arrive $0xFFFF  }
0x20f: {  	p0 =	sne.s32 s1, $0x0;
	_ =	strace $0x9000004A  }
0x210: {  	s0 =	sadd.s32 @!p0 $0x100000, s29;
	[bflag:$0x2] =	sbarrier.arrive $0xFFFF  }
0x211: {  	[sflag:s0] =	ssyncadd.tile.s32 @!p0 $0x1;
	_ =	shalt  }
.LBB2_2:
.Ltmp3:
0x212: {  	(pc) =	sbr.rel .LBB2_5-.Ltmp3, $2  }
0x213: {  	_ =	sdelay $0x2  }
0x214: {  	s29 =	rddreg [dreg:$0x3]  }
.Lfunc_end2:
_tile_overlayer_lowered:
.L_overlay_start_2:
0x215: {  	(tag) =	ssettag $0x2  }
0x216: {  	s0 =	rddreg [dreg:$0x0];
	s2 =	stileid.u32  }
0x217: {  	s1 =	rddreg [dreg:$0x1];
	p0 =	sne.s32 s2, $0x0  }
0x218: {  	s3 =	rddreg [dreg:$0x2];
	[bflag:$0x3] =	sbarrier.arrive $0xFFFF;
	s2 =	simm.s32 @!p0 $0x1C05  }
0x219: {  	[timem:s3], [sflag:s2] =	dma.local @!p0 [hbm:s0], s1  }
0x21a: {  	s0 =	simm.s32 @!p0 $0x5  }
0x21b: {  	_ =	swait.ge @!p0 [sflag:s0], s1  }
0x21c: {  	s1 =	ssub.s32 @!p0 $0x0, s1;
	[sflag:s0] =	ssyncset.done @!p0 $0x0  }
0x21d: {  	[sflag:s0] =	ssyncadd.s32 @!p0 s1  }
0x21e: {  	[bflag:$0x3] =	sbarrier.arrive $0xFFFF  }
0x21f: {  	_ =	shalt  }

// kernel: kernel.14.cloned.1.call-start
scs
__scs_entry_jumppad:
0x0: {  	(pc) =	sbr.rel $0x88, $3  }
0x1: {  	(tag) =	ssettag $0x0;
	lr =	simm.s32 $0x1  }
0x2: {  	[smem:$0x3F8F] =	sst lr;
	_ =	strace $0xD0000000  }
0x3: {  	_ = 	snop  }
0x4: {  	_ = 	snop  }
0x5: {  	_ = 	snop  }
0x6: {  	_ = 	snop  }
0x7: {  	_ = 	snop  }
__scs_overlays_trampoline_lowered:
0x8: {  	[smem:$0x3F9E] =	sst s0  }
0x9: {  	[smem:$0x3F9F] =	sst s1  }
0xa: {  	[smem:$0x3FA0] =	sst s2  }
0xb: {  	[smem:$0x3FA1] =	sst s3  }
0xc: {  	[smem:$0x3FA2] =	sst s4  }
0xd: {  	[smem:$0x3FA3] =	sst s5  }
0xe: {  	[smem:$0x3FA4] =	sst s6  }
0xf: {  	[smem:$0x3FA5] =	sst s7  }
0x10: {  	[smem:$0x3FA6] =	sst s8  }
0x11: {  	[smem:$0x3FA7] =	sst s9;
	s0 =	simm.s32 @!p0 $0x0  }
0x12: {  	s1 =	sld [smem:$0x3F8D];
	s0 =	simm.s32 @p0 $0x1  }
0x13: {  	[smem:$0x3FA8] =	sst s0;
	s0 =	simm.s32 @!p1 $0x0  }
0x14: {  	s2 =	sld [smem:$0x3F8C];
	s0 =	simm.s32 @p1 $0x1  }
0x15: {  	[smem:$0x3FA9] =	sst s0;
	s0 =	simm.s32 @!p2 $0x0  }
0x16: {  	s3 =	sld [smem:$0x3FDB];
	s0 =	simm.s32 @p2 $0x1  }
0x17: {  	s4 =	simm.s32 $0x1BF5;
	[smem:$0x3FAB] =	sst s0  }
0x18: {  	s0 =	sld [smem:$0x3F8E];
	_ =	swait.ge [sflag:s4], $0x0  }
0x19: {  	s7 =	sld [smem:$0x3F8F]  }
0x1a: {  	s8 =	sadd.s32 $0xFFFFE003, lr  }
0x1b: {  	s9 =	sadd.s32 $0xFFFFFEF7, lr;
	s5 =	simm.s32 $0xFFFFFFFF;
	p2 =	slt.u32 s8, $0xFFFFF086  }
0x1c: {  	p1 =	slt.u32 s9, $0xF7A;
	s5 =	simm.s32 @!p2 $0x0  }
0x1d: {  	s5 =	simm.s32 @p1 $0x1;
	p0 =	seq.s32 s7, s2  }
0x1e: {  	s7 =	smul.u32 @!p0 $0xF7A, s2;
	p2 =	seq.s32 @!p0 s5, $0x0  }
0x1f: {  	s9 =	smul.u32 $0xF7A, s1;
	s8 =	simm.s32 @!p0 $0x1BF5;
	p2 =	por !p2, p0  }
0x20: {  	[sflag:s8] =	ssyncset.s32 @!p0 $0xFFFFF086;
	s6 =	sadd.s32 @!p0 s3, s7;
	s7 =	simm.s32 @!p0 $0x108  }
0x21: {  	s3 =	sadd.s32 s3, s9;
	s6 =	sadd.s32 @!p0 $0x88, s6;
	s7 =	simm.s32 @p2 $0x1082  }
0x22: {  	[simem:s7], [sflag:s8] =	dma.local @!p0 [hbm:s6], $0xF7A  }
0x23: {  	s9 =	sor.u32 $0xD0000000, s2;
	s6 =	simm.s32 $0x108;
	_ =	swait.ge @!p0 [sflag:s8], $0x0  }
0x24: {  	s3 =	sadd.s32 $0x88, s3;
	s6 =	simm.s32 @!p1 $0x1082;
	[sflag:s4] =	ssyncset.s32 $0xFFFFF086  }
0x25: {  	[simem:s6], [sflag:s4] =	dma.local [hbm:s3], $0xF7A  }
0x26: {  	[smem:$0x3F8F] =	sst s1;
	(tag) =	ssettag s2;
	_ =	strace s9  }
0x27: {  	s1 =	sld [smem:$0x3F9F]  }
0x28: {  	s2 =	sld [smem:$0x3FA0]  }
0x29: {  	s4 =	sld [smem:$0x3FA2]  }
0x2a: {  	p0 =	seq.s32 s5, $0x0;
	s5 =	sld [smem:$0x3FA3]  }
0x2b: {  	s6 =	sld [smem:$0x3FA4]  }
0x2c: {  	s7 =	sld [smem:$0x3FA5]  }
0x2d: {  	s3 =	simm.s32 $0x108;
	s8 =	sld [smem:$0x3FA6]  }
0x2e: {  	s3 =	simm.s32 @!p0 $0x1082;
	s9 =	sld [smem:$0x3FA7]  }
0x2f: {  	lr =	sadd.s32 s0, s3;
	s0 =	sld [smem:$0x3F9E]  }
0x30: {  	s3 =	sld [smem:$0x3FA1]  }
0x31: {  	[smem:$0x3FAA] =	sst s10  }
0x32: {  	s10 =	sld [smem:$0x3FA8];
	_ =	sdelay $0x3  }
0x33: {  	p0 =	seq.s32 s10, $0x1;
	s10 =	sld [smem:$0x3FAA];
	_ =	sdelay $0x3  }
0x34: {  	[smem:$0x3FAA] =	sst s10  }
0x35: {  	s10 =	sld [smem:$0x3FA9];
	_ =	sdelay $0x3  }
0x36: {  	p1 =	seq.s32 s10, $0x1;
	s10 =	sld [smem:$0x3FAA];
	_ =	sdelay $0x3  }
0x37: {  	[smem:$0x3FAA] =	sst s10  }
0x38: {  	s10 =	sld [smem:$0x3FAB]  }
0x39: {  	_ = 	snop;
	(pc) =	sbr.ind lr, $3  }
0x3a: {  	_ = 	snop  }
0x3b: {  	_ = 	snop  }
0x3c: {  	p2 =	seq.s32 s10, $0x1;
	s10 =	sld [smem:$0x3FAA]  }
0x3d: {  	_ =	shalt  }
0x3e: {  	_ =	shalt  }
0x3f: {  	_ =	shalt  }
0x40: {  	_ =	shalt  }
0x41: {  	_ =	shalt  }
0x42: {  	_ =	shalt  }
0x43: {  	_ =	shalt  }
0x44: {  	_ =	shalt  }
0x45: {  	_ =	shalt  }
0x46: {  	_ =	shalt  }
0x47: {  	_ =	shalt  }
0x48: {  	_ =	shalt  }
0x49: {  	_ =	shalt  }
0x4a: {  	_ =	shalt  }
0x4b: {  	_ =	shalt  }
0x4c: {  	_ =	shalt  }
0x4d: {  	_ =	shalt  }
0x4e: {  	_ =	shalt  }
0x4f: {  	_ =	shalt  }
0x50: {  	_ =	shalt  }
0x51: {  	_ =	shalt  }
0x52: {  	_ =	shalt  }
0x53: {  	_ =	shalt  }
0x54: {  	_ =	shalt  }
0x55: {  	_ =	shalt  }
0x56: {  	_ =	shalt  }
0x57: {  	_ =	shalt  }
0x58: {  	_ =	shalt  }
0x59: {  	_ =	shalt  }
0x5a: {  	_ =	shalt  }
0x5b: {  	_ =	shalt  }
0x5c: {  	_ =	shalt  }
0x5d: {  	_ =	shalt  }
0x5e: {  	_ =	shalt  }
0x5f: {  	_ =	shalt  }
0x60: {  	_ =	shalt  }
0x61: {  	_ =	shalt  }
0x62: {  	_ =	shalt  }
0x63: {  	_ =	shalt  }
0x64: {  	_ =	shalt  }
0x65: {  	_ =	shalt  }
0x66: {  	_ =	shalt  }
0x67: {  	_ =	shalt  }
0x68: {  	_ =	shalt  }
0x69: {  	_ =	shalt  }
0x6a: {  	_ =	shalt  }
0x6b: {  	_ =	shalt  }
0x6c: {  	_ =	shalt  }
0x6d: {  	_ =	shalt  }
0x6e: {  	_ =	shalt  }
0x6f: {  	_ =	shalt  }
0x70: {  	_ =	shalt  }
0x71: {  	_ =	shalt  }
0x72: {  	_ =	shalt  }
0x73: {  	_ =	shalt  }
0x74: {  	_ =	shalt  }
0x75: {  	_ =	shalt  }
0x76: {  	_ =	shalt  }
0x77: {  	_ =	shalt  }
0x78: {  	_ =	shalt  }
0x79: {  	_ =	shalt  }
0x7a: {  	_ =	shalt  }
0x7b: {  	_ =	shalt  }
0x7c: {  	_ =	shalt  }
0x7d: {  	_ =	shalt  }
0x7e: {  	_ =	shalt  }
0x7f: {  	_ =	shalt  }
0x80: {  	_ =	shalt  }
0x81: {  	_ =	shalt  }
0x82: {  	_ =	shalt  }
0x83: {  	_ =	shalt  }
0x84: {  	_ =	shalt  }
0x85: {  	_ =	shalt  }
0x86: {  	_ =	shalt  }
0x87: {  	_ =	shalt  }
.Lfunc_end0:
.L_simem_size_0:
called_computation.2_lowered:
.L_overlay_start_0:
0x88: {  	s2 =	sld [smem:$0x3FD9]  }
0x89: {  	s3 =	sld [smem:$0x3FFE];
	_ =	sdelay $0x1  }
0x8a: {  	s1 =	srdreg.scid  }
0x8b: {  	s0 =	sand.u32 $0x1, s1  }
0x8c: {  	s17 =	sshll.u32 s0, $0xA;
	s2 =	sadd.s32 s3, s2  }
0x8d: {  	s2 =	sadd.s32 s2, s17  }
0x8e: {  	[smem:$0x3FB6] =	sst s2  }
0x8f: {  	_ = 	snop  }
0x90: {  	s18 =	sld [smem:$0x3FD0];
	(tm) =	ssettm $0x1  }
0x91: {  	s19 =	sld [smem:$0x3FFB];
	_ =	sdelay $0x3  }
0x92: {  	_ =	strace s19  }
0x93: {  	s2 =	sld [smem:$0x3FFC];
	_ =	sdelay $0x3  }
0x94: {  	_ =	strace s2  }
0x95: {  	s2 =	sld [smem:$0x3FFD];
	_ =	sdelay $0x3  }
0x96: {  	_ =	strace s2  }
0x97: {  	_ =	strace $0x8FFFFFFF  }
0x98: {  	s20 =	sld [smem:$0x3FDB];
	_ =	sdelay $0x1  }
0x99: {  	s4 =	simm.s32 $_scs_section_size  }
0x9a: {  	s5 =	simm.s32 $_size__tile_overlayer_lowered;
	s6 =	simm.s32 $_tile_overlayer_lowered  }
0x9b: {  	s7 =	simm.s32 $0x1BFF;
	s21 =	sshll.u32 s6, $0x1;
	s4 =	sadd.s32 s4, s20  }
0x9c: {  	s22 =	simm.s32 $0x0;
	s5 =	sshll.u32 s5, $0x1;
	s6 =	sadd.s32 s21, s4  }
0x9d: {  	[timem:s22], [sflag:s7] =	dma.local [hbm:s6], s5  }
0x9e: {  	_ =	swait.ge [sflag:s7], s5  }
0x9f: {  	s5 =	ssub.s32 $0x0, s5;
	[sflag:s7] =	ssyncset.done $0x0  }
0xa0: {  	[sflag:s7] =	ssyncadd.s32 s5;
	_ =	sdelay $0x1  }
0xa1: {  	s23 =	simm.s32 $0x1B8B  }
0xa2: {  	_ =	swait.ge [sflag:s23], $0x1  }
0xa3: {  	[sflag:s23] =	ssyncset.done $0x0  }
0xa4: {  	[sflag:s23] =	ssyncadd.s32 $0xFFFFFFFF  }
0xa5: {  	s5 =	sld [smem:$0x0]  }
0xa6: {  	s6 =	sand.u32 $0xFFFFFFFE, s1  }
0xa7: {  	p0 =	sne.s32 s1, s6  }
0xa8: {  	s6 =	sshll.u32 @p0 s6, $0xE  }
0xa9: {  	s6 =	sadd.s32 @p0 $0x11B8D, s6;
	s7 =	sshll.u32 @p0 s5, $0x11  }
0xaa: {  	s6 =	sor.u32 @p0 s7, s6  }
0xab: {  	[sflag:s6] =	ssyncadd.remote.s32 @p0 $0x1;
	_ =	sdelay $0x1  }
0xac: {  	s6 =	simm.s32 @p0 $0x1B8D  }
0xad: {  	_ =	swait.eq @p0 [sflag:s6], $0x1  }
0xae: {  	[sflag:s6] =	ssyncadd.s32 @p0 $0xFFFFFFFF  }
0xaf: {  	s7 =	sshll.u32 @!p0 s1, $0xE  }
0xb0: {  	s7 =	sor.u32 @!p0 $0x4000, s7;
	s6 =	simm.s32 @!p0 $0x1B8D  }
0xb1: {  	s5 =	sshll.u32 @!p0 s5, $0x11;
	s7 =	sadd.s32 @!p0 $0x11B8D, s7;
	_ =	swait.eq @!p0 [sflag:s6], $0x1  }
0xb2: {  	s5 =	sor.u32 @!p0 s5, s7;
	[sflag:s6] =	ssyncadd.s32 @!p0 $0xFFFFFFFF  }
0xb3: {  	s25 =	simm.s32 $0x1B8E;
	s24 =	sld [smem:$0x3FFE];
	[sflag:s5] =	ssyncadd.remote.s32 @!p0 $0x1  }
0xb4: {  	s26 =	simm.s32 $execute0_lowered;
	[smem:$0x3FD2] =	sst s25  }
0xb5: {  	s6 =	sshll.u32 s26, $0x1;
	_ =	strace $0x8000004C;
	[dreg:$0x1] =	wrdreg $0xFFFFFFFF  }
0xb6: {  	s28 =	simm.s32 $_size_execute0_lowered;
	s4 =	sadd.s32 s4, s6;
	[dreg:$0x0] =	wrdreg $0x0  }
0xb7: {  	s6 =	sshll.u32 s28, $0x1;
	[dreg:$0x2] =	wrdreg s4  }
0xb8: {  	[dreg:$0x3] =	wrdreg s6  }
0xb9: {  	[dreg:$0x4] =	wrdreg $0xC0  }
0xba: {  	_ =	task [dreg:s22], $0x5FFFF  }
0xbb: {  	[dreg:$0x1] =	wrdreg $0xFFFFFFFF  }
0xbc: {  	[dreg:$0x0] =	wrdreg $0x60  }
0xbd: {  	[dreg:$0x2] =	wrdreg s18  }
0xbe: {  	[dreg:$0x3] =	wrdreg s24  }
0xbf: {  	[dreg:$0x4] =	wrdreg $0x81000  }
0xc0: {  	[dreg:$0x5] =	wrdreg $0xA  }
0xc1: {  	_ =	task.clear_ibuf [dreg:s22], $0x6FFFF;
	_ =	strace $0x9000004C  }
0xc2: {  	s29 =	simm.s32 $0xA;
	_ =	strace $0x8000004E  }
0xc3: {  	_ =	swait.ge [sflag:s29], $0x1  }
0xc4: {  	[sflag:s29] =	ssyncadd.s32 $0xFFFFFFFF  }
0xc5: {  	_ =	strace $0x9000004E  }
0xc6: {  	_ =	sfence  }
0xc7: {  	s30 =	sld [smem:$0x0];
	_ =	sdelay $0x2  }
0xc8: {  	s31 =	sshll.u32 s1, $0xD;
	s1 =	sshrl.u32 s1, $0x2  }
0xc9: {  	s4 =	sand.u32 $0x4000, s31;
	s1 =	sadd.s32 s1, s30  }
0xca: {  	s0 =	sor.u32 s4, s0;
	s1 =	sshll.u32 s1, $0x11  }
0xcb: {  	s0 =	sor.u32 s1, s0  }
0xcc: {  	s0 =	sadd.s32 $0x8F2B, s0  }
0xcd: {  	[sflag:s0] =	ssyncadd.remote.s32 $0x1  }
0xce: {  	_ =	sfence.sel $0xFFFF  }
0xcf: {  	[dreg:$0x0] =	wrdreg $0xFFFFFFFF;
	(pc) =	sbr.abs _section_cstart, $3  }
0xd0: {  	[dreg:$0x1] =	wrdreg $0xFFFFFFFF  }
0xd1: {  	_ =	task.clear_ibuf [dreg:s22], $0x2FFFF;
	_ =	strace $0x9FFFFFFF  }
0xd2: {  	(tm) =	ssettm $0x7FFFFFFF  }
0xd3: {  	_ =	shalt  }
tec
execute0_lowered:
.L_overlay_start_1:
0x0: {  	(tag) =	ssettag $0x1  }
0x1: {  	s5 =	rddreg [dreg:$0x0]  }
0x2: {  	s6 =	rddreg [dreg:$0x1]  }
0x3: {  	s2 =	rddreg [dreg:$0x2]  }
0x4: {  	s28 =	rddreg [dreg:$0x3];
	s4 =	simm.s32 $0x0;
	s3 =	srdreg.scid  }
0x5: {  	s1 =	stileid.u32;
	[smem:$0x7FF] =	sst s4  }
0x6: {  	s7 =	sand.u32 $0x1, s3;
	s0 =	smul.u32 $0x50000, s1;
	s10 =	sadd.s32 $0x2AA00, s6  }
0x7: {  	s11 =	smul.u32 $0x14000, s1;
	s12 =	sshll.u32 s1, $0x1;
	_ =	strace $0x8000004D  }
0x8: {  	s9 =	smul.u32 $0x140000, s7;
	[dreg:$0x4] =	wrdreg s10;
	s10 =	sor.u32 s7, s12  }
0x9: {  	p0 =	por $0x0, $0x0;
	s8 =	sadd.s32 $0x2B200, s6;
	s12 =	smul.u32 $0x500, s10  }
0xa: {  	s7 =	ssub.s32 $0x2, s7;
	s3 =	sshrl.u32 s0, $0x2;
	s18 =	smul.u32 $0x5000, s10  }
0xb: {  	s10 =	smul.u32 $0x28000, s10;
	s24 =	sshrl.u32 s7, $0x1;
	s31 =	rddreg [dreg:$0x4]  }
0xc: {  	s3 =	sadd.s32 s3, s2;
	s9 =	sadd.s32 s11, s9;
	s7 =	ssub.s32 s7, s24  }
0xd: {  	s11 =	simm.s32 $0x2;
	s13 =	sadd.s32 $0x4000, s3;
	s14 =	sadd.s32 $0x8000, s3  }
0xe: {  	s9 =	sshrl.u32 s9, $0x3;
	s15 =	sadd.s32 $0xC000, s3;
	[dreg:$0x5] =	wrdreg s13  }
0xf: {  	s16 =	sshrl.u32 s12, $0x3;
	s17 =	sadd.s32 $0x10000, s3;
	[dreg:$0x6] =	wrdreg s14  }
0x10: {  	s26 =	sadd.s32 s8, s18;
	s10 =	sshrl.u32 s10, $0x3;
	[dreg:$0x7] =	wrdreg s15  }
0x11: {  	s6 =	sadd.s32 s9, s6;
	s5 =	sadd.s32 s5, s16;
	[dreg:$0x8] =	wrdreg s17  }
0x12: {  	s21 =	sadd.s32 $0x800, s26;
	s8 =	sadd.s32 s8, s10;
	s10 =	smax.u32 s7, $0x1  }
0x13: {  	s9 =	simm.s32 $0x100;
	s7 =	simm.s32 $0x80;
	s15 =	simm.s32 $0x1  }
0x14: {  	s14 =	simm.s32 $0x3;
	s19 =	sadd.s32 $0x1400, s5;
	s20 =	sadd.s32 $0x1410, s5  }
0x15: {  	[dreg:$0xb] =	wrdreg s21;
	s22 =	sadd.s32 $0x1420, s5;
	s23 =	sadd.s32 $0x1000, s8  }
0x16: {  	s25 =	sadd.s32 $0x1430, s5;
	s29 =	sadd.s32 $0x1800, s8;
	s24 =	sadd.s32 $0x1440, s5  }
0x17: {  	s21 =	sadd.s32 $0x3000, s8;
	s18 =	sadd.s32 $0x1470, s5;
	[dreg:$0x9] =	wrdreg s19  }
0x18: {  	s16 =	sadd.s32 $0x1480, s5;
	s17 =	sadd.s32 $0x4000, s8;
	[dreg:$0xa] =	wrdreg s20  }
0x19: {  	s12 =	sadd.s32 $0x1490, s5;
	p1 =	sne.s32 s10, $0x1;
	[dreg:$0xc] =	wrdreg s22  }
.Ltmp0:
0x1a: {  	s13 =	sadd.s32 $0x4800, s8;
	[dreg:$0xd] =	wrdreg s23;
	(pc) =	sbr.rel @!p1 .LBB2_5-.Ltmp0, $4  }
0x1b: {  	s30 =	sadd.s32 $0xFFFFFFFF, s10;
	s10 =	simm.s32 $0x4;
	[dreg:$0xe] =	wrdreg s25  }
0x1c: {  	[dreg:$0xf] =	wrdreg s29;
	s25 =	sadd.s32 $0x2000, s8;
	s22 =	sadd.s32 $0x1450, s5  }
0x1d: {  	s23 =	sadd.s32 $0x2800, s8;
	s20 =	sadd.s32 $0x1460, s5;
	s19 =	sadd.s32 $0x3800, s8  }
0x1e: {  	s5 =	sadd.s32 $0xCB200, s6;
	s6 =	simm.s32 $0x5;
	s8 =	simm.s32 $0x4100  }
0x1f: {  	[tilespmem:s9], [sflag:$0x5] =	stream.linear.gather [hbm4b:s31+s4], $0x4000, $0x38;
	[tilespmem:$0x1C100] =	vst v63  }
0x20: {  	_ =	swait.ge [sflag:s6], $0x4000  }
0x21: {  	[sflag:s6] =	ssyncset.done $0x0  }
0x22: {  	[sflag:s6] =	ssyncadd.s32 $0xFFFFC000  }
0x23: {  	[spmem:s3] =	stream.linear.scatter [tilespmem:s9], [sflag:$0x5], $0x4000, $0x38;
	[tilespmem:$0x1C100] =	vst v63  }
0x24: {  	_ =	swait.ge [sflag:s6], $0x4000  }
0x25: {  	[sflag:s6] =	ssyncset.done $0x0  }
0x26: {  	s28 =	rddreg [dreg:$0x5];
	[sflag:s6] =	ssyncadd.s32 $0xFFFFC000  }
0x27: {  	[spmem:s28] =	stream.linear.scatter [tilespmem:s9], [sflag:$0x5], $0x4000, $0x38;
	[tilespmem:$0x1C100] =	vst v63  }
0x28: {  	_ =	swait.ge [sflag:s6], $0x4000  }
0x29: {  	[sflag:s6] =	ssyncset.done $0x0  }
0x2a: {  	s28 =	rddreg [dreg:$0x6];
	[sflag:s6] =	ssyncadd.s32 $0xFFFFC000  }
0x2b: {  	[spmem:s28] =	stream.linear.scatter [tilespmem:s9], [sflag:$0x5], $0x4000, $0x38;
	[tilespmem:$0x1C100] =	vst v63  }
0x2c: {  	_ =	swait.ge [sflag:s6], $0x4000  }
0x2d: {  	[sflag:s6] =	ssyncset.done $0x0  }
0x2e: {  	s28 =	rddreg [dreg:$0x7];
	[sflag:s6] =	ssyncadd.s32 $0xFFFFC000  }
0x2f: {  	[spmem:s28] =	stream.linear.scatter [tilespmem:s9], [sflag:$0x5], $0x4000, $0x38;
	[tilespmem:$0x1C100] =	vst v63  }
0x30: {  	_ =	swait.ge [sflag:s6], $0x4000  }
0x31: {  	[sflag:s6] =	ssyncset.done $0x0  }
0x32: {  	s28 =	rddreg [dreg:$0x8];
	[sflag:s6] =	ssyncadd.s32 $0xFFFFC000  }
0x33: {  	[spmem:s28] =	stream.linear.scatter [tilespmem:s9], [sflag:$0x5], $0x4000, $0x38;
	[tilespmem:$0x1C100] =	vst v63  }
0x34: {  	_ =	swait.ge [sflag:s6], $0x4000  }
0x35: {  	[sflag:s6] =	ssyncset.done $0x0  }
0x36: {  	[sflag:s6] =	ssyncadd.s32 $0xFFFFC000  }
0x37: {  	[bflag:$0x0] =	sbarrier.arrive $0xFFFF  }
0x38: {  	s28 =	rddreg [dreg:$0x9]  }
0x39: {  	[tilespmem:s4], [sflag:$0x1] =	stream.linear.gather [hbm4b:s28+s4], $0x80, $0x38;
	[tilespmem:$0x1C100] =	vst v63  }
0x3a: {  	_ = 	snop  }
0x3b: {  	[tilespmem:s9], [sflag:$0x3] =	stream.linear.gather [hbm4b:s26+s4], $0x4000, $0x38;
	[tilespmem:$0x1C100] =	vst v63  }
0x3c: {  	s28 =	rddreg [dreg:$0xa]  }
0x3d: {  	[tilespmem:s7], [sflag:$0x2] =	stream.linear.gather [hbm4b:s28+s4], $0x80, $0x38;
	[tilespmem:$0x1C100] =	vst v63  }
0x3e: {  	s29 =	rddreg [dreg:$0xb]  }
0x3f: {  	[tilespmem:s8], [sflag:$0x4] =	stream.linear.gather [hbm4b:s29+s4], $0x4000, $0x38;
	[tilespmem:$0x1C100] =	vst v63  }
0x40: {  	_ =	swait.ge [sflag:s15], $0x80  }
0x41: {  	[sflag:s15] =	ssyncset.done $0x0  }
0x42: {  	[sflag:s15] =	ssyncadd.s32 $0xFFFFFF80  }
0x43: {  	_ =	swait.ge [sflag:s14], $0x4000  }
0x44: {  	[sflag:s14] =	ssyncset.done $0x0  }
0x45: {  	[sflag:s14] =	ssyncadd.s32 $0xFFFFC000  }
0x46: {  	[spmem:s2] =	stream.indirect.scatter.add.f32 [tilespmem:s9], [sflag:$0x5], $0x80, s4, s7, $0xb8;
	[tilespmem:$0x1C100] =	vst v63  }
0x47: {  	_ =	swait.ge [sflag:s6], $0x4000  }
0x48: {  	[sflag:s6] =	ssyncset.done $0x0  }
0x49: {  	s28 =	rddreg [dreg:$0xc];
	[sflag:s6] =	ssyncadd.s32 $0xFFFFC000  }
0x4a: {  	[tilespmem:s4], [sflag:$0x1] =	stream.linear.gather [hbm4b:s28+s4], $0x80, $0x38;
	[tilespmem:$0x1C100] =	vst v63  }
0x4b: {  	s29 =	rddreg [dreg:$0xd]  }
0x4c: {  	[tilespmem:s9], [sflag:$0x3] =	stream.linear.gather [hbm4b:s29+s4], $0x4000, $0x38;
	[tilespmem:$0x1C100] =	vst v63  }
0x4d: {  	_ =	swait.ge [sflag:s11], $0x80  }
0x4e: {  	[sflag:s11] =	ssyncset.done $0x0  }
0x4f: {  	[sflag:s11] =	ssyncadd.s32 $0xFFFFFF80  }
0x50: {  	_ =	swait.ge [sflag:s10], $0x4000  }
0x51: {  	[sflag:s10] =	ssyncset.done $0x0  }
0x52: {  	[sflag:s10] =	ssyncadd.s32 $0xFFFFC000  }
0x53: {  	[spmem:s2] =	stream.indirect.scatter.add.f32 [tilespmem:s8], [sflag:$0x5], $0x80, s7, s7, $0xb8;
	[tilespmem:$0x1C100] =	vst v63  }
0x54: {  	_ =	swait.ge [sflag:s6], $0x4000  }
0x55: {  	[sflag:s6] =	ssyncset.done $0x0  }
0x56: {  	s28 =	rddreg [dreg:$0xe];
	[sflag:s6] =	ssyncadd.s32 $0xFFFFC000  }
0x57: {  	[tilespmem:s7], [sflag:$0x2] =	stream.linear.gather [hbm4b:s28+s4], $0x80, $0x38;
	[tilespmem:$0x1C100] =	vst v63  }
0x58: {  	s29 =	rddreg [dreg:$0xf]  }
0x59: {  	[tilespmem:s8], [sflag:$0x4] =	stream.linear.gather [hbm4b:s29+s4], $0x4000, $0x38;
	[tilespmem:$0x1C100] =	vst v63  }
0x5a: {  	_ =	swait.ge [sflag:s15], $0x80  }
0x5b: {  	[sflag:s15] =	ssyncset.done $0x0  }
0x5c: {  	[sflag:s15] =	ssyncadd.s32 $0xFFFFFF80  }
0x5d: {  	_ =	swait.ge [sflag:s14], $0x4000  }
0x5e: {  	[sflag:s14] =	ssyncset.done $0x0  }
0x5f: {  	[sflag:s14] =	ssyncadd.s32 $0xFFFFC000  }
0x60: {  	[spmem:s2] =	stream.indirect.scatter.add.f32 [tilespmem:s9], [sflag:$0x5], $0x80, s4, s7, $0xb8;
	[tilespmem:$0x1C100] =	vst v63  }
0x61: {  	_ =	swait.ge [sflag:s6], $0x4000  }
0x62: {  	[sflag:s6] =	ssyncset.done $0x0  }
0x63: {  	[sflag:s6] =	ssyncadd.s32 $0xFFFFC000  }
0x64: {  	[tilespmem:s4], [sflag:$0x1] =	stream.linear.gather [hbm4b:s24+s4], $0x80, $0x38;
	[tilespmem:$0x1C100] =	vst v63  }
0x65: {  	_ = 	snop  }
0x66: {  	[tilespmem:s9], [sflag:$0x3] =	stream.linear.gather [hbm4b:s25+s4], $0x4000, $0x38;
	[tilespmem:$0x1C100] =	vst v63  }
0x67: {  	_ =	swait.ge [sflag:s11], $0x80  }
0x68: {  	[sflag:s11] =	ssyncset.done $0x0  }
0x69: {  	[sflag:s11] =	ssyncadd.s32 $0xFFFFFF80  }
0x6a: {  	_ =	swait.ge [sflag:s10], $0x4000  }
0x6b: {  	[sflag:s10] =	ssyncset.done $0x0  }
0x6c: {  	[sflag:s10] =	ssyncadd.s32 $0xFFFFC000  }
0x6d: {  	[spmem:s2] =	stream.indirect.scatter.add.f32 [tilespmem:s8], [sflag:$0x5], $0x80, s7, s7, $0xb8;
	[tilespmem:$0x1C100] =	vst v63  }
0x6e: {  	_ =	swait.ge [sflag:s6], $0x4000  }
0x6f: {  	[sflag:s6] =	ssyncset.done $0x0  }
0x70: {  	[sflag:s6] =	ssyncadd.s32 $0xFFFFC000  }
0x71: {  	[tilespmem:s7], [sflag:$0x2] =	stream.linear.gather [hbm4b:s22+s4], $0x80, $0x38;
	[tilespmem:$0x1C100] =	vst v63  }
0x72: {  	_ = 	snop  }
0x73: {  	[tilespmem:s8], [sflag:$0x4] =	stream.linear.gather [hbm4b:s23+s4], $0x4000, $0x38;
	[tilespmem:$0x1C100] =	vst v63  }
0x74: {  	_ =	swait.ge [sflag:s15], $0x80  }
0x75: {  	[sflag:s15] =	ssyncset.done $0x0  }
0x76: {  	[sflag:s15] =	ssyncadd.s32 $0xFFFFFF80  }
0x77: {  	_ =	swait.ge [sflag:s14], $0x4000  }
0x78: {  	[sflag:s14] =	ssyncset.done $0x0  }
0x79: {  	[sflag:s14] =	ssyncadd.s32 $0xFFFFC000  }
0x7a: {  	[spmem:s2] =	stream.indirect.scatter.add.f32 [tilespmem:s9], [sflag:$0x5], $0x80, s4, s7, $0xb8;
	[tilespmem:$0x1C100] =	vst v63  }
0x7b: {  	_ =	swait.ge [sflag:s6], $0x4000  }
0x7c: {  	[sflag:s6] =	ssyncset.done $0x0  }
0x7d: {  	[sflag:s6] =	ssyncadd.s32 $0xFFFFC000  }
0x7e: {  	[tilespmem:s4], [sflag:$0x1] =	stream.linear.gather [hbm4b:s20+s4], $0x80, $0x38;
	[tilespmem:$0x1C100] =	vst v63  }
0x7f: {  	_ = 	snop  }
0x80: {  	[tilespmem:s9], [sflag:$0x3] =	stream.linear.gather [hbm4b:s21+s4], $0x4000, $0x38;
	[tilespmem:$0x1C100] =	vst v63  }
0x81: {  	_ =	swait.ge [sflag:s11], $0x80  }
0x82: {  	[sflag:s11] =	ssyncset.done $0x0  }
0x83: {  	[sflag:s11] =	ssyncadd.s32 $0xFFFFFF80  }
0x84: {  	_ =	swait.ge [sflag:s10], $0x4000  }
0x85: {  	[sflag:s10] =	ssyncset.done $0x0  }
0x86: {  	[sflag:s10] =	ssyncadd.s32 $0xFFFFC000  }
0x87: {  	[spmem:s2] =	stream.indirect.scatter.add.f32 [tilespmem:s8], [sflag:$0x5], $0x80, s7, s7, $0xb8;
	[tilespmem:$0x1C100] =	vst v63  }
0x88: {  	_ =	swait.ge [sflag:s6], $0x4000  }
0x89: {  	[sflag:s6] =	ssyncset.done $0x0  }
0x8a: {  	[sflag:s6] =	ssyncadd.s32 $0xFFFFC000  }
0x8b: {  	[tilespmem:s7], [sflag:$0x2] =	stream.linear.gather [hbm4b:s18+s4], $0x80, $0x38;
	[tilespmem:$0x1C100] =	vst v63  }
0x8c: {  	_ = 	snop  }
0x8d: {  	[tilespmem:s8], [sflag:$0x4] =	stream.linear.gather [hbm4b:s19+s4], $0x4000, $0x38;
	[tilespmem:$0x1C100] =	vst v63  }
0x8e: {  	_ =	swait.ge [sflag:s15], $0x80  }
0x8f: {  	[sflag:s15] =	ssyncset.done $0x0  }
0x90: {  	[sflag:s15] =	ssyncadd.s32 $0xFFFFFF80  }
0x91: {  	_ =	swait.ge [sflag:s14], $0x4000  }
0x92: {  	[sflag:s14] =	ssyncset.done $0x0  }
0x93: {  	[sflag:s14] =	ssyncadd.s32 $0xFFFFC000  }
0x94: {  	[spmem:s2] =	stream.indirect.scatter.add.f32 [tilespmem:s9], [sflag:$0x5], $0x80, s4, s7, $0xb8;
	[tilespmem:$0x1C100] =	vst v63  }
0x95: {  	_ =	swait.ge [sflag:s6], $0x4000  }
0x96: {  	[sflag:s6] =	ssyncset.done $0x0  }
0x97: {  	[sflag:s6] =	ssyncadd.s32 $0xFFFFC000  }
0x98: {  	[tilespmem:s4], [sflag:$0x1] =	stream.linear.gather [hbm4b:s16+s4], $0x80, $0x38;
	[tilespmem:$0x1C100] =	vst v63  }
0x99: {  	_ = 	snop  }
0x9a: {  	[tilespmem:s9], [sflag:$0x3] =	stream.linear.gather [hbm4b:s17+s4], $0x4000, $0x38;
	[tilespmem:$0x1C100] =	vst v63  }
0x9b: {  	_ =	swait.ge [sflag:s11], $0x80  }
0x9c: {  	[sflag:s11] =	ssyncset.done $0x0  }
0x9d: {  	[sflag:s11] =	ssyncadd.s32 $0xFFFFFF80  }
0x9e: {  	_ =	swait.ge [sflag:s10], $0x4000  }
0x9f: {  	[sflag:s10] =	ssyncset.done $0x0  }
0xa0: {  	[sflag:s10] =	ssyncadd.s32 $0xFFFFC000  }
0xa1: {  	[spmem:s2] =	stream.indirect.scatter.add.f32 [tilespmem:s8], [sflag:$0x5], $0x80, s7, s7, $0xb8;
	[tilespmem:$0x1C100] =	vst v63  }
0xa2: {  	_ =	swait.ge [sflag:s6], $0x4000  }
0xa3: {  	[sflag:s6] =	ssyncset.done $0x0  }
0xa4: {  	[sflag:s6] =	ssyncadd.s32 $0xFFFFC000  }
0xa5: {  	[tilespmem:s7], [sflag:$0x2] =	stream.linear.gather [hbm4b:s12+s4], $0x80, $0x38;
	[tilespmem:$0x1C100] =	vst v63  }
0xa6: {  	_ = 	snop  }
0xa7: {  	[tilespmem:s8], [sflag:$0x4] =	stream.linear.gather [hbm4b:s13+s4], $0x4000, $0x38;
	[tilespmem:$0x1C100] =	vst v63  }
0xa8: {  	_ =	swait.ge [sflag:s15], $0x80  }
0xa9: {  	[sflag:s15] =	ssyncset.done $0x0  }
0xaa: {  	[sflag:s15] =	ssyncadd.s32 $0xFFFFFF80  }
0xab: {  	_ =	swait.ge [sflag:s14], $0x4000  }
0xac: {  	[sflag:s14] =	ssyncset.done $0x0  }
0xad: {  	[sflag:s14] =	ssyncadd.s32 $0xFFFFC000  }
0xae: {  	[spmem:s2] =	stream.indirect.scatter.add.f32 [tilespmem:s9], [sflag:$0x5], $0x80, s4, s7, $0xb8;
	[tilespmem:$0x1C100] =	vst v63  }
0xaf: {  	_ =	swait.ge [sflag:s6], $0x4000  }
0xb0: {  	[sflag:s6] =	ssyncset.done $0x0  }
0xb1: {  	[sflag:s6] =	ssyncadd.s32 $0xFFFFC000  }
0xb2: {  	_ =	swait.ge [sflag:s11], $0x80  }
0xb3: {  	[sflag:s11] =	ssyncset.done $0x0  }
0xb4: {  	[sflag:s11] =	ssyncadd.s32 $0xFFFFFF80  }
0xb5: {  	_ =	swait.ge [sflag:s10], $0x4000  }
0xb6: {  	[sflag:s10] =	ssyncset.done $0x0  }
0xb7: {  	[sflag:s10] =	ssyncadd.s32 $0xFFFFC000  }
0xb8: {  	[spmem:s2] =	stream.indirect.scatter.add.f32 [tilespmem:s8], [sflag:$0x5], $0x80, s7, s7, $0xb8;
	[tilespmem:$0x1C100] =	vst v63  }
0xb9: {  	_ =	swait.ge [sflag:s6], $0x4000  }
0xba: {  	p1 =	sne.s32 s30, $0x1;
	[sflag:s6] =	ssyncset.done $0x0  }
.Ltmp1:
0xbb: {  	s28 =	sshll.u32 s1, $0x6;
	[sflag:s6] =	ssyncadd.s32 $0xFFFFC000;
	(pc) =	sbr.rel @!p1 .LBB2_2-.Ltmp1, $4  }
0xbc: {  	s28 =	sor.u32 $0x1C05, s28;
	s29 =	sshrl.u32 s3, $0x3;
	[bflag:$0x0] =	sbarrier.arrive $0xFFFF  }
0xbd: {  	[hbm:s5], [sflag:s28] =	dma.local [spmem:s29], $0x2800  }
0xbe: {  	s30 =	sadd.s32 $0xFFFFFFFF, s30;
	_ =	swait.ge [sflag:s6], $0x2800  }
0xbf: {  	p0 =	por $0x1, $0x1;
	s31 =	rddreg [dreg:$0x4];
	[sflag:s6] =	ssyncset.done $0x0  }
.LBB2_3:
0xc0: {  	[sflag:s6] =	ssyncadd.s32 $0xFFFFD800  }
0xc1: {  	[tilespmem:s9], [sflag:$0x5] =	stream.linear.gather [hbm4b:s31+s4], $0x4000, $0x38;
	[tilespmem:$0x1C100] =	vst v63  }
0xc2: {  	_ =	swait.ge [sflag:s6], $0x4000  }
0xc3: {  	[sflag:s6] =	ssyncset.done $0x0  }
0xc4: {  	[sflag:s6] =	ssyncadd.s32 $0xFFFFC000  }
0xc5: {  	[spmem:s3] =	stream.linear.scatter [tilespmem:s9], [sflag:$0x5], $0x4000, $0x38;
	[tilespmem:$0x1C100] =	vst v63  }
0xc6: {  	_ =	swait.ge [sflag:s6], $0x4000  }
0xc7: {  	[sflag:s6] =	ssyncset.done $0x0  }
0xc8: {  	s31 =	rddreg [dreg:$0x5];
	[sflag:s6] =	ssyncadd.s32 $0xFFFFC000  }
0xc9: {  	[spmem:s31] =	stream.linear.scatter [tilespmem:s9], [sflag:$0x5], $0x4000, $0x38;
	[tilespmem:$0x1C100] =	vst v63  }
0xca: {  	_ =	swait.ge [sflag:s6], $0x4000  }
0xcb: {  	[sflag:s6] =	ssyncset.done $0x0  }
0xcc: {  	s31 =	rddreg [dreg:$0x6];
	[sflag:s6] =	ssyncadd.s32 $0xFFFFC000  }
0xcd: {  	[spmem:s31] =	stream.linear.scatter [tilespmem:s9], [sflag:$0x5], $0x4000, $0x38;
	[tilespmem:$0x1C100] =	vst v63  }
0xce: {  	_ =	swait.ge [sflag:s6], $0x4000  }
0xcf: {  	[sflag:s6] =	ssyncset.done $0x0  }
0xd0: {  	s31 =	rddreg [dreg:$0x7];
	[sflag:s6] =	ssyncadd.s32 $0xFFFFC000  }
0xd1: {  	[spmem:s31] =	stream.linear.scatter [tilespmem:s9], [sflag:$0x5], $0x4000, $0x38;
	[tilespmem:$0x1C100] =	vst v63  }
0xd2: {  	_ =	swait.ge [sflag:s6], $0x4000  }
0xd3: {  	[sflag:s6] =	ssyncset.done $0x0  }
0xd4: {  	s31 =	rddreg [dreg:$0x8];
	[sflag:s6] =	ssyncadd.s32 $0xFFFFC000  }
0xd5: {  	[spmem:s31] =	stream.linear.scatter [tilespmem:s9], [sflag:$0x5], $0x4000, $0x38;
	[tilespmem:$0x1C100] =	vst v63  }
0xd6: {  	_ =	swait.ge [sflag:s6], $0x4000  }
0xd7: {  	[sflag:s6] =	ssyncset.done $0x0  }
0xd8: {  	[sflag:s6] =	ssyncadd.s32 $0xFFFFC000  }
0xd9: {  	[bflag:$0x0] =	sbarrier.arrive $0xFFFF  }
0xda: {  	s31 =	rddreg [dreg:$0x9]  }
0xdb: {  	[tilespmem:s4], [sflag:$0x1] =	stream.linear.gather [hbm4b:s31+s4], $0x80, $0x38;
	[tilespmem:$0x1C100] =	vst v63  }
0xdc: {  	_ = 	snop  }
0xdd: {  	[tilespmem:s9], [sflag:$0x3] =	stream.linear.gather [hbm4b:s26+s4], $0x4000, $0x38;
	[tilespmem:$0x1C100] =	vst v63  }
0xde: {  	s31 =	rddreg [dreg:$0xa]  }
0xdf: {  	[tilespmem:s7], [sflag:$0x2] =	stream.linear.gather [hbm4b:s31+s4], $0x80, $0x38;
	[tilespmem:$0x1C100] =	vst v63  }
0xe0: {  	s0 =	rddreg [dreg:$0xb]  }
0xe1: {  	[tilespmem:s8], [sflag:$0x4] =	stream.linear.gather [hbm4b:s0+s4], $0x4000, $0x38;
	[tilespmem:$0x1C100] =	vst v63  }
0xe2: {  	_ =	swait.ge [sflag:s15], $0x80  }
0xe3: {  	[sflag:s15] =	ssyncset.done $0x0  }
0xe4: {  	[sflag:s15] =	ssyncadd.s32 $0xFFFFFF80  }
0xe5: {  	_ =	swait.ge [sflag:s14], $0x4000  }
0xe6: {  	[sflag:s14] =	ssyncset.done $0x0  }
0xe7: {  	[sflag:s14] =	ssyncadd.s32 $0xFFFFC000  }
0xe8: {  	[spmem:s2] =	stream.indirect.scatter.add.f32 [tilespmem:s9], [sflag:$0x5], $0x80, s4, s7, $0xb8;
	[tilespmem:$0x1C100] =	vst v63  }
0xe9: {  	_ =	swait.ge [sflag:s6], $0x4000  }
0xea: {  	[sflag:s6] =	ssyncset.done $0x0  }
0xeb: {  	s0 =	rddreg [dreg:$0xc];
	[sflag:s6] =	ssyncadd.s32 $0xFFFFC000  }
0xec: {  	[tilespmem:s4], [sflag:$0x1] =	stream.linear.gather [hbm4b:s0+s4], $0x80, $0x38;
	[tilespmem:$0x1C100] =	vst v63  }
0xed: {  	s31 =	rddreg [dreg:$0xd]  }
0xee: {  	[tilespmem:s9], [sflag:$0x3] =	stream.linear.gather [hbm4b:s31+s4], $0x4000, $0x38;
	[tilespmem:$0x1C100] =	vst v63  }
0xef: {  	_ =	swait.ge [sflag:s11], $0x80  }
0xf0: {  	[sflag:s11] =	ssyncset.done $0x0  }
0xf1: {  	[sflag:s11] =	ssyncadd.s32 $0xFFFFFF80  }
0xf2: {  	_ =	swait.ge [sflag:s10], $0x4000  }
0xf3: {  	[sflag:s10] =	ssyncset.done $0x0  }
0xf4: {  	[sflag:s10] =	ssyncadd.s32 $0xFFFFC000  }
0xf5: {  	[spmem:s2] =	stream.indirect.scatter.add.f32 [tilespmem:s8], [sflag:$0x5], $0x80, s7, s7, $0xb8;
	[tilespmem:$0x1C100] =	vst v63  }
0xf6: {  	_ =	swait.ge [sflag:s6], $0x4000  }
0xf7: {  	[sflag:s6] =	ssyncset.done $0x0  }
0xf8: {  	s0 =	rddreg [dreg:$0xe];
	[sflag:s6] =	ssyncadd.s32 $0xFFFFC000  }
0xf9: {  	[tilespmem:s7], [sflag:$0x2] =	stream.linear.gather [hbm4b:s0+s4], $0x80, $0x38;
	[tilespmem:$0x1C100] =	vst v63  }
0xfa: {  	s31 =	rddreg [dreg:$0xf]  }
0xfb: {  	[tilespmem:s8], [sflag:$0x4] =	stream.linear.gather [hbm4b:s31+s4], $0x4000, $0x38;
	[tilespmem:$0x1C100] =	vst v63  }
0xfc: {  	_ =	swait.ge [sflag:s15], $0x80  }
0xfd: {  	[sflag:s15] =	ssyncset.done $0x0  }
0xfe: {  	[sflag:s15] =	ssyncadd.s32 $0xFFFFFF80  }
0xff: {  	_ =	swait.ge [sflag:s14], $0x4000  }
0x100: {  	[sflag:s14] =	ssyncset.done $0x0  }
0x101: {  	[sflag:s14] =	ssyncadd.s32 $0xFFFFC000  }
0x102: {  	[spmem:s2] =	stream.indirect.scatter.add.f32 [tilespmem:s9], [sflag:$0x5], $0x80, s4, s7, $0xb8;
	[tilespmem:$0x1C100] =	vst v63  }
0x103: {  	_ =	swait.ge [sflag:s6], $0x4000  }
0x104: {  	[sflag:s6] =	ssyncset.done $0x0  }
0x105: {  	[sflag:s6] =	ssyncadd.s32 $0xFFFFC000  }
0x106: {  	[tilespmem:s4], [sflag:$0x1] =	stream.linear.gather [hbm4b:s24+s4], $0x80, $0x38;
	[tilespmem:$0x1C100] =	vst v63  }
0x107: {  	_ = 	snop  }
0x108: {  	[tilespmem:s9], [sflag:$0x3] =	stream.linear.gather [hbm4b:s25+s4], $0x4000, $0x38;
	[tilespmem:$0x1C100] =	vst v63  }
0x109: {  	_ =	swait.ge [sflag:s11], $0x80  }
0x10a: {  	[sflag:s11] =	ssyncset.done $0x0  }
0x10b: {  	[sflag:s11] =	ssyncadd.s32 $0xFFFFFF80  }
0x10c: {  	_ =	swait.ge [sflag:s10], $0x4000  }
0x10d: {  	[sflag:s10] =	ssyncset.done $0x0  }
0x10e: {  	[sflag:s10] =	ssyncadd.s32 $0xFFFFC000  }
0x10f: {  	[spmem:s2] =	stream.indirect.scatter.add.f32 [tilespmem:s8], [sflag:$0x5], $0x80, s7, s7, $0xb8;
	[tilespmem:$0x1C100] =	vst v63  }
0x110: {  	_ =	swait.ge [sflag:s6], $0x4000  }
0x111: {  	[sflag:s6] =	ssyncset.done $0x0  }
0x112: {  	[sflag:s6] =	ssyncadd.s32 $0xFFFFC000  }
0x113: {  	[tilespmem:s7], [sflag:$0x2] =	stream.linear.gather [hbm4b:s22+s4], $0x80, $0x38;
	[tilespmem:$0x1C100] =	vst v63  }
0x114: {  	_ = 	snop  }
0x115: {  	[tilespmem:s8], [sflag:$0x4] =	stream.linear.gather [hbm4b:s23+s4], $0x4000, $0x38;
	[tilespmem:$0x1C100] =	vst v63  }
0x116: {  	_ =	swait.ge [sflag:s15], $0x80  }
0x117: {  	[sflag:s15] =	ssyncset.done $0x0  }
0x118: {  	[sflag:s15] =	ssyncadd.s32 $0xFFFFFF80  }
0x119: {  	_ =	swait.ge [sflag:s14], $0x4000  }
0x11a: {  	[sflag:s14] =	ssyncset.done $0x0  }
0x11b: {  	[sflag:s14] =	ssyncadd.s32 $0xFFFFC000  }
0x11c: {  	[spmem:s2] =	stream.indirect.scatter.add.f32 [tilespmem:s9], [sflag:$0x5], $0x80, s4, s7, $0xb8;
	[tilespmem:$0x1C100] =	vst v63  }
0x11d: {  	_ =	swait.ge [sflag:s6], $0x4000  }
0x11e: {  	[sflag:s6] =	ssyncset.done $0x0  }
0x11f: {  	[sflag:s6] =	ssyncadd.s32 $0xFFFFC000  }
0x120: {  	[tilespmem:s4], [sflag:$0x1] =	stream.linear.gather [hbm4b:s20+s4], $0x80, $0x38;
	[tilespmem:$0x1C100] =	vst v63  }
0x121: {  	_ = 	snop  }
0x122: {  	[tilespmem:s9], [sflag:$0x3] =	stream.linear.gather [hbm4b:s21+s4], $0x4000, $0x38;
	[tilespmem:$0x1C100] =	vst v63  }
0x123: {  	_ =	swait.ge [sflag:s11], $0x80  }
0x124: {  	[sflag:s11] =	ssyncset.done $0x0  }
0x125: {  	[sflag:s11] =	ssyncadd.s32 $0xFFFFFF80  }
0x126: {  	_ =	swait.ge [sflag:s10], $0x4000  }
0x127: {  	[sflag:s10] =	ssyncset.done $0x0  }
0x128: {  	[sflag:s10] =	ssyncadd.s32 $0xFFFFC000  }
0x129: {  	[spmem:s2] =	stream.indirect.scatter.add.f32 [tilespmem:s8], [sflag:$0x5], $0x80, s7, s7, $0xb8;
	[tilespmem:$0x1C100] =	vst v63  }
0x12a: {  	_ =	swait.ge [sflag:s6], $0x4000  }
0x12b: {  	[sflag:s6] =	ssyncset.done $0x0  }
0x12c: {  	[sflag:s6] =	ssyncadd.s32 $0xFFFFC000  }
0x12d: {  	[tilespmem:s7], [sflag:$0x2] =	stream.linear.gather [hbm4b:s18+s4], $0x80, $0x38;
	[tilespmem:$0x1C100] =	vst v63  }
0x12e: {  	_ = 	snop  }
0x12f: {  	[tilespmem:s8], [sflag:$0x4] =	stream.linear.gather [hbm4b:s19+s4], $0x4000, $0x38;
	[tilespmem:$0x1C100] =	vst v63  }
0x130: {  	_ =	swait.ge [sflag:s15], $0x80  }
0x131: {  	[sflag:s15] =	ssyncset.done $0x0  }
0x132: {  	[sflag:s15] =	ssyncadd.s32 $0xFFFFFF80  }
0x133: {  	_ =	swait.ge [sflag:s14], $0x4000  }
0x134: {  	[sflag:s14] =	ssyncset.done $0x0  }
0x135: {  	[sflag:s14] =	ssyncadd.s32 $0xFFFFC000  }
0x136: {  	[spmem:s2] =	stream.indirect.scatter.add.f32 [tilespmem:s9], [sflag:$0x5], $0x80, s4, s7, $0xb8;
	[tilespmem:$0x1C100] =	vst v63  }
0x137: {  	_ =	swait.ge [sflag:s6], $0x4000  }
0x138: {  	[sflag:s6] =	ssyncset.done $0x0  }
0x139: {  	[sflag:s6] =	ssyncadd.s32 $0xFFFFC000  }
0x13a: {  	[tilespmem:s4], [sflag:$0x1] =	stream.linear.gather [hbm4b:s16+s4], $0x80, $0x38;
	[tilespmem:$0x1C100] =	vst v63  }
0x13b: {  	_ = 	snop  }
0x13c: {  	[tilespmem:s9], [sflag:$0x3] =	stream.linear.gather [hbm4b:s17+s4], $0x4000, $0x38;
	[tilespmem:$0x1C100] =	vst v63  }
0x13d: {  	_ =	swait.ge [sflag:s11], $0x80  }
0x13e: {  	[sflag:s11] =	ssyncset.done $0x0  }
0x13f: {  	[sflag:s11] =	ssyncadd.s32 $0xFFFFFF80  }
0x140: {  	_ =	swait.ge [sflag:s10], $0x4000  }
0x141: {  	[sflag:s10] =	ssyncset.done $0x0  }
0x142: {  	[sflag:s10] =	ssyncadd.s32 $0xFFFFC000  }
0x143: {  	[spmem:s2] =	stream.indirect.scatter.add.f32 [tilespmem:s8], [sflag:$0x5], $0x80, s7, s7, $0xb8;
	[tilespmem:$0x1C100] =	vst v63  }
0x144: {  	_ =	swait.ge [sflag:s6], $0x4000  }
0x145: {  	[sflag:s6] =	ssyncset.done $0x0  }
0x146: {  	[sflag:s6] =	ssyncadd.s32 $0xFFFFC000  }
0x147: {  	[tilespmem:s7], [sflag:$0x2] =	stream.linear.gather [hbm4b:s12+s4], $0x80, $0x38;
	[tilespmem:$0x1C100] =	vst v63  }
0x148: {  	_ = 	snop  }
0x149: {  	[tilespmem:s8], [sflag:$0x4] =	stream.linear.gather [hbm4b:s13+s4], $0x4000, $0x38;
	[tilespmem:$0x1C100] =	vst v63  }
0x14a: {  	_ =	swait.ge [sflag:s15], $0x80  }
0x14b: {  	[sflag:s15] =	ssyncset.done $0x0  }
0x14c: {  	[sflag:s15] =	ssyncadd.s32 $0xFFFFFF80  }
0x14d: {  	_ =	swait.ge [sflag:s14], $0x4000  }
0x14e: {  	[sflag:s14] =	ssyncset.done $0x0  }
0x14f: {  	[sflag:s14] =	ssyncadd.s32 $0xFFFFC000  }
0x150: {  	[spmem:s2] =	stream.indirect.scatter.add.f32 [tilespmem:s9], [sflag:$0x5], $0x80, s4, s7, $0xb8;
	[tilespmem:$0x1C100] =	vst v63  }
0x151: {  	_ =	swait.ge [sflag:s6], $0x4000  }
0x152: {  	[sflag:s6] =	ssyncset.done $0x0  }
0x153: {  	[sflag:s6] =	ssyncadd.s32 $0xFFFFC000  }
0x154: {  	_ =	swait.ge [sflag:s11], $0x80  }
0x155: {  	[sflag:s11] =	ssyncset.done $0x0  }
0x156: {  	[sflag:s11] =	ssyncadd.s32 $0xFFFFFF80  }
0x157: {  	_ =	swait.ge [sflag:s10], $0x4000  }
0x158: {  	[sflag:s10] =	ssyncset.done $0x0  }
0x159: {  	[sflag:s10] =	ssyncadd.s32 $0xFFFFC000  }
0x15a: {  	[spmem:s2] =	stream.indirect.scatter.add.f32 [tilespmem:s8], [sflag:$0x5], $0x80, s7, s7, $0xb8;
	[tilespmem:$0x1C100] =	vst v63  }
0x15b: {  	_ =	swait.ge [sflag:s6], $0x4000  }
0x15c: {  	p1 =	sne.s32 s30, $0x1;
	[sflag:s6] =	ssyncset.done $0x0  }
.Ltmp2:
0x15d: {  	[sflag:s6] =	ssyncadd.s32 $0xFFFFC000;
	(pc) =	sbr.rel @p1 .LBB2_3-.Ltmp2, $4  }
0x15e: {  	[bflag:$0x0] =	sbarrier.arrive $0xFFFF  }
0x15f: {  	[hbm:s5], [sflag:s28] =	dma.local [spmem:s29], $0x2800  }
0x160: {  	_ =	swait.ge [sflag:s6], $0x2800  }
0x161: {  	s30 =	sadd.s32 $0xFFFFFFFF, s30;
	s31 =	rddreg [dreg:$0x4];
	[sflag:s6] =	ssyncset.done $0x0  }
0x162: {  	s28 =	rddreg [dreg:$0x3]  }
.LBB2_5:
0x163: {  	[sflag:s6] =	ssyncadd.s32 @p0 $0xFFFFD800  }
0x164: {  	[tilespmem:s9], [sflag:$0x5] =	stream.linear.gather [hbm4b:s31+s4], $0x4000, $0x38;
	[tilespmem:$0x1C100] =	vst v63  }
0x165: {  	_ =	swait.ge [sflag:s6], $0x4000  }
0x166: {  	[sflag:s6] =	ssyncset.done $0x0  }
0x167: {  	[sflag:s6] =	ssyncadd.s32 $0xFFFFC000  }
0x168: {  	[spmem:s3] =	stream.linear.scatter [tilespmem:s9], [sflag:$0x5], $0x4000, $0x38;
	[tilespmem:$0x1C100] =	vst v63  }
0x169: {  	_ =	swait.ge [sflag:s6], $0x4000  }
0x16a: {  	[sflag:s6] =	ssyncset.done $0x0  }
0x16b: {  	s0 =	rddreg [dreg:$0x5];
	[sflag:s6] =	ssyncadd.s32 $0xFFFFC000  }
0x16c: {  	[spmem:s0] =	stream.linear.scatter [tilespmem:s9], [sflag:$0x5], $0x4000, $0x38;
	[tilespmem:$0x1C100] =	vst v63  }
0x16d: {  	_ =	swait.ge [sflag:s6], $0x4000  }
0x16e: {  	[sflag:s6] =	ssyncset.done $0x0  }
0x16f: {  	s30 =	rddreg [dreg:$0x6];
	[sflag:s6] =	ssyncadd.s32 $0xFFFFC000  }
0x170: {  	[spmem:s30] =	stream.linear.scatter [tilespmem:s9], [sflag:$0x5], $0x4000, $0x38;
	[tilespmem:$0x1C100] =	vst v63  }
0x171: {  	_ =	swait.ge [sflag:s6], $0x4000  }
0x172: {  	[sflag:s6] =	ssyncset.done $0x0  }
0x173: {  	s31 =	rddreg [dreg:$0x7];
	[sflag:s6] =	ssyncadd.s32 $0xFFFFC000  }
0x174: {  	[spmem:s31] =	stream.linear.scatter [tilespmem:s9], [sflag:$0x5], $0x4000, $0x38;
	[tilespmem:$0x1C100] =	vst v63  }
0x175: {  	_ =	swait.ge [sflag:s6], $0x4000  }
0x176: {  	[sflag:s6] =	ssyncset.done $0x0  }
0x177: {  	s29 =	rddreg [dreg:$0x8];
	[sflag:s6] =	ssyncadd.s32 $0xFFFFC000  }
0x178: {  	[spmem:s29] =	stream.linear.scatter [tilespmem:s9], [sflag:$0x5], $0x4000, $0x38;
	[tilespmem:$0x1C100] =	vst v63  }
0x179: {  	_ =	swait.ge [sflag:s6], $0x4000  }
0x17a: {  	[sflag:s6] =	ssyncset.done $0x0  }
0x17b: {  	[sflag:s6] =	ssyncadd.s32 $0xFFFFC000  }
0x17c: {  	[bflag:$0x0] =	sbarrier.arrive $0xFFFF  }
0x17d: {  	s30 =	rddreg [dreg:$0x9]  }
0x17e: {  	[tilespmem:s4], [sflag:$0x1] =	stream.linear.gather [hbm4b:s30+s4], $0x80, $0x38;
	[tilespmem:$0x1C100] =	vst v63  }
0x17f: {  	_ = 	snop  }
0x180: {  	[tilespmem:s9], [sflag:$0x3] =	stream.linear.gather [hbm4b:s26+s4], $0x4000, $0x38;
	[tilespmem:$0x1C100] =	vst v63  }
0x181: {  	s31 =	rddreg [dreg:$0xa]  }
0x182: {  	[tilespmem:s7], [sflag:$0x2] =	stream.linear.gather [hbm4b:s31+s4], $0x80, $0x38;
	[tilespmem:$0x1C100] =	vst v63  }
0x183: {  	s29 =	rddreg [dreg:$0xb]  }
0x184: {  	[tilespmem:s8], [sflag:$0x4] =	stream.linear.gather [hbm4b:s29+s4], $0x4000, $0x38;
	[tilespmem:$0x1C100] =	vst v63  }
0x185: {  	_ =	swait.ge [sflag:s15], $0x80  }
0x186: {  	[sflag:s15] =	ssyncset.done $0x0  }
0x187: {  	[sflag:s15] =	ssyncadd.s32 $0xFFFFFF80  }
0x188: {  	_ =	swait.ge [sflag:s14], $0x4000  }
0x189: {  	[sflag:s14] =	ssyncset.done $0x0  }
0x18a: {  	[sflag:s14] =	ssyncadd.s32 $0xFFFFC000  }
0x18b: {  	[spmem:s2] =	stream.indirect.scatter.add.f32 [tilespmem:s9], [sflag:$0x5], $0x80, s4, s7, $0xb8;
	[tilespmem:$0x1C100] =	vst v63  }
0x18c: {  	_ =	swait.ge [sflag:s6], $0x4000  }
0x18d: {  	[sflag:s6] =	ssyncset.done $0x0  }
0x18e: {  	s30 =	rddreg [dreg:$0xc];
	[sflag:s6] =	ssyncadd.s32 $0xFFFFC000  }
0x18f: {  	[tilespmem:s4], [sflag:$0x1] =	stream.linear.gather [hbm4b:s30+s4], $0x80, $0x38;
	[tilespmem:$0x1C100] =	vst v63  }
0x190: {  	s31 =	rddreg [dreg:$0xd]  }
0x191: {  	[tilespmem:s9], [sflag:$0x3] =	stream.linear.gather [hbm4b:s31+s4], $0x4000, $0x38;
	[tilespmem:$0x1C100] =	vst v63  }
0x192: {  	_ =	swait.ge [sflag:s11], $0x80  }
0x193: {  	[sflag:s11] =	ssyncset.done $0x0  }
0x194: {  	[sflag:s11] =	ssyncadd.s32 $0xFFFFFF80  }
0x195: {  	_ =	swait.ge [sflag:s10], $0x4000  }
0x196: {  	[sflag:s10] =	ssyncset.done $0x0  }
0x197: {  	[sflag:s10] =	ssyncadd.s32 $0xFFFFC000  }
0x198: {  	[spmem:s2] =	stream.indirect.scatter.add.f32 [tilespmem:s8], [sflag:$0x5], $0x80, s7, s7, $0xb8;
	[tilespmem:$0x1C100] =	vst v63  }
0x199: {  	_ =	swait.ge [sflag:s6], $0x4000  }
0x19a: {  	[sflag:s6] =	ssyncset.done $0x0  }
0x19b: {  	s26 =	rddreg [dreg:$0xe];
	[sflag:s6] =	ssyncadd.s32 $0xFFFFC000  }
0x19c: {  	[tilespmem:s7], [sflag:$0x2] =	stream.linear.gather [hbm4b:s26+s4], $0x80, $0x38;
	[tilespmem:$0x1C100] =	vst v63  }
0x19d: {  	s29 =	rddreg [dreg:$0xf]  }
0x19e: {  	[tilespmem:s8], [sflag:$0x4] =	stream.linear.gather [hbm4b:s29+s4], $0x4000, $0x38;
	[tilespmem:$0x1C100] =	vst v63  }
0x19f: {  	_ =	swait.ge [sflag:s15], $0x80  }
0x1a0: {  	[sflag:s15] =	ssyncset.done $0x0  }
0x1a1: {  	[sflag:s15] =	ssyncadd.s32 $0xFFFFFF80  }
0x1a2: {  	_ =	swait.ge [sflag:s14], $0x4000  }
0x1a3: {  	[sflag:s14] =	ssyncset.done $0x0  }
0x1a4: {  	[sflag:s14] =	ssyncadd.s32 $0xFFFFC000  }
0x1a5: {  	[spmem:s2] =	stream.indirect.scatter.add.f32 [tilespmem:s9], [sflag:$0x5], $0x80, s4, s7, $0xb8;
	[tilespmem:$0x1C100] =	vst v63  }
0x1a6: {  	_ =	swait.ge [sflag:s6], $0x4000  }
0x1a7: {  	[sflag:s6] =	ssyncset.done $0x0  }
0x1a8: {  	[sflag:s6] =	ssyncadd.s32 $0xFFFFC000  }
0x1a9: {  	[tilespmem:s4], [sflag:$0x1] =	stream.linear.gather [hbm4b:s24+s4], $0x80, $0x38;
	[tilespmem:$0x1C100] =	vst v63  }
0x1aa: {  	_ = 	snop  }
0x1ab: {  	[tilespmem:s9], [sflag:$0x3] =	stream.linear.gather [hbm4b:s25+s4], $0x4000, $0x38;
	[tilespmem:$0x1C100] =	vst v63  }
0x1ac: {  	_ =	swait.ge [sflag:s11], $0x80  }
0x1ad: {  	[sflag:s11] =	ssyncset.done $0x0  }
0x1ae: {  	[sflag:s11] =	ssyncadd.s32 $0xFFFFFF80  }
0x1af: {  	_ =	swait.ge [sflag:s10], $0x4000  }
0x1b0: {  	[sflag:s10] =	ssyncset.done $0x0  }
0x1b1: {  	[sflag:s10] =	ssyncadd.s32 $0xFFFFC000  }
0x1b2: {  	[spmem:s2] =	stream.indirect.scatter.add.f32 [tilespmem:s8], [sflag:$0x5], $0x80, s7, s7, $0xb8;
	[tilespmem:$0x1C100] =	vst v63  }
0x1b3: {  	_ =	swait.ge [sflag:s6], $0x4000  }
0x1b4: {  	[sflag:s6] =	ssyncset.done $0x0  }
0x1b5: {  	[sflag:s6] =	ssyncadd.s32 $0xFFFFC000  }
0x1b6: {  	[tilespmem:s7], [sflag:$0x2] =	stream.linear.gather [hbm4b:s22+s4], $0x80, $0x38;
	[tilespmem:$0x1C100] =	vst v63  }
0x1b7: {  	_ = 	snop  }
0x1b8: {  	[tilespmem:s8], [sflag:$0x4] =	stream.linear.gather [hbm4b:s23+s4], $0x4000, $0x38;
	[tilespmem:$0x1C100] =	vst v63  }
0x1b9: {  	_ =	swait.ge [sflag:s15], $0x80  }
0x1ba: {  	[sflag:s15] =	ssyncset.done $0x0  }
0x1bb: {  	[sflag:s15] =	ssyncadd.s32 $0xFFFFFF80  }
0x1bc: {  	_ =	swait.ge [sflag:s14], $0x4000  }
0x1bd: {  	[sflag:s14] =	ssyncset.done $0x0  }
0x1be: {  	[sflag:s14] =	ssyncadd.s32 $0xFFFFC000  }
0x1bf: {  	[spmem:s2] =	stream.indirect.scatter.add.f32 [tilespmem:s9], [sflag:$0x5], $0x80, s4, s7, $0xb8;
	[tilespmem:$0x1C100] =	vst v63  }
0x1c0: {  	_ =	swait.ge [sflag:s6], $0x4000  }
0x1c1: {  	[sflag:s6] =	ssyncset.done $0x0  }
0x1c2: {  	[sflag:s6] =	ssyncadd.s32 $0xFFFFC000  }
0x1c3: {  	[tilespmem:s4], [sflag:$0x1] =	stream.linear.gather [hbm4b:s20+s4], $0x80, $0x38;
	[tilespmem:$0x1C100] =	vst v63  }
0x1c4: {  	_ = 	snop  }
0x1c5: {  	[tilespmem:s9], [sflag:$0x3] =	stream.linear.gather [hbm4b:s21+s4], $0x4000, $0x38;
	[tilespmem:$0x1C100] =	vst v63  }
0x1c6: {  	_ =	swait.ge [sflag:s11], $0x80  }
0x1c7: {  	[sflag:s11] =	ssyncset.done $0x0  }
0x1c8: {  	[sflag:s11] =	ssyncadd.s32 $0xFFFFFF80  }
0x1c9: {  	_ =	swait.ge [sflag:s10], $0x4000  }
0x1ca: {  	[sflag:s10] =	ssyncset.done $0x0  }
0x1cb: {  	[sflag:s10] =	ssyncadd.s32 $0xFFFFC000  }
0x1cc: {  	[spmem:s2] =	stream.indirect.scatter.add.f32 [tilespmem:s8], [sflag:$0x5], $0x80, s7, s7, $0xb8;
	[tilespmem:$0x1C100] =	vst v63  }
0x1cd: {  	_ =	swait.ge [sflag:s6], $0x4000  }
0x1ce: {  	[sflag:s6] =	ssyncset.done $0x0  }
0x1cf: {  	[sflag:s6] =	ssyncadd.s32 $0xFFFFC000  }
0x1d0: {  	[tilespmem:s7], [sflag:$0x2] =	stream.linear.gather [hbm4b:s18+s4], $0x80, $0x38;
	[tilespmem:$0x1C100] =	vst v63  }
0x1d1: {  	_ = 	snop  }
0x1d2: {  	[tilespmem:s8], [sflag:$0x4] =	stream.linear.gather [hbm4b:s19+s4], $0x4000, $0x38;
	[tilespmem:$0x1C100] =	vst v63  }
0x1d3: {  	_ =	swait.ge [sflag:s15], $0x80  }
0x1d4: {  	[sflag:s15] =	ssyncset.done $0x0  }
0x1d5: {  	[sflag:s15] =	ssyncadd.s32 $0xFFFFFF80  }
0x1d6: {  	_ =	swait.ge [sflag:s14], $0x4000  }
0x1d7: {  	[sflag:s14] =	ssyncset.done $0x0  }
0x1d8: {  	[sflag:s14] =	ssyncadd.s32 $0xFFFFC000  }
0x1d9: {  	[spmem:s2] =	stream.indirect.scatter.add.f32 [tilespmem:s9], [sflag:$0x5], $0x80, s4, s7, $0xb8;
	[tilespmem:$0x1C100] =	vst v63  }
0x1da: {  	_ =	swait.ge [sflag:s6], $0x4000  }
0x1db: {  	[sflag:s6] =	ssyncset.done $0x0  }
0x1dc: {  	[sflag:s6] =	ssyncadd.s32 $0xFFFFC000  }
0x1dd: {  	[tilespmem:s4], [sflag:$0x1] =	stream.linear.gather [hbm4b:s16+s4], $0x80, $0x38;
	[tilespmem:$0x1C100] =	vst v63  }
0x1de: {  	_ = 	snop  }
0x1df: {  	[tilespmem:s9], [sflag:$0x3] =	stream.linear.gather [hbm4b:s17+s4], $0x4000, $0x38;
	[tilespmem:$0x1C100] =	vst v63  }
0x1e0: {  	_ =	swait.ge [sflag:s11], $0x80  }
0x1e1: {  	[sflag:s11] =	ssyncset.done $0x0  }
0x1e2: {  	[sflag:s11] =	ssyncadd.s32 $0xFFFFFF80  }
0x1e3: {  	_ =	swait.ge [sflag:s10], $0x4000  }
0x1e4: {  	[sflag:s10] =	ssyncset.done $0x0  }
0x1e5: {  	[sflag:s10] =	ssyncadd.s32 $0xFFFFC000  }
0x1e6: {  	[spmem:s2] =	stream.indirect.scatter.add.f32 [tilespmem:s8], [sflag:$0x5], $0x80, s7, s7, $0xb8;
	[tilespmem:$0x1C100] =	vst v63  }
0x1e7: {  	_ =	swait.ge [sflag:s6], $0x4000  }
0x1e8: {  	[sflag:s6] =	ssyncset.done $0x0  }
0x1e9: {  	[sflag:s6] =	ssyncadd.s32 $0xFFFFC000  }
0x1ea: {  	[tilespmem:s7], [sflag:$0x2] =	stream.linear.gather [hbm4b:s12+s4], $0x80, $0x38;
	[tilespmem:$0x1C100] =	vst v63  }
0x1eb: {  	_ = 	snop  }
0x1ec: {  	[tilespmem:s8], [sflag:$0x4] =	stream.linear.gather [hbm4b:s13+s4], $0x4000, $0x38;
	[tilespmem:$0x1C100] =	vst v63  }
0x1ed: {  	_ =	swait.ge [sflag:s15], $0x80  }
0x1ee: {  	[sflag:s15] =	ssyncset.done $0x0  }
0x1ef: {  	[sflag:s15] =	ssyncadd.s32 $0xFFFFFF80  }
0x1f0: {  	_ =	swait.ge [sflag:s14], $0x4000  }
0x1f1: {  	[sflag:s14] =	ssyncset.done $0x0  }
0x1f2: {  	[sflag:s14] =	ssyncadd.s32 $0xFFFFC000  }
0x1f3: {  	[spmem:s2] =	stream.indirect.scatter.add.f32 [tilespmem:s9], [sflag:$0x5], $0x80, s4, s7, $0xb8;
	[tilespmem:$0x1C100] =	vst v63  }
0x1f4: {  	_ =	swait.ge [sflag:s6], $0x4000  }
0x1f5: {  	[sflag:s6] =	ssyncset.done $0x0  }
0x1f6: {  	[sflag:s6] =	ssyncadd.s32 $0xFFFFC000  }
0x1f7: {  	_ =	swait.ge [sflag:s11], $0x80  }
0x1f8: {  	[sflag:s11] =	ssyncset.done $0x0  }
0x1f9: {  	[sflag:s11] =	ssyncadd.s32 $0xFFFFFF80  }
0x1fa: {  	_ =	swait.ge [sflag:s10], $0x4000  }
0x1fb: {  	[sflag:s10] =	ssyncset.done $0x0  }
0x1fc: {  	[sflag:s10] =	ssyncadd.s32 $0xFFFFC000  }
0x1fd: {  	[spmem:s2] =	stream.indirect.scatter.add.f32 [tilespmem:s8], [sflag:$0x5], $0x80, s7, s7, $0xb8;
	[tilespmem:$0x1C100] =	vst v63  }
0x1fe: {  	_ =	swait.ge [sflag:s6], $0x4000  }
0x1ff: {  	[sflag:s6] =	ssyncset.done $0x0  }
0x200: {  	s30 =	sshll.u32 s1, $0x6;
	[sflag:s6] =	ssyncadd.s32 $0xFFFFC000  }
0x201: {  	s0 =	sor.u32 $0x1C05, s30;
	s31 =	sshrl.u32 s3, $0x3;
	[bflag:$0x0] =	sbarrier.arrive $0xFFFF  }
0x202: {  	[hbm:s5], [sflag:s0] =	dma.local [spmem:s31], $0x2800  }
0x203: {  	_ =	swait.ge [sflag:s6], $0x2800  }
0x204: {  	[sflag:s6] =	ssyncset.done $0x0  }
0x205: {  	[sflag:s6] =	ssyncadd.s32 $0xFFFFD800  }
0x206: {  	_ =	sfence.sel $0x180000  }
0x207: {  	[bflag:$0x0] =	sbarrier.arrive $0xFFFF  }
0x208: {  	p0 =	sne.s32 s1, $0x0;
	_ =	strace $0x9000004D  }
0x209: {  	s0 =	sadd.s32 @!p0 $0x100000, s28;
	[bflag:$0x2] =	sbarrier.arrive $0xFFFF  }
0x20a: {  	[sflag:s0] =	ssyncadd.tile.s32 @!p0 $0x1;
	_ =	shalt  }
.LBB2_2:
.Ltmp3:
0x20b: {  	(pc) =	sbr.rel .LBB2_5-.Ltmp3, $2  }
0x20c: {  	_ =	sdelay $0x2  }
0x20d: {  	s28 =	rddreg [dreg:$0x3]  }
.Lfunc_end2:
_tile_overlayer_lowered:
.L_overlay_start_2:
0x20e: {  	(tag) =	ssettag $0x2  }
0x20f: {  	s0 =	rddreg [dreg:$0x0];
	s2 =	stileid.u32  }
0x210: {  	s1 =	rddreg [dreg:$0x1];
	p0 =	sne.s32 s2, $0x0  }
0x211: {  	s3 =	rddreg [dreg:$0x2];
	[bflag:$0x3] =	sbarrier.arrive $0xFFFF;
	s2 =	simm.s32 @!p0 $0x1C05  }
0x212: {  	[timem:s3], [sflag:s2] =	dma.local @!p0 [hbm:s0], s1  }
0x213: {  	s0 =	simm.s32 @!p0 $0x5  }
0x214: {  	_ =	swait.ge @!p0 [sflag:s0], s1  }
0x215: {  	s1 =	ssub.s32 @!p0 $0x0, s1;
	[sflag:s0] =	ssyncset.done @!p0 $0x0  }
0x216: {  	[sflag:s0] =	ssyncadd.s32 @!p0 s1  }
0x217: {  	[bflag:$0x3] =	sbarrier.arrive $0xFFFF  }
0x218: {  	_ =	shalt  }

// kernel: kernel.8.cloned.1.call-start
scs
__scs_entry_jumppad:
0x0: {  	(pc) =	sbr.rel $0x88, $3  }
0x1: {  	(tag) =	ssettag $0x0;
	lr =	simm.s32 $0x1  }
0x2: {  	[smem:$0x3F8F] =	sst lr;
	_ =	strace $0xD0000000  }
0x3: {  	_ = 	snop  }
0x4: {  	_ = 	snop  }
0x5: {  	_ = 	snop  }
0x6: {  	_ = 	snop  }
0x7: {  	_ = 	snop  }
__scs_overlays_trampoline_lowered:
0x8: {  	[smem:$0x3F9E] =	sst s0  }
0x9: {  	[smem:$0x3F9F] =	sst s1  }
0xa: {  	[smem:$0x3FA0] =	sst s2  }
0xb: {  	[smem:$0x3FA1] =	sst s3  }
0xc: {  	[smem:$0x3FA2] =	sst s4  }
0xd: {  	[smem:$0x3FA3] =	sst s5  }
0xe: {  	[smem:$0x3FA4] =	sst s6  }
0xf: {  	[smem:$0x3FA5] =	sst s7  }
0x10: {  	[smem:$0x3FA6] =	sst s8  }
0x11: {  	[smem:$0x3FA7] =	sst s9;
	s0 =	simm.s32 @!p0 $0x0  }
0x12: {  	s1 =	sld [smem:$0x3F8D];
	s0 =	simm.s32 @p0 $0x1  }
0x13: {  	[smem:$0x3FA8] =	sst s0;
	s0 =	simm.s32 @!p1 $0x0  }
0x14: {  	s2 =	sld [smem:$0x3F8C];
	s0 =	simm.s32 @p1 $0x1  }
0x15: {  	[smem:$0x3FA9] =	sst s0;
	s0 =	simm.s32 @!p2 $0x0  }
0x16: {  	s3 =	sld [smem:$0x3FDB];
	s0 =	simm.s32 @p2 $0x1  }
0x17: {  	s4 =	simm.s32 $0x1BF5;
	[smem:$0x3FAB] =	sst s0  }
0x18: {  	s0 =	sld [smem:$0x3F8E];
	_ =	swait.ge [sflag:s4], $0x0  }
0x19: {  	s7 =	sld [smem:$0x3F8F]  }
0x1a: {  	s8 =	sadd.s32 $0xFFFFE003, lr  }
0x1b: {  	s9 =	sadd.s32 $0xFFFFFEF7, lr;
	s5 =	simm.s32 $0xFFFFFFFF;
	p2 =	slt.u32 s8, $0xFFFFF086  }
0x1c: {  	p1 =	slt.u32 s9, $0xF7A;
	s5 =	simm.s32 @!p2 $0x0  }
0x1d: {  	s5 =	simm.s32 @p1 $0x1;
	p0 =	seq.s32 s7, s2  }
0x1e: {  	s7 =	smul.u32 @!p0 $0xF7A, s2;
	p2 =	seq.s32 @!p0 s5, $0x0  }
0x1f: {  	s9 =	smul.u32 $0xF7A, s1;
	s8 =	simm.s32 @!p0 $0x1BF5;
	p2 =	por !p2, p0  }
0x20: {  	[sflag:s8] =	ssyncset.s32 @!p0 $0xFFFFF086;
	s6 =	sadd.s32 @!p0 s3, s7;
	s7 =	simm.s32 @!p0 $0x108  }
0x21: {  	s3 =	sadd.s32 s3, s9;
	s6 =	sadd.s32 @!p0 $0x88, s6;
	s7 =	simm.s32 @p2 $0x1082  }
0x22: {  	[simem:s7], [sflag:s8] =	dma.local @!p0 [hbm:s6], $0xF7A  }
0x23: {  	s9 =	sor.u32 $0xD0000000, s2;
	s6 =	simm.s32 $0x108;
	_ =	swait.ge @!p0 [sflag:s8], $0x0  }
0x24: {  	s3 =	sadd.s32 $0x88, s3;
	s6 =	simm.s32 @!p1 $0x1082;
	[sflag:s4] =	ssyncset.s32 $0xFFFFF086  }
0x25: {  	[simem:s6], [sflag:s4] =	dma.local [hbm:s3], $0xF7A  }
0x26: {  	[smem:$0x3F8F] =	sst s1;
	(tag) =	ssettag s2;
	_ =	strace s9  }
0x27: {  	s1 =	sld [smem:$0x3F9F]  }
0x28: {  	s2 =	sld [smem:$0x3FA0]  }
0x29: {  	s4 =	sld [smem:$0x3FA2]  }
0x2a: {  	p0 =	seq.s32 s5, $0x0;
	s5 =	sld [smem:$0x3FA3]  }
0x2b: {  	s6 =	sld [smem:$0x3FA4]  }
0x2c: {  	s7 =	sld [smem:$0x3FA5]  }
0x2d: {  	s3 =	simm.s32 $0x108;
	s8 =	sld [smem:$0x3FA6]  }
0x2e: {  	s3 =	simm.s32 @!p0 $0x1082;
	s9 =	sld [smem:$0x3FA7]  }
0x2f: {  	lr =	sadd.s32 s0, s3;
	s0 =	sld [smem:$0x3F9E]  }
0x30: {  	s3 =	sld [smem:$0x3FA1]  }
0x31: {  	[smem:$0x3FAA] =	sst s10  }
0x32: {  	s10 =	sld [smem:$0x3FA8];
	_ =	sdelay $0x3  }
0x33: {  	p0 =	seq.s32 s10, $0x1;
	s10 =	sld [smem:$0x3FAA];
	_ =	sdelay $0x3  }
0x34: {  	[smem:$0x3FAA] =	sst s10  }
0x35: {  	s10 =	sld [smem:$0x3FA9];
	_ =	sdelay $0x3  }
0x36: {  	p1 =	seq.s32 s10, $0x1;
	s10 =	sld [smem:$0x3FAA];
	_ =	sdelay $0x3  }
0x37: {  	[smem:$0x3FAA] =	sst s10  }
0x38: {  	s10 =	sld [smem:$0x3FAB]  }
0x39: {  	_ = 	snop;
	(pc) =	sbr.ind lr, $3  }
0x3a: {  	_ = 	snop  }
0x3b: {  	_ = 	snop  }
0x3c: {  	p2 =	seq.s32 s10, $0x1;
	s10 =	sld [smem:$0x3FAA]  }
0x3d: {  	_ =	shalt  }
0x3e: {  	_ =	shalt  }
0x3f: {  	_ =	shalt  }
0x40: {  	_ =	shalt  }
0x41: {  	_ =	shalt  }
0x42: {  	_ =	shalt  }
0x43: {  	_ =	shalt  }
0x44: {  	_ =	shalt  }
0x45: {  	_ =	shalt  }
0x46: {  	_ =	shalt  }
0x47: {  	_ =	shalt  }
0x48: {  	_ =	shalt  }
0x49: {  	_ =	shalt  }
0x4a: {  	_ =	shalt  }
0x4b: {  	_ =	shalt  }
0x4c: {  	_ =	shalt  }
0x4d: {  	_ =	shalt  }
0x4e: {  	_ =	shalt  }
0x4f: {  	_ =	shalt  }
0x50: {  	_ =	shalt  }
0x51: {  	_ =	shalt  }
0x52: {  	_ =	shalt  }
0x53: {  	_ =	shalt  }
0x54: {  	_ =	shalt  }
0x55: {  	_ =	shalt  }
0x56: {  	_ =	shalt  }
0x57: {  	_ =	shalt  }
0x58: {  	_ =	shalt  }
0x59: {  	_ =	shalt  }
0x5a: {  	_ =	shalt  }
0x5b: {  	_ =	shalt  }
0x5c: {  	_ =	shalt  }
0x5d: {  	_ =	shalt  }
0x5e: {  	_ =	shalt  }
0x5f: {  	_ =	shalt  }
0x60: {  	_ =	shalt  }
0x61: {  	_ =	shalt  }
0x62: {  	_ =	shalt  }
0x63: {  	_ =	shalt  }
0x64: {  	_ =	shalt  }
0x65: {  	_ =	shalt  }
0x66: {  	_ =	shalt  }
0x67: {  	_ =	shalt  }
0x68: {  	_ =	shalt  }
0x69: {  	_ =	shalt  }
0x6a: {  	_ =	shalt  }
0x6b: {  	_ =	shalt  }
0x6c: {  	_ =	shalt  }
0x6d: {  	_ =	shalt  }
0x6e: {  	_ =	shalt  }
0x6f: {  	_ =	shalt  }
0x70: {  	_ =	shalt  }
0x71: {  	_ =	shalt  }
0x72: {  	_ =	shalt  }
0x73: {  	_ =	shalt  }
0x74: {  	_ =	shalt  }
0x75: {  	_ =	shalt  }
0x76: {  	_ =	shalt  }
0x77: {  	_ =	shalt  }
0x78: {  	_ =	shalt  }
0x79: {  	_ =	shalt  }
0x7a: {  	_ =	shalt  }
0x7b: {  	_ =	shalt  }
0x7c: {  	_ =	shalt  }
0x7d: {  	_ =	shalt  }
0x7e: {  	_ =	shalt  }
0x7f: {  	_ =	shalt  }
0x80: {  	_ =	shalt  }
0x81: {  	_ =	shalt  }
0x82: {  	_ =	shalt  }
0x83: {  	_ =	shalt  }
0x84: {  	_ =	shalt  }
0x85: {  	_ =	shalt  }
0x86: {  	_ =	shalt  }
0x87: {  	_ =	shalt  }
.Lfunc_end0:
.L_simem_size_0:
called_computation_lowered:
.L_overlay_start_0:
0x88: {  	s2 =	sld [smem:$0x3FD9]  }
0x89: {  	s3 =	sld [smem:$0x3FFE];
	_ =	sdelay $0x1  }
0x8a: {  	s1 =	srdreg.scid  }
0x8b: {  	s0 =	sand.u32 $0x1, s1  }
0x8c: {  	s16 =	sshll.u32 s0, $0xA;
	s2 =	sadd.s32 s3, s2  }
0x8d: {  	s2 =	sadd.s32 s2, s16  }
0x8e: {  	[smem:$0x3FB6] =	sst s2  }
0x8f: {  	_ = 	snop  }
0x90: {  	(tm) =	ssettm $0x1  }
0x91: {  	s17 =	sld [smem:$0x3FFB];
	_ =	sdelay $0x3  }
0x92: {  	_ =	strace s17  }
0x93: {  	s2 =	sld [smem:$0x3FFC];
	_ =	sdelay $0x3  }
0x94: {  	_ =	strace s2  }
0x95: {  	s2 =	sld [smem:$0x3FFD];
	_ =	sdelay $0x3  }
0x96: {  	_ =	strace s2  }
0x97: {  	_ =	strace $0x8FFFFFFF  }
0x98: {  	s18 =	sld [smem:$0x3FDB];
	_ =	sdelay $0x1  }
0x99: {  	s19 =	simm.s32 $_scs_section_size  }
0x9a: {  	s4 =	simm.s32 $_size__tile_overlayer_lowered;
	s5 =	simm.s32 $_tile_overlayer_lowered  }
0x9b: {  	s22 =	simm.s32 $0x1BFF;
	s21 =	sshll.u32 s5, $0x1;
	s2 =	sadd.s32 s19, s18  }
0x9c: {  	s6 =	simm.s32 $0x0;
	s20 =	sshll.u32 s4, $0x1;
	s4 =	sadd.s32 s21, s2  }
0x9d: {  	[timem:s6], [sflag:s22] =	dma.local [hbm:s4], s20  }
0x9e: {  	_ =	swait.ge [sflag:s22], s20  }
0x9f: {  	s3 =	ssub.s32 $0x0, s20;
	[sflag:s22] =	ssyncset.done $0x0  }
0xa0: {  	[sflag:s22] =	ssyncadd.s32 s3;
	_ =	sdelay $0x1  }
0xa1: {  	s23 =	simm.s32 $0x1B8B  }
0xa2: {  	_ =	swait.ge [sflag:s23], $0x1  }
0xa3: {  	[sflag:s23] =	ssyncset.done $0x0  }
0xa4: {  	s25 =	simm.s32 $0x1B8E;
	s24 =	sld [smem:$0x3FFE];
	[sflag:s23] =	ssyncadd.s32 $0xFFFFFFFF  }
0xa5: {  	s26 =	simm.s32 $execute0_lowered;
	[smem:$0x3FD2] =	sst s25  }
0xa6: {  	s4 =	sshll.u32 s26, $0x1;
	_ =	strace $0x80000046;
	[dreg:$0x1] =	wrdreg $0xFFFFFFFF  }
0xa7: {  	s28 =	simm.s32 $_size_execute0_lowered;
	s2 =	sadd.s32 s2, s4;
	[dreg:$0x0] =	wrdreg $0x0  }
0xa8: {  	s4 =	sshll.u32 s28, $0x1;
	[dreg:$0x2] =	wrdreg s2  }
0xa9: {  	[dreg:$0x3] =	wrdreg s4  }
0xaa: {  	[dreg:$0x4] =	wrdreg $0xC0  }
0xab: {  	_ =	task [dreg:s6], $0x5FFFF  }
0xac: {  	[dreg:$0x1] =	wrdreg $0xFFFFFFFF  }
0xad: {  	[dreg:$0x0] =	wrdreg $0x60  }
0xae: {  	[dreg:$0x2] =	wrdreg s24  }
0xaf: {  	[dreg:$0x3] =	wrdreg $0x8A000  }
0xb0: {  	[dreg:$0x4] =	wrdreg $0x9  }
0xb1: {  	_ =	task.clear_ibuf [dreg:s6], $0x5FFFF;
	_ =	strace $0x90000046  }
0xb2: {  	s29 =	simm.s32 $0x9;
	_ =	strace $0x80000048  }
0xb3: {  	_ =	swait.ge [sflag:s29], $0x1  }
0xb4: {  	[sflag:s29] =	ssyncadd.s32 $0xFFFFFFFF  }
0xb5: {  	_ =	strace $0x90000048  }
0xb6: {  	_ =	sfence  }
0xb7: {  	s30 =	sld [smem:$0x0];
	_ =	sdelay $0x2  }
0xb8: {  	s31 =	sshll.u32 s1, $0xD;
	s1 =	sshrl.u32 s1, $0x2  }
0xb9: {  	s3 =	sand.u32 $0x4000, s31;
	s1 =	sadd.s32 s1, s30  }
0xba: {  	s0 =	sor.u32 s3, s0;
	s1 =	sshll.u32 s1, $0x11  }
0xbb: {  	s0 =	sor.u32 s1, s0  }
0xbc: {  	s0 =	sadd.s32 $0x8F2B, s0  }
0xbd: {  	[sflag:s0] =	ssyncadd.remote.s32 $0x1  }
0xbe: {  	_ =	sfence.sel $0xFFFF  }
0xbf: {  	[dreg:$0x0] =	wrdreg $0xFFFFFFFF;
	(pc) =	sbr.abs _section_cstart, $3  }
0xc0: {  	[dreg:$0x1] =	wrdreg $0xFFFFFFFF  }
0xc1: {  	_ =	task.clear_ibuf [dreg:s6], $0x2FFFF;
	_ =	strace $0x9FFFFFFF  }
0xc2: {  	(tm) =	ssettm $0x7FFFFFFF  }
0xc3: {  	_ =	shalt  }
tec
execute0_lowered:
.L_overlay_start_1:
0x0: {  	(tag) =	ssettag $0x1  }
0x1: {  	s4 =	rddreg [dreg:$0x0]  }
0x2: {  	s2 =	rddreg [dreg:$0x1]  }
0x3: {  	s1 =	stileid.u32;
	s3 =	simm.s32 $0x0;
	s0 =	srdreg.scid  }
0x4: {  	s5 =	smul.u32 $0x2800, s1;
	s0 =	sand.u32 $0x1, s0;
	s6 =	sshll.u32 s1, $0x1  }
0x5: {  	[smem:$0x7FF] =	sst s3;
	s8 =	sshll.u32 s1, $0x6;
	s6 =	sor.u32 s0, s6  }
0x6: {  	s9 =	sadd.s32 $0x55200, s4;
	_ =	strace $0x80000047;
	s7 =	smul.u32 $0x140, s6  }
0x7: {  	s18 =	sor.u32 $0x1C05, s8;
	s5 =	sadd.s32 s5, s4;
	s19 =	smul.u32 $0xA000, s6  }
0x8: {  	[dreg:$0x4] =	wrdreg s18;
	s5 =	sadd.s32 $0x2AA00, s5;
	s7 =	sadd.s32 s7, s4  }
0x9: {  	[dreg:$0x3] =	wrdreg s5;
	s4 =	sadd.s32 s9, s19;
	s20 =	sadd.s32 $0x52A00, s7  }
0xa: {  	s21 =	sadd.s32 $0x800, s4;
	[dreg:$0x5] =	wrdreg s20  }
0xb: {  	s6 =	smul.u32 $0x50000, s6;
	s22 =	sadd.s32 $0x1000, s4;
	[dreg:$0x6] =	wrdreg s21  }
0xc: {  	s23 =	sadd.s32 $0x1800, s4;
	[dreg:$0x7] =	wrdreg s22  }
0xd: {  	s6 =	sshrl.u32 s6, $0x3;
	[dreg:$0x8] =	wrdreg s23  }
0xe: {  	s6 =	sadd.s32 s9, s6;
	s21 =	rddreg [dreg:$0x4]  }
0xf: {  	s24 =	sadd.s32 $0x2000, s6;
	s23 =	rddreg [dreg:$0x3]  }
0x10: {  	s25 =	sadd.s32 $0x2800, s6;
	[dreg:$0x9] =	wrdreg s24  }
0x11: {  	s26 =	sadd.s32 $0x3000, s6;
	[dreg:$0xa] =	wrdreg s25  }
0x12: {  	s7 =	sadd.s32 $0x3800, s6;
	[dreg:$0xb] =	wrdreg s26  }
0x13: {  	s8 =	sadd.s32 $0x4000, s6;
	[dreg:$0xc] =	wrdreg s7  }
0x14: {  	s9 =	sadd.s32 $0x4800, s6;
	[dreg:$0xd] =	wrdreg s8  }
0x15: {  	s10 =	sadd.s32 $0x5000, s6;
	[dreg:$0xe] =	wrdreg s9  }
0x16: {  	s11 =	sadd.s32 $0x5800, s6;
	[dreg:$0xf] =	wrdreg s10  }
0x17: {  	s12 =	sadd.s32 $0x6000, s6;
	[dreg:$0x10] =	wrdreg s11  }
0x18: {  	s13 =	sadd.s32 $0x6800, s6;
	[dreg:$0x11] =	wrdreg s12  }
0x19: {  	s15 =	sadd.s32 $0x7000, s6;
	[dreg:$0x12] =	wrdreg s13  }
0x1a: {  	s16 =	sadd.s32 $0x7800, s6;
	[dreg:$0x13] =	wrdreg s15  }
0x1b: {  	s14 =	smul.u32 $0x50000, s1;
	s17 =	sadd.s32 $0x8000, s6;
	[dreg:$0x14] =	wrdreg s16  }
0x1c: {  	s18 =	sadd.s32 $0x8800, s6;
	[dreg:$0x15] =	wrdreg s17  }
0x1d: {  	s22 =	sadd.s32 $0x9000, s6;
	s7 =	sshrl.u32 s14, $0x2;
	[dreg:$0x16] =	wrdreg s18  }
0x1e: {  	[dreg:$0x17] =	wrdreg s22;
	s24 =	sadd.s32 $0x9800, s6;
	s7 =	sadd.s32 s7, s2  }
0x1f: {  	[dreg:$0x18] =	wrdreg s24;
	s19 =	sshrl.u32 s7, $0x3  }
0x20: {  	[dreg:$0x19] =	wrdreg s19  }
0x21: {  	s5 =	simm.s32 $0x5;
	s20 =	rddreg [dreg:$0x19]  }
0x22: {  	[spmem:s20], [sflag:s21] =	dma.local [hbm:s23], $0x2800  }
0x23: {  	_ =	swait.ge [sflag:s5], $0x2800  }
0x24: {  	[sflag:s5] =	ssyncset.done $0x0  }
0x25: {  	s25 =	rddreg [dreg:$0x5];
	[sflag:s5] =	ssyncadd.s32 $0xFFFFD800  }
0x26: {  	[tilespmem:s3], [sflag:$0x5] =	stream.linear.gather [hbm4b:s25+s3], $0xA00, $0x38;
	[tilespmem:$0x1CA00] =	vst v63  }
0x27: {  	_ =	swait.ge [sflag:s5], $0xA00  }
0x28: {  	[sflag:s5] =	ssyncset.done $0x0  }
0x29: {  	[sflag:s5] =	ssyncadd.s32 $0xFFFFF600  }
0x2a: {  	s6 =	simm.s32 $0x80;
	s7 =	simm.s32 $0xA00;
	[bflag:$0x0] =	sbarrier.arrive $0xFFFF  }
0x2b: {  	[tilespmem:s7], [sflag:$0x1] =	stream.indirect.gather [spmem:s2], $0x80, s3, s6, $0xb8;
	[tilespmem:$0x1CA00] =	vst v63  }
0x2c: {  	s8 =	simm.s32 $0x4A00;
	s9 =	simm.s32 $0x1  }
0x2d: {  	[tilespmem:s8], [sflag:$0x2] =	stream.indirect.gather [spmem:s2], $0x80, s6, s6, $0xb8;
	[tilespmem:$0x1CA00] =	vst v63  }
0x2e: {  	_ =	swait.ge [sflag:s9], $0x4000  }
0x2f: {  	[sflag:s9] =	ssyncset.done $0x0  }
0x30: {  	s10 =	simm.s32 $0x3;
	[sflag:s9] =	ssyncadd.s32 $0xFFFFC000  }
0x31: {  	[hbm4b:s4+s3] =	stream.linear.scatter [tilespmem:s7], [sflag:$0x3], $0x4000, $0x38;
	[tilespmem:$0x1CA00] =	vst v63  }
0x32: {  	_ =	swait.ge [sflag:s10], $0x4000  }
0x33: {  	[sflag:s10] =	ssyncset.done $0x0  }
0x34: {  	s26 =	simm.s32 $0x100;
	s12 =	simm.s32 $0x2;
	[sflag:s10] =	ssyncadd.s32 $0xFFFFC000  }
0x35: {  	[tilespmem:s7], [sflag:$0x1] =	stream.indirect.gather [spmem:s2], $0x80, s26, s6, $0xb8;
	[tilespmem:$0x1CA00] =	vst v63  }
0x36: {  	_ =	swait.ge [sflag:s12], $0x4000  }
0x37: {  	[sflag:s12] =	ssyncset.done $0x0  }
0x38: {  	s13 =	simm.s32 $0x4;
	s14 =	rddreg [dreg:$0x6];
	[sflag:s12] =	ssyncadd.s32 $0xFFFFC000  }
0x39: {  	[hbm4b:s14+s3] =	stream.linear.scatter [tilespmem:s8], [sflag:$0x4], $0x4000, $0x38;
	[tilespmem:$0x1CA00] =	vst v63  }
0x3a: {  	_ =	swait.ge [sflag:s13], $0x4000  }
0x3b: {  	[sflag:s13] =	ssyncset.done $0x0  }
0x3c: {  	s11 =	simm.s32 $0x180;
	[sflag:s13] =	ssyncadd.s32 $0xFFFFC000  }
0x3d: {  	[tilespmem:s8], [sflag:$0x2] =	stream.indirect.gather [spmem:s2], $0x80, s11, s6, $0xb8;
	[tilespmem:$0x1CA00] =	vst v63  }
0x3e: {  	_ =	swait.ge [sflag:s9], $0x4000  }
0x3f: {  	[sflag:s9] =	ssyncset.done $0x0  }
0x40: {  	s15 =	rddreg [dreg:$0x7];
	[sflag:s9] =	ssyncadd.s32 $0xFFFFC000  }
0x41: {  	[hbm4b:s15+s3] =	stream.linear.scatter [tilespmem:s7], [sflag:$0x3], $0x4000, $0x38;
	[tilespmem:$0x1CA00] =	vst v63  }
0x42: {  	_ =	swait.ge [sflag:s10], $0x4000  }
0x43: {  	[sflag:s10] =	ssyncset.done $0x0  }
0x44: {  	s15 =	simm.s32 $0x200;
	[sflag:s10] =	ssyncadd.s32 $0xFFFFC000  }
0x45: {  	[tilespmem:s7], [sflag:$0x1] =	stream.indirect.gather [spmem:s2], $0x80, s15, s6, $0xb8;
	[tilespmem:$0x1CA00] =	vst v63  }
0x46: {  	_ =	swait.ge [sflag:s12], $0x4000  }
0x47: {  	[sflag:s12] =	ssyncset.done $0x0  }
0x48: {  	s16 =	rddreg [dreg:$0x8];
	[sflag:s12] =	ssyncadd.s32 $0xFFFFC000  }
0x49: {  	[hbm4b:s16+s3] =	stream.linear.scatter [tilespmem:s8], [sflag:$0x4], $0x4000, $0x38;
	[tilespmem:$0x1CA00] =	vst v63  }
0x4a: {  	_ =	swait.ge [sflag:s13], $0x4000  }
0x4b: {  	[sflag:s13] =	ssyncset.done $0x0  }
0x4c: {  	s16 =	simm.s32 $0x280;
	[sflag:s13] =	ssyncadd.s32 $0xFFFFC000  }
0x4d: {  	[tilespmem:s8], [sflag:$0x2] =	stream.indirect.gather [spmem:s2], $0x80, s16, s6, $0xb8;
	[tilespmem:$0x1CA00] =	vst v63  }
0x4e: {  	_ =	swait.ge [sflag:s9], $0x4000  }
0x4f: {  	[sflag:s9] =	ssyncset.done $0x0  }
0x50: {  	s17 =	rddreg [dreg:$0x9];
	[sflag:s9] =	ssyncadd.s32 $0xFFFFC000  }
0x51: {  	[hbm4b:s17+s3] =	stream.linear.scatter [tilespmem:s7], [sflag:$0x3], $0x4000, $0x38;
	[tilespmem:$0x1CA00] =	vst v63  }
0x52: {  	_ =	swait.ge [sflag:s10], $0x4000  }
0x53: {  	[sflag:s10] =	ssyncset.done $0x0  }
0x54: {  	s17 =	simm.s32 $0x300;
	[sflag:s10] =	ssyncadd.s32 $0xFFFFC000  }
0x55: {  	[tilespmem:s7], [sflag:$0x1] =	stream.indirect.gather [spmem:s2], $0x80, s17, s6, $0xb8;
	[tilespmem:$0x1CA00] =	vst v63  }
0x56: {  	_ =	swait.ge [sflag:s12], $0x4000  }
0x57: {  	[sflag:s12] =	ssyncset.done $0x0  }
0x58: {  	s18 =	rddreg [dreg:$0xa];
	[sflag:s12] =	ssyncadd.s32 $0xFFFFC000  }
0x59: {  	[hbm4b:s18+s3] =	stream.linear.scatter [tilespmem:s8], [sflag:$0x4], $0x4000, $0x38;
	[tilespmem:$0x1CA00] =	vst v63  }
0x5a: {  	_ =	swait.ge [sflag:s13], $0x4000  }
0x5b: {  	[sflag:s13] =	ssyncset.done $0x0  }
0x5c: {  	s18 =	simm.s32 $0x380;
	[sflag:s13] =	ssyncadd.s32 $0xFFFFC000  }
0x5d: {  	[tilespmem:s8], [sflag:$0x2] =	stream.indirect.gather [spmem:s2], $0x80, s18, s6, $0xb8;
	[tilespmem:$0x1CA00] =	vst v63  }
0x5e: {  	_ =	swait.ge [sflag:s9], $0x4000  }
0x5f: {  	[sflag:s9] =	ssyncset.done $0x0  }
0x60: {  	s19 =	rddreg [dreg:$0xb];
	[sflag:s9] =	ssyncadd.s32 $0xFFFFC000  }
0x61: {  	[hbm4b:s19+s3] =	stream.linear.scatter [tilespmem:s7], [sflag:$0x3], $0x4000, $0x38;
	[tilespmem:$0x1CA00] =	vst v63  }
0x62: {  	_ =	swait.ge [sflag:s10], $0x4000  }
0x63: {  	[sflag:s10] =	ssyncset.done $0x0  }
0x64: {  	s19 =	simm.s32 $0x400;
	[sflag:s10] =	ssyncadd.s32 $0xFFFFC000  }
0x65: {  	[tilespmem:s7], [sflag:$0x1] =	stream.indirect.gather [spmem:s2], $0x80, s19, s6, $0xb8;
	[tilespmem:$0x1CA00] =	vst v63  }
0x66: {  	_ =	swait.ge [sflag:s12], $0x4000  }
0x67: {  	[sflag:s12] =	ssyncset.done $0x0  }
0x68: {  	s20 =	rddreg [dreg:$0xc];
	[sflag:s12] =	ssyncadd.s32 $0xFFFFC000  }
0x69: {  	[hbm4b:s20+s3] =	stream.linear.scatter [tilespmem:s8], [sflag:$0x4], $0x4000, $0x38;
	[tilespmem:$0x1CA00] =	vst v63  }
0x6a: {  	_ =	swait.ge [sflag:s13], $0x4000  }
0x6b: {  	[sflag:s13] =	ssyncset.done $0x0  }
0x6c: {  	s20 =	simm.s32 $0x480;
	[sflag:s13] =	ssyncadd.s32 $0xFFFFC000  }
0x6d: {  	[tilespmem:s8], [sflag:$0x2] =	stream.indirect.gather [spmem:s2], $0x80, s20, s6, $0xb8;
	[tilespmem:$0x1CA00] =	vst v63  }
0x6e: {  	_ =	swait.ge [sflag:s9], $0x4000  }
0x6f: {  	[sflag:s9] =	ssyncset.done $0x0  }
0x70: {  	s21 =	rddreg [dreg:$0xd];
	[sflag:s9] =	ssyncadd.s32 $0xFFFFC000  }
0x71: {  	[hbm4b:s21+s3] =	stream.linear.scatter [tilespmem:s7], [sflag:$0x3], $0x4000, $0x38;
	[tilespmem:$0x1CA00] =	vst v63  }
0x72: {  	_ =	swait.ge [sflag:s10], $0x4000  }
0x73: {  	[sflag:s10] =	ssyncset.done $0x0  }
0x74: {  	s21 =	simm.s32 $0x500;
	[sflag:s10] =	ssyncadd.s32 $0xFFFFC000  }
0x75: {  	[tilespmem:s7], [sflag:$0x1] =	stream.indirect.gather [spmem:s2], $0x80, s21, s6, $0xb8;
	[tilespmem:$0x1CA00] =	vst v63  }
0x76: {  	_ =	swait.ge [sflag:s12], $0x4000  }
0x77: {  	[sflag:s12] =	ssyncset.done $0x0  }
0x78: {  	s22 =	rddreg [dreg:$0xe];
	[sflag:s12] =	ssyncadd.s32 $0xFFFFC000  }
0x79: {  	[hbm4b:s22+s3] =	stream.linear.scatter [tilespmem:s8], [sflag:$0x4], $0x4000, $0x38;
	[tilespmem:$0x1CA00] =	vst v63  }
0x7a: {  	_ =	swait.ge [sflag:s13], $0x4000  }
0x7b: {  	[sflag:s13] =	ssyncset.done $0x0  }
0x7c: {  	s22 =	simm.s32 $0x580;
	[sflag:s13] =	ssyncadd.s32 $0xFFFFC000  }
0x7d: {  	[tilespmem:s8], [sflag:$0x2] =	stream.indirect.gather [spmem:s2], $0x80, s22, s6, $0xb8;
	[tilespmem:$0x1CA00] =	vst v63  }
0x7e: {  	_ =	swait.ge [sflag:s9], $0x4000  }
0x7f: {  	[sflag:s9] =	ssyncset.done $0x0  }
0x80: {  	s23 =	rddreg [dreg:$0xf];
	[sflag:s9] =	ssyncadd.s32 $0xFFFFC000  }
0x81: {  	[hbm4b:s23+s3] =	stream.linear.scatter [tilespmem:s7], [sflag:$0x3], $0x4000, $0x38;
	[tilespmem:$0x1CA00] =	vst v63  }
0x82: {  	_ =	swait.ge [sflag:s10], $0x4000  }
0x83: {  	[sflag:s10] =	ssyncset.done $0x0  }
0x84: {  	s23 =	simm.s32 $0x600;
	[sflag:s10] =	ssyncadd.s32 $0xFFFFC000  }
0x85: {  	[tilespmem:s7], [sflag:$0x1] =	stream.indirect.gather [spmem:s2], $0x80, s23, s6, $0xb8;
	[tilespmem:$0x1CA00] =	vst v63  }
0x86: {  	_ =	swait.ge [sflag:s12], $0x4000  }
0x87: {  	[sflag:s12] =	ssyncset.done $0x0  }
0x88: {  	s24 =	rddreg [dreg:$0x10];
	[sflag:s12] =	ssyncadd.s32 $0xFFFFC000  }
0x89: {  	[hbm4b:s24+s3] =	stream.linear.scatter [tilespmem:s8], [sflag:$0x4], $0x4000, $0x38;
	[tilespmem:$0x1CA00] =	vst v63  }
0x8a: {  	_ =	swait.ge [sflag:s13], $0x4000  }
0x8b: {  	[sflag:s13] =	ssyncset.done $0x0  }
0x8c: {  	s24 =	simm.s32 $0x680;
	[sflag:s13] =	ssyncadd.s32 $0xFFFFC000  }
0x8d: {  	[tilespmem:s8], [sflag:$0x2] =	stream.indirect.gather [spmem:s2], $0x80, s24, s6, $0xb8;
	[tilespmem:$0x1CA00] =	vst v63  }
0x8e: {  	_ =	swait.ge [sflag:s9], $0x4000  }
0x8f: {  	[sflag:s9] =	ssyncset.done $0x0  }
0x90: {  	s25 =	rddreg [dreg:$0x11];
	[sflag:s9] =	ssyncadd.s32 $0xFFFFC000  }
0x91: {  	[hbm4b:s25+s3] =	stream.linear.scatter [tilespmem:s7], [sflag:$0x3], $0x4000, $0x38;
	[tilespmem:$0x1CA00] =	vst v63  }
0x92: {  	_ =	swait.ge [sflag:s10], $0x4000  }
0x93: {  	[sflag:s10] =	ssyncset.done $0x0  }
0x94: {  	s25 =	simm.s32 $0x700;
	[sflag:s10] =	ssyncadd.s32 $0xFFFFC000  }
0x95: {  	[tilespmem:s7], [sflag:$0x1] =	stream.indirect.gather [spmem:s2], $0x80, s25, s6, $0xb8;
	[tilespmem:$0x1CA00] =	vst v63  }
0x96: {  	_ =	swait.ge [sflag:s12], $0x4000  }
0x97: {  	[sflag:s12] =	ssyncset.done $0x0  }
0x98: {  	s26 =	rddreg [dreg:$0x12];
	[sflag:s12] =	ssyncadd.s32 $0xFFFFC000  }
0x99: {  	[hbm4b:s26+s3] =	stream.linear.scatter [tilespmem:s8], [sflag:$0x4], $0x4000, $0x38;
	[tilespmem:$0x1CA00] =	vst v63  }
0x9a: {  	_ =	swait.ge [sflag:s13], $0x4000  }
0x9b: {  	[sflag:s13] =	ssyncset.done $0x0  }
0x9c: {  	s26 =	simm.s32 $0x780;
	[sflag:s13] =	ssyncadd.s32 $0xFFFFC000  }
0x9d: {  	[tilespmem:s8], [sflag:$0x2] =	stream.indirect.gather [spmem:s2], $0x80, s26, s6, $0xb8;
	[tilespmem:$0x1CA00] =	vst v63  }
0x9e: {  	_ =	swait.ge [sflag:s9], $0x4000  }
0x9f: {  	[sflag:s9] =	ssyncset.done $0x0  }
0xa0: {  	s28 =	rddreg [dreg:$0x13];
	[sflag:s9] =	ssyncadd.s32 $0xFFFFC000  }
0xa1: {  	[hbm4b:s28+s3] =	stream.linear.scatter [tilespmem:s7], [sflag:$0x3], $0x4000, $0x38;
	[tilespmem:$0x1CA00] =	vst v63  }
0xa2: {  	_ =	swait.ge [sflag:s10], $0x4000  }
0xa3: {  	[sflag:s10] =	ssyncset.done $0x0  }
0xa4: {  	s28 =	simm.s32 $0x800;
	[sflag:s10] =	ssyncadd.s32 $0xFFFFC000  }
0xa5: {  	[tilespmem:s7], [sflag:$0x1] =	stream.indirect.gather [spmem:s2], $0x80, s28, s6, $0xb8;
	[tilespmem:$0x1CA00] =	vst v63  }
0xa6: {  	_ =	swait.ge [sflag:s12], $0x4000  }
0xa7: {  	[sflag:s12] =	ssyncset.done $0x0  }
0xa8: {  	s29 =	rddreg [dreg:$0x14];
	[sflag:s12] =	ssyncadd.s32 $0xFFFFC000  }
0xa9: {  	[hbm4b:s29+s3] =	stream.linear.scatter [tilespmem:s8], [sflag:$0x4], $0x4000, $0x38;
	[tilespmem:$0x1CA00] =	vst v63  }
0xaa: {  	_ =	swait.ge [sflag:s13], $0x4000  }
0xab: {  	[sflag:s13] =	ssyncset.done $0x0  }
0xac: {  	s29 =	simm.s32 $0x880;
	[sflag:s13] =	ssyncadd.s32 $0xFFFFC000  }
0xad: {  	[tilespmem:s8], [sflag:$0x2] =	stream.indirect.gather [spmem:s2], $0x80, s29, s6, $0xb8;
	[tilespmem:$0x1CA00] =	vst v63  }
0xae: {  	_ =	swait.ge [sflag:s9], $0x4000  }
0xaf: {  	[sflag:s9] =	ssyncset.done $0x0  }
0xb0: {  	s30 =	rddreg [dreg:$0x15];
	[sflag:s9] =	ssyncadd.s32 $0xFFFFC000  }
0xb1: {  	[hbm4b:s30+s3] =	stream.linear.scatter [tilespmem:s7], [sflag:$0x3], $0x4000, $0x38;
	[tilespmem:$0x1CA00] =	vst v63  }
0xb2: {  	_ =	swait.ge [sflag:s10], $0x4000  }
0xb3: {  	[sflag:s10] =	ssyncset.done $0x0  }
0xb4: {  	s30 =	simm.s32 $0x900;
	[sflag:s10] =	ssyncadd.s32 $0xFFFFC000  }
0xb5: {  	[tilespmem:s7], [sflag:$0x1] =	stream.indirect.gather [spmem:s2], $0x80, s30, s6, $0xb8;
	[tilespmem:$0x1CA00] =	vst v63  }
0xb6: {  	_ =	swait.ge [sflag:s12], $0x4000  }
0xb7: {  	[sflag:s12] =	ssyncset.done $0x0  }
0xb8: {  	s31 =	rddreg [dreg:$0x16];
	[sflag:s12] =	ssyncadd.s32 $0xFFFFC000  }
0xb9: {  	[hbm4b:s31+s3] =	stream.linear.scatter [tilespmem:s8], [sflag:$0x4], $0x4000, $0x38;
	[tilespmem:$0x1CA00] =	vst v63  }
0xba: {  	_ =	swait.ge [sflag:s13], $0x4000  }
0xbb: {  	[sflag:s13] =	ssyncset.done $0x0  }
0xbc: {  	s31 =	simm.s32 $0x980;
	[sflag:s13] =	ssyncadd.s32 $0xFFFFC000  }
0xbd: {  	[tilespmem:s8], [sflag:$0x2] =	stream.indirect.gather [spmem:s2], $0x80, s31, s6, $0xb8;
	[tilespmem:$0x1CA00] =	vst v63  }
0xbe: {  	_ =	swait.ge [sflag:s9], $0x4000  }
0xbf: {  	[sflag:s9] =	ssyncset.done $0x0  }
0xc0: {  	s0 =	ssub.s32 $0x2, s0;
	s14 =	rddreg [dreg:$0x17];
	[sflag:s9] =	ssyncadd.s32 $0xFFFFC000  }
0xc1: {  	[hbm4b:s14+s3] =	stream.linear.scatter [tilespmem:s7], [sflag:$0x3], $0x4000, $0x38;
	[tilespmem:$0x1CA00] =	vst v63  }
0xc2: {  	s14 =	sshrl.u32 s0, $0x1  }
0xc3: {  	_ =	swait.ge [sflag:s12], $0x4000;
	s0 =	ssub.s32 s0, s14  }
0xc4: {  	[sflag:s12] =	ssyncset.done $0x0;
	s0 =	smax.u32 s0, $0x1  }
0xc5: {  	s11 =	rddreg [dreg:$0x18];
	[sflag:s12] =	ssyncadd.s32 $0xFFFFC000;
	p0 =	sne.s32 s0, $0x1  }
0xc6: {  	[hbm4b:s11+s3] =	stream.linear.scatter [tilespmem:s8], [sflag:$0x4], $0x4000, $0x38;
	[tilespmem:$0x1CA00] =	vst v63  }
.Ltmp0:
0xc7: {  	_ = 	snop;
	(pc) =	sbr.rel @!p0 .LBB2_2-.Ltmp0, $4  }
0xc8: {  	_ =	swait.ge [sflag:s10], $0x4000  }
0xc9: {  	[sflag:s10] =	ssyncset.done $0x0  }
0xca: {  	[sflag:s10] =	ssyncadd.s32 $0xFFFFC000  }
0xcb: {  	s0 =	sadd.s32 $0xFFFFFFFF, s0;
	_ =	swait.ge [sflag:s13], $0x4000  }
.LBB2_1:
0xcc: {  	s1 =	rddreg [dreg:$0x19]  }
0xcd: {  	[sflag:s13] =	ssyncset.done $0x0;
	s11 =	rddreg [dreg:$0x4]  }
0xce: {  	s14 =	rddreg [dreg:$0x3];
	[sflag:s13] =	ssyncadd.s32 $0xFFFFC000  }
0xcf: {  	[spmem:s1], [sflag:s11] =	dma.local [hbm:s14], $0x2800  }
0xd0: {  	_ =	swait.ge [sflag:s5], $0x2800  }
0xd1: {  	[sflag:s5] =	ssyncset.done $0x0  }
0xd2: {  	s11 =	rddreg [dreg:$0x5];
	[sflag:s5] =	ssyncadd.s32 $0xFFFFD800  }
0xd3: {  	[tilespmem:s3], [sflag:$0x5] =	stream.linear.gather [hbm4b:s11+s3], $0xA00, $0x38;
	[tilespmem:$0x1CA00] =	vst v63  }
0xd4: {  	_ =	swait.ge [sflag:s5], $0xA00  }
0xd5: {  	[sflag:s5] =	ssyncset.done $0x0  }
0xd6: {  	[sflag:s5] =	ssyncadd.s32 $0xFFFFF600  }
0xd7: {  	[bflag:$0x0] =	sbarrier.arrive $0xFFFF  }
0xd8: {  	[tilespmem:s7], [sflag:$0x1] =	stream.indirect.gather [spmem:s2], $0x80, s3, s6, $0xb8;
	[tilespmem:$0x1CA00] =	vst v63  }
0xd9: {  	_ = 	snop  }
0xda: {  	[tilespmem:s8], [sflag:$0x2] =	stream.indirect.gather [spmem:s2], $0x80, s6, s6, $0xb8;
	[tilespmem:$0x1CA00] =	vst v63  }
0xdb: {  	_ =	swait.ge [sflag:s9], $0x4000  }
0xdc: {  	[sflag:s9] =	ssyncset.done $0x0  }
0xdd: {  	[sflag:s9] =	ssyncadd.s32 $0xFFFFC000  }
0xde: {  	[hbm4b:s4+s3] =	stream.linear.scatter [tilespmem:s7], [sflag:$0x3], $0x4000, $0x38;
	[tilespmem:$0x1CA00] =	vst v63  }
0xdf: {  	_ =	swait.ge [sflag:s10], $0x4000  }
0xe0: {  	[sflag:s10] =	ssyncset.done $0x0  }
0xe1: {  	s14 =	simm.s32 $0x100;
	[sflag:s10] =	ssyncadd.s32 $0xFFFFC000  }
0xe2: {  	[tilespmem:s7], [sflag:$0x1] =	stream.indirect.gather [spmem:s2], $0x80, s14, s6, $0xb8;
	[tilespmem:$0x1CA00] =	vst v63  }
0xe3: {  	_ =	swait.ge [sflag:s12], $0x4000  }
0xe4: {  	[sflag:s12] =	ssyncset.done $0x0  }
0xe5: {  	s11 =	rddreg [dreg:$0x6];
	[sflag:s12] =	ssyncadd.s32 $0xFFFFC000  }
0xe6: {  	[hbm4b:s11+s3] =	stream.linear.scatter [tilespmem:s8], [sflag:$0x4], $0x4000, $0x38;
	[tilespmem:$0x1CA00] =	vst v63  }
0xe7: {  	_ =	swait.ge [sflag:s13], $0x4000  }
0xe8: {  	[sflag:s13] =	ssyncset.done $0x0  }
0xe9: {  	s14 =	simm.s32 $0x180;
	[sflag:s13] =	ssyncadd.s32 $0xFFFFC000  }
0xea: {  	[tilespmem:s8], [sflag:$0x2] =	stream.indirect.gather [spmem:s2], $0x80, s14, s6, $0xb8;
	[tilespmem:$0x1CA00] =	vst v63  }
0xeb: {  	_ =	swait.ge [sflag:s9], $0x4000  }
0xec: {  	[sflag:s9] =	ssyncset.done $0x0  }
0xed: {  	s11 =	rddreg [dreg:$0x7];
	[sflag:s9] =	ssyncadd.s32 $0xFFFFC000  }
0xee: {  	[hbm4b:s11+s3] =	stream.linear.scatter [tilespmem:s7], [sflag:$0x3], $0x4000, $0x38;
	[tilespmem:$0x1CA00] =	vst v63  }
0xef: {  	_ =	swait.ge [sflag:s10], $0x4000  }
0xf0: {  	[sflag:s10] =	ssyncset.done $0x0  }
0xf1: {  	[sflag:s10] =	ssyncadd.s32 $0xFFFFC000  }
0xf2: {  	[tilespmem:s7], [sflag:$0x1] =	stream.indirect.gather [spmem:s2], $0x80, s15, s6, $0xb8;
	[tilespmem:$0x1CA00] =	vst v63  }
0xf3: {  	_ =	swait.ge [sflag:s12], $0x4000  }
0xf4: {  	[sflag:s12] =	ssyncset.done $0x0  }
0xf5: {  	s14 =	rddreg [dreg:$0x8];
	[sflag:s12] =	ssyncadd.s32 $0xFFFFC000  }
0xf6: {  	[hbm4b:s14+s3] =	stream.linear.scatter [tilespmem:s8], [sflag:$0x4], $0x4000, $0x38;
	[tilespmem:$0x1CA00] =	vst v63  }
0xf7: {  	_ =	swait.ge [sflag:s13], $0x4000  }
0xf8: {  	[sflag:s13] =	ssyncset.done $0x0  }
0xf9: {  	[sflag:s13] =	ssyncadd.s32 $0xFFFFC000  }
0xfa: {  	[tilespmem:s8], [sflag:$0x2] =	stream.indirect.gather [spmem:s2], $0x80, s16, s6, $0xb8;
	[tilespmem:$0x1CA00] =	vst v63  }
0xfb: {  	_ =	swait.ge [sflag:s9], $0x4000  }
0xfc: {  	[sflag:s9] =	ssyncset.done $0x0  }
0xfd: {  	s11 =	rddreg [dreg:$0x9];
	[sflag:s9] =	ssyncadd.s32 $0xFFFFC000  }
0xfe: {  	[hbm4b:s11+s3] =	stream.linear.scatter [tilespmem:s7], [sflag:$0x3], $0x4000, $0x38;
	[tilespmem:$0x1CA00] =	vst v63  }
0xff: {  	_ =	swait.ge [sflag:s10], $0x4000  }
0x100: {  	[sflag:s10] =	ssyncset.done $0x0  }
0x101: {  	[sflag:s10] =	ssyncadd.s32 $0xFFFFC000  }
0x102: {  	[tilespmem:s7], [sflag:$0x1] =	stream.indirect.gather [spmem:s2], $0x80, s17, s6, $0xb8;
	[tilespmem:$0x1CA00] =	vst v63  }
0x103: {  	_ =	swait.ge [sflag:s12], $0x4000  }
0x104: {  	[sflag:s12] =	ssyncset.done $0x0  }
0x105: {  	s14 =	rddreg [dreg:$0xa];
	[sflag:s12] =	ssyncadd.s32 $0xFFFFC000  }
0x106: {  	[hbm4b:s14+s3] =	stream.linear.scatter [tilespmem:s8], [sflag:$0x4], $0x4000, $0x38;
	[tilespmem:$0x1CA00] =	vst v63  }
0x107: {  	_ =	swait.ge [sflag:s13], $0x4000  }
0x108: {  	[sflag:s13] =	ssyncset.done $0x0  }
0x109: {  	[sflag:s13] =	ssyncadd.s32 $0xFFFFC000  }
0x10a: {  	[tilespmem:s8], [sflag:$0x2] =	stream.indirect.gather [spmem:s2], $0x80, s18, s6, $0xb8;
	[tilespmem:$0x1CA00] =	vst v63  }
0x10b: {  	_ =	swait.ge [sflag:s9], $0x4000  }
0x10c: {  	[sflag:s9] =	ssyncset.done $0x0  }
0x10d: {  	s11 =	rddreg [dreg:$0xb];
	[sflag:s9] =	ssyncadd.s32 $0xFFFFC000  }
0x10e: {  	[hbm4b:s11+s3] =	stream.linear.scatter [tilespmem:s7], [sflag:$0x3], $0x4000, $0x38;
	[tilespmem:$0x1CA00] =	vst v63  }
0x10f: {  	_ =	swait.ge [sflag:s10], $0x4000  }
0x110: {  	[sflag:s10] =	ssyncset.done $0x0  }
0x111: {  	[sflag:s10] =	ssyncadd.s32 $0xFFFFC000  }
0x112: {  	[tilespmem:s7], [sflag:$0x1] =	stream.indirect.gather [spmem:s2], $0x80, s19, s6, $0xb8;
	[tilespmem:$0x1CA00] =	vst v63  }
0x113: {  	_ =	swait.ge [sflag:s12], $0x4000  }
0x114: {  	[sflag:s12] =	ssyncset.done $0x0  }
0x115: {  	s14 =	rddreg [dreg:$0xc];
	[sflag:s12] =	ssyncadd.s32 $0xFFFFC000  }
0x116: {  	[hbm4b:s14+s3] =	stream.linear.scatter [tilespmem:s8], [sflag:$0x4], $0x4000, $0x38;
	[tilespmem:$0x1CA00] =	vst v63  }
0x117: {  	_ =	swait.ge [sflag:s13], $0x4000  }
0x118: {  	[sflag:s13] =	ssyncset.done $0x0  }
0x119: {  	[sflag:s13] =	ssyncadd.s32 $0xFFFFC000  }
0x11a: {  	[tilespmem:s8], [sflag:$0x2] =	stream.indirect.gather [spmem:s2], $0x80, s20, s6, $0xb8;
	[tilespmem:$0x1CA00] =	vst v63  }
0x11b: {  	_ =	swait.ge [sflag:s9], $0x4000  }
0x11c: {  	[sflag:s9] =	ssyncset.done $0x0  }
0x11d: {  	s11 =	rddreg [dreg:$0xd];
	[sflag:s9] =	ssyncadd.s32 $0xFFFFC000  }
0x11e: {  	[hbm4b:s11+s3] =	stream.linear.scatter [tilespmem:s7], [sflag:$0x3], $0x4000, $0x38;
	[tilespmem:$0x1CA00] =	vst v63  }
0x11f: {  	_ =	swait.ge [sflag:s10], $0x4000  }
0x120: {  	[sflag:s10] =	ssyncset.done $0x0  }
0x121: {  	[sflag:s10] =	ssyncadd.s32 $0xFFFFC000  }
0x122: {  	[tilespmem:s7], [sflag:$0x1] =	stream.indirect.gather [spmem:s2], $0x80, s21, s6, $0xb8;
	[tilespmem:$0x1CA00] =	vst v63  }
0x123: {  	_ =	swait.ge [sflag:s12], $0x4000  }
0x124: {  	[sflag:s12] =	ssyncset.done $0x0  }
0x125: {  	s14 =	rddreg [dreg:$0xe];
	[sflag:s12] =	ssyncadd.s32 $0xFFFFC000  }
0x126: {  	[hbm4b:s14+s3] =	stream.linear.scatter [tilespmem:s8], [sflag:$0x4], $0x4000, $0x38;
	[tilespmem:$0x1CA00] =	vst v63  }
0x127: {  	_ =	swait.ge [sflag:s13], $0x4000  }
0x128: {  	[sflag:s13] =	ssyncset.done $0x0  }
0x129: {  	[sflag:s13] =	ssyncadd.s32 $0xFFFFC000  }
0x12a: {  	[tilespmem:s8], [sflag:$0x2] =	stream.indirect.gather [spmem:s2], $0x80, s22, s6, $0xb8;
	[tilespmem:$0x1CA00] =	vst v63  }
0x12b: {  	_ =	swait.ge [sflag:s9], $0x4000  }
0x12c: {  	[sflag:s9] =	ssyncset.done $0x0  }
0x12d: {  	s11 =	rddreg [dreg:$0xf];
	[sflag:s9] =	ssyncadd.s32 $0xFFFFC000  }
0x12e: {  	[hbm4b:s11+s3] =	stream.linear.scatter [tilespmem:s7], [sflag:$0x3], $0x4000, $0x38;
	[tilespmem:$0x1CA00] =	vst v63  }
0x12f: {  	_ =	swait.ge [sflag:s10], $0x4000  }
0x130: {  	[sflag:s10] =	ssyncset.done $0x0  }
0x131: {  	[sflag:s10] =	ssyncadd.s32 $0xFFFFC000  }
0x132: {  	[tilespmem:s7], [sflag:$0x1] =	stream.indirect.gather [spmem:s2], $0x80, s23, s6, $0xb8;
	[tilespmem:$0x1CA00] =	vst v63  }
0x133: {  	_ =	swait.ge [sflag:s12], $0x4000  }
0x134: {  	[sflag:s12] =	ssyncset.done $0x0  }
0x135: {  	s14 =	rddreg [dreg:$0x10];
	[sflag:s12] =	ssyncadd.s32 $0xFFFFC000  }
0x136: {  	[hbm4b:s14+s3] =	stream.linear.scatter [tilespmem:s8], [sflag:$0x4], $0x4000, $0x38;
	[tilespmem:$0x1CA00] =	vst v63  }
0x137: {  	_ =	swait.ge [sflag:s13], $0x4000  }
0x138: {  	[sflag:s13] =	ssyncset.done $0x0  }
0x139: {  	[sflag:s13] =	ssyncadd.s32 $0xFFFFC000  }
0x13a: {  	[tilespmem:s8], [sflag:$0x2] =	stream.indirect.gather [spmem:s2], $0x80, s24, s6, $0xb8;
	[tilespmem:$0x1CA00] =	vst v63  }
0x13b: {  	_ =	swait.ge [sflag:s9], $0x4000  }
0x13c: {  	[sflag:s9] =	ssyncset.done $0x0  }
0x13d: {  	s11 =	rddreg [dreg:$0x11];
	[sflag:s9] =	ssyncadd.s32 $0xFFFFC000  }
0x13e: {  	[hbm4b:s11+s3] =	stream.linear.scatter [tilespmem:s7], [sflag:$0x3], $0x4000, $0x38;
	[tilespmem:$0x1CA00] =	vst v63  }
0x13f: {  	_ =	swait.ge [sflag:s10], $0x4000  }
0x140: {  	[sflag:s10] =	ssyncset.done $0x0  }
0x141: {  	[sflag:s10] =	ssyncadd.s32 $0xFFFFC000  }
0x142: {  	[tilespmem:s7], [sflag:$0x1] =	stream.indirect.gather [spmem:s2], $0x80, s25, s6, $0xb8;
	[tilespmem:$0x1CA00] =	vst v63  }
0x143: {  	_ =	swait.ge [sflag:s12], $0x4000  }
0x144: {  	[sflag:s12] =	ssyncset.done $0x0  }
0x145: {  	s14 =	rddreg [dreg:$0x12];
	[sflag:s12] =	ssyncadd.s32 $0xFFFFC000  }
0x146: {  	[hbm4b:s14+s3] =	stream.linear.scatter [tilespmem:s8], [sflag:$0x4], $0x4000, $0x38;
	[tilespmem:$0x1CA00] =	vst v63  }
0x147: {  	_ =	swait.ge [sflag:s13], $0x4000  }
0x148: {  	[sflag:s13] =	ssyncset.done $0x0  }
0x149: {  	[sflag:s13] =	ssyncadd.s32 $0xFFFFC000  }
0x14a: {  	[tilespmem:s8], [sflag:$0x2] =	stream.indirect.gather [spmem:s2], $0x80, s26, s6, $0xb8;
	[tilespmem:$0x1CA00] =	vst v63  }
0x14b: {  	_ =	swait.ge [sflag:s9], $0x4000  }
0x14c: {  	[sflag:s9] =	ssyncset.done $0x0  }
0x14d: {  	s11 =	rddreg [dreg:$0x13];
	[sflag:s9] =	ssyncadd.s32 $0xFFFFC000  }
0x14e: {  	[hbm4b:s11+s3] =	stream.linear.scatter [tilespmem:s7], [sflag:$0x3], $0x4000, $0x38;
	[tilespmem:$0x1CA00] =	vst v63  }
0x14f: {  	_ =	swait.ge [sflag:s10], $0x4000  }
0x150: {  	[sflag:s10] =	ssyncset.done $0x0  }
0x151: {  	[sflag:s10] =	ssyncadd.s32 $0xFFFFC000  }
0x152: {  	[tilespmem:s7], [sflag:$0x1] =	stream.indirect.gather [spmem:s2], $0x80, s28, s6, $0xb8;
	[tilespmem:$0x1CA00] =	vst v63  }
0x153: {  	_ =	swait.ge [sflag:s12], $0x4000  }
0x154: {  	[sflag:s12] =	ssyncset.done $0x0  }
0x155: {  	s14 =	rddreg [dreg:$0x14];
	[sflag:s12] =	ssyncadd.s32 $0xFFFFC000  }
0x156: {  	[hbm4b:s14+s3] =	stream.linear.scatter [tilespmem:s8], [sflag:$0x4], $0x4000, $0x38;
	[tilespmem:$0x1CA00] =	vst v63  }
0x157: {  	_ =	swait.ge [sflag:s13], $0x4000  }
0x158: {  	[sflag:s13] =	ssyncset.done $0x0  }
0x159: {  	[sflag:s13] =	ssyncadd.s32 $0xFFFFC000  }
0x15a: {  	[tilespmem:s8], [sflag:$0x2] =	stream.indirect.gather [spmem:s2], $0x80, s29, s6, $0xb8;
	[tilespmem:$0x1CA00] =	vst v63  }
0x15b: {  	_ =	swait.ge [sflag:s9], $0x4000  }
0x15c: {  	[sflag:s9] =	ssyncset.done $0x0  }
0x15d: {  	s11 =	rddreg [dreg:$0x15];
	[sflag:s9] =	ssyncadd.s32 $0xFFFFC000  }
0x15e: {  	[hbm4b:s11+s3] =	stream.linear.scatter [tilespmem:s7], [sflag:$0x3], $0x4000, $0x38;
	[tilespmem:$0x1CA00] =	vst v63  }
0x15f: {  	_ =	swait.ge [sflag:s10], $0x4000  }
0x160: {  	[sflag:s10] =	ssyncset.done $0x0  }
0x161: {  	[sflag:s10] =	ssyncadd.s32 $0xFFFFC000  }
0x162: {  	[tilespmem:s7], [sflag:$0x1] =	stream.indirect.gather [spmem:s2], $0x80, s30, s6, $0xb8;
	[tilespmem:$0x1CA00] =	vst v63  }
0x163: {  	_ =	swait.ge [sflag:s12], $0x4000  }
0x164: {  	[sflag:s12] =	ssyncset.done $0x0  }
0x165: {  	s14 =	rddreg [dreg:$0x16];
	[sflag:s12] =	ssyncadd.s32 $0xFFFFC000  }
0x166: {  	[hbm4b:s14+s3] =	stream.linear.scatter [tilespmem:s8], [sflag:$0x4], $0x4000, $0x38;
	[tilespmem:$0x1CA00] =	vst v63  }
0x167: {  	_ =	swait.ge [sflag:s13], $0x4000  }
0x168: {  	[sflag:s13] =	ssyncset.done $0x0  }
0x169: {  	[sflag:s13] =	ssyncadd.s32 $0xFFFFC000  }
0x16a: {  	[tilespmem:s8], [sflag:$0x2] =	stream.indirect.gather [spmem:s2], $0x80, s31, s6, $0xb8;
	[tilespmem:$0x1CA00] =	vst v63  }
0x16b: {  	_ =	swait.ge [sflag:s9], $0x4000  }
0x16c: {  	[sflag:s9] =	ssyncset.done $0x0  }
0x16d: {  	s11 =	rddreg [dreg:$0x17];
	[sflag:s9] =	ssyncadd.s32 $0xFFFFC000  }
0x16e: {  	[hbm4b:s11+s3] =	stream.linear.scatter [tilespmem:s7], [sflag:$0x3], $0x4000, $0x38;
	[tilespmem:$0x1CA00] =	vst v63  }
0x16f: {  	_ =	swait.ge [sflag:s12], $0x4000  }
0x170: {  	[sflag:s12] =	ssyncset.done $0x0  }
0x171: {  	p0 =	sne.s32 s0, $0x1;
	s14 =	rddreg [dreg:$0x18];
	[sflag:s12] =	ssyncadd.s32 $0xFFFFC000  }
0x172: {  	[hbm4b:s14+s3] =	stream.linear.scatter [tilespmem:s8], [sflag:$0x4], $0x4000, $0x38;
	[tilespmem:$0x1CA00] =	vst v63  }
.Ltmp1:
0x173: {  	_ = 	snop;
	(pc) =	sbr.rel @p0 .LBB2_1-.Ltmp1, $4  }
0x174: {  	_ =	swait.ge [sflag:s10], $0x4000  }
0x175: {  	[sflag:s10] =	ssyncset.done $0x0  }
0x176: {  	[sflag:s10] =	ssyncadd.s32 $0xFFFFC000  }
0x177: {  	s0 =	sadd.s32 $0xFFFFFFFF, s0;
	_ =	swait.ge [sflag:s13], $0x4000  }
.LBB2_2:
0x178: {  	[sflag:s13] =	ssyncset.done $0x0  }
0x179: {  	[sflag:s13] =	ssyncadd.s32 $0xFFFFC000  }
0x17a: {  	_ =	sfence.sel $0x180000  }
0x17b: {  	[bflag:$0x0] =	sbarrier.arrive $0xFFFF  }
0x17c: {  	_ =	strace $0x90000047  }
0x17d: {  	s0 =	stileid.u32;
	[bflag:$0x2] =	sbarrier.arrive $0xFFFF  }
0x17e: {  	p0 =	sne.s32 s0, $0x0;
	s0 =	rddreg [dreg:$0x2]  }
0x17f: {  	s0 =	sadd.s32 @!p0 $0x100000, s0  }
0x180: {  	[sflag:s0] =	ssyncadd.tile.s32 @!p0 $0x1;
	_ =	shalt  }
.Lfunc_end2:
_tile_overlayer_lowered:
.L_overlay_start_2:
0x181: {  	(tag) =	ssettag $0x2  }
0x182: {  	s0 =	rddreg [dreg:$0x0];
	s2 =	stileid.u32  }
0x183: {  	s1 =	rddreg [dreg:$0x1];
	p0 =	sne.s32 s2, $0x0  }
0x184: {  	s3 =	rddreg [dreg:$0x2];
	[bflag:$0x3] =	sbarrier.arrive $0xFFFF;
	s2 =	simm.s32 @!p0 $0x1C05  }
0x185: {  	[timem:s3], [sflag:s2] =	dma.local @!p0 [hbm:s0], s1  }
0x186: {  	s0 =	simm.s32 @!p0 $0x5  }
0x187: {  	_ =	swait.ge @!p0 [sflag:s0], s1  }
0x188: {  	s1 =	ssub.s32 @!p0 $0x0, s1;
	[sflag:s0] =	ssyncset.done @!p0 $0x0  }
0x189: {  	[sflag:s0] =	ssyncadd.s32 @!p0 s1  }
0x18a: {  	[bflag:$0x3] =	sbarrier.arrive $0xFFFF  }
0x18b: {  	_ =	shalt  }

</sc_bundles>
